<compile_context>
chip_gen: v7x
topology: tpu7x:2x2x1
jax: 0.10.2.dev20260603
libtpu: 0.0.44.dev20260713+nightly
codegen_flags: <defaults>
</compile_context>

<pallas_src>
import functools

import jax
import jax.numpy as jnp
from jax import lax
from jax.experimental import pallas as pl
from jax.experimental.pallas import tpu as pltpu
from jax.experimental.pallas import tpu_sc as plsc

_F32 = jnp.float32
_L = 16
_NW = 32
_K = 128
_D = 128
_ROW = _D + _L
_SC_PARAMS = pltpu.CompilerParams(use_tc_tiling_on_sc=False,
                                  needs_layout_passes=False)


def _silu(v):
    return v * jax.nn.sigmoid(v)


def _stage_a(h, wa_p, wb_p, be1_p):
    n, d = h.shape
    bn = 2000

    def body(h_ref, wa_ref, wb_ref, b_ref, a_ref, bb_ref):
        hb = h_ref[...]
        a = jnp.dot(hb, wa_ref[...], preferred_element_type=_F32)
        bm = (jnp.dot(hb, wb_ref[...], preferred_element_type=_F32)
              + b_ref[...])
        a_ref[...] = a.astype(jnp.bfloat16)
        bb_ref[...] = bm.astype(jnp.bfloat16)

    return pl.pallas_call(
        body,
        grid=(n // bn,),
        in_specs=[
            pl.BlockSpec((bn, d), lambda i: (i, 0)),
            pl.BlockSpec((d, d), lambda i: (0, 0)),
            pl.BlockSpec((d, d), lambda i: (0, 0)),
            pl.BlockSpec((1, d), lambda i: (0, 0)),
        ],
        out_specs=[
            pl.BlockSpec((bn, d), lambda i: (i, 0)),
            pl.BlockSpec((bn, d), lambda i: (i, 0)),
        ],
        out_shape=[
            jax.ShapeDtypeStruct((n, d), jnp.bfloat16),
            jax.ShapeDtypeStruct((n, d), jnp.bfloat16),
        ],
    )(h, wa_p, wb_p, be1_p.reshape(1, d))


def _stage_b(tab_a, tab_b, xp, src, dst):
    e = src.shape[0]
    nchunk = e // _K
    tpt = (nchunk + _NW - 1) // _NW
    if tpt % 2:
        tpt += 1
    mesh = plsc.VectorSubcoreMesh(core_axis_name="c", subcore_axis_name="s")

    @functools.partial(
        pl.kernel,
        mesh=mesh,
        out_type=[
            jax.ShapeDtypeStruct((e, _D), _F32),
            jax.ShapeDtypeStruct((e // 8, _D), _F32),
            jax.ShapeDtypeStruct((e // 8, _D), _F32),
        ],
        scratch_types=[
            pltpu.VMEM((_K,), jnp.int32), pltpu.VMEM((_K,), jnp.int32),
            pltpu.VMEM((_K,), jnp.int32), pltpu.VMEM((_K,), jnp.int32),
            pltpu.VMEM((_K, _D), jnp.bfloat16),
            pltpu.VMEM((_K, _D), jnp.bfloat16),
            pltpu.VMEM((_K, _D), jnp.bfloat16),
            pltpu.VMEM((_K, _D), jnp.bfloat16),
            pltpu.VMEM((_K, _L), _F32), pltpu.VMEM((_K, _L), _F32),
            pltpu.VMEM((_K, _L), _F32), pltpu.VMEM((_K, _L), _F32),
            pltpu.VMEM((_K, _D), _F32), pltpu.VMEM((_K, _D), _F32),
            pltpu.VMEM((_K // 8, _D), _F32), pltpu.VMEM((_K // 8, _D), _F32),
            pltpu.VMEM((_K // 8, _D), _F32), pltpu.VMEM((_K // 8, _D), _F32),
            pltpu.SemaphoreType.DMA, pltpu.SemaphoreType.DMA,
            pltpu.SemaphoreType.DMA, pltpu.SemaphoreType.DMA,
        ],
        compiler_params=_SC_PARAMS,
    )
    def sc_gather(a_hbm, b_hbm, xp_hbm, src_hbm, dst_hbm,
                  s_hbm, xs8_hbm, xd8_hbm,
                  si0, si1, di0, di1, a0, a1, b0, b1, xsv0, xsv1, xdv0, xdv1,
                  s0, s1, xs0, xs1, xd0, xd1, sg0, sg1, so0, so1):
        si = (si0, si1)
        di = (di0, di1)
        ab = (a0, a1)
        bb = (b0, b1)
        xsv = (xsv0, xsv1)
        xdv = (xdv0, xdv1)
        sb = (s0, s1)
        xsb = (xs0, xs1)
        xdb = (xd0, xd1)
        sg = (sg0, sg1)
        so = (so0, so1)
        wid = lax.axis_index("s") * 2 + lax.axis_index("c")
        npt = (nchunk - wid + _NW - 1) // _NW

        def issue(cid, s):
            base = cid * _K
            pltpu.sync_copy(src_hbm.at[pl.ds(base, _K)], si[s])
            pltpu.sync_copy(dst_hbm.at[pl.ds(base, _K)], di[s])
            pltpu.async_copy(a_hbm.at[si[s]], ab[s], sg[s])
            pltpu.async_copy(b_hbm.at[di[s]], bb[s], sg[s])
            pltpu.async_copy(xp_hbm.at[si[s]], xsv[s], sg[s])
            pltpu.async_copy(xp_hbm.at[di[s]], xdv[s], sg[s])

        def drain_gathers(s):
            pltpu.make_async_copy(a_hbm.at[si[s]], ab[s], sg[s]).wait()
            pltpu.make_async_copy(b_hbm.at[di[s]], bb[s], sg[s]).wait()
            pltpu.make_async_copy(xp_hbm.at[si[s]], xsv[s], sg[s]).wait()
            pltpu.make_async_copy(xp_hbm.at[di[s]], xdv[s], sg[s]).wait()

        def out_start(cid, s):
            pltpu.async_copy(sb[s], s_hbm.at[pl.ds(cid * _K, _K)], so[s])
            pltpu.async_copy(xsb[s], xs8_hbm.at[pl.ds(cid * _K // 8, _K // 8)],
                             so[s])
            pltpu.async_copy(xdb[s], xd8_hbm.at[pl.ds(cid * _K // 8, _K // 8)],
                             so[s])

        def out_drain(s):
            pltpu.make_async_copy(sb[s], s_hbm.at[pl.ds(0, _K)], so[s]).wait()
            pltpu.make_async_copy(xsb[s], xs8_hbm.at[pl.ds(0, _K // 8)],
                                  so[s]).wait()
            pltpu.make_async_copy(xdb[s], xd8_hbm.at[pl.ds(0, _K // 8)],
                                  so[s]).wait()

        def compute(s):
            ar, br, sr = ab[s], bb[s], sb[s]
            xsvr, xdvr, xsr, xdr = xsv[s], xdv[s], xsb[s], xdb[s]

            @pl.loop(0, _K // 8)
            def _grps(g):
                r0 = g * 8
                for k in range(8):
                    r = r0 + k
                    for j in range(_D // 32):
                        sl32 = pl.ds(j * 32, 32)
                        alo, ahi = plsc.unpack(
                            ar[r, sl32], format=plsc.PackFormat.INTERLEAVED)
                        blo, bhi = plsc.unpack(
                            br[r, sl32], format=plsc.PackFormat.INTERLEAVED)
                        sr[r, pl.ds(j * 32, _L)] = alo + blo
                        sr[r, pl.ds(j * 32 + _L, _L)] = ahi + bhi
                    ko = pl.ds(k * _L, _L)
                    sl16 = pl.ds(0, _L)
                    xsr[g, ko] = xsvr[r, sl16]
                    xdr[g, ko] = xdvr[r, sl16]

        issue(wid, 0)

        @pl.loop(0, tpt, step=2)
        def _steps(t):
            for b in range(2):
                cl = t + b
                cid = cl * _NW + wid

                @pl.when(cid < nchunk)
                def _(cl=cl, cid=cid, s=b):
                    drain_gathers(s)
                    nxt = cid + _NW

                    @pl.when(nxt < nchunk)
                    def _():
                        @pl.when(cl >= 1)
                        def _():
                            out_drain(1 - s)
                        issue(nxt, 1 - s)

                    compute(s)
                    out_start(cid, s)

        for s in range(2):
            @pl.when(npt >= s + 1)
            def _(s=s):
                out_drain(s)

    return sc_gather(tab_a, tab_b, xp, src, dst)


def _stage_c(s_arr, xs8, xd8, rbig, w_e2, b_e2, w_x1, b_x1, w_x2, b_x2):
    e, d = s_arr.shape
    be = 3200

    def body(s_ref, xs8_ref, xd8_ref, rb_ref, we2_ref, be2_ref, wx1_ref,
             bx1_ref, wx2_ref, bx2_ref, m_ref, cw_ref):
        d8 = xs8_ref[...] - xd8_ref[...]
        z = jnp.dot((d8 * d8).astype(jnp.bfloat16), rb_ref[...],
                    preferred_element_type=_F32)
        t1 = s_ref[...] + z.reshape(be, d)
        u = _silu(t1)
        m = _silu(jnp.dot(u.astype(jnp.bfloat16), we2_ref[...],
                          preferred_element_type=_F32)
                  + be2_ref[...])
        m_ref[...] = m
        c1 = _silu(jnp.dot(m, wx1_ref[...], preferred_element_type=_F32)
                   + bx1_ref[...])
        cw_ref[...] = (jnp.dot(c1, wx2_ref[...],
                               preferred_element_type=_F32)[:, 0:1]
                       + bx2_ref[...])

    return pl.pallas_call(
        body,
        grid=(e // be,),
        in_specs=[
            pl.BlockSpec((be, d), lambda i: (i, 0)),
            pl.BlockSpec((be // 8, d), lambda i: (i, 0)),
            pl.BlockSpec((be // 8, d), lambda i: (i, 0)),
            pl.BlockSpec((d, 8 * d), lambda i: (0, 0)),
            pl.BlockSpec((d, d), lambda i: (0, 0)),
            pl.BlockSpec((1, d), lambda i: (0, 0)),
            pl.BlockSpec((d, d), lambda i: (0, 0)),
            pl.BlockSpec((1, d), lambda i: (0, 0)),
            pl.BlockSpec((d, d), lambda i: (0, 0)),
            pl.BlockSpec((1, 1), lambda i: (0, 0)),
        ],
        out_specs=[
            pl.BlockSpec((be, d), lambda i: (i, 0)),
            pl.BlockSpec((be, 1), lambda i: (i, 0)),
        ],
        out_shape=[
            jax.ShapeDtypeStruct((e, d), _F32),
            jax.ShapeDtypeStruct((e, 1), _F32),
        ],
    )(s_arr, xs8, xd8, rbig.astype(jnp.bfloat16),
      w_e2.astype(jnp.bfloat16), b_e2.reshape(1, d), w_x1,
      b_x1.reshape(1, d), jnp.pad(w_x2, ((0, 0), (0, d - 1))),
      b_x2.reshape(1, 1))


def _stage_d1(m, dst, zm):
    e = m.shape[0]
    n = zm.shape[0]
    nchunk = e // _K
    tpt = (nchunk + _NW - 1) // _NW
    if tpt % 2:
        tpt += 1
    rpt = n // 16
    mesh = plsc.VectorSubcoreMesh(core_axis_name="c", subcore_axis_name="s")

    @functools.partial(
        pl.kernel,
        mesh=mesh,
        out_type=jax.ShapeDtypeStruct((2, n, _D), _F32),
        scratch_types=[
            pltpu.VMEM((_K,), jnp.int32), pltpu.VMEM((_K,), jnp.int32),
            pltpu.VMEM((_K, _D), _F32), pltpu.VMEM((_K, _D), _F32),
            pltpu.VMEM_SHARED((n, _D), _F32),
            pltpu.SemaphoreType.DMA, pltpu.SemaphoreType.DMA,
        ],
        compiler_params=_SC_PARAMS,
    )
    def sc_scatter_m(m_hbm, dst_hbm, zm_hbm, outm,
                     di0, di1, m0, m1, tabm, sg0, sg1):
        di = (di0, di1)
        mb = (m0, m1)
        sg = (sg0, sg1)
        c = lax.axis_index("c")
        s = lax.axis_index("s")
        wid = s * 2 + c
        rows = pl.ds(s * rpt, rpt)
        pltpu.sync_copy(zm_hbm.at[rows], tabm.at[rows])
        plsc.subcore_barrier()

        def issue(cid, s2):
            base = cid * _K
            pltpu.sync_copy(dst_hbm.at[pl.ds(base, _K)], di[s2])
            pltpu.async_copy(m_hbm.at[pl.ds(base, _K)], mb[s2], sg[s2])

        def drain(s2):
            pltpu.make_async_copy(m_hbm.at[pl.ds(0, _K)], mb[s2], sg[s2]).wait()

        issue(wid, 0)

        @pl.loop(0, tpt, step=2)
        def _steps(t):
            for b in range(2):
                cid = (t + b) * _NW + wid

                @pl.when(cid < nchunk)
                def _(cid=cid, s2=b):
                    drain(s2)

                    @pl.when(cid + _NW < nchunk)
                    def _():
                        issue(cid + _NW, 1 - s2)

                    pltpu.sync_copy(mb[s2], tabm.at[di[s2]], add=True)

        plsc.subcore_barrier()
        pltpu.sync_copy(tabm.at[rows], outm.at[c, rows])

    return sc_scatter_m(m, dst, zm)


def _stage_d2(cw1d, xs8, dst, zv, l4):
    e = cw1d.shape[0]
    n = zv.shape[0]
    nchunk = e // _K
    tpt = (nchunk + _NW - 1) // _NW
    if tpt % 2:
        tpt += 1
    rpt = n // 16
    mesh = plsc.VectorSubcoreMesh(core_axis_name="c", subcore_axis_name="s")

    @functools.partial(
        pl.kernel,
        mesh=mesh,
        out_type=jax.ShapeDtypeStruct((2, n, _L), _F32),
        scratch_types=[
            pltpu.VMEM((_K,), jnp.int32), pltpu.VMEM((_K,), jnp.int32),
            pltpu.VMEM((_K,), _F32), pltpu.VMEM((_K,), _F32),
            pltpu.VMEM((_K // 8, _D), _F32), pltpu.VMEM((_K // 8, _D), _F32),
            pltpu.VMEM((_K, _L), _F32), pltpu.VMEM((_K, _L), _F32),
            pltpu.VMEM((_L,), _F32),
            pltpu.VMEM_SHARED((n, _L), _F32),
            pltpu.SemaphoreType.DMA, pltpu.SemaphoreType.DMA,
        ],
        compiler_params=_SC_PARAMS,
    )
    def sc_scatter_v(cw_hbm, xs8_hbm, dst_hbm, zv_hbm, l4_hbm, outv,
                     di0, di1, cw0, cw1, xs0, xs1, v0, v1, l4v,
                     tabv, sg0, sg1):
        di = (di0, di1)
        cwb = (cw0, cw1)
        xsb = (xs0, xs1)
        vb = (v0, v1)
        sg = (sg0, sg1)
        c = lax.axis_index("c")
        s = lax.axis_index("s")
        wid = s * 2 + c
        rows = pl.ds(s * rpt, rpt)
        pltpu.sync_copy(zv_hbm.at[rows], tabv.at[rows])
        pltpu.sync_copy(l4_hbm, l4v)
        plsc.subcore_barrier()

        def issue(cid, s2):
            base = cid * _K
            pltpu.sync_copy(dst_hbm.at[pl.ds(base, _K)], di[s2])
            pltpu.async_copy(cw_hbm.at[pl.ds(base, _K)], cwb[s2], sg[s2])
            pltpu.async_copy(xs8_hbm.at[pl.ds(base // 8, _K // 8)], xsb[s2],
                             sg[s2])

        def drain(s2):
            pltpu.make_async_copy(cw_hbm.at[pl.ds(0, _K)], cwb[s2], sg[s2]).wait()
            pltpu.make_async_copy(xs8_hbm.at[pl.ds(0, _K // 8)], xsb[s2],
                                  sg[s2]).wait()

        issue(wid, 0)

        @pl.loop(0, tpt, step=2)
        def _steps(t):
            for b in range(2):
                cid = (t + b) * _NW + wid

                @pl.when(cid < nchunk)
                def _(cid=cid, s2=b):
                    drain(s2)

                    @pl.when(cid + _NW < nchunk)
                    def _():
                        issue(cid + _NW, 1 - s2)

                    xsr, cwr, vr = xsb[s2], cwb[s2], vb[s2]

                    @pl.loop(0, _K // 8)
                    def _grps(g):
                        for k in range(8):
                            r = g * 8 + k
                            cwx = plsc.load_gather(
                                cwr, [jnp.full((_L,), r, jnp.int32)])
                            vr[r, pl.ds(0, _L)] = (
                                cwx * xsr[g, pl.ds(k * _L, _L)]
                                + l4v[pl.ds(0, _L)])

                    pltpu.sync_copy(vr, tabv.at[di[s2]], add=True)

        plsc.subcore_barrier()
        pltpu.sync_copy(tabv.at[rows], outv.at[c, rows])

    return sc_scatter_v(cw1d, xs8, dst, zv, l4)


def _stage_e(pm, pv, h, x, w_h1, b_h1, w_h2, b_h2, ln_g, ln_b):
    n, d = h.shape
    bn = 2000

    def body(pm_ref, pv_ref, h_ref, x_ref, wh1_ref, bh1_ref, wh2_ref,
             bh2_ref, g_ref, lb_ref, ho_ref, xo_ref):
        pmb = pm_ref[...]
        pvb = pv_ref[...]
        agg = pmb[0] + pmb[1]
        aux = pvb[0] + pvb[1]
        sx = aux[:, 0:3]
        s1 = aux[:, 3:4]
        cnt = aux[:, 4:5]
        hb = h_ref[...]
        xb = x_ref[...]
        u = _silu(jnp.dot(hb, wh1_ref[0:d, :], preferred_element_type=_F32)
                  + jnp.dot(agg, wh1_ref[d:2 * d, :],
                            preferred_element_type=_F32)
                  + bh1_ref[...])
        upd = jnp.dot(u, wh2_ref[...], preferred_element_type=_F32) + bh2_ref[...]
        h2 = hb + upd
        mu = jnp.mean(h2, axis=1, keepdims=True)
        var = jnp.mean((h2 - mu) ** 2, axis=1, keepdims=True)
        ho_ref[...] = (h2 - mu) / jnp.sqrt(var + 1e-5) * g_ref[...] + lb_ref[...]
        xo_ref[...] = xb + (sx - xb * s1) / jnp.maximum(cnt, 1.0)

    return pl.pallas_call(
        body,
        grid=(n // bn,),
        in_specs=[
            pl.BlockSpec((2, bn, d), lambda i: (0, i, 0)),
            pl.BlockSpec((2, bn, _L), lambda i: (0, i, 0)),
            pl.BlockSpec((bn, d), lambda i: (i, 0)),
            pl.BlockSpec((bn, 3), lambda i: (i, 0)),
            pl.BlockSpec((2 * d, d), lambda i: (0, 0)),
            pl.BlockSpec((1, d), lambda i: (0, 0)),
            pl.BlockSpec((d, d), lambda i: (0, 0)),
            pl.BlockSpec((1, d), lambda i: (0, 0)),
            pl.BlockSpec((1, d), lambda i: (0, 0)),
            pl.BlockSpec((1, d), lambda i: (0, 0)),
        ],
        out_specs=[
            pl.BlockSpec((bn, d), lambda i: (i, 0)),
            pl.BlockSpec((bn, 3), lambda i: (i, 0)),
        ],
        out_shape=[
            jax.ShapeDtypeStruct((n, d), _F32),
            jax.ShapeDtypeStruct((n, 3), _F32),
        ],
    )(pm, pv, h, x, w_h1, b_h1.reshape(1, d), w_h2, b_h2.reshape(1, d),
      ln_g.reshape(1, d), ln_b.reshape(1, d))


def kernel(h, x, edge_index, vel, W_e1, b_e1, W_e2, b_e2, W_x1, b_x1,
           W_x2, b_x2, W_h1, b_h1, W_h2, b_h2, ln_g, ln_b):
    del vel
    n, d = h.shape
    src = edge_index[0].astype(jnp.int32)
    dst = edge_index[1].astype(jnp.int32)
    wd = W_e1[2 * d]
    li = jnp.arange(8 * _L)
    ki = jnp.arange(8)
    q = ((li[:, None] // _L == ki[None, :])
         & (li[:, None] % _L < 3)).astype(_F32)
    rbig = (q[:, :, None] * wd[None, None, :]).reshape(_D, 8 * _D)

    sidx = jnp.arange(d)
    rr = sidx % 32
    qidx = (sidx // 32) * 32 + jnp.where(rr % 2 == 0, rr // 2, _L + rr // 2)
    wa_p = W_e1[0:d, :][:, qidx]
    wb_p = W_e1[d:2 * d, :][:, qidx]
    be1_p = b_e1[qidx]
    xp = jnp.concatenate(
        [x, jnp.ones((n, 1), _F32), jnp.zeros((n, _L - 4), _F32)], axis=1)

    tab_a, tab_b = _stage_a(h, wa_p, wb_p, be1_p)
    s_arr, xs8, xd8 = _stage_b(tab_a, tab_b, xp, src, dst)
    m, cw = _stage_c(s_arr, xs8, xd8, rbig,
                     W_e2, b_e2, W_x1, b_x1, W_x2, b_x2)
    lane4 = (jnp.arange(_L) == 4).astype(_F32)
    pm = _stage_d1(m, dst, jnp.zeros((n, _D), _F32))
    pv = _stage_d2(cw.reshape(src.shape[0]), xs8, dst,
                   jnp.zeros((n, _L), _F32), lane4)
    return _stage_e(pm, pv, h, x, W_h1, b_h1, W_h2, b_h2, ln_g, ln_b)

# --- scband reference (transcript-rebuilt; emitter-appended) ---
"""Pipeline reference for scband-egnnlayer-63608465654306 (READ-ONLY COPY).

The authoritative reference and input builder live on the scoring server;
editing this copy changes nothing except your own understanding.
"""

import jax, jax.numpy as jnp
import numpy as np

N = 10000
E = 320000
D = 128

def silu(v):
    return v * jax.nn.sigmoid(v)

def setup_inputs(seed: int = 0) -> dict:
    key = jax.random.key(seed)
    ks = jax.random.split(key, 20)
    def p(k, shape, fan_in):
        b = 1.0 / np.sqrt(fan_in)
        return jax.random.uniform(k, shape, jnp.float32, -b, b)
    inp = {}
    inp["h"] = jax.random.normal(ks[0], (N, D), jnp.float32)
    inp["x"] = jax.random.normal(ks[1], (N, 3), jnp.float32)
    inp["edge_index"] = jax.random.randint(ks[2], (2, E), 0, N, jnp.int64)
    inp["vel"] = jax.random.normal(ks[3], (N, 3), jnp.float32)
    inp["W_e1"] = p(ks[4], (2 * D + 1, D), 2 * D + 1); inp["b_e1"] = p(ks[5], (D,), 2 * D + 1)
    inp["W_e2"] = p(ks[6], (D, D), D); inp["b_e2"] = p(ks[7], (D,), D)
    inp["W_x1"] = p(ks[8], (D, D), D); inp["b_x1"] = p(ks[9], (D,), D)
    inp["W_x2"] = p(ks[10], (D, 1), D); inp["b_x2"] = p(ks[11], (1,), D)
    inp["W_h1"] = p(ks[12], (2 * D, D), 2 * D); inp["b_h1"] = p(ks[13], (D,), 2 * D)
    inp["W_h2"] = p(ks[14], (D, D), D); inp["b_h2"] = p(ks[15], (D,), D)
    inp["ln_g"] = jnp.ones((D,), jnp.float32)
    inp["ln_b"] = jnp.zeros((D,), jnp.float32)
    return inp

def reference(h, x, edge_index, vel, W_e1, b_e1, W_e2, b_e2, W_x1, b_x1, W_x2, b_x2, W_h1, b_h1, W_h2, b_h2, ln_g, ln_b):
    n = h.shape[0]
    src = edge_index[0]
    dst = edge_index[1]
    rel = x[src] - x[dst]
    dist2 = jnp.sum(rel * rel, axis=-1, keepdims=True)
    dist = jnp.maximum(jnp.sqrt(dist2), 100000000.0)
    r_hat = rel / dist
    m_in = jnp.concatenate([h[src], h[dst], dist2], axis=-1)
    m_ij = silu(silu(m_in @ W_e1 + b_e1) @ W_e2 + b_e2)
    vel_proj_src = vel[src]
    # coord update
    coord_w = silu(m_ij @ W_x1 + b_x1) @ W_x2 + b_x2
    vals = rel * coord_w
    sums = jax.ops.segment_sum(vals, dst, num_segments=n)
    counts = jax.ops.segment_sum(jnp.ones((vals.shape[0], 1), jnp.float32), dst, num_segments=n)
    delta_x = sums / jnp.maximum(counts, 1.0)
    x_new = x + delta_x
    agg = jax.ops.segment_sum(m_ij, dst, num_segments=n)
    upd = silu(jnp.concatenate([h, agg], axis=-1) @ W_h1 + b_h1) @ W_h2 + b_h2
    h2 = h + upd
    mu = jnp.mean(h2, axis=-1, keepdims=True)
    var = jnp.mean((h2 - mu) ** 2, axis=-1, keepdims=True)
    h_out = (h2 - mu) / jnp.sqrt(var + 1e-5) * ln_g + ln_b
    return (h_out, x_new)

if __name__ == "__main__":
    import jax
    _d = setup_inputs()
    print(jax.jit(kernel)(*tuple(_d.values())))

</pallas_src>

<mosaic_0001>
#map = affine_map<(d0, d1) -> (0)>
#map1 = affine_map<(d0, d1) -> (0, 0)>
#map2 = affine_map<(d0, d1) -> (0, 0, 0)>
module attributes {stable_mosaic.version = 14 : i64} {
  func.func @sc_scatter_v(%arg0: i32, %arg1: i32, %arg2: memref<320000xf32, #tpu.memory_space<hbm>>, %arg3: memref<40000x128xf32, #tpu.memory_space<hbm>>, %arg4: memref<320000xi32, #tpu.memory_space<hbm>>, %arg5: memref<10000x16xf32, #tpu.memory_space<hbm>>, %arg6: memref<16xf32, #tpu.memory_space<hbm>>, %arg7: memref<2x10000x16xf32, #tpu.memory_space<hbm>>, %arg8: memref<128xi32, #tpu.memory_space<vmem>>, %arg9: memref<128xi32, #tpu.memory_space<vmem>>, %arg10: memref<128xf32, #tpu.memory_space<vmem>>, %arg11: memref<128xf32, #tpu.memory_space<vmem>>, %arg12: memref<16x128xf32, #tpu.memory_space<vmem>>, %arg13: memref<16x128xf32, #tpu.memory_space<vmem>>, %arg14: memref<128x16xf32, #tpu.memory_space<vmem>>, %arg15: memref<128x16xf32, #tpu.memory_space<vmem>>, %arg16: memref<16xf32, #tpu.memory_space<vmem>>, %arg17: memref<10000x16xf32, #tpu.memory_space<vmem_shared>>, %arg18: memref<!tpu.dma_semaphore, #tpu.memory_space<semaphore_mem>>, %arg19: memref<!tpu.dma_semaphore, #tpu.memory_space<semaphore_mem>>) attributes {dimension_semantics = [#tpu.dimension_semantics<core_parallel>, #tpu.dimension_semantics<subcore_parallel>], iteration_bounds = array<i64: 2, 16>, scalar_prefetch = 0 : i64, scratch_operands = 12 : i64, tpu.core_type = #tpu.core_type<sc_vector_subcore>, window_params = [{transform_indices = #map}, {transform_indices = #map1}, {transform_indices = #map}, {transform_indices = #map1}, {transform_indices = #map}, {transform_indices = #map2}]} {
    %mul3A = arith.constant 2 : i32
    %mul3A_0 = arith.muli %arg1, %mul3A : i32
    %add3A = arith.addi %mul3A_0, %arg0 : i32
    %mul3A_1 = arith.constant 625 : i32
    %mul3A_2 = arith.muli %arg1, %mul3A_1 : i32
    "tpu.region"() ({
      %run_scoped3A = tpu.sem_alloc : memref<!tpu.dma_semaphore, #tpu.memory_space<semaphore_mem>>
      %dma_start3A_31 = arith.constant 0 : i32
      %dma_start3A_32 = tpu.memref_slice %arg17[%mul3A_2, %dma_start3A_31] : memref<10000x16xf32, #tpu.memory_space<vmem_shared>> -> memref<625x16xf32, #tpu.memory_space<vmem_shared>>
      %dma_start3A_33 = arith.constant 0 : i32
      %dma_start3A_34 = tpu.memref_slice %arg5[%mul3A_2, %dma_start3A_33] : memref<10000x16xf32, #tpu.memory_space<hbm>> -> memref<625x16xf32, #tpu.memory_space<hbm>>
      tpu.enqueue_dma source(%dma_start3A_34 : memref<625x16xf32, #tpu.memory_space<hbm>>) target(%dma_start3A_32 : memref<625x16xf32, #tpu.memory_space<vmem_shared>>) target_semaphore(%run_scoped3A : memref<!tpu.dma_semaphore, #tpu.memory_space<semaphore_mem>>)
      %dma_wait3A = arith.constant 0 : i32
      %dma_wait3A_35 = tpu.memref_slice %arg17[%mul3A_2, %dma_wait3A] : memref<10000x16xf32, #tpu.memory_space<vmem_shared>> -> memref<625x16xf32, #tpu.memory_space<vmem_shared>>
      %dma_wait3A_36 = arith.constant 0 : i32
      %dma_wait3A_37 = tpu.memref_slice %arg5[%mul3A_2, %dma_wait3A_36] : memref<10000x16xf32, #tpu.memory_space<hbm>> -> memref<625x16xf32, #tpu.memory_space<hbm>>
      tpu.wait_dma2 semaphore(%run_scoped3A : memref<!tpu.dma_semaphore, #tpu.memory_space<semaphore_mem>>) src(%dma_wait3A_37 : memref<625x16xf32, #tpu.memory_space<hbm>>) dst(%dma_wait3A_35 : memref<625x16xf32, #tpu.memory_space<vmem_shared>>)
      tpu.yield
    }) : () -> ()
    "tpu.region"() ({
      %run_scoped3A = tpu.sem_alloc : memref<!tpu.dma_semaphore, #tpu.memory_space<semaphore_mem>>
      tpu.enqueue_dma source(%arg6 : memref<16xf32, #tpu.memory_space<hbm>>) target(%arg16 : memref<16xf32, #tpu.memory_space<vmem>>) target_semaphore(%run_scoped3A : memref<!tpu.dma_semaphore, #tpu.memory_space<semaphore_mem>>)
      tpu.wait_dma2 semaphore(%run_scoped3A : memref<!tpu.dma_semaphore, #tpu.memory_space<semaphore_mem>>) src(%arg6 : memref<16xf32, #tpu.memory_space<hbm>>) dst(%arg16 : memref<16xf32, #tpu.memory_space<vmem>>)
      tpu.yield
    }) : () -> ()
    %barrier3A = arith.constant 0 : index
    tpu.barrier barrier_id(%barrier3A)
    %mul3A_3 = arith.constant 128 : i32
    %mul3A_4 = arith.muli %add3A, %mul3A_3 : i32
    "tpu.region"() ({
      %run_scoped3A = tpu.sem_alloc : memref<!tpu.dma_semaphore, #tpu.memory_space<semaphore_mem>>
      %dma_start3A_31 = tpu.memref_slice %arg4[%mul3A_4] : memref<320000xi32, #tpu.memory_space<hbm>> -> memref<128xi32, #tpu.memory_space<hbm>>
      %dma_start3A_32 = tpu.memref_slice %arg4[%mul3A_4] : memref<320000xi32, #tpu.memory_space<hbm>> -> memref<128xi32, #tpu.memory_space<hbm>>
      tpu.enqueue_dma source(%dma_start3A_32 : memref<128xi32, #tpu.memory_space<hbm>>) target(%arg8 : memref<128xi32, #tpu.memory_space<vmem>>) target_semaphore(%run_scoped3A : memref<!tpu.dma_semaphore, #tpu.memory_space<semaphore_mem>>)
      %dma_wait3A = tpu.memref_slice %arg4[%mul3A_4] : memref<320000xi32, #tpu.memory_space<hbm>> -> memref<128xi32, #tpu.memory_space<hbm>>
      %dma_wait3A_33 = tpu.memref_slice %arg4[%mul3A_4] : memref<320000xi32, #tpu.memory_space<hbm>> -> memref<128xi32, #tpu.memory_space<hbm>>
      tpu.wait_dma2 semaphore(%run_scoped3A : memref<!tpu.dma_semaphore, #tpu.memory_space<semaphore_mem>>) src(%dma_wait3A_33 : memref<128xi32, #tpu.memory_space<hbm>>) dst(%arg8 : memref<128xi32, #tpu.memory_space<vmem>>)
      tpu.yield
    }) : () -> ()
    %dma_start3A = tpu.memref_slice %arg2[%mul3A_4] : memref<320000xf32, #tpu.memory_space<hbm>> -> memref<128xf32, #tpu.memory_space<hbm>>
    %dma_start3A_5 = tpu.memref_slice %arg2[%mul3A_4] : memref<320000xf32, #tpu.memory_space<hbm>> -> memref<128xf32, #tpu.memory_space<hbm>>
    tpu.enqueue_dma source(%dma_start3A_5 : memref<128xf32, #tpu.memory_space<hbm>>) target(%arg10 : memref<128xf32, #tpu.memory_space<vmem>>) target_semaphore(%arg18 : memref<!tpu.dma_semaphore, #tpu.memory_space<semaphore_mem>>)
    %jit3A = arith.constant 8 : i32
    %div3A = arith.divsi %mul3A_4, %jit3A : i32
    %sign3A = arith.constant 0 : i32
    %sign3A_6 = arith.cmpi sgt, %mul3A_4, %sign3A : i32
    %sign3A_7 = arith.extui %sign3A_6 : i1 to i32
    %sign3A_8 = arith.constant 0 : i32
    %sign3A_9 = arith.cmpi slt, %mul3A_4, %sign3A_8 : i32
    %sign3A_10 = arith.extui %sign3A_9 : i1 to i32
    %sign3A_11 = arith.subi %sign3A_7, %sign3A_10 : i32
    %sign3A_12 = arith.constant 0 : i32
    %sign3A_13 = arith.cmpi sgt, %jit3A, %sign3A_12 : i32
    %sign3A_14 = arith.extui %sign3A_13 : i1 to i32
    %sign3A_15 = arith.constant 0 : i32
    %sign3A_16 = arith.cmpi slt, %jit3A, %sign3A_15 : i32
    %sign3A_17 = arith.extui %sign3A_16 : i1 to i32
    %sign3A_18 = arith.subi %sign3A_14, %sign3A_17 : i32
    %ne3A = arith.cmpi ne, %sign3A_11, %sign3A_18 : i32
    %rem3A = arith.remsi %mul3A_4, %jit3A : i32
    %ne3A_19 = arith.constant 0 : i32
    %ne3A_20 = arith.cmpi ne, %rem3A, %ne3A_19 : i32
    %and3A = arith.andi %ne3A, %ne3A_20 : i1
    %sub3A = arith.constant 1 : i32
    %sub3A_21 = arith.subi %div3A, %sub3A : i32
    %select_n3A = arith.select %and3A, %sub3A_21, %div3A : i32
    %dma_start3A_22 = arith.constant 0 : i32
    %dma_start3A_23 = tpu.memref_slice %arg3[%select_n3A, %dma_start3A_22] : memref<40000x128xf32, #tpu.memory_space<hbm>> -> memref<16x128xf32, #tpu.memory_space<hbm>>
    %dma_start3A_24 = arith.constant 0 : i32
    %dma_start3A_25 = tpu.memref_slice %arg3[%select_n3A, %dma_start3A_24] : memref<40000x128xf32, #tpu.memory_space<hbm>> -> memref<16x128xf32, #tpu.memory_space<hbm>>
    tpu.enqueue_dma source(%dma_start3A_25 : memref<16x128xf32, #tpu.memory_space<hbm>>) target(%arg12 : memref<16x128xf32, #tpu.memory_space<vmem>>) target_semaphore(%arg18 : memref<!tpu.dma_semaphore, #tpu.memory_space<semaphore_mem>>)
    %scan3A = arith.constant 0 : i32
    %scan3A_26 = arith.constant 40 : i32
    %scan3A_27 = arith.addi %scan3A, %scan3A_26 : i32
    %scan3A_28 = arith.constant 1 : i32
    scf.for %scan3A_31 = %scan3A to %scan3A_27 step %scan3A_28  : i32 {
      %mul3A_32 = arith.constant 2 : i32
      %mul3A_33 = arith.muli %scan3A_31, %mul3A_32 : i32
      %add3A_34 = arith.constant 0 : i32
      %add3A_35 = arith.addi %add3A_34, %mul3A_33 : i32
      %add3A_36 = arith.constant 0 : i32
      %add3A_37 = arith.addi %add3A_35, %add3A_36 : i32
      %mul3A_38 = arith.constant 32 : i32
      %mul3A_39 = arith.muli %add3A_37, %mul3A_38 : i32
      %add3A_40 = arith.addi %mul3A_39, %add3A : i32
      %lt3A = arith.constant 2500 : i32
      %lt3A_41 = arith.cmpi slt, %add3A_40, %lt3A : i32
      %convert_element_type3A = arith.extui %lt3A_41 : i1 to i32
      %cond3A = arith.constant 0 : i32
      %cond3A_42 = arith.cmpi ne, %convert_element_type3A, %cond3A : i32
      scf.if %cond3A_42 {
        %dma_wait3A = arith.constant 0 : i32
        %dma_wait3A_53 = tpu.memref_slice %arg2[%dma_wait3A] : memref<320000xf32, #tpu.memory_space<hbm>> -> memref<128xf32, #tpu.memory_space<hbm>>
        %dma_wait3A_54 = arith.constant 0 : i32
        %dma_wait3A_55 = tpu.memref_slice %arg2[%dma_wait3A_54] : memref<320000xf32, #tpu.memory_space<hbm>> -> memref<128xf32, #tpu.memory_space<hbm>>
        tpu.wait_dma2 semaphore(%arg18 : memref<!tpu.dma_semaphore, #tpu.memory_space<semaphore_mem>>) src(%dma_wait3A_55 : memref<128xf32, #tpu.memory_space<hbm>>) dst(%arg10 : memref<128xf32, #tpu.memory_space<vmem>>)
        %dma_wait3A_56 = arith.constant 0 : i32
        %dma_wait3A_57 = arith.constant 0 : i32
        %dma_wait3A_58 = tpu.memref_slice %arg3[%dma_wait3A_56, %dma_wait3A_57] : memref<40000x128xf32, #tpu.memory_space<hbm>> -> memref<16x128xf32, #tpu.memory_space<hbm>>
        %dma_wait3A_59 = arith.constant 0 : i32
        %dma_wait3A_60 = arith.constant 0 : i32
        %dma_wait3A_61 = tpu.memref_slice %arg3[%dma_wait3A_59, %dma_wait3A_60] : memref<40000x128xf32, #tpu.memory_space<hbm>> -> memref<16x128xf32, #tpu.memory_space<hbm>>
        tpu.wait_dma2 semaphore(%arg18 : memref<!tpu.dma_semaphore, #tpu.memory_space<semaphore_mem>>) src(%dma_wait3A_61 : memref<16x128xf32, #tpu.memory_space<hbm>>) dst(%arg12 : memref<16x128xf32, #tpu.memory_space<vmem>>)
        %add3A_62 = arith.constant 32 : i32
        %add3A_63 = arith.addi %add3A_40, %add3A_62 : i32
        %lt3A_64 = arith.constant 2500 : i32
        %lt3A_65 = arith.cmpi slt, %add3A_63, %lt3A_64 : i32
        %convert_element_type3A_66 = arith.extui %lt3A_65 : i1 to i32
        %cond3A_67 = arith.constant 0 : i32
        %cond3A_68 = arith.cmpi ne, %convert_element_type3A_66, %cond3A_67 : i32
        scf.if %cond3A_68 {
          %add3A_74 = arith.constant 32 : i32
          %add3A_75 = arith.addi %add3A_40, %add3A_74 : i32
          %mul3A_76 = arith.constant 128 : i32
          %mul3A_77 = arith.muli %add3A_75, %mul3A_76 : i32
          "tpu.region"() ({
            %run_scoped3A = tpu.sem_alloc : memref<!tpu.dma_semaphore, #tpu.memory_space<semaphore_mem>>
            %dma_start3A_108 = tpu.memref_slice %arg4[%mul3A_77] : memref<320000xi32, #tpu.memory_space<hbm>> -> memref<128xi32, #tpu.memory_space<hbm>>
            %dma_start3A_109 = tpu.memref_slice %arg4[%mul3A_77] : memref<320000xi32, #tpu.memory_space<hbm>> -> memref<128xi32, #tpu.memory_space<hbm>>
            tpu.enqueue_dma source(%dma_start3A_109 : memref<128xi32, #tpu.memory_space<hbm>>) target(%arg9 : memref<128xi32, #tpu.memory_space<vmem>>) target_semaphore(%run_scoped3A : memref<!tpu.dma_semaphore, #tpu.memory_space<semaphore_mem>>)
            %dma_wait3A_110 = tpu.memref_slice %arg4[%mul3A_77] : memref<320000xi32, #tpu.memory_space<hbm>> -> memref<128xi32, #tpu.memory_space<hbm>>
            %dma_wait3A_111 = tpu.memref_slice %arg4[%mul3A_77] : memref<320000xi32, #tpu.memory_space<hbm>> -> memref<128xi32, #tpu.memory_space<hbm>>
            tpu.wait_dma2 semaphore(%run_scoped3A : memref<!tpu.dma_semaphore, #tpu.memory_space<semaphore_mem>>) src(%dma_wait3A_111 : memref<128xi32, #tpu.memory_space<hbm>>) dst(%arg9 : memref<128xi32, #tpu.memory_space<vmem>>)
            tpu.yield
          }) : () -> ()
          %dma_start3A_78 = tpu.memref_slice %arg2[%mul3A_77] : memref<320000xf32, #tpu.memory_space<hbm>> -> memref<128xf32, #tpu.memory_space<hbm>>
          %dma_start3A_79 = tpu.memref_slice %arg2[%mul3A_77] : memref<320000xf32, #tpu.memory_space<hbm>> -> memref<128xf32, #tpu.memory_space<hbm>>
          tpu.enqueue_dma source(%dma_start3A_79 : memref<128xf32, #tpu.memory_space<hbm>>) target(%arg11 : memref<128xf32, #tpu.memory_space<vmem>>) target_semaphore(%arg19 : memref<!tpu.dma_semaphore, #tpu.memory_space<semaphore_mem>>)
          %jit3A_80 = arith.constant 8 : i32
          %div3A_81 = arith.divsi %mul3A_77, %jit3A_80 : i32
          %sign3A_82 = arith.constant 0 : i32
          %sign3A_83 = arith.cmpi sgt, %mul3A_77, %sign3A_82 : i32
          %sign3A_84 = arith.extui %sign3A_83 : i1 to i32
          %sign3A_85 = arith.constant 0 : i32
          %sign3A_86 = arith.cmpi slt, %mul3A_77, %sign3A_85 : i32
          %sign3A_87 = arith.extui %sign3A_86 : i1 to i32
          %sign3A_88 = arith.subi %sign3A_84, %sign3A_87 : i32
          %sign3A_89 = arith.constant 0 : i32
          %sign3A_90 = arith.cmpi sgt, %jit3A_80, %sign3A_89 : i32
          %sign3A_91 = arith.extui %sign3A_90 : i1 to i32
          %sign3A_92 = arith.constant 0 : i32
          %sign3A_93 = arith.cmpi slt, %jit3A_80, %sign3A_92 : i32
          %sign3A_94 = arith.extui %sign3A_93 : i1 to i32
          %sign3A_95 = arith.subi %sign3A_91, %sign3A_94 : i32
          %ne3A_96 = arith.cmpi ne, %sign3A_88, %sign3A_95 : i32
          %rem3A_97 = arith.remsi %mul3A_77, %jit3A_80 : i32
          %ne3A_98 = arith.constant 0 : i32
          %ne3A_99 = arith.cmpi ne, %rem3A_97, %ne3A_98 : i32
          %and3A_100 = arith.andi %ne3A_96, %ne3A_99 : i1
          %sub3A_101 = arith.constant 1 : i32
          %sub3A_102 = arith.subi %div3A_81, %sub3A_101 : i32
          %select_n3A_103 = arith.select %and3A_100, %sub3A_102, %div3A_81 : i32
          %dma_start3A_104 = arith.constant 0 : i32
          %dma_start3A_105 = tpu.memref_slice %arg3[%select_n3A_103, %dma_start3A_104] : memref<40000x128xf32, #tpu.memory_space<hbm>> -> memref<16x128xf32, #tpu.memory_space<hbm>>
          %dma_start3A_106 = arith.constant 0 : i32
          %dma_start3A_107 = tpu.memref_slice %arg3[%select_n3A_103, %dma_start3A_106] : memref<40000x128xf32, #tpu.memory_space<hbm>> -> memref<16x128xf32, #tpu.memory_space<hbm>>
          tpu.enqueue_dma source(%dma_start3A_107 : memref<16x128xf32, #tpu.memory_space<hbm>>) target(%arg13 : memref<16x128xf32, #tpu.memory_space<vmem>>) target_semaphore(%arg19 : memref<!tpu.dma_semaphore, #tpu.memory_space<semaphore_mem>>)
        } else {
        }
        %scan3A_69 = arith.constant 0 : i32
        %scan3A_70 = arith.constant 16 : i32
        %scan3A_71 = arith.addi %scan3A_69, %scan3A_70 : i32
        %scan3A_72 = arith.constant 1 : i32
        scf.for %scan3A_74 = %scan3A_69 to %scan3A_71 step %scan3A_72  : i32 {
          %mul3A_75 = arith.constant 1 : i32
          %mul3A_76 = arith.muli %scan3A_74, %mul3A_75 : i32
          %add3A_77 = arith.constant 0 : i32
          %add3A_78 = arith.addi %add3A_77, %mul3A_76 : i32
          %mul3A_79 = arith.constant 8 : i32
          %mul3A_80 = arith.muli %add3A_78, %mul3A_79 : i32
          %add3A_81 = arith.constant 0 : i32
          %add3A_82 = arith.addi %mul3A_80, %add3A_81 : i32
          %broadcast_in_dim3A = vector.broadcast %add3A_82 : i32 to vector<16xi32>
          %gather3A = tpu.vector_load_idx %arg10[%broadcast_in_dim3A] : memref<128xf32, #tpu.memory_space<vmem>>[vector<16xi32>], vector<16xf32>,
          %get3A = arith.index_cast %add3A_78 : i32 to index
          %get3A_83 = arith.constant 0 : index
          %get3A_84 = tpu.vector_load %arg12[%get3A, %get3A_83] {strides = array<i32>} : memref<16x128xf32, #tpu.memory_space<vmem>>, vector<16xf32>,
          %mul3A_85 = arith.mulf %gather3A, %get3A_84 : vector<16xf32>
          %get3A_86 = arith.constant 0 : index
          %get3A_87 = tpu.vector_load %arg16[%get3A_86] {strides = array<i32>} : memref<16xf32, #tpu.memory_space<vmem>>, vector<16xf32>,
          %add3A_88 = arith.addf %mul3A_85, %get3A_87 : vector<16xf32>
          %swap3A = arith.index_cast %add3A_82 : i32 to index
          %swap3A_89 = arith.constant 0 : index
          %swap3A_90 = tpu.vector_load %arg14[%swap3A, %swap3A_89] {strides = array<i32>} : memref<128x16xf32, #tpu.memory_space<vmem>>, vector<16xf32>,
          tpu.vector_store %arg14[%swap3A, %swap3A_89], %add3A_88 {strides = array<i32>} : memref<128x16xf32, #tpu.memory_space<vmem>>, vector<16xf32>,
          %mul3A_91 = arith.constant 8 : i32
          %mul3A_92 = arith.muli %add3A_78, %mul3A_91 : i32
          %add3A_93 = arith.constant 1 : i32
          %add3A_94 = arith.addi %mul3A_92, %add3A_93 : i32
          %broadcast_in_dim3A_95 = vector.broadcast %add3A_94 : i32 to vector<16xi32>
          %gather3A_96 = tpu.vector_load_idx %arg10[%broadcast_in_dim3A_95] : memref<128xf32, #tpu.memory_space<vmem>>[vector<16xi32>], vector<16xf32>,
          %get3A_97 = arith.index_cast %add3A_78 : i32 to index
          %get3A_98 = arith.constant 16 : index
          %get3A_99 = tpu.vector_load %arg12[%get3A_97, %get3A_98] {strides = array<i32>} : memref<16x128xf32, #tpu.memory_space<vmem>>, vector<16xf32>,
          %mul3A_100 = arith.mulf %gather3A_96, %get3A_99 : vector<16xf32>
          %get3A_101 = arith.constant 0 : index
          %get3A_102 = tpu.vector_load %arg16[%get3A_101] {strides = array<i32>} : memref<16xf32, #tpu.memory_space<vmem>>, vector<16xf32>,
          %add3A_103 = arith.addf %mul3A_100, %get3A_102 : vector<16xf32>
          %swap3A_104 = arith.index_cast %add3A_94 : i32 to index
          %swap3A_105 = arith.constant 0 : index
          %swap3A_106 = tpu.vector_load %arg14[%swap3A_104, %swap3A_105] {strides = array<i32>} : memref<128x16xf32, #tpu.memory_space<vmem>>, vector<16xf32>,
          tpu.vector_store %arg14[%swap3A_104, %swap3A_105], %add3A_103 {strides = array<i32>} : memref<128x16xf32, #tpu.memory_space<vmem>>, vector<16xf32>,
          %mul3A_107 = arith.constant 8 : i32
          %mul3A_108 = arith.muli %add3A_78, %mul3A_107 : i32
          %add3A_109 = arith.constant 2 : i32
          %add3A_110 = arith.addi %mul3A_108, %add3A_109 : i32
          %broadcast_in_dim3A_111 = vector.broadcast %add3A_110 : i32 to vector<16xi32>
          %gather3A_112 = tpu.vector_load_idx %arg10[%broadcast_in_dim3A_111] : memref<128xf32, #tpu.memory_space<vmem>>[vector<16xi32>], vector<16xf32>,
          %get3A_113 = arith.index_cast %add3A_78 : i32 to index
          %get3A_114 = arith.constant 32 : index
          %get3A_115 = tpu.vector_load %arg12[%get3A_113, %get3A_114] {strides = array<i32>} : memref<16x128xf32, #tpu.memory_space<vmem>>, vector<16xf32>,
          %mul3A_116 = arith.mulf %gather3A_112, %get3A_115 : vector<16xf32>
          %get3A_117 = arith.constant 0 : index
          %get3A_118 = tpu.vector_load %arg16[%get3A_117] {strides = array<i32>} : memref<16xf32, #tpu.memory_space<vmem>>, vector<16xf32>,
          %add3A_119 = arith.addf %mul3A_116, %get3A_118 : vector<16xf32>
          %swap3A_120 = arith.index_cast %add3A_110 : i32 to index
          %swap3A_121 = arith.constant 0 : index
          %swap3A_122 = tpu.vector_load %arg14[%swap3A_120, %swap3A_121] {strides = array<i32>} : memref<128x16xf32, #tpu.memory_space<vmem>>, vector<16xf32>,
          tpu.vector_store %arg14[%swap3A_120, %swap3A_121], %add3A_119 {strides = array<i32>} : memref<128x16xf32, #tpu.memory_space<vmem>>, vector<16xf32>,
          %mul3A_123 = arith.constant 8 : i32
          %mul3A_124 = arith.muli %add3A_78, %mul3A_123 : i32
          %add3A_125 = arith.constant 3 : i32
          %add3A_126 = arith.addi %mul3A_124, %add3A_125 : i32
          %broadcast_in_dim3A_127 = vector.broadcast %add3A_126 : i32 to vector<16xi32>
          %gather3A_128 = tpu.vector_load_idx %arg10[%broadcast_in_dim3A_127] : memref<128xf32, #tpu.memory_space<vmem>>[vector<16xi32>], vector<16xf32>,
          %get3A_129 = arith.index_cast %add3A_78 : i32 to index
          %get3A_130 = arith.constant 48 : index
          %get3A_131 = tpu.vector_load %arg12[%get3A_129, %get3A_130] {strides = array<i32>} : memref<16x128xf32, #tpu.memory_space<vmem>>, vector<16xf32>,
          %mul3A_132 = arith.mulf %gather3A_128, %get3A_131 : vector<16xf32>
          %get3A_133 = arith.constant 0 : index
          %get3A_134 = tpu.vector_load %arg16[%get3A_133] {strides = array<i32>} : memref<16xf32, #tpu.memory_space<vmem>>, vector<16xf32>,
          %add3A_135 = arith.addf %mul3A_132, %get3A_134 : vector<16xf32>
          %swap3A_136 = arith.index_cast %add3A_126 : i32 to index
          %swap3A_137 = arith.constant 0 : index
          %swap3A_138 = tpu.vector_load %arg14[%swap3A_136, %swap3A_137] {strides = array<i32>} : memref<128x16xf32, #tpu.memory_space<vmem>>, vector<16xf32>,
          tpu.vector_store %arg14[%swap3A_136, %swap3A_137], %add3A_135 {strides = array<i32>} : memref<128x16xf32, #tpu.memory_space<vmem>>, vector<16xf32>,
          %mul3A_139 = arith.constant 8 : i32
          %mul3A_140 = arith.muli %add3A_78, %mul3A_139 : i32
          %add3A_141 = arith.constant 4 : i32
          %add3A_142 = arith.addi %mul3A_140, %add3A_141 : i32
          %broadcast_in_dim3A_143 = vector.broadcast %add3A_142 : i32 to vector<16xi32>
          %gather3A_144 = tpu.vector_load_idx %arg10[%broadcast_in_dim3A_143] : memref<128xf32, #tpu.memory_space<vmem>>[vector<16xi32>], vector<16xf32>,
          %get3A_145 = arith.index_cast %add3A_78 : i32 to index
          %get3A_146 = arith.constant 64 : index
          %get3A_147 = tpu.vector_load %arg12[%get3A_145, %get3A_146] {strides = array<i32>} : memref<16x128xf32, #tpu.memory_space<vmem>>, vector<16xf32>,
          %mul3A_148 = arith.mulf %gather3A_144, %get3A_147 : vector<16xf32>
          %get3A_149 = arith.constant 0 : index
          %get3A_150 = tpu.vector_load %arg16[%get3A_149] {strides = array<i32>} : memref<16xf32, #tpu.memory_space<vmem>>, vector<16xf32>,
          %add3A_151 = arith.addf %mul3A_148, %get3A_150 : vector<16xf32>
          %swap3A_152 = arith.index_cast %add3A_142 : i32 to index
          %swap3A_153 = arith.constant 0 : index
          %swap3A_154 = tpu.vector_load %arg14[%swap3A_152, %swap3A_153] {strides = array<i32>} : memref<128x16xf32, #tpu.memory_space<vmem>>, vector<16xf32>,
          tpu.vector_store %arg14[%swap3A_152, %swap3A_153], %add3A_151 {strides = array<i32>} : memref<128x16xf32, #tpu.memory_space<vmem>>, vector<16xf32>,
          %mul3A_155 = arith.constant 8 : i32
          %mul3A_156 = arith.muli %add3A_78, %mul3A_155 : i32
          %add3A_157 = arith.constant 5 : i32
          %add3A_158 = arith.addi %mul3A_156, %add3A_157 : i32
          %broadcast_in_dim3A_159 = vector.broadcast %add3A_158 : i32 to vector<16xi32>
          %gather3A_160 = tpu.vector_load_idx %arg10[%broadcast_in_dim3A_159] : memref<128xf32, #tpu.memory_space<vmem>>[vector<16xi32>], vector<16xf32>,
          %get3A_161 = arith.index_cast %add3A_78 : i32 to index
          %get3A_162 = arith.constant 80 : index
          %get3A_163 = tpu.vector_load %arg12[%get3A_161, %get3A_162] {strides = array<i32>} : memref<16x128xf32, #tpu.memory_space<vmem>>, vector<16xf32>,
          %mul3A_164 = arith.mulf %gather3A_160, %get3A_163 : vector<16xf32>
          %get3A_165 = arith.constant 0 : index
          %get3A_166 = tpu.vector_load %arg16[%get3A_165] {strides = array<i32>} : memref<16xf32, #tpu.memory_space<vmem>>, vector<16xf32>,
          %add3A_167 = arith.addf %mul3A_164, %get3A_166 : vector<16xf32>
          %swap3A_168 = arith.index_cast %add3A_158 : i32 to index
          %swap3A_169 = arith.constant 0 : index
          %swap3A_170 = tpu.vector_load %arg14[%swap3A_168, %swap3A_169] {strides = array<i32>} : memref<128x16xf32, #tpu.memory_space<vmem>>, vector<16xf32>,
          tpu.vector_store %arg14[%swap3A_168, %swap3A_169], %add3A_167 {strides = array<i32>} : memref<128x16xf32, #tpu.memory_space<vmem>>, vector<16xf32>,
          %mul3A_171 = arith.constant 8 : i32
          %mul3A_172 = arith.muli %add3A_78, %mul3A_171 : i32
          %add3A_173 = arith.constant 6 : i32
          %add3A_174 = arith.addi %mul3A_172, %add3A_173 : i32
          %broadcast_in_dim3A_175 = vector.broadcast %add3A_174 : i32 to vector<16xi32>
          %gather3A_176 = tpu.vector_load_idx %arg10[%broadcast_in_dim3A_175] : memref<128xf32, #tpu.memory_space<vmem>>[vector<16xi32>], vector<16xf32>,
          %get3A_177 = arith.index_cast %add3A_78 : i32 to index
          %get3A_178 = arith.constant 96 : index
          %get3A_179 = tpu.vector_load %arg12[%get3A_177, %get3A_178] {strides = array<i32>} : memref<16x128xf32, #tpu.memory_space<vmem>>, vector<16xf32>,
          %mul3A_180 = arith.mulf %gather3A_176, %get3A_179 : vector<16xf32>
          %get3A_181 = arith.constant 0 : index
          %get3A_182 = tpu.vector_load %arg16[%get3A_181] {strides = array<i32>} : memref<16xf32, #tpu.memory_space<vmem>>, vector<16xf32>,
          %add3A_183 = arith.addf %mul3A_180, %get3A_182 : vector<16xf32>
          %swap3A_184 = arith.index_cast %add3A_174 : i32 to index
          %swap3A_185 = arith.constant 0 : index
          %swap3A_186 = tpu.vector_load %arg14[%swap3A_184, %swap3A_185] {strides = array<i32>} : memref<128x16xf32, #tpu.memory_space<vmem>>, vector<16xf32>,
          tpu.vector_store %arg14[%swap3A_184, %swap3A_185], %add3A_183 {strides = array<i32>} : memref<128x16xf32, #tpu.memory_space<vmem>>, vector<16xf32>,
          %mul3A_187 = arith.constant 8 : i32
          %mul3A_188 = arith.muli %add3A_78, %mul3A_187 : i32
          %add3A_189 = arith.constant 7 : i32
          %add3A_190 = arith.addi %mul3A_188, %add3A_189 : i32
          %broadcast_in_dim3A_191 = vector.broadcast %add3A_190 : i32 to vector<16xi32>
          %gather3A_192 = tpu.vector_load_idx %arg10[%broadcast_in_dim3A_191] : memref<128xf32, #tpu.memory_space<vmem>>[vector<16xi32>], vector<16xf32>,
          %get3A_193 = arith.index_cast %add3A_78 : i32 to index
          %get3A_194 = arith.constant 112 : index
          %get3A_195 = tpu.vector_load %arg12[%get3A_193, %get3A_194] {strides = array<i32>} : memref<16x128xf32, #tpu.memory_space<vmem>>, vector<16xf32>,
          %mul3A_196 = arith.mulf %gather3A_192, %get3A_195 : vector<16xf32>
          %get3A_197 = arith.constant 0 : index
          %get3A_198 = tpu.vector_load %arg16[%get3A_197] {strides = array<i32>} : memref<16xf32, #tpu.memory_space<vmem>>, vector<16xf32>,
          %add3A_199 = arith.addf %mul3A_196, %get3A_198 : vector<16xf32>
          %swap3A_200 = arith.index_cast %add3A_190 : i32 to index
          %swap3A_201 = arith.constant 0 : index
          %swap3A_202 = tpu.vector_load %arg14[%swap3A_200, %swap3A_201] {strides = array<i32>} : memref<128x16xf32, #tpu.memory_space<vmem>>, vector<16xf32>,
          tpu.vector_store %arg14[%swap3A_200, %swap3A_201], %add3A_199 {strides = array<i32>} : memref<128x16xf32, #tpu.memory_space<vmem>>, vector<16xf32>,
        }
        %scan3A_73 = arith.constant 16 : i32
        "tpu.region"() ({
          %run_scoped3A = tpu.sem_alloc : memref<!tpu.dma_semaphore, #tpu.memory_space<semaphore_mem>>
          %dma_start3A_74 = arith.constant 0 : i32
          %dma_start3A_75 = arith.constant 0 : i32
          %dma_start3A_76 = tpu.memref_slice %arg17[%dma_start3A_74, %dma_start3A_75] : memref<10000x16xf32, #tpu.memory_space<vmem_shared>> -> memref<10000x16xf32, #tpu.memory_space<vmem_shared>>
          tpu.enqueue_indirect_dma source(%arg14 : memref<128x16xf32, #tpu.memory_space<vmem>>) target(%dma_start3A_76 : memref<10000x16xf32, #tpu.memory_space<vmem_shared>>) offsets(%arg8 : memref<128xi32, #tpu.memory_space<vmem>>) semaphore(%run_scoped3A : memref<!tpu.dma_semaphore, #tpu.memory_space<semaphore_mem>>) {add = true}
          %dma_wait3A_77 = arith.constant 0 : i32
          %dma_wait3A_78 = arith.constant 0 : i32
          %dma_wait3A_79 = tpu.memref_slice %arg17[%dma_wait3A_77, %dma_wait3A_78] : memref<10000x16xf32, #tpu.memory_space<vmem_shared>> -> memref<10000x16xf32, #tpu.memory_space<vmem_shared>>
          tpu.wait_indirect_dma semaphore(%run_scoped3A : memref<!tpu.dma_semaphore, #tpu.memory_space<semaphore_mem>>) src(%arg14 : memref<128x16xf32, #tpu.memory_space<vmem>>) dst(%dma_wait3A_79 : memref<10000x16xf32, #tpu.memory_space<vmem_shared>>)
          tpu.yield
        }) : () -> ()
      } else {
      }
      %add3A_43 = arith.constant 1 : i32
      %add3A_44 = arith.addi %add3A_35, %add3A_43 : i32
      %mul3A_45 = arith.constant 32 : i32
      %mul3A_46 = arith.muli %add3A_44, %mul3A_45 : i32
      %add3A_47 = arith.addi %mul3A_46, %add3A : i32
      %lt3A_48 = arith.constant 2500 : i32
      %lt3A_49 = arith.cmpi slt, %add3A_47, %lt3A_48 : i32
      %convert_element_type3A_50 = arith.extui %lt3A_49 : i1 to i32
      %cond3A_51 = arith.constant 0 : i32
      %cond3A_52 = arith.cmpi ne, %convert_element_type3A_50, %cond3A_51 : i32
      scf.if %cond3A_52 {
        %dma_wait3A = arith.constant 0 : i32
        %dma_wait3A_53 = tpu.memref_slice %arg2[%dma_wait3A] : memref<320000xf32, #tpu.memory_space<hbm>> -> memref<128xf32, #tpu.memory_space<hbm>>
        %dma_wait3A_54 = arith.constant 0 : i32
        %dma_wait3A_55 = tpu.memref_slice %arg2[%dma_wait3A_54] : memref<320000xf32, #tpu.memory_space<hbm>> -> memref<128xf32, #tpu.memory_space<hbm>>
        tpu.wait_dma2 semaphore(%arg19 : memref<!tpu.dma_semaphore, #tpu.memory_space<semaphore_mem>>) src(%dma_wait3A_55 : memref<128xf32, #tpu.memory_space<hbm>>) dst(%arg11 : memref<128xf32, #tpu.memory_space<vmem>>)
        %dma_wait3A_56 = arith.constant 0 : i32
        %dma_wait3A_57 = arith.constant 0 : i32
        %dma_wait3A_58 = tpu.memref_slice %arg3[%dma_wait3A_56, %dma_wait3A_57] : memref<40000x128xf32, #tpu.memory_space<hbm>> -> memref<16x128xf32, #tpu.memory_space<hbm>>
        %dma_wait3A_59 = arith.constant 0 : i32
        %dma_wait3A_60 = arith.constant 0 : i32
        %dma_wait3A_61 = tpu.memref_slice %arg3[%dma_wait3A_59, %dma_wait3A_60] : memref<40000x128xf32, #tpu.memory_space<hbm>> -> memref<16x128xf32, #tpu.memory_space<hbm>>
        tpu.wait_dma2 semaphore(%arg19 : memref<!tpu.dma_semaphore, #tpu.memory_space<semaphore_mem>>) src(%dma_wait3A_61 : memref<16x128xf32, #tpu.memory_space<hbm>>) dst(%arg13 : memref<16x128xf32, #tpu.memory_space<vmem>>)
        %add3A_62 = arith.constant 32 : i32
        %add3A_63 = arith.addi %add3A_47, %add3A_62 : i32
        %lt3A_64 = arith.constant 2500 : i32
        %lt3A_65 = arith.cmpi slt, %add3A_63, %lt3A_64 : i32
        %convert_element_type3A_66 = arith.extui %lt3A_65 : i1 to i32
        %cond3A_67 = arith.constant 0 : i32
        %cond3A_68 = arith.cmpi ne, %convert_element_type3A_66, %cond3A_67 : i32
        scf.if %cond3A_68 {
          %add3A_74 = arith.constant 32 : i32
          %add3A_75 = arith.addi %add3A_47, %add3A_74 : i32
          %mul3A_76 = arith.constant 128 : i32
          %mul3A_77 = arith.muli %add3A_75, %mul3A_76 : i32
          "tpu.region"() ({
            %run_scoped3A = tpu.sem_alloc : memref<!tpu.dma_semaphore, #tpu.memory_space<semaphore_mem>>
            %dma_start3A_108 = tpu.memref_slice %arg4[%mul3A_77] : memref<320000xi32, #tpu.memory_space<hbm>> -> memref<128xi32, #tpu.memory_space<hbm>>
            %dma_start3A_109 = tpu.memref_slice %arg4[%mul3A_77] : memref<320000xi32, #tpu.memory_space<hbm>> -> memref<128xi32, #tpu.memory_space<hbm>>
            tpu.enqueue_dma source(%dma_start3A_109 : memref<128xi32, #tpu.memory_space<hbm>>) target(%arg8 : memref<128xi32, #tpu.memory_space<vmem>>) target_semaphore(%run_scoped3A : memref<!tpu.dma_semaphore, #tpu.memory_space<semaphore_mem>>)
            %dma_wait3A_110 = tpu.memref_slice %arg4[%mul3A_77] : memref<320000xi32, #tpu.memory_space<hbm>> -> memref<128xi32, #tpu.memory_space<hbm>>
            %dma_wait3A_111 = tpu.memref_slice %arg4[%mul3A_77] : memref<320000xi32, #tpu.memory_space<hbm>> -> memref<128xi32, #tpu.memory_space<hbm>>
            tpu.wait_dma2 semaphore(%run_scoped3A : memref<!tpu.dma_semaphore, #tpu.memory_space<semaphore_mem>>) src(%dma_wait3A_111 : memref<128xi32, #tpu.memory_space<hbm>>) dst(%arg8 : memref<128xi32, #tpu.memory_space<vmem>>)
            tpu.yield
          }) : () -> ()
          %dma_start3A_78 = tpu.memref_slice %arg2[%mul3A_77] : memref<320000xf32, #tpu.memory_space<hbm>> -> memref<128xf32, #tpu.memory_space<hbm>>
          %dma_start3A_79 = tpu.memref_slice %arg2[%mul3A_77] : memref<320000xf32, #tpu.memory_space<hbm>> -> memref<128xf32, #tpu.memory_space<hbm>>
          tpu.enqueue_dma source(%dma_start3A_79 : memref<128xf32, #tpu.memory_space<hbm>>) target(%arg10 : memref<128xf32, #tpu.memory_space<vmem>>) target_semaphore(%arg18 : memref<!tpu.dma_semaphore, #tpu.memory_space<semaphore_mem>>)
          %jit3A_80 = arith.constant 8 : i32
          %div3A_81 = arith.divsi %mul3A_77, %jit3A_80 : i32
          %sign3A_82 = arith.constant 0 : i32
          %sign3A_83 = arith.cmpi sgt, %mul3A_77, %sign3A_82 : i32
          %sign3A_84 = arith.extui %sign3A_83 : i1 to i32
          %sign3A_85 = arith.constant 0 : i32
          %sign3A_86 = arith.cmpi slt, %mul3A_77, %sign3A_85 : i32
          %sign3A_87 = arith.extui %sign3A_86 : i1 to i32
          %sign3A_88 = arith.subi %sign3A_84, %sign3A_87 : i32
          %sign3A_89 = arith.constant 0 : i32
          %sign3A_90 = arith.cmpi sgt, %jit3A_80, %sign3A_89 : i32
          %sign3A_91 = arith.extui %sign3A_90 : i1 to i32
          %sign3A_92 = arith.constant 0 : i32
          %sign3A_93 = arith.cmpi slt, %jit3A_80, %sign3A_92 : i32
          %sign3A_94 = arith.extui %sign3A_93 : i1 to i32
          %sign3A_95 = arith.subi %sign3A_91, %sign3A_94 : i32
          %ne3A_96 = arith.cmpi ne, %sign3A_88, %sign3A_95 : i32
          %rem3A_97 = arith.remsi %mul3A_77, %jit3A_80 : i32
          %ne3A_98 = arith.constant 0 : i32
          %ne3A_99 = arith.cmpi ne, %rem3A_97, %ne3A_98 : i32
          %and3A_100 = arith.andi %ne3A_96, %ne3A_99 : i1
          %sub3A_101 = arith.constant 1 : i32
          %sub3A_102 = arith.subi %div3A_81, %sub3A_101 : i32
          %select_n3A_103 = arith.select %and3A_100, %sub3A_102, %div3A_81 : i32
          %dma_start3A_104 = arith.constant 0 : i32
          %dma_start3A_105 = tpu.memref_slice %arg3[%select_n3A_103, %dma_start3A_104] : memref<40000x128xf32, #tpu.memory_space<hbm>> -> memref<16x128xf32, #tpu.memory_space<hbm>>
          %dma_start3A_106 = arith.constant 0 : i32
          %dma_start3A_107 = tpu.memref_slice %arg3[%select_n3A_103, %dma_start3A_106] : memref<40000x128xf32, #tpu.memory_space<hbm>> -> memref<16x128xf32, #tpu.memory_space<hbm>>
          tpu.enqueue_dma source(%dma_start3A_107 : memref<16x128xf32, #tpu.memory_space<hbm>>) target(%arg12 : memref<16x128xf32, #tpu.memory_space<vmem>>) target_semaphore(%arg18 : memref<!tpu.dma_semaphore, #tpu.memory_space<semaphore_mem>>)
        } else {
        }
        %scan3A_69 = arith.constant 0 : i32
        %scan3A_70 = arith.constant 16 : i32
        %scan3A_71 = arith.addi %scan3A_69, %scan3A_70 : i32
        %scan3A_72 = arith.constant 1 : i32
        scf.for %scan3A_74 = %scan3A_69 to %scan3A_71 step %scan3A_72  : i32 {
          %mul3A_75 = arith.constant 1 : i32
          %mul3A_76 = arith.muli %scan3A_74, %mul3A_75 : i32
          %add3A_77 = arith.constant 0 : i32
          %add3A_78 = arith.addi %add3A_77, %mul3A_76 : i32
          %mul3A_79 = arith.constant 8 : i32
          %mul3A_80 = arith.muli %add3A_78, %mul3A_79 : i32
          %add3A_81 = arith.constant 0 : i32
          %add3A_82 = arith.addi %mul3A_80, %add3A_81 : i32
          %broadcast_in_dim3A = vector.broadcast %add3A_82 : i32 to vector<16xi32>
          %gather3A = tpu.vector_load_idx %arg11[%broadcast_in_dim3A] : memref<128xf32, #tpu.memory_space<vmem>>[vector<16xi32>], vector<16xf32>,
          %get3A = arith.index_cast %add3A_78 : i32 to index
          %get3A_83 = arith.constant 0 : index
          %get3A_84 = tpu.vector_load %arg13[%get3A, %get3A_83] {strides = array<i32>} : memref<16x128xf32, #tpu.memory_space<vmem>>, vector<16xf32>,
          %mul3A_85 = arith.mulf %gather3A, %get3A_84 : vector<16xf32>
          %get3A_86 = arith.constant 0 : index
          %get3A_87 = tpu.vector_load %arg16[%get3A_86] {strides = array<i32>} : memref<16xf32, #tpu.memory_space<vmem>>, vector<16xf32>,
          %add3A_88 = arith.addf %mul3A_85, %get3A_87 : vector<16xf32>
          %swap3A = arith.index_cast %add3A_82 : i32 to index
          %swap3A_89 = arith.constant 0 : index
          %swap3A_90 = tpu.vector_load %arg15[%swap3A, %swap3A_89] {strides = array<i32>} : memref<128x16xf32, #tpu.memory_space<vmem>>, vector<16xf32>,
          tpu.vector_store %arg15[%swap3A, %swap3A_89], %add3A_88 {strides = array<i32>} : memref<128x16xf32, #tpu.memory_space<vmem>>, vector<16xf32>,
          %mul3A_91 = arith.constant 8 : i32
          %mul3A_92 = arith.muli %add3A_78, %mul3A_91 : i32
          %add3A_93 = arith.constant 1 : i32
          %add3A_94 = arith.addi %mul3A_92, %add3A_93 : i32
          %broadcast_in_dim3A_95 = vector.broadcast %add3A_94 : i32 to vector<16xi32>
          %gather3A_96 = tpu.vector_load_idx %arg11[%broadcast_in_dim3A_95] : memref<128xf32, #tpu.memory_space<vmem>>[vector<16xi32>], vector<16xf32>,
          %get3A_97 = arith.index_cast %add3A_78 : i32 to index
          %get3A_98 = arith.constant 16 : index
          %get3A_99 = tpu.vector_load %arg13[%get3A_97, %get3A_98] {strides = array<i32>} : memref<16x128xf32, #tpu.memory_space<vmem>>, vector<16xf32>,
          %mul3A_100 = arith.mulf %gather3A_96, %get3A_99 : vector<16xf32>
          %get3A_101 = arith.constant 0 : index
          %get3A_102 = tpu.vector_load %arg16[%get3A_101] {strides = array<i32>} : memref<16xf32, #tpu.memory_space<vmem>>, vector<16xf32>,
          %add3A_103 = arith.addf %mul3A_100, %get3A_102 : vector<16xf32>
          %swap3A_104 = arith.index_cast %add3A_94 : i32 to index
          %swap3A_105 = arith.constant 0 : index
          %swap3A_106 = tpu.vector_load %arg15[%swap3A_104, %swap3A_105] {strides = array<i32>} : memref<128x16xf32, #tpu.memory_space<vmem>>, vector<16xf32>,
          tpu.vector_store %arg15[%swap3A_104, %swap3A_105], %add3A_103 {strides = array<i32>} : memref<128x16xf32, #tpu.memory_space<vmem>>, vector<16xf32>,
          %mul3A_107 = arith.constant 8 : i32
          %mul3A_108 = arith.muli %add3A_78, %mul3A_107 : i32
          %add3A_109 = arith.constant 2 : i32
          %add3A_110 = arith.addi %mul3A_108, %add3A_109 : i32
          %broadcast_in_dim3A_111 = vector.broadcast %add3A_110 : i32 to vector<16xi32>
          %gather3A_112 = tpu.vector_load_idx %arg11[%broadcast_in_dim3A_111] : memref<128xf32, #tpu.memory_space<vmem>>[vector<16xi32>], vector<16xf32>,
          %get3A_113 = arith.index_cast %add3A_78 : i32 to index
          %get3A_114 = arith.constant 32 : index
          %get3A_115 = tpu.vector_load %arg13[%get3A_113, %get3A_114] {strides = array<i32>} : memref<16x128xf32, #tpu.memory_space<vmem>>, vector<16xf32>,
          %mul3A_116 = arith.mulf %gather3A_112, %get3A_115 : vector<16xf32>
          %get3A_117 = arith.constant 0 : index
          %get3A_118 = tpu.vector_load %arg16[%get3A_117] {strides = array<i32>} : memref<16xf32, #tpu.memory_space<vmem>>, vector<16xf32>,
          %add3A_119 = arith.addf %mul3A_116, %get3A_118 : vector<16xf32>
          %swap3A_120 = arith.index_cast %add3A_110 : i32 to index
          %swap3A_121 = arith.constant 0 : index
          %swap3A_122 = tpu.vector_load %arg15[%swap3A_120, %swap3A_121] {strides = array<i32>} : memref<128x16xf32, #tpu.memory_space<vmem>>, vector<16xf32>,
          tpu.vector_store %arg15[%swap3A_120, %swap3A_121], %add3A_119 {strides = array<i32>} : memref<128x16xf32, #tpu.memory_space<vmem>>, vector<16xf32>,
          %mul3A_123 = arith.constant 8 : i32
          %mul3A_124 = arith.muli %add3A_78, %mul3A_123 : i32
          %add3A_125 = arith.constant 3 : i32
          %add3A_126 = arith.addi %mul3A_124, %add3A_125 : i32
          %broadcast_in_dim3A_127 = vector.broadcast %add3A_126 : i32 to vector<16xi32>
          %gather3A_128 = tpu.vector_load_idx %arg11[%broadcast_in_dim3A_127] : memref<128xf32, #tpu.memory_space<vmem>>[vector<16xi32>], vector<16xf32>,
          %get3A_129 = arith.index_cast %add3A_78 : i32 to index
          %get3A_130 = arith.constant 48 : index
          %get3A_131 = tpu.vector_load %arg13[%get3A_129, %get3A_130] {strides = array<i32>} : memref<16x128xf32, #tpu.memory_space<vmem>>, vector<16xf32>,
          %mul3A_132 = arith.mulf %gather3A_128, %get3A_131 : vector<16xf32>
          %get3A_133 = arith.constant 0 : index
          %get3A_134 = tpu.vector_load %arg16[%get3A_133] {strides = array<i32>} : memref<16xf32, #tpu.memory_space<vmem>>, vector<16xf32>,
          %add3A_135 = arith.addf %mul3A_132, %get3A_134 : vector<16xf32>
          %swap3A_136 = arith.index_cast %add3A_126 : i32 to index
          %swap3A_137 = arith.constant 0 : index
          %swap3A_138 = tpu.vector_load %arg15[%swap3A_136, %swap3A_137] {strides = array<i32>} : memref<128x16xf32, #tpu.memory_space<vmem>>, vector<16xf32>,
          tpu.vector_store %arg15[%swap3A_136, %swap3A_137], %add3A_135 {strides = array<i32>} : memref<128x16xf32, #tpu.memory_space<vmem>>, vector<16xf32>,
          %mul3A_139 = arith.constant 8 : i32
          %mul3A_140 = arith.muli %add3A_78, %mul3A_139 : i32
          %add3A_141 = arith.constant 4 : i32
          %add3A_142 = arith.addi %mul3A_140, %add3A_141 : i32
          %broadcast_in_dim3A_143 = vector.broadcast %add3A_142 : i32 to vector<16xi32>
          %gather3A_144 = tpu.vector_load_idx %arg11[%broadcast_in_dim3A_143] : memref<128xf32, #tpu.memory_space<vmem>>[vector<16xi32>], vector<16xf32>,
          %get3A_145 = arith.index_cast %add3A_78 : i32 to index
          %get3A_146 = arith.constant 64 : index
          %get3A_147 = tpu.vector_load %arg13[%get3A_145, %get3A_146] {strides = array<i32>} : memref<16x128xf32, #tpu.memory_space<vmem>>, vector<16xf32>,
          %mul3A_148 = arith.mulf %gather3A_144, %get3A_147 : vector<16xf32>
          %get3A_149 = arith.constant 0 : index
          %get3A_150 = tpu.vector_load %arg16[%get3A_149] {strides = array<i32>} : memref<16xf32, #tpu.memory_space<vmem>>, vector<16xf32>,
          %add3A_151 = arith.addf %mul3A_148, %get3A_150 : vector<16xf32>
          %swap3A_152 = arith.index_cast %add3A_142 : i32 to index
          %swap3A_153 = arith.constant 0 : index
          %swap3A_154 = tpu.vector_load %arg15[%swap3A_152, %swap3A_153] {strides = array<i32>} : memref<128x16xf32, #tpu.memory_space<vmem>>, vector<16xf32>,
          tpu.vector_store %arg15[%swap3A_152, %swap3A_153], %add3A_151 {strides = array<i32>} : memref<128x16xf32, #tpu.memory_space<vmem>>, vector<16xf32>,
          %mul3A_155 = arith.constant 8 : i32
          %mul3A_156 = arith.muli %add3A_78, %mul3A_155 : i32
          %add3A_157 = arith.constant 5 : i32
          %add3A_158 = arith.addi %mul3A_156, %add3A_157 : i32
          %broadcast_in_dim3A_159 = vector.broadcast %add3A_158 : i32 to vector<16xi32>
          %gather3A_160 = tpu.vector_load_idx %arg11[%broadcast_in_dim3A_159] : memref<128xf32, #tpu.memory_space<vmem>>[vector<16xi32>], vector<16xf32>,
          %get3A_161 = arith.index_cast %add3A_78 : i32 to index
          %get3A_162 = arith.constant 80 : index
          %get3A_163 = tpu.vector_load %arg13[%get3A_161, %get3A_162] {strides = array<i32>} : memref<16x128xf32, #tpu.memory_space<vmem>>, vector<16xf32>,
          %mul3A_164 = arith.mulf %gather3A_160, %get3A_163 : vector<16xf32>
          %get3A_165 = arith.constant 0 : index
          %get3A_166 = tpu.vector_load %arg16[%get3A_165] {strides = array<i32>} : memref<16xf32, #tpu.memory_space<vmem>>, vector<16xf32>,
          %add3A_167 = arith.addf %mul3A_164, %get3A_166 : vector<16xf32>
          %swap3A_168 = arith.index_cast %add3A_158 : i32 to index
          %swap3A_169 = arith.constant 0 : index
          %swap3A_170 = tpu.vector_load %arg15[%swap3A_168, %swap3A_169] {strides = array<i32>} : memref<128x16xf32, #tpu.memory_space<vmem>>, vector<16xf32>,
          tpu.vector_store %arg15[%swap3A_168, %swap3A_169], %add3A_167 {strides = array<i32>} : memref<128x16xf32, #tpu.memory_space<vmem>>, vector<16xf32>,
          %mul3A_171 = arith.constant 8 : i32
          %mul3A_172 = arith.muli %add3A_78, %mul3A_171 : i32
          %add3A_173 = arith.constant 6 : i32
          %add3A_174 = arith.addi %mul3A_172, %add3A_173 : i32
          %broadcast_in_dim3A_175 = vector.broadcast %add3A_174 : i32 to vector<16xi32>
          %gather3A_176 = tpu.vector_load_idx %arg11[%broadcast_in_dim3A_175] : memref<128xf32, #tpu.memory_space<vmem>>[vector<16xi32>], vector<16xf32>,
          %get3A_177 = arith.index_cast %add3A_78 : i32 to index
          %get3A_178 = arith.constant 96 : index
          %get3A_179 = tpu.vector_load %arg13[%get3A_177, %get3A_178] {strides = array<i32>} : memref<16x128xf32, #tpu.memory_space<vmem>>, vector<16xf32>,
          %mul3A_180 = arith.mulf %gather3A_176, %get3A_179 : vector<16xf32>
          %get3A_181 = arith.constant 0 : index
          %get3A_182 = tpu.vector_load %arg16[%get3A_181] {strides = array<i32>} : memref<16xf32, #tpu.memory_space<vmem>>, vector<16xf32>,
          %add3A_183 = arith.addf %mul3A_180, %get3A_182 : vector<16xf32>
          %swap3A_184 = arith.index_cast %add3A_174 : i32 to index
          %swap3A_185 = arith.constant 0 : index
          %swap3A_186 = tpu.vector_load %arg15[%swap3A_184, %swap3A_185] {strides = array<i32>} : memref<128x16xf32, #tpu.memory_space<vmem>>, vector<16xf32>,
          tpu.vector_store %arg15[%swap3A_184, %swap3A_185], %add3A_183 {strides = array<i32>} : memref<128x16xf32, #tpu.memory_space<vmem>>, vector<16xf32>,
          %mul3A_187 = arith.constant 8 : i32
          %mul3A_188 = arith.muli %add3A_78, %mul3A_187 : i32
          %add3A_189 = arith.constant 7 : i32
          %add3A_190 = arith.addi %mul3A_188, %add3A_189 : i32
          %broadcast_in_dim3A_191 = vector.broadcast %add3A_190 : i32 to vector<16xi32>
          %gather3A_192 = tpu.vector_load_idx %arg11[%broadcast_in_dim3A_191] : memref<128xf32, #tpu.memory_space<vmem>>[vector<16xi32>], vector<16xf32>,
          %get3A_193 = arith.index_cast %add3A_78 : i32 to index
          %get3A_194 = arith.constant 112 : index
          %get3A_195 = tpu.vector_load %arg13[%get3A_193, %get3A_194] {strides = array<i32>} : memref<16x128xf32, #tpu.memory_space<vmem>>, vector<16xf32>,
          %mul3A_196 = arith.mulf %gather3A_192, %get3A_195 : vector<16xf32>
          %get3A_197 = arith.constant 0 : index
          %get3A_198 = tpu.vector_load %arg16[%get3A_197] {strides = array<i32>} : memref<16xf32, #tpu.memory_space<vmem>>, vector<16xf32>,
          %add3A_199 = arith.addf %mul3A_196, %get3A_198 : vector<16xf32>
          %swap3A_200 = arith.index_cast %add3A_190 : i32 to index
          %swap3A_201 = arith.constant 0 : index
          %swap3A_202 = tpu.vector_load %arg15[%swap3A_200, %swap3A_201] {strides = array<i32>} : memref<128x16xf32, #tpu.memory_space<vmem>>, vector<16xf32>,
          tpu.vector_store %arg15[%swap3A_200, %swap3A_201], %add3A_199 {strides = array<i32>} : memref<128x16xf32, #tpu.memory_space<vmem>>, vector<16xf32>,
        }
        %scan3A_73 = arith.constant 16 : i32
        "tpu.region"() ({
          %run_scoped3A = tpu.sem_alloc : memref<!tpu.dma_semaphore, #tpu.memory_space<semaphore_mem>>
          %dma_start3A_74 = arith.constant 0 : i32
          %dma_start3A_75 = arith.constant 0 : i32
          %dma_start3A_76 = tpu.memref_slice %arg17[%dma_start3A_74, %dma_start3A_75] : memref<10000x16xf32, #tpu.memory_space<vmem_shared>> -> memref<10000x16xf32, #tpu.memory_space<vmem_shared>>
          tpu.enqueue_indirect_dma source(%arg15 : memref<128x16xf32, #tpu.memory_space<vmem>>) target(%dma_start3A_76 : memref<10000x16xf32, #tpu.memory_space<vmem_shared>>) offsets(%arg9 : memref<128xi32, #tpu.memory_space<vmem>>) semaphore(%run_scoped3A : memref<!tpu.dma_semaphore, #tpu.memory_space<semaphore_mem>>) {add = true}
          %dma_wait3A_77 = arith.constant 0 : i32
          %dma_wait3A_78 = arith.constant 0 : i32
          %dma_wait3A_79 = tpu.memref_slice %arg17[%dma_wait3A_77, %dma_wait3A_78] : memref<10000x16xf32, #tpu.memory_space<vmem_shared>> -> memref<10000x16xf32, #tpu.memory_space<vmem_shared>>
          tpu.wait_indirect_dma semaphore(%run_scoped3A : memref<!tpu.dma_semaphore, #tpu.memory_space<semaphore_mem>>) src(%arg15 : memref<128x16xf32, #tpu.memory_space<vmem>>) dst(%dma_wait3A_79 : memref<10000x16xf32, #tpu.memory_space<vmem_shared>>)
          tpu.yield
        }) : () -> ()
      } else {
      }
    }
    %scan3A_29 = arith.constant 40 : i32
    %barrier3A_30 = arith.constant 0 : index
    tpu.barrier barrier_id(%barrier3A_30)
    "tpu.region"() ({
      %run_scoped3A = tpu.sem_alloc : memref<!tpu.dma_semaphore, #tpu.memory_space<semaphore_mem>>
      %dma_start3A_31 = arith.constant 0 : i32
      %dma_start3A_32 = tpu.memref_slice %arg7[%arg0, %mul3A_2, %dma_start3A_31] : memref<2x10000x16xf32, #tpu.memory_space<hbm>> -> memref<1x625x16xf32, #tpu.memory_space<hbm>>
      %dma_start3A_33 = tpu.memref_squeeze %dma_start3A_32 : memref<1x625x16xf32, #tpu.memory_space<hbm>> -> memref<625x16xf32, #tpu.memory_space<hbm>>
      %dma_start3A_34 = arith.constant 0 : i32
      %dma_start3A_35 = tpu.memref_slice %arg17[%mul3A_2, %dma_start3A_34] : memref<10000x16xf32, #tpu.memory_space<vmem_shared>> -> memref<625x16xf32, #tpu.memory_space<vmem_shared>>
      tpu.enqueue_dma source(%dma_start3A_35 : memref<625x16xf32, #tpu.memory_space<vmem_shared>>) target(%dma_start3A_33 : memref<625x16xf32, #tpu.memory_space<hbm>>) target_semaphore(%run_scoped3A : memref<!tpu.dma_semaphore, #tpu.memory_space<semaphore_mem>>)
      %dma_wait3A = arith.constant 0 : i32
      %dma_wait3A_36 = tpu.memref_slice %arg7[%arg0, %mul3A_2, %dma_wait3A] : memref<2x10000x16xf32, #tpu.memory_space<hbm>> -> memref<1x625x16xf32, #tpu.memory_space<hbm>>
      %dma_wait3A_37 = tpu.memref_squeeze %dma_wait3A_36 : memref<1x625x16xf32, #tpu.memory_space<hbm>> -> memref<625x16xf32, #tpu.memory_space<hbm>>
      %dma_wait3A_38 = arith.constant 0 : i32
      %dma_wait3A_39 = tpu.memref_slice %arg17[%mul3A_2, %dma_wait3A_38] : memref<10000x16xf32, #tpu.memory_space<vmem_shared>> -> memref<625x16xf32, #tpu.memory_space<vmem_shared>>
      tpu.wait_dma2 semaphore(%run_scoped3A : memref<!tpu.dma_semaphore, #tpu.memory_space<semaphore_mem>>) src(%dma_wait3A_39 : memref<625x16xf32, #tpu.memory_space<vmem_shared>>) dst(%dma_wait3A_37 : memref<625x16xf32, #tpu.memory_space<hbm>>)
      tpu.yield
    }) : () -> ()
    return
  }
}

#map = affine_map<(d0, d1) -> (0, 0)>
#map1 = affine_map<(d0, d1) -> (0)>
module attributes {stable_mosaic.version = 14 : i64} {
  func.func @sc_gather(%arg0: i32, %arg1: i32, %arg2: memref<10000x128xbf16, #tpu.memory_space<hbm>>, %arg3: memref<10000x128xbf16, #tpu.memory_space<hbm>>, %arg4: memref<10000x16xf32, #tpu.memory_space<hbm>>, %arg5: memref<320000xi32, #tpu.memory_space<hbm>>, %arg6: memref<320000xi32, #tpu.memory_space<hbm>>, %arg7: memref<320000x128xf32, #tpu.memory_space<hbm>>, %arg8: memref<40000x128xf32, #tpu.memory_space<hbm>>, %arg9: memref<40000x128xf32, #tpu.memory_space<hbm>>, %arg10: memref<128xi32, #tpu.memory_space<vmem>>, %arg11: memref<128xi32, #tpu.memory_space<vmem>>, %arg12: memref<128xi32, #tpu.memory_space<vmem>>, %arg13: memref<128xi32, #tpu.memory_space<vmem>>, %arg14: memref<128x128xbf16, #tpu.memory_space<vmem>>, %arg15: memref<128x128xbf16, #tpu.memory_space<vmem>>, %arg16: memref<128x128xbf16, #tpu.memory_space<vmem>>, %arg17: memref<128x128xbf16, #tpu.memory_space<vmem>>, %arg18: memref<128x16xf32, #tpu.memory_space<vmem>>, %arg19: memref<128x16xf32, #tpu.memory_space<vmem>>, %arg20: memref<128x16xf32, #tpu.memory_space<vmem>>, %arg21: memref<128x16xf32, #tpu.memory_space<vmem>>, %arg22: memref<128x128xf32, #tpu.memory_space<vmem>>, %arg23: memref<128x128xf32, #tpu.memory_space<vmem>>, %arg24: memref<16x128xf32, #tpu.memory_space<vmem>>, %arg25: memref<16x128xf32, #tpu.memory_space<vmem>>, %arg26: memref<16x128xf32, #tpu.memory_space<vmem>>, %arg27: memref<16x128xf32, #tpu.memory_space<vmem>>, %arg28: memref<!tpu.dma_semaphore, #tpu.memory_space<semaphore_mem>>, %arg29: memref<!tpu.dma_semaphore, #tpu.memory_space<semaphore_mem>>, %arg30: memref<!tpu.dma_semaphore, #tpu.memory_space<semaphore_mem>>, %arg31: memref<!tpu.dma_semaphore, #tpu.memory_space<semaphore_mem>>) attributes {dimension_semantics = [#tpu.dimension_semantics<core_parallel>, #tpu.dimension_semantics<subcore_parallel>], iteration_bounds = array<i64: 2, 16>, scalar_prefetch = 0 : i64, scratch_operands = 22 : i64, tpu.core_type = #tpu.core_type<sc_vector_subcore>, window_params = [{transform_indices = #map}, {transform_indices = #map}, {transform_indices = #map}, {transform_indices = #map1}, {transform_indices = #map1}, {transform_indices = #map}, {transform_indices = #map}, {transform_indices = #map}]} {
    %mul3A = arith.constant 2 : i32
    %mul3A_0 = arith.muli %arg1, %mul3A : i32
    %add3A = arith.addi %mul3A_0, %arg0 : i32
    %sub3A = arith.constant 2500 : i32
    %sub3A_1 = arith.subi %sub3A, %add3A : i32
    %add3A_2 = arith.constant 32 : i32
    %add3A_3 = arith.addi %sub3A_1, %add3A_2 : i32
    %sub3A_4 = arith.constant 1 : i32
    %sub3A_5 = arith.subi %add3A_3, %sub3A_4 : i32
    %jit3A = arith.constant 32 : i32
    %div3A = arith.divsi %sub3A_5, %jit3A : i32
    %sign3A = arith.constant 0 : i32
    %sign3A_6 = arith.cmpi sgt, %sub3A_5, %sign3A : i32
    %sign3A_7 = arith.extui %sign3A_6 : i1 to i32
    %sign3A_8 = arith.constant 0 : i32
    %sign3A_9 = arith.cmpi slt, %sub3A_5, %sign3A_8 : i32
    %sign3A_10 = arith.extui %sign3A_9 : i1 to i32
    %sign3A_11 = arith.subi %sign3A_7, %sign3A_10 : i32
    %sign3A_12 = arith.constant 0 : i32
    %sign3A_13 = arith.cmpi sgt, %jit3A, %sign3A_12 : i32
    %sign3A_14 = arith.extui %sign3A_13 : i1 to i32
    %sign3A_15 = arith.constant 0 : i32
    %sign3A_16 = arith.cmpi slt, %jit3A, %sign3A_15 : i32
    %sign3A_17 = arith.extui %sign3A_16 : i1 to i32
    %sign3A_18 = arith.subi %sign3A_14, %sign3A_17 : i32
    %ne3A = arith.cmpi ne, %sign3A_11, %sign3A_18 : i32
    %rem3A = arith.remsi %sub3A_5, %jit3A : i32
    %ne3A_19 = arith.constant 0 : i32
    %ne3A_20 = arith.cmpi ne, %rem3A, %ne3A_19 : i32
    %and3A = arith.andi %ne3A, %ne3A_20 : i1
    %sub3A_21 = arith.constant 1 : i32
    %sub3A_22 = arith.subi %div3A, %sub3A_21 : i32
    %select_n3A = arith.select %and3A, %sub3A_22, %div3A : i32
    %mul3A_23 = arith.constant 128 : i32
    %mul3A_24 = arith.muli %add3A, %mul3A_23 : i32
    "tpu.region"() ({
      %run_scoped3A = tpu.sem_alloc : memref<!tpu.dma_semaphore, #tpu.memory_space<semaphore_mem>>
      %dma_start3A_47 = tpu.memref_slice %arg5[%mul3A_24] : memref<320000xi32, #tpu.memory_space<hbm>> -> memref<128xi32, #tpu.memory_space<hbm>>
      %dma_start3A_48 = tpu.memref_slice %arg5[%mul3A_24] : memref<320000xi32, #tpu.memory_space<hbm>> -> memref<128xi32, #tpu.memory_space<hbm>>
      tpu.enqueue_dma source(%dma_start3A_48 : memref<128xi32, #tpu.memory_space<hbm>>) target(%arg10 : memref<128xi32, #tpu.memory_space<vmem>>) target_semaphore(%run_scoped3A : memref<!tpu.dma_semaphore, #tpu.memory_space<semaphore_mem>>)
      %dma_wait3A = tpu.memref_slice %arg5[%mul3A_24] : memref<320000xi32, #tpu.memory_space<hbm>> -> memref<128xi32, #tpu.memory_space<hbm>>
      %dma_wait3A_49 = tpu.memref_slice %arg5[%mul3A_24] : memref<320000xi32, #tpu.memory_space<hbm>> -> memref<128xi32, #tpu.memory_space<hbm>>
      tpu.wait_dma2 semaphore(%run_scoped3A : memref<!tpu.dma_semaphore, #tpu.memory_space<semaphore_mem>>) src(%dma_wait3A_49 : memref<128xi32, #tpu.memory_space<hbm>>) dst(%arg10 : memref<128xi32, #tpu.memory_space<vmem>>)
      tpu.yield
    }) : () -> ()
    "tpu.region"() ({
      %run_scoped3A = tpu.sem_alloc : memref<!tpu.dma_semaphore, #tpu.memory_space<semaphore_mem>>
      %dma_start3A_47 = tpu.memref_slice %arg6[%mul3A_24] : memref<320000xi32, #tpu.memory_space<hbm>> -> memref<128xi32, #tpu.memory_space<hbm>>
      %dma_start3A_48 = tpu.memref_slice %arg6[%mul3A_24] : memref<320000xi32, #tpu.memory_space<hbm>> -> memref<128xi32, #tpu.memory_space<hbm>>
      tpu.enqueue_dma source(%dma_start3A_48 : memref<128xi32, #tpu.memory_space<hbm>>) target(%arg12 : memref<128xi32, #tpu.memory_space<vmem>>) target_semaphore(%run_scoped3A : memref<!tpu.dma_semaphore, #tpu.memory_space<semaphore_mem>>)
      %dma_wait3A = tpu.memref_slice %arg6[%mul3A_24] : memref<320000xi32, #tpu.memory_space<hbm>> -> memref<128xi32, #tpu.memory_space<hbm>>
      %dma_wait3A_49 = tpu.memref_slice %arg6[%mul3A_24] : memref<320000xi32, #tpu.memory_space<hbm>> -> memref<128xi32, #tpu.memory_space<hbm>>
      tpu.wait_dma2 semaphore(%run_scoped3A : memref<!tpu.dma_semaphore, #tpu.memory_space<semaphore_mem>>) src(%dma_wait3A_49 : memref<128xi32, #tpu.memory_space<hbm>>) dst(%arg12 : memref<128xi32, #tpu.memory_space<vmem>>)
      tpu.yield
    }) : () -> ()
    %dma_start3A = arith.constant 0 : i32
    %dma_start3A_25 = arith.constant 0 : i32
    %dma_start3A_26 = tpu.memref_slice %arg2[%dma_start3A, %dma_start3A_25] : memref<10000x128xbf16, #tpu.memory_space<hbm>> -> memref<10000x128xbf16, #tpu.memory_space<hbm>>
    tpu.enqueue_indirect_dma source(%dma_start3A_26 : memref<10000x128xbf16, #tpu.memory_space<hbm>>) target(%arg14 : memref<128x128xbf16, #tpu.memory_space<vmem>>) offsets(%arg10 : memref<128xi32, #tpu.memory_space<vmem>>) semaphore(%arg28 : memref<!tpu.dma_semaphore, #tpu.memory_space<semaphore_mem>>)
    %dma_start3A_27 = arith.constant 0 : i32
    %dma_start3A_28 = arith.constant 0 : i32
    %dma_start3A_29 = tpu.memref_slice %arg3[%dma_start3A_27, %dma_start3A_28] : memref<10000x128xbf16, #tpu.memory_space<hbm>> -> memref<10000x128xbf16, #tpu.memory_space<hbm>>
    tpu.enqueue_indirect_dma source(%dma_start3A_29 : memref<10000x128xbf16, #tpu.memory_space<hbm>>) target(%arg16 : memref<128x128xbf16, #tpu.memory_space<vmem>>) offsets(%arg12 : memref<128xi32, #tpu.memory_space<vmem>>) semaphore(%arg28 : memref<!tpu.dma_semaphore, #tpu.memory_space<semaphore_mem>>)
    %dma_start3A_30 = arith.constant 0 : i32
    %dma_start3A_31 = arith.constant 0 : i32
    %dma_start3A_32 = tpu.memref_slice %arg4[%dma_start3A_30, %dma_start3A_31] : memref<10000x16xf32, #tpu.memory_space<hbm>> -> memref<10000x16xf32, #tpu.memory_space<hbm>>
    tpu.enqueue_indirect_dma source(%dma_start3A_32 : memref<10000x16xf32, #tpu.memory_space<hbm>>) target(%arg18 : memref<128x16xf32, #tpu.memory_space<vmem>>) offsets(%arg10 : memref<128xi32, #tpu.memory_space<vmem>>) semaphore(%arg28 : memref<!tpu.dma_semaphore, #tpu.memory_space<semaphore_mem>>)
    %dma_start3A_33 = arith.constant 0 : i32
    %dma_start3A_34 = arith.constant 0 : i32
    %dma_start3A_35 = tpu.memref_slice %arg4[%dma_start3A_33, %dma_start3A_34] : memref<10000x16xf32, #tpu.memory_space<hbm>> -> memref<10000x16xf32, #tpu.memory_space<hbm>>
    tpu.enqueue_indirect_dma source(%dma_start3A_35 : memref<10000x16xf32, #tpu.memory_space<hbm>>) target(%arg20 : memref<128x16xf32, #tpu.memory_space<vmem>>) offsets(%arg12 : memref<128xi32, #tpu.memory_space<vmem>>) semaphore(%arg28 : memref<!tpu.dma_semaphore, #tpu.memory_space<semaphore_mem>>)
    %scan3A = arith.constant 0 : i32
    %scan3A_36 = arith.constant 40 : i32
    %scan3A_37 = arith.addi %scan3A, %scan3A_36 : i32
    %scan3A_38 = arith.constant 1 : i32
    scf.for %scan3A_47 = %scan3A to %scan3A_37 step %scan3A_38  : i32 {
      %mul3A_48 = arith.constant 2 : i32
      %mul3A_49 = arith.muli %scan3A_47, %mul3A_48 : i32
      %add3A_50 = arith.constant 0 : i32
      %add3A_51 = arith.addi %add3A_50, %mul3A_49 : i32
      %add3A_52 = arith.constant 0 : i32
      %add3A_53 = arith.addi %add3A_51, %add3A_52 : i32
      %mul3A_54 = arith.constant 32 : i32
      %mul3A_55 = arith.muli %add3A_53, %mul3A_54 : i32
      %add3A_56 = arith.addi %mul3A_55, %add3A : i32
      %lt3A = arith.constant 2500 : i32
      %lt3A_57 = arith.cmpi slt, %add3A_56, %lt3A : i32
      %convert_element_type3A_58 = arith.extui %lt3A_57 : i1 to i32
      %cond3A_59 = arith.constant 0 : i32
      %cond3A_60 = arith.cmpi ne, %convert_element_type3A_58, %cond3A_59 : i32
      scf.if %cond3A_60 {
        %dma_wait3A = arith.constant 0 : i32
        %dma_wait3A_71 = arith.constant 0 : i32
        %dma_wait3A_72 = tpu.memref_slice %arg2[%dma_wait3A, %dma_wait3A_71] : memref<10000x128xbf16, #tpu.memory_space<hbm>> -> memref<10000x128xbf16, #tpu.memory_space<hbm>>
        tpu.wait_indirect_dma semaphore(%arg28 : memref<!tpu.dma_semaphore, #tpu.memory_space<semaphore_mem>>) src(%dma_wait3A_72 : memref<10000x128xbf16, #tpu.memory_space<hbm>>) dst(%arg14 : memref<128x128xbf16, #tpu.memory_space<vmem>>)
        %dma_wait3A_73 = arith.constant 0 : i32
        %dma_wait3A_74 = arith.constant 0 : i32
        %dma_wait3A_75 = tpu.memref_slice %arg3[%dma_wait3A_73, %dma_wait3A_74] : memref<10000x128xbf16, #tpu.memory_space<hbm>> -> memref<10000x128xbf16, #tpu.memory_space<hbm>>
        tpu.wait_indirect_dma semaphore(%arg28 : memref<!tpu.dma_semaphore, #tpu.memory_space<semaphore_mem>>) src(%dma_wait3A_75 : memref<10000x128xbf16, #tpu.memory_space<hbm>>) dst(%arg16 : memref<128x128xbf16, #tpu.memory_space<vmem>>)
        %dma_wait3A_76 = arith.constant 0 : i32
        %dma_wait3A_77 = arith.constant 0 : i32
        %dma_wait3A_78 = tpu.memref_slice %arg4[%dma_wait3A_76, %dma_wait3A_77] : memref<10000x16xf32, #tpu.memory_space<hbm>> -> memref<10000x16xf32, #tpu.memory_space<hbm>>
        tpu.wait_indirect_dma semaphore(%arg28 : memref<!tpu.dma_semaphore, #tpu.memory_space<semaphore_mem>>) src(%dma_wait3A_78 : memref<10000x16xf32, #tpu.memory_space<hbm>>) dst(%arg18 : memref<128x16xf32, #tpu.memory_space<vmem>>)
        %dma_wait3A_79 = arith.constant 0 : i32
        %dma_wait3A_80 = arith.constant 0 : i32
        %dma_wait3A_81 = tpu.memref_slice %arg4[%dma_wait3A_79, %dma_wait3A_80] : memref<10000x16xf32, #tpu.memory_space<hbm>> -> memref<10000x16xf32, #tpu.memory_space<hbm>>
        tpu.wait_indirect_dma semaphore(%arg28 : memref<!tpu.dma_semaphore, #tpu.memory_space<semaphore_mem>>) src(%dma_wait3A_81 : memref<10000x16xf32, #tpu.memory_space<hbm>>) dst(%arg20 : memref<128x16xf32, #tpu.memory_space<vmem>>)
        %add3A_82 = arith.constant 32 : i32
        %add3A_83 = arith.addi %add3A_56, %add3A_82 : i32
        %lt3A_84 = arith.constant 2500 : i32
        %lt3A_85 = arith.cmpi slt, %add3A_83, %lt3A_84 : i32
        %convert_element_type3A_86 = arith.extui %lt3A_85 : i1 to i32
        %cond3A_87 = arith.constant 0 : i32
        %cond3A_88 = arith.cmpi ne, %convert_element_type3A_86, %cond3A_87 : i32
        scf.if %cond3A_88 {
          %ge3A_160 = arith.constant 1 : i32
          %ge3A_161 = arith.cmpi sge, %add3A_53, %ge3A_160 : i32
          %convert_element_type3A_162 = arith.extui %ge3A_161 : i1 to i32
          %cond3A_163 = arith.constant 0 : i32
          %cond3A_164 = arith.cmpi ne, %convert_element_type3A_162, %cond3A_163 : i32
          scf.if %cond3A_164 {
            %dma_wait3A_179 = arith.constant 0 : i32
            %dma_wait3A_180 = arith.constant 0 : i32
            %dma_wait3A_181 = tpu.memref_slice %arg7[%dma_wait3A_179, %dma_wait3A_180] : memref<320000x128xf32, #tpu.memory_space<hbm>> -> memref<128x128xf32, #tpu.memory_space<hbm>>
            %dma_wait3A_182 = arith.constant 0 : i32
            %dma_wait3A_183 = arith.constant 0 : i32
            %dma_wait3A_184 = tpu.memref_slice %arg7[%dma_wait3A_182, %dma_wait3A_183] : memref<320000x128xf32, #tpu.memory_space<hbm>> -> memref<128x128xf32, #tpu.memory_space<hbm>>
            tpu.wait_dma2 semaphore(%arg31 : memref<!tpu.dma_semaphore, #tpu.memory_space<semaphore_mem>>) src(%arg23 : memref<128x128xf32, #tpu.memory_space<vmem>>) dst(%dma_wait3A_184 : memref<128x128xf32, #tpu.memory_space<hbm>>)
            %dma_wait3A_185 = arith.constant 0 : i32
            %dma_wait3A_186 = arith.constant 0 : i32
            %dma_wait3A_187 = tpu.memref_slice %arg8[%dma_wait3A_185, %dma_wait3A_186] : memref<40000x128xf32, #tpu.memory_space<hbm>> -> memref<16x128xf32, #tpu.memory_space<hbm>>
            %dma_wait3A_188 = arith.constant 0 : i32
            %dma_wait3A_189 = arith.constant 0 : i32
            %dma_wait3A_190 = tpu.memref_slice %arg8[%dma_wait3A_188, %dma_wait3A_189] : memref<40000x128xf32, #tpu.memory_space<hbm>> -> memref<16x128xf32, #tpu.memory_space<hbm>>
            tpu.wait_dma2 semaphore(%arg31 : memref<!tpu.dma_semaphore, #tpu.memory_space<semaphore_mem>>) src(%arg25 : memref<16x128xf32, #tpu.memory_space<vmem>>) dst(%dma_wait3A_190 : memref<16x128xf32, #tpu.memory_space<hbm>>)
            %dma_wait3A_191 = arith.constant 0 : i32
            %dma_wait3A_192 = arith.constant 0 : i32
            %dma_wait3A_193 = tpu.memref_slice %arg9[%dma_wait3A_191, %dma_wait3A_192] : memref<40000x128xf32, #tpu.memory_space<hbm>> -> memref<16x128xf32, #tpu.memory_space<hbm>>
            %dma_wait3A_194 = arith.constant 0 : i32
            %dma_wait3A_195 = arith.constant 0 : i32
            %dma_wait3A_196 = tpu.memref_slice %arg9[%dma_wait3A_194, %dma_wait3A_195] : memref<40000x128xf32, #tpu.memory_space<hbm>> -> memref<16x128xf32, #tpu.memory_space<hbm>>
            tpu.wait_dma2 semaphore(%arg31 : memref<!tpu.dma_semaphore, #tpu.memory_space<semaphore_mem>>) src(%arg27 : memref<16x128xf32, #tpu.memory_space<vmem>>) dst(%dma_wait3A_196 : memref<16x128xf32, #tpu.memory_space<hbm>>)
          } else {
          }
          %mul3A_165 = arith.constant 128 : i32
          %mul3A_166 = arith.muli %add3A_83, %mul3A_165 : i32
          "tpu.region"() ({
            %run_scoped3A = tpu.sem_alloc : memref<!tpu.dma_semaphore, #tpu.memory_space<semaphore_mem>>
            %dma_start3A_179 = tpu.memref_slice %arg5[%mul3A_166] : memref<320000xi32, #tpu.memory_space<hbm>> -> memref<128xi32, #tpu.memory_space<hbm>>
            %dma_start3A_180 = tpu.memref_slice %arg5[%mul3A_166] : memref<320000xi32, #tpu.memory_space<hbm>> -> memref<128xi32, #tpu.memory_space<hbm>>
            tpu.enqueue_dma source(%dma_start3A_180 : memref<128xi32, #tpu.memory_space<hbm>>) target(%arg11 : memref<128xi32, #tpu.memory_space<vmem>>) target_semaphore(%run_scoped3A : memref<!tpu.dma_semaphore, #tpu.memory_space<semaphore_mem>>)
            %dma_wait3A_181 = tpu.memref_slice %arg5[%mul3A_166] : memref<320000xi32, #tpu.memory_space<hbm>> -> memref<128xi32, #tpu.memory_space<hbm>>
            %dma_wait3A_182 = tpu.memref_slice %arg5[%mul3A_166] : memref<320000xi32, #tpu.memory_space<hbm>> -> memref<128xi32, #tpu.memory_space<hbm>>
            tpu.wait_dma2 semaphore(%run_scoped3A : memref<!tpu.dma_semaphore, #tpu.memory_space<semaphore_mem>>) src(%dma_wait3A_182 : memref<128xi32, #tpu.memory_space<hbm>>) dst(%arg11 : memref<128xi32, #tpu.memory_space<vmem>>)
            tpu.yield
          }) : () -> ()
          "tpu.region"() ({
            %run_scoped3A = tpu.sem_alloc : memref<!tpu.dma_semaphore, #tpu.memory_space<semaphore_mem>>
            %dma_start3A_179 = tpu.memref_slice %arg6[%mul3A_166] : memref<320000xi32, #tpu.memory_space<hbm>> -> memref<128xi32, #tpu.memory_space<hbm>>
            %dma_start3A_180 = tpu.memref_slice %arg6[%mul3A_166] : memref<320000xi32, #tpu.memory_space<hbm>> -> memref<128xi32, #tpu.memory_space<hbm>>
            tpu.enqueue_dma source(%dma_start3A_180 : memref<128xi32, #tpu.memory_space<hbm>>) target(%arg13 : memref<128xi32, #tpu.memory_space<vmem>>) target_semaphore(%run_scoped3A : memref<!tpu.dma_semaphore, #tpu.memory_space<semaphore_mem>>)
            %dma_wait3A_181 = tpu.memref_slice %arg6[%mul3A_166] : memref<320000xi32, #tpu.memory_space<hbm>> -> memref<128xi32, #tpu.memory_space<hbm>>
            %dma_wait3A_182 = tpu.memref_slice %arg6[%mul3A_166] : memref<320000xi32, #tpu.memory_space<hbm>> -> memref<128xi32, #tpu.memory_space<hbm>>
            tpu.wait_dma2 semaphore(%run_scoped3A : memref<!tpu.dma_semaphore, #tpu.memory_space<semaphore_mem>>) src(%dma_wait3A_182 : memref<128xi32, #tpu.memory_space<hbm>>) dst(%arg13 : memref<128xi32, #tpu.memory_space<vmem>>)
            tpu.yield
          }) : () -> ()
          %dma_start3A_167 = arith.constant 0 : i32
          %dma_start3A_168 = arith.constant 0 : i32
          %dma_start3A_169 = tpu.memref_slice %arg2[%dma_start3A_167, %dma_start3A_168] : memref<10000x128xbf16, #tpu.memory_space<hbm>> -> memref<10000x128xbf16, #tpu.memory_space<hbm>>
          tpu.enqueue_indirect_dma source(%dma_start3A_169 : memref<10000x128xbf16, #tpu.memory_space<hbm>>) target(%arg15 : memref<128x128xbf16, #tpu.memory_space<vmem>>) offsets(%arg11 : memref<128xi32, #tpu.memory_space<vmem>>) semaphore(%arg29 : memref<!tpu.dma_semaphore, #tpu.memory_space<semaphore_mem>>)
          %dma_start3A_170 = arith.constant 0 : i32
          %dma_start3A_171 = arith.constant 0 : i32
          %dma_start3A_172 = tpu.memref_slice %arg3[%dma_start3A_170, %dma_start3A_171] : memref<10000x128xbf16, #tpu.memory_space<hbm>> -> memref<10000x128xbf16, #tpu.memory_space<hbm>>
          tpu.enqueue_indirect_dma source(%dma_start3A_172 : memref<10000x128xbf16, #tpu.memory_space<hbm>>) target(%arg17 : memref<128x128xbf16, #tpu.memory_space<vmem>>) offsets(%arg13 : memref<128xi32, #tpu.memory_space<vmem>>) semaphore(%arg29 : memref<!tpu.dma_semaphore, #tpu.memory_space<semaphore_mem>>)
          %dma_start3A_173 = arith.constant 0 : i32
          %dma_start3A_174 = arith.constant 0 : i32
          %dma_start3A_175 = tpu.memref_slice %arg4[%dma_start3A_173, %dma_start3A_174] : memref<10000x16xf32, #tpu.memory_space<hbm>> -> memref<10000x16xf32, #tpu.memory_space<hbm>>
          tpu.enqueue_indirect_dma source(%dma_start3A_175 : memref<10000x16xf32, #tpu.memory_space<hbm>>) target(%arg19 : memref<128x16xf32, #tpu.memory_space<vmem>>) offsets(%arg11 : memref<128xi32, #tpu.memory_space<vmem>>) semaphore(%arg29 : memref<!tpu.dma_semaphore, #tpu.memory_space<semaphore_mem>>)
          %dma_start3A_176 = arith.constant 0 : i32
          %dma_start3A_177 = arith.constant 0 : i32
          %dma_start3A_178 = tpu.memref_slice %arg4[%dma_start3A_176, %dma_start3A_177] : memref<10000x16xf32, #tpu.memory_space<hbm>> -> memref<10000x16xf32, #tpu.memory_space<hbm>>
          tpu.enqueue_indirect_dma source(%dma_start3A_178 : memref<10000x16xf32, #tpu.memory_space<hbm>>) target(%arg21 : memref<128x16xf32, #tpu.memory_space<vmem>>) offsets(%arg13 : memref<128xi32, #tpu.memory_space<vmem>>) semaphore(%arg29 : memref<!tpu.dma_semaphore, #tpu.memory_space<semaphore_mem>>)
        } else {
        }
        %scan3A_89 = arith.constant 0 : i32
        %scan3A_90 = arith.constant 16 : i32
        %scan3A_91 = arith.addi %scan3A_89, %scan3A_90 : i32
        %scan3A_92 = arith.constant 1 : i32
        scf.for %scan3A_160 = %scan3A_89 to %scan3A_91 step %scan3A_92  : i32 {
          %mul3A_161 = arith.constant 1 : i32
          %mul3A_162 = arith.muli %scan3A_160, %mul3A_161 : i32
          %add3A_163 = arith.constant 0 : i32
          %add3A_164 = arith.addi %add3A_163, %mul3A_162 : i32
          %mul3A_165 = arith.constant 8 : i32
          %mul3A_166 = arith.muli %add3A_164, %mul3A_165 : i32
          %add3A_167 = arith.constant 0 : i32
          %add3A_168 = arith.addi %mul3A_166, %add3A_167 : i32
          %get3A = arith.index_cast %add3A_168 : i32 to index
          %get3A_169 = arith.constant 0 : index
          %get3A_170 = tpu.vector_load %arg14[%get3A, %get3A_169] {strides = array<i32>} : memref<128x128xbf16, #tpu.memory_space<vmem>>, vector<32xbf16>,
          %unpack3A = tpu.unpack_subelements %get3A_170, 0 {pack_format = #tpu.pack_format<interleaved>} : vector<32xbf16> -> vector<16xf32>
          %unpack3A_171 = tpu.unpack_subelements %get3A_170, 1 {pack_format = #tpu.pack_format<interleaved>} : vector<32xbf16> -> vector<16xf32>
          %get3A_172 = arith.index_cast %add3A_168 : i32 to index
          %get3A_173 = arith.constant 0 : index
          %get3A_174 = tpu.vector_load %arg16[%get3A_172, %get3A_173] {strides = array<i32>} : memref<128x128xbf16, #tpu.memory_space<vmem>>, vector<32xbf16>,
          %unpack3A_175 = tpu.unpack_subelements %get3A_174, 0 {pack_format = #tpu.pack_format<interleaved>} : vector<32xbf16> -> vector<16xf32>
          %unpack3A_176 = tpu.unpack_subelements %get3A_174, 1 {pack_format = #tpu.pack_format<interleaved>} : vector<32xbf16> -> vector<16xf32>
          %add3A_177 = arith.addf %unpack3A, %unpack3A_175 : vector<16xf32>
          %swap3A = arith.index_cast %add3A_168 : i32 to index
          %swap3A_178 = arith.constant 0 : index
          %swap3A_179 = tpu.vector_load %arg22[%swap3A, %swap3A_178] {strides = array<i32>} : memref<128x128xf32, #tpu.memory_space<vmem>>, vector<16xf32>,
          tpu.vector_store %arg22[%swap3A, %swap3A_178], %add3A_177 {strides = array<i32>} : memref<128x128xf32, #tpu.memory_space<vmem>>, vector<16xf32>,
          %add3A_180 = arith.addf %unpack3A_171, %unpack3A_176 : vector<16xf32>
          %swap3A_181 = arith.index_cast %add3A_168 : i32 to index
          %swap3A_182 = arith.constant 16 : index
          %swap3A_183 = tpu.vector_load %arg22[%swap3A_181, %swap3A_182] {strides = array<i32>} : memref<128x128xf32, #tpu.memory_space<vmem>>, vector<16xf32>,
          tpu.vector_store %arg22[%swap3A_181, %swap3A_182], %add3A_180 {strides = array<i32>} : memref<128x128xf32, #tpu.memory_space<vmem>>, vector<16xf32>,
          %get3A_184 = arith.index_cast %add3A_168 : i32 to index
          %get3A_185 = arith.constant 32 : index
          %get3A_186 = tpu.vector_load %arg14[%get3A_184, %get3A_185] {strides = array<i32>} : memref<128x128xbf16, #tpu.memory_space<vmem>>, vector<32xbf16>,
          %unpack3A_187 = tpu.unpack_subelements %get3A_186, 0 {pack_format = #tpu.pack_format<interleaved>} : vector<32xbf16> -> vector<16xf32>
          %unpack3A_188 = tpu.unpack_subelements %get3A_186, 1 {pack_format = #tpu.pack_format<interleaved>} : vector<32xbf16> -> vector<16xf32>
          %get3A_189 = arith.index_cast %add3A_168 : i32 to index
          %get3A_190 = arith.constant 32 : index
          %get3A_191 = tpu.vector_load %arg16[%get3A_189, %get3A_190] {strides = array<i32>} : memref<128x128xbf16, #tpu.memory_space<vmem>>, vector<32xbf16>,
          %unpack3A_192 = tpu.unpack_subelements %get3A_191, 0 {pack_format = #tpu.pack_format<interleaved>} : vector<32xbf16> -> vector<16xf32>
          %unpack3A_193 = tpu.unpack_subelements %get3A_191, 1 {pack_format = #tpu.pack_format<interleaved>} : vector<32xbf16> -> vector<16xf32>
          %add3A_194 = arith.addf %unpack3A_187, %unpack3A_192 : vector<16xf32>
          %swap3A_195 = arith.index_cast %add3A_168 : i32 to index
          %swap3A_196 = arith.constant 32 : index
          %swap3A_197 = tpu.vector_load %arg22[%swap3A_195, %swap3A_196] {strides = array<i32>} : memref<128x128xf32, #tpu.memory_space<vmem>>, vector<16xf32>,
          tpu.vector_store %arg22[%swap3A_195, %swap3A_196], %add3A_194 {strides = array<i32>} : memref<128x128xf32, #tpu.memory_space<vmem>>, vector<16xf32>,
          %add3A_198 = arith.addf %unpack3A_188, %unpack3A_193 : vector<16xf32>
          %swap3A_199 = arith.index_cast %add3A_168 : i32 to index
          %swap3A_200 = arith.constant 48 : index
          %swap3A_201 = tpu.vector_load %arg22[%swap3A_199, %swap3A_200] {strides = array<i32>} : memref<128x128xf32, #tpu.memory_space<vmem>>, vector<16xf32>,
          tpu.vector_store %arg22[%swap3A_199, %swap3A_200], %add3A_198 {strides = array<i32>} : memref<128x128xf32, #tpu.memory_space<vmem>>, vector<16xf32>,
          %get3A_202 = arith.index_cast %add3A_168 : i32 to index
          %get3A_203 = arith.constant 64 : index
          %get3A_204 = tpu.vector_load %arg14[%get3A_202, %get3A_203] {strides = array<i32>} : memref<128x128xbf16, #tpu.memory_space<vmem>>, vector<32xbf16>,
          %unpack3A_205 = tpu.unpack_subelements %get3A_204, 0 {pack_format = #tpu.pack_format<interleaved>} : vector<32xbf16> -> vector<16xf32>
          %unpack3A_206 = tpu.unpack_subelements %get3A_204, 1 {pack_format = #tpu.pack_format<interleaved>} : vector<32xbf16> -> vector<16xf32>
          %get3A_207 = arith.index_cast %add3A_168 : i32 to index
          %get3A_208 = arith.constant 64 : index
          %get3A_209 = tpu.vector_load %arg16[%get3A_207, %get3A_208] {strides = array<i32>} : memref<128x128xbf16, #tpu.memory_space<vmem>>, vector<32xbf16>,
          %unpack3A_210 = tpu.unpack_subelements %get3A_209, 0 {pack_format = #tpu.pack_format<interleaved>} : vector<32xbf16> -> vector<16xf32>
          %unpack3A_211 = tpu.unpack_subelements %get3A_209, 1 {pack_format = #tpu.pack_format<interleaved>} : vector<32xbf16> -> vector<16xf32>
          %add3A_212 = arith.addf %unpack3A_205, %unpack3A_210 : vector<16xf32>
          %swap3A_213 = arith.index_cast %add3A_168 : i32 to index
          %swap3A_214 = arith.constant 64 : index
          %swap3A_215 = tpu.vector_load %arg22[%swap3A_213, %swap3A_214] {strides = array<i32>} : memref<128x128xf32, #tpu.memory_space<vmem>>, vector<16xf32>,
          tpu.vector_store %arg22[%swap3A_213, %swap3A_214], %add3A_212 {strides = array<i32>} : memref<128x128xf32, #tpu.memory_space<vmem>>, vector<16xf32>,
          %add3A_216 = arith.addf %unpack3A_206, %unpack3A_211 : vector<16xf32>
          %swap3A_217 = arith.index_cast %add3A_168 : i32 to index
          %swap3A_218 = arith.constant 80 : index
          %swap3A_219 = tpu.vector_load %arg22[%swap3A_217, %swap3A_218] {strides = array<i32>} : memref<128x128xf32, #tpu.memory_space<vmem>>, vector<16xf32>,
          tpu.vector_store %arg22[%swap3A_217, %swap3A_218], %add3A_216 {strides = array<i32>} : memref<128x128xf32, #tpu.memory_space<vmem>>, vector<16xf32>,
          %get3A_220 = arith.index_cast %add3A_168 : i32 to index
          %get3A_221 = arith.constant 96 : index
          %get3A_222 = tpu.vector_load %arg14[%get3A_220, %get3A_221] {strides = array<i32>} : memref<128x128xbf16, #tpu.memory_space<vmem>>, vector<32xbf16>,
          %unpack3A_223 = tpu.unpack_subelements %get3A_222, 0 {pack_format = #tpu.pack_format<interleaved>} : vector<32xbf16> -> vector<16xf32>
          %unpack3A_224 = tpu.unpack_subelements %get3A_222, 1 {pack_format = #tpu.pack_format<interleaved>} : vector<32xbf16> -> vector<16xf32>
          %get3A_225 = arith.index_cast %add3A_168 : i32 to index
          %get3A_226 = arith.constant 96 : index
          %get3A_227 = tpu.vector_load %arg16[%get3A_225, %get3A_226] {strides = array<i32>} : memref<128x128xbf16, #tpu.memory_space<vmem>>, vector<32xbf16>,
          %unpack3A_228 = tpu.unpack_subelements %get3A_227, 0 {pack_format = #tpu.pack_format<interleaved>} : vector<32xbf16> -> vector<16xf32>
          %unpack3A_229 = tpu.unpack_subelements %get3A_227, 1 {pack_format = #tpu.pack_format<interleaved>} : vector<32xbf16> -> vector<16xf32>
          %add3A_230 = arith.addf %unpack3A_223, %unpack3A_228 : vector<16xf32>
          %swap3A_231 = arith.index_cast %add3A_168 : i32 to index
          %swap3A_232 = arith.constant 96 : index
          %swap3A_233 = tpu.vector_load %arg22[%swap3A_231, %swap3A_232] {strides = array<i32>} : memref<128x128xf32, #tpu.memory_space<vmem>>, vector<16xf32>,
          tpu.vector_store %arg22[%swap3A_231, %swap3A_232], %add3A_230 {strides = array<i32>} : memref<128x128xf32, #tpu.memory_space<vmem>>, vector<16xf32>,
          %add3A_234 = arith.addf %unpack3A_224, %unpack3A_229 : vector<16xf32>
          %swap3A_235 = arith.index_cast %add3A_168 : i32 to index
          %swap3A_236 = arith.constant 112 : index
          %swap3A_237 = tpu.vector_load %arg22[%swap3A_235, %swap3A_236] {strides = array<i32>} : memref<128x128xf32, #tpu.memory_space<vmem>>, vector<16xf32>,
          tpu.vector_store %arg22[%swap3A_235, %swap3A_236], %add3A_234 {strides = array<i32>} : memref<128x128xf32, #tpu.memory_space<vmem>>, vector<16xf32>,
          %get3A_238 = arith.index_cast %add3A_168 : i32 to index
          %get3A_239 = arith.constant 0 : index
          %get3A_240 = tpu.vector_load %arg18[%get3A_238, %get3A_239] {strides = array<i32>} : memref<128x16xf32, #tpu.memory_space<vmem>>, vector<16xf32>,
          %swap3A_241 = arith.index_cast %add3A_164 : i32 to index
          %swap3A_242 = arith.constant 0 : index
          %swap3A_243 = tpu.vector_load %arg24[%swap3A_241, %swap3A_242] {strides = array<i32>} : memref<16x128xf32, #tpu.memory_space<vmem>>, vector<16xf32>,
          tpu.vector_store %arg24[%swap3A_241, %swap3A_242], %get3A_240 {strides = array<i32>} : memref<16x128xf32, #tpu.memory_space<vmem>>, vector<16xf32>,
          %get3A_244 = arith.index_cast %add3A_168 : i32 to index
          %get3A_245 = arith.constant 0 : index
          %get3A_246 = tpu.vector_load %arg20[%get3A_244, %get3A_245] {strides = array<i32>} : memref<128x16xf32, #tpu.memory_space<vmem>>, vector<16xf32>,
          %swap3A_247 = arith.index_cast %add3A_164 : i32 to index
          %swap3A_248 = arith.constant 0 : index
          %swap3A_249 = tpu.vector_load %arg26[%swap3A_247, %swap3A_248] {strides = array<i32>} : memref<16x128xf32, #tpu.memory_space<vmem>>, vector<16xf32>,
          tpu.vector_store %arg26[%swap3A_247, %swap3A_248], %get3A_246 {strides = array<i32>} : memref<16x128xf32, #tpu.memory_space<vmem>>, vector<16xf32>,
          %add3A_250 = arith.constant 1 : i32
          %add3A_251 = arith.addi %mul3A_166, %add3A_250 : i32
          %get3A_252 = arith.index_cast %add3A_251 : i32 to index
          %get3A_253 = arith.constant 0 : index
          %get3A_254 = tpu.vector_load %arg14[%get3A_252, %get3A_253] {strides = array<i32>} : memref<128x128xbf16, #tpu.memory_space<vmem>>, vector<32xbf16>,
          %unpack3A_255 = tpu.unpack_subelements %get3A_254, 0 {pack_format = #tpu.pack_format<interleaved>} : vector<32xbf16> -> vector<16xf32>
          %unpack3A_256 = tpu.unpack_subelements %get3A_254, 1 {pack_format = #tpu.pack_format<interleaved>} : vector<32xbf16> -> vector<16xf32>
          %get3A_257 = arith.index_cast %add3A_251 : i32 to index
          %get3A_258 = arith.constant 0 : index
          %get3A_259 = tpu.vector_load %arg16[%get3A_257, %get3A_258] {strides = array<i32>} : memref<128x128xbf16, #tpu.memory_space<vmem>>, vector<32xbf16>,
          %unpack3A_260 = tpu.unpack_subelements %get3A_259, 0 {pack_format = #tpu.pack_format<interleaved>} : vector<32xbf16> -> vector<16xf32>
          %unpack3A_261 = tpu.unpack_subelements %get3A_259, 1 {pack_format = #tpu.pack_format<interleaved>} : vector<32xbf16> -> vector<16xf32>
          %add3A_262 = arith.addf %unpack3A_255, %unpack3A_260 : vector<16xf32>
          %swap3A_263 = arith.index_cast %add3A_251 : i32 to index
          %swap3A_264 = arith.constant 0 : index
          %swap3A_265 = tpu.vector_load %arg22[%swap3A_263, %swap3A_264] {strides = array<i32>} : memref<128x128xf32, #tpu.memory_space<vmem>>, vector<16xf32>,
          tpu.vector_store %arg22[%swap3A_263, %swap3A_264], %add3A_262 {strides = array<i32>} : memref<128x128xf32, #tpu.memory_space<vmem>>, vector<16xf32>,
          %add3A_266 = arith.addf %unpack3A_256, %unpack3A_261 : vector<16xf32>
          %swap3A_267 = arith.index_cast %add3A_251 : i32 to index
          %swap3A_268 = arith.constant 16 : index
          %swap3A_269 = tpu.vector_load %arg22[%swap3A_267, %swap3A_268] {strides = array<i32>} : memref<128x128xf32, #tpu.memory_space<vmem>>, vector<16xf32>,
          tpu.vector_store %arg22[%swap3A_267, %swap3A_268], %add3A_266 {strides = array<i32>} : memref<128x128xf32, #tpu.memory_space<vmem>>, vector<16xf32>,
          %get3A_270 = arith.index_cast %add3A_251 : i32 to index
          %get3A_271 = arith.constant 32 : index
          %get3A_272 = tpu.vector_load %arg14[%get3A_270, %get3A_271] {strides = array<i32>} : memref<128x128xbf16, #tpu.memory_space<vmem>>, vector<32xbf16>,
          %unpack3A_273 = tpu.unpack_subelements %get3A_272, 0 {pack_format = #tpu.pack_format<interleaved>} : vector<32xbf16> -> vector<16xf32>
          %unpack3A_274 = tpu.unpack_subelements %get3A_272, 1 {pack_format = #tpu.pack_format<interleaved>} : vector<32xbf16> -> vector<16xf32>
          %get3A_275 = arith.index_cast %add3A_251 : i32 to index
          %get3A_276 = arith.constant 32 : index
          %get3A_277 = tpu.vector_load %arg16[%get3A_275, %get3A_276] {strides = array<i32>} : memref<128x128xbf16, #tpu.memory_space<vmem>>, vector<32xbf16>,
          %unpack3A_278 = tpu.unpack_subelements %get3A_277, 0 {pack_format = #tpu.pack_format<interleaved>} : vector<32xbf16> -> vector<16xf32>
          %unpack3A_279 = tpu.unpack_subelements %get3A_277, 1 {pack_format = #tpu.pack_format<interleaved>} : vector<32xbf16> -> vector<16xf32>
          %add3A_280 = arith.addf %unpack3A_273, %unpack3A_278 : vector<16xf32>
          %swap3A_281 = arith.index_cast %add3A_251 : i32 to index
          %swap3A_282 = arith.constant 32 : index
          %swap3A_283 = tpu.vector_load %arg22[%swap3A_281, %swap3A_282] {strides = array<i32>} : memref<128x128xf32, #tpu.memory_space<vmem>>, vector<16xf32>,
          tpu.vector_store %arg22[%swap3A_281, %swap3A_282], %add3A_280 {strides = array<i32>} : memref<128x128xf32, #tpu.memory_space<vmem>>, vector<16xf32>,
          %add3A_284 = arith.addf %unpack3A_274, %unpack3A_279 : vector<16xf32>
          %swap3A_285 = arith.index_cast %add3A_251 : i32 to index
          %swap3A_286 = arith.constant 48 : index
          %swap3A_287 = tpu.vector_load %arg22[%swap3A_285, %swap3A_286] {strides = array<i32>} : memref<128x128xf32, #tpu.memory_space<vmem>>, vector<16xf32>,
          tpu.vector_store %arg22[%swap3A_285, %swap3A_286], %add3A_284 {strides = array<i32>} : memref<128x128xf32, #tpu.memory_space<vmem>>, vector<16xf32>,
          %get3A_288 = arith.index_cast %add3A_251 : i32 to index
          %get3A_289 = arith.constant 64 : index
          %get3A_290 = tpu.vector_load %arg14[%get3A_288, %get3A_289] {strides = array<i32>} : memref<128x128xbf16, #tpu.memory_space<vmem>>, vector<32xbf16>,
          %unpack3A_291 = tpu.unpack_subelements %get3A_290, 0 {pack_format = #tpu.pack_format<interleaved>} : vector<32xbf16> -> vector<16xf32>
          %unpack3A_292 = tpu.unpack_subelements %get3A_290, 1 {pack_format = #tpu.pack_format<interleaved>} : vector<32xbf16> -> vector<16xf32>
          %get3A_293 = arith.index_cast %add3A_251 : i32 to index
          %get3A_294 = arith.constant 64 : index
          %get3A_295 = tpu.vector_load %arg16[%get3A_293, %get3A_294] {strides = array<i32>} : memref<128x128xbf16, #tpu.memory_space<vmem>>, vector<32xbf16>,
          %unpack3A_296 = tpu.unpack_subelements %get3A_295, 0 {pack_format = #tpu.pack_format<interleaved>} : vector<32xbf16> -> vector<16xf32>
          %unpack3A_297 = tpu.unpack_subelements %get3A_295, 1 {pack_format = #tpu.pack_format<interleaved>} : vector<32xbf16> -> vector<16xf32>
          %add3A_298 = arith.addf %unpack3A_291, %unpack3A_296 : vector<16xf32>
          %swap3A_299 = arith.index_cast %add3A_251 : i32 to index
          %swap3A_300 = arith.constant 64 : index
          %swap3A_301 = tpu.vector_load %arg22[%swap3A_299, %swap3A_300] {strides = array<i32>} : memref<128x128xf32, #tpu.memory_space<vmem>>, vector<16xf32>,
          tpu.vector_store %arg22[%swap3A_299, %swap3A_300], %add3A_298 {strides = array<i32>} : memref<128x128xf32, #tpu.memory_space<vmem>>, vector<16xf32>,
          %add3A_302 = arith.addf %unpack3A_292, %unpack3A_297 : vector<16xf32>
          %swap3A_303 = arith.index_cast %add3A_251 : i32 to index
          %swap3A_304 = arith.constant 80 : index
          %swap3A_305 = tpu.vector_load %arg22[%swap3A_303, %swap3A_304] {strides = array<i32>} : memref<128x128xf32, #tpu.memory_space<vmem>>, vector<16xf32>,
          tpu.vector_store %arg22[%swap3A_303, %swap3A_304], %add3A_302 {strides = array<i32>} : memref<128x128xf32, #tpu.memory_space<vmem>>, vector<16xf32>,
          %get3A_306 = arith.index_cast %add3A_251 : i32 to index
          %get3A_307 = arith.constant 96 : index
          %get3A_308 = tpu.vector_load %arg14[%get3A_306, %get3A_307] {strides = array<i32>} : memref<128x128xbf16, #tpu.memory_space<vmem>>, vector<32xbf16>,
          %unpack3A_309 = tpu.unpack_subelements %get3A_308, 0 {pack_format = #tpu.pack_format<interleaved>} : vector<32xbf16> -> vector<16xf32>
          %unpack3A_310 = tpu.unpack_subelements %get3A_308, 1 {pack_format = #tpu.pack_format<interleaved>} : vector<32xbf16> -> vector<16xf32>
          %get3A_311 = arith.index_cast %add3A_251 : i32 to index
          %get3A_312 = arith.constant 96 : index
          %get3A_313 = tpu.vector_load %arg16[%get3A_311, %get3A_312] {strides = array<i32>} : memref<128x128xbf16, #tpu.memory_space<vmem>>, vector<32xbf16>,
          %unpack3A_314 = tpu.unpack_subelements %get3A_313, 0 {pack_format = #tpu.pack_format<interleaved>} : vector<32xbf16> -> vector<16xf32>
          %unpack3A_315 = tpu.unpack_subelements %get3A_313, 1 {pack_format = #tpu.pack_format<interleaved>} : vector<32xbf16> -> vector<16xf32>
          %add3A_316 = arith.addf %unpack3A_309, %unpack3A_314 : vector<16xf32>
          %swap3A_317 = arith.index_cast %add3A_251 : i32 to index
          %swap3A_318 = arith.constant 96 : index
          %swap3A_319 = tpu.vector_load %arg22[%swap3A_317, %swap3A_318] {strides = array<i32>} : memref<128x128xf32, #tpu.memory_space<vmem>>, vector<16xf32>,
          tpu.vector_store %arg22[%swap3A_317, %swap3A_318], %add3A_316 {strides = array<i32>} : memref<128x128xf32, #tpu.memory_space<vmem>>, vector<16xf32>,
          %add3A_320 = arith.addf %unpack3A_310, %unpack3A_315 : vector<16xf32>
          %swap3A_321 = arith.index_cast %add3A_251 : i32 to index
          %swap3A_322 = arith.constant 112 : index
          %swap3A_323 = tpu.vector_load %arg22[%swap3A_321, %swap3A_322] {strides = array<i32>} : memref<128x128xf32, #tpu.memory_space<vmem>>, vector<16xf32>,
          tpu.vector_store %arg22[%swap3A_321, %swap3A_322], %add3A_320 {strides = array<i32>} : memref<128x128xf32, #tpu.memory_space<vmem>>, vector<16xf32>,
          %get3A_324 = arith.index_cast %add3A_251 : i32 to index
          %get3A_325 = arith.constant 0 : index
          %get3A_326 = tpu.vector_load %arg18[%get3A_324, %get3A_325] {strides = array<i32>} : memref<128x16xf32, #tpu.memory_space<vmem>>, vector<16xf32>,
          %swap3A_327 = arith.index_cast %add3A_164 : i32 to index
          %swap3A_328 = arith.constant 16 : index
          %swap3A_329 = tpu.vector_load %arg24[%swap3A_327, %swap3A_328] {strides = array<i32>} : memref<16x128xf32, #tpu.memory_space<vmem>>, vector<16xf32>,
          tpu.vector_store %arg24[%swap3A_327, %swap3A_328], %get3A_326 {strides = array<i32>} : memref<16x128xf32, #tpu.memory_space<vmem>>, vector<16xf32>,
          %get3A_330 = arith.index_cast %add3A_251 : i32 to index
          %get3A_331 = arith.constant 0 : index
          %get3A_332 = tpu.vector_load %arg20[%get3A_330, %get3A_331] {strides = array<i32>} : memref<128x16xf32, #tpu.memory_space<vmem>>, vector<16xf32>,
          %swap3A_333 = arith.index_cast %add3A_164 : i32 to index
          %swap3A_334 = arith.constant 16 : index
          %swap3A_335 = tpu.vector_load %arg26[%swap3A_333, %swap3A_334] {strides = array<i32>} : memref<16x128xf32, #tpu.memory_space<vmem>>, vector<16xf32>,
          tpu.vector_store %arg26[%swap3A_333, %swap3A_334], %get3A_332 {strides = array<i32>} : memref<16x128xf32, #tpu.memory_space<vmem>>, vector<16xf32>,
          %add3A_336 = arith.constant 2 : i32
          %add3A_337 = arith.addi %mul3A_166, %add3A_336 : i32
          %get3A_338 = arith.index_cast %add3A_337 : i32 to index
          %get3A_339 = arith.constant 0 : index
          %get3A_340 = tpu.vector_load %arg14[%get3A_338, %get3A_339] {strides = array<i32>} : memref<128x128xbf16, #tpu.memory_space<vmem>>, vector<32xbf16>,
          %unpack3A_341 = tpu.unpack_subelements %get3A_340, 0 {pack_format = #tpu.pack_format<interleaved>} : vector<32xbf16> -> vector<16xf32>
          %unpack3A_342 = tpu.unpack_subelements %get3A_340, 1 {pack_format = #tpu.pack_format<interleaved>} : vector<32xbf16> -> vector<16xf32>
          %get3A_343 = arith.index_cast %add3A_337 : i32 to index
          %get3A_344 = arith.constant 0 : index
          %get3A_345 = tpu.vector_load %arg16[%get3A_343, %get3A_344] {strides = array<i32>} : memref<128x128xbf16, #tpu.memory_space<vmem>>, vector<32xbf16>,
          %unpack3A_346 = tpu.unpack_subelements %get3A_345, 0 {pack_format = #tpu.pack_format<interleaved>} : vector<32xbf16> -> vector<16xf32>
          %unpack3A_347 = tpu.unpack_subelements %get3A_345, 1 {pack_format = #tpu.pack_format<interleaved>} : vector<32xbf16> -> vector<16xf32>
          %add3A_348 = arith.addf %unpack3A_341, %unpack3A_346 : vector<16xf32>
          %swap3A_349 = arith.index_cast %add3A_337 : i32 to index
          %swap3A_350 = arith.constant 0 : index
          %swap3A_351 = tpu.vector_load %arg22[%swap3A_349, %swap3A_350] {strides = array<i32>} : memref<128x128xf32, #tpu.memory_space<vmem>>, vector<16xf32>,
          tpu.vector_store %arg22[%swap3A_349, %swap3A_350], %add3A_348 {strides = array<i32>} : memref<128x128xf32, #tpu.memory_space<vmem>>, vector<16xf32>,
          %add3A_352 = arith.addf %unpack3A_342, %unpack3A_347 : vector<16xf32>
          %swap3A_353 = arith.index_cast %add3A_337 : i32 to index
          %swap3A_354 = arith.constant 16 : index
          %swap3A_355 = tpu.vector_load %arg22[%swap3A_353, %swap3A_354] {strides = array<i32>} : memref<128x128xf32, #tpu.memory_space<vmem>>, vector<16xf32>,
          tpu.vector_store %arg22[%swap3A_353, %swap3A_354], %add3A_352 {strides = array<i32>} : memref<128x128xf32, #tpu.memory_space<vmem>>, vector<16xf32>,
          %get3A_356 = arith.index_cast %add3A_337 : i32 to index
          %get3A_357 = arith.constant 32 : index
          %get3A_358 = tpu.vector_load %arg14[%get3A_356, %get3A_357] {strides = array<i32>} : memref<128x128xbf16, #tpu.memory_space<vmem>>, vector<32xbf16>,
          %unpack3A_359 = tpu.unpack_subelements %get3A_358, 0 {pack_format = #tpu.pack_format<interleaved>} : vector<32xbf16> -> vector<16xf32>
          %unpack3A_360 = tpu.unpack_subelements %get3A_358, 1 {pack_format = #tpu.pack_format<interleaved>} : vector<32xbf16> -> vector<16xf32>
          %get3A_361 = arith.index_cast %add3A_337 : i32 to index
          %get3A_362 = arith.constant 32 : index
          %get3A_363 = tpu.vector_load %arg16[%get3A_361, %get3A_362] {strides = array<i32>} : memref<128x128xbf16, #tpu.memory_space<vmem>>, vector<32xbf16>,
          %unpack3A_364 = tpu.unpack_subelements %get3A_363, 0 {pack_format = #tpu.pack_format<interleaved>} : vector<32xbf16> -> vector<16xf32>
          %unpack3A_365 = tpu.unpack_subelements %get3A_363, 1 {pack_format = #tpu.pack_format<interleaved>} : vector<32xbf16> -> vector<16xf32>
          %add3A_366 = arith.addf %unpack3A_359, %unpack3A_364 : vector<16xf32>
          %swap3A_367 = arith.index_cast %add3A_337 : i32 to index
          %swap3A_368 = arith.constant 32 : index
          %swap3A_369 = tpu.vector_load %arg22[%swap3A_367, %swap3A_368] {strides = array<i32>} : memref<128x128xf32, #tpu.memory_space<vmem>>, vector<16xf32>,
          tpu.vector_store %arg22[%swap3A_367, %swap3A_368], %add3A_366 {strides = array<i32>} : memref<128x128xf32, #tpu.memory_space<vmem>>, vector<16xf32>,
          %add3A_370 = arith.addf %unpack3A_360, %unpack3A_365 : vector<16xf32>
          %swap3A_371 = arith.index_cast %add3A_337 : i32 to index
          %swap3A_372 = arith.constant 48 : index
          %swap3A_373 = tpu.vector_load %arg22[%swap3A_371, %swap3A_372] {strides = array<i32>} : memref<128x128xf32, #tpu.memory_space<vmem>>, vector<16xf32>,
          tpu.vector_store %arg22[%swap3A_371, %swap3A_372], %add3A_370 {strides = array<i32>} : memref<128x128xf32, #tpu.memory_space<vmem>>, vector<16xf32>,
          %get3A_374 = arith.index_cast %add3A_337 : i32 to index
          %get3A_375 = arith.constant 64 : index
          %get3A_376 = tpu.vector_load %arg14[%get3A_374, %get3A_375] {strides = array<i32>} : memref<128x128xbf16, #tpu.memory_space<vmem>>, vector<32xbf16>,
          %unpack3A_377 = tpu.unpack_subelements %get3A_376, 0 {pack_format = #tpu.pack_format<interleaved>} : vector<32xbf16> -> vector<16xf32>
          %unpack3A_378 = tpu.unpack_subelements %get3A_376, 1 {pack_format = #tpu.pack_format<interleaved>} : vector<32xbf16> -> vector<16xf32>
          %get3A_379 = arith.index_cast %add3A_337 : i32 to index
          %get3A_380 = arith.constant 64 : index
          %get3A_381 = tpu.vector_load %arg16[%get3A_379, %get3A_380] {strides = array<i32>} : memref<128x128xbf16, #tpu.memory_space<vmem>>, vector<32xbf16>,
          %unpack3A_382 = tpu.unpack_subelements %get3A_381, 0 {pack_format = #tpu.pack_format<interleaved>} : vector<32xbf16> -> vector<16xf32>
          %unpack3A_383 = tpu.unpack_subelements %get3A_381, 1 {pack_format = #tpu.pack_format<interleaved>} : vector<32xbf16> -> vector<16xf32>
          %add3A_384 = arith.addf %unpack3A_377, %unpack3A_382 : vector<16xf32>
          %swap3A_385 = arith.index_cast %add3A_337 : i32 to index
          %swap3A_386 = arith.constant 64 : index
          %swap3A_387 = tpu.vector_load %arg22[%swap3A_385, %swap3A_386] {strides = array<i32>} : memref<128x128xf32, #tpu.memory_space<vmem>>, vector<16xf32>,
          tpu.vector_store %arg22[%swap3A_385, %swap3A_386], %add3A_384 {strides = array<i32>} : memref<128x128xf32, #tpu.memory_space<vmem>>, vector<16xf32>,
          %add3A_388 = arith.addf %unpack3A_378, %unpack3A_383 : vector<16xf32>
          %swap3A_389 = arith.index_cast %add3A_337 : i32 to index
          %swap3A_390 = arith.constant 80 : index
          %swap3A_391 = tpu.vector_load %arg22[%swap3A_389, %swap3A_390] {strides = array<i32>} : memref<128x128xf32, #tpu.memory_space<vmem>>, vector<16xf32>,
          tpu.vector_store %arg22[%swap3A_389, %swap3A_390], %add3A_388 {strides = array<i32>} : memref<128x128xf32, #tpu.memory_space<vmem>>, vector<16xf32>,
          %get3A_392 = arith.index_cast %add3A_337 : i32 to index
          %get3A_393 = arith.constant 96 : index
          %get3A_394 = tpu.vector_load %arg14[%get3A_392, %get3A_393] {strides = array<i32>} : memref<128x128xbf16, #tpu.memory_space<vmem>>, vector<32xbf16>,
          %unpack3A_395 = tpu.unpack_subelements %get3A_394, 0 {pack_format = #tpu.pack_format<interleaved>} : vector<32xbf16> -> vector<16xf32>
          %unpack3A_396 = tpu.unpack_subelements %get3A_394, 1 {pack_format = #tpu.pack_format<interleaved>} : vector<32xbf16> -> vector<16xf32>
          %get3A_397 = arith.index_cast %add3A_337 : i32 to index
          %get3A_398 = arith.constant 96 : index
          %get3A_399 = tpu.vector_load %arg16[%get3A_397, %get3A_398] {strides = array<i32>} : memref<128x128xbf16, #tpu.memory_space<vmem>>, vector<32xbf16>,
          %unpack3A_400 = tpu.unpack_subelements %get3A_399, 0 {pack_format = #tpu.pack_format<interleaved>} : vector<32xbf16> -> vector<16xf32>
          %unpack3A_401 = tpu.unpack_subelements %get3A_399, 1 {pack_format = #tpu.pack_format<interleaved>} : vector<32xbf16> -> vector<16xf32>
          %add3A_402 = arith.addf %unpack3A_395, %unpack3A_400 : vector<16xf32>
          %swap3A_403 = arith.index_cast %add3A_337 : i32 to index
          %swap3A_404 = arith.constant 96 : index
          %swap3A_405 = tpu.vector_load %arg22[%swap3A_403, %swap3A_404] {strides = array<i32>} : memref<128x128xf32, #tpu.memory_space<vmem>>, vector<16xf32>,
          tpu.vector_store %arg22[%swap3A_403, %swap3A_404], %add3A_402 {strides = array<i32>} : memref<128x128xf32, #tpu.memory_space<vmem>>, vector<16xf32>,
          %add3A_406 = arith.addf %unpack3A_396, %unpack3A_401 : vector<16xf32>
          %swap3A_407 = arith.index_cast %add3A_337 : i32 to index
          %swap3A_408 = arith.constant 112 : index
          %swap3A_409 = tpu.vector_load %arg22[%swap3A_407, %swap3A_408] {strides = array<i32>} : memref<128x128xf32, #tpu.memory_space<vmem>>, vector<16xf32>,
          tpu.vector_store %arg22[%swap3A_407, %swap3A_408], %add3A_406 {strides = array<i32>} : memref<128x128xf32, #tpu.memory_space<vmem>>, vector<16xf32>,
          %get3A_410 = arith.index_cast %add3A_337 : i32 to index
          %get3A_411 = arith.constant 0 : index
          %get3A_412 = tpu.vector_load %arg18[%get3A_410, %get3A_411] {strides = array<i32>} : memref<128x16xf32, #tpu.memory_space<vmem>>, vector<16xf32>,
          %swap3A_413 = arith.index_cast %add3A_164 : i32 to index
          %swap3A_414 = arith.constant 32 : index
          %swap3A_415 = tpu.vector_load %arg24[%swap3A_413, %swap3A_414] {strides = array<i32>} : memref<16x128xf32, #tpu.memory_space<vmem>>, vector<16xf32>,
          tpu.vector_store %arg24[%swap3A_413, %swap3A_414], %get3A_412 {strides = array<i32>} : memref<16x128xf32, #tpu.memory_space<vmem>>, vector<16xf32>,
          %get3A_416 = arith.index_cast %add3A_337 : i32 to index
          %get3A_417 = arith.constant 0 : index
          %get3A_418 = tpu.vector_load %arg20[%get3A_416, %get3A_417] {strides = array<i32>} : memref<128x16xf32, #tpu.memory_space<vmem>>, vector<16xf32>,
          %swap3A_419 = arith.index_cast %add3A_164 : i32 to index
          %swap3A_420 = arith.constant 32 : index
          %swap3A_421 = tpu.vector_load %arg26[%swap3A_419, %swap3A_420] {strides = array<i32>} : memref<16x128xf32, #tpu.memory_space<vmem>>, vector<16xf32>,
          tpu.vector_store %arg26[%swap3A_419, %swap3A_420], %get3A_418 {strides = array<i32>} : memref<16x128xf32, #tpu.memory_space<vmem>>, vector<16xf32>,
          %add3A_422 = arith.constant 3 : i32
          %add3A_423 = arith.addi %mul3A_166, %add3A_422 : i32
          %get3A_424 = arith.index_cast %add3A_423 : i32 to index
          %get3A_425 = arith.constant 0 : index
          %get3A_426 = tpu.vector_load %arg14[%get3A_424, %get3A_425] {strides = array<i32>} : memref<128x128xbf16, #tpu.memory_space<vmem>>, vector<32xbf16>,
          %unpack3A_427 = tpu.unpack_subelements %get3A_426, 0 {pack_format = #tpu.pack_format<interleaved>} : vector<32xbf16> -> vector<16xf32>
          %unpack3A_428 = tpu.unpack_subelements %get3A_426, 1 {pack_format = #tpu.pack_format<interleaved>} : vector<32xbf16> -> vector<16xf32>
          %get3A_429 = arith.index_cast %add3A_423 : i32 to index
          %get3A_430 = arith.constant 0 : index
          %get3A_431 = tpu.vector_load %arg16[%get3A_429, %get3A_430] {strides = array<i32>} : memref<128x128xbf16, #tpu.memory_space<vmem>>, vector<32xbf16>,
          %unpack3A_432 = tpu.unpack_subelements %get3A_431, 0 {pack_format = #tpu.pack_format<interleaved>} : vector<32xbf16> -> vector<16xf32>
          %unpack3A_433 = tpu.unpack_subelements %get3A_431, 1 {pack_format = #tpu.pack_format<interleaved>} : vector<32xbf16> -> vector<16xf32>
          %add3A_434 = arith.addf %unpack3A_427, %unpack3A_432 : vector<16xf32>
          %swap3A_435 = arith.index_cast %add3A_423 : i32 to index
          %swap3A_436 = arith.constant 0 : index
          %swap3A_437 = tpu.vector_load %arg22[%swap3A_435, %swap3A_436] {strides = array<i32>} : memref<128x128xf32, #tpu.memory_space<vmem>>, vector<16xf32>,
          tpu.vector_store %arg22[%swap3A_435, %swap3A_436], %add3A_434 {strides = array<i32>} : memref<128x128xf32, #tpu.memory_space<vmem>>, vector<16xf32>,
          %add3A_438 = arith.addf %unpack3A_428, %unpack3A_433 : vector<16xf32>
          %swap3A_439 = arith.index_cast %add3A_423 : i32 to index
          %swap3A_440 = arith.constant 16 : index
          %swap3A_441 = tpu.vector_load %arg22[%swap3A_439, %swap3A_440] {strides = array<i32>} : memref<128x128xf32, #tpu.memory_space<vmem>>, vector<16xf32>,
          tpu.vector_store %arg22[%swap3A_439, %swap3A_440], %add3A_438 {strides = array<i32>} : memref<128x128xf32, #tpu.memory_space<vmem>>, vector<16xf32>,
          %get3A_442 = arith.index_cast %add3A_423 : i32 to index
          %get3A_443 = arith.constant 32 : index
          %get3A_444 = tpu.vector_load %arg14[%get3A_442, %get3A_443] {strides = array<i32>} : memref<128x128xbf16, #tpu.memory_space<vmem>>, vector<32xbf16>,
          %unpack3A_445 = tpu.unpack_subelements %get3A_444, 0 {pack_format = #tpu.pack_format<interleaved>} : vector<32xbf16> -> vector<16xf32>
          %unpack3A_446 = tpu.unpack_subelements %get3A_444, 1 {pack_format = #tpu.pack_format<interleaved>} : vector<32xbf16> -> vector<16xf32>
          %get3A_447 = arith.index_cast %add3A_423 : i32 to index
          %get3A_448 = arith.constant 32 : index
          %get3A_449 = tpu.vector_load %arg16[%get3A_447, %get3A_448] {strides = array<i32>} : memref<128x128xbf16, #tpu.memory_space<vmem>>, vector<32xbf16>,
          %unpack3A_450 = tpu.unpack_subelements %get3A_449, 0 {pack_format = #tpu.pack_format<interleaved>} : vector<32xbf16> -> vector<16xf32>
          %unpack3A_451 = tpu.unpack_subelements %get3A_449, 1 {pack_format = #tpu.pack_format<interleaved>} : vector<32xbf16> -> vector<16xf32>
          %add3A_452 = arith.addf %unpack3A_445, %unpack3A_450 : vector<16xf32>
          %swap3A_453 = arith.index_cast %add3A_423 : i32 to index
          %swap3A_454 = arith.constant 32 : index
          %swap3A_455 = tpu.vector_load %arg22[%swap3A_453, %swap3A_454] {strides = array<i32>} : memref<128x128xf32, #tpu.memory_space<vmem>>, vector<16xf32>,
          tpu.vector_store %arg22[%swap3A_453, %swap3A_454], %add3A_452 {strides = array<i32>} : memref<128x128xf32, #tpu.memory_space<vmem>>, vector<16xf32>,
          %add3A_456 = arith.addf %unpack3A_446, %unpack3A_451 : vector<16xf32>
          %swap3A_457 = arith.index_cast %add3A_423 : i32 to index
          %swap3A_458 = arith.constant 48 : index
          %swap3A_459 = tpu.vector_load %arg22[%swap3A_457, %swap3A_458] {strides = array<i32>} : memref<128x128xf32, #tpu.memory_space<vmem>>, vector<16xf32>,
          tpu.vector_store %arg22[%swap3A_457, %swap3A_458], %add3A_456 {strides = array<i32>} : memref<128x128xf32, #tpu.memory_space<vmem>>, vector<16xf32>,
          %get3A_460 = arith.index_cast %add3A_423 : i32 to index
          %get3A_461 = arith.constant 64 : index
          %get3A_462 = tpu.vector_load %arg14[%get3A_460, %get3A_461] {strides = array<i32>} : memref<128x128xbf16, #tpu.memory_space<vmem>>, vector<32xbf16>,
          %unpack3A_463 = tpu.unpack_subelements %get3A_462, 0 {pack_format = #tpu.pack_format<interleaved>} : vector<32xbf16> -> vector<16xf32>
          %unpack3A_464 = tpu.unpack_subelements %get3A_462, 1 {pack_format = #tpu.pack_format<interleaved>} : vector<32xbf16> -> vector<16xf32>
          %get3A_465 = arith.index_cast %add3A_423 : i32 to index
          %get3A_466 = arith.constant 64 : index
          %get3A_467 = tpu.vector_load %arg16[%get3A_465, %get3A_466] {strides = array<i32>} : memref<128x128xbf16, #tpu.memory_space<vmem>>, vector<32xbf16>,
          %unpack3A_468 = tpu.unpack_subelements %get3A_467, 0 {pack_format = #tpu.pack_format<interleaved>} : vector<32xbf16> -> vector<16xf32>
          %unpack3A_469 = tpu.unpack_subelements %get3A_467, 1 {pack_format = #tpu.pack_format<interleaved>} : vector<32xbf16> -> vector<16xf32>
          %add3A_470 = arith.addf %unpack3A_463, %unpack3A_468 : vector<16xf32>
          %swap3A_471 = arith.index_cast %add3A_423 : i32 to index
          %swap3A_472 = arith.constant 64 : index
          %swap3A_473 = tpu.vector_load %arg22[%swap3A_471, %swap3A_472] {strides = array<i32>} : memref<128x128xf32, #tpu.memory_space<vmem>>, vector<16xf32>,
          tpu.vector_store %arg22[%swap3A_471, %swap3A_472], %add3A_470 {strides = array<i32>} : memref<128x128xf32, #tpu.memory_space<vmem>>, vector<16xf32>,
          %add3A_474 = arith.addf %unpack3A_464, %unpack3A_469 : vector<16xf32>
          %swap3A_475 = arith.index_cast %add3A_423 : i32 to index
          %swap3A_476 = arith.constant 80 : index
          %swap3A_477 = tpu.vector_load %arg22[%swap3A_475, %swap3A_476] {strides = array<i32>} : memref<128x128xf32, #tpu.memory_space<vmem>>, vector<16xf32>,
          tpu.vector_store %arg22[%swap3A_475, %swap3A_476], %add3A_474 {strides = array<i32>} : memref<128x128xf32, #tpu.memory_space<vmem>>, vector<16xf32>,
          %get3A_478 = arith.index_cast %add3A_423 : i32 to index
          %get3A_479 = arith.constant 96 : index
          %get3A_480 = tpu.vector_load %arg14[%get3A_478, %get3A_479] {strides = array<i32>} : memref<128x128xbf16, #tpu.memory_space<vmem>>, vector<32xbf16>,
          %unpack3A_481 = tpu.unpack_subelements %get3A_480, 0 {pack_format = #tpu.pack_format<interleaved>} : vector<32xbf16> -> vector<16xf32>
          %unpack3A_482 = tpu.unpack_subelements %get3A_480, 1 {pack_format = #tpu.pack_format<interleaved>} : vector<32xbf16> -> vector<16xf32>
          %get3A_483 = arith.index_cast %add3A_423 : i32 to index
          %get3A_484 = arith.constant 96 : index
          %get3A_485 = tpu.vector_load %arg16[%get3A_483, %get3A_484] {strides = array<i32>} : memref<128x128xbf16, #tpu.memory_space<vmem>>, vector<32xbf16>,
          %unpack3A_486 = tpu.unpack_subelements %get3A_485, 0 {pack_format = #tpu.pack_format<interleaved>} : vector<32xbf16> -> vector<16xf32>
          %unpack3A_487 = tpu.unpack_subelements %get3A_485, 1 {pack_format = #tpu.pack_format<interleaved>} : vector<32xbf16> -> vector<16xf32>
          %add3A_488 = arith.addf %unpack3A_481, %unpack3A_486 : vector<16xf32>
          %swap3A_489 = arith.index_cast %add3A_423 : i32 to index
          %swap3A_490 = arith.constant 96 : index
          %swap3A_491 = tpu.vector_load %arg22[%swap3A_489, %swap3A_490] {strides = array<i32>} : memref<128x128xf32, #tpu.memory_space<vmem>>, vector<16xf32>,
          tpu.vector_store %arg22[%swap3A_489, %swap3A_490], %add3A_488 {strides = array<i32>} : memref<128x128xf32, #tpu.memory_space<vmem>>, vector<16xf32>,
          %add3A_492 = arith.addf %unpack3A_482, %unpack3A_487 : vector<16xf32>
          %swap3A_493 = arith.index_cast %add3A_423 : i32 to index
          %swap3A_494 = arith.constant 112 : index
          %swap3A_495 = tpu.vector_load %arg22[%swap3A_493, %swap3A_494] {strides = array<i32>} : memref<128x128xf32, #tpu.memory_space<vmem>>, vector<16xf32>,
          tpu.vector_store %arg22[%swap3A_493, %swap3A_494], %add3A_492 {strides = array<i32>} : memref<128x128xf32, #tpu.memory_space<vmem>>, vector<16xf32>,
          %get3A_496 = arith.index_cast %add3A_423 : i32 to index
          %get3A_497 = arith.constant 0 : index
          %get3A_498 = tpu.vector_load %arg18[%get3A_496, %get3A_497] {strides = array<i32>} : memref<128x16xf32, #tpu.memory_space<vmem>>, vector<16xf32>,
          %swap3A_499 = arith.index_cast %add3A_164 : i32 to index
          %swap3A_500 = arith.constant 48 : index
          %swap3A_501 = tpu.vector_load %arg24[%swap3A_499, %swap3A_500] {strides = array<i32>} : memref<16x128xf32, #tpu.memory_space<vmem>>, vector<16xf32>,
          tpu.vector_store %arg24[%swap3A_499, %swap3A_500], %get3A_498 {strides = array<i32>} : memref<16x128xf32, #tpu.memory_space<vmem>>, vector<16xf32>,
          %get3A_502 = arith.index_cast %add3A_423 : i32 to index
          %get3A_503 = arith.constant 0 : index
          %get3A_504 = tpu.vector_load %arg20[%get3A_502, %get3A_503] {strides = array<i32>} : memref<128x16xf32, #tpu.memory_space<vmem>>, vector<16xf32>,
          %swap3A_505 = arith.index_cast %add3A_164 : i32 to index
          %swap3A_506 = arith.constant 48 : index
          %swap3A_507 = tpu.vector_load %arg26[%swap3A_505, %swap3A_506] {strides = array<i32>} : memref<16x128xf32, #tpu.memory_space<vmem>>, vector<16xf32>,
          tpu.vector_store %arg26[%swap3A_505, %swap3A_506], %get3A_504 {strides = array<i32>} : memref<16x128xf32, #tpu.memory_space<vmem>>, vector<16xf32>,
          %add3A_508 = arith.constant 4 : i32
          %add3A_509 = arith.addi %mul3A_166, %add3A_508 : i32
          %get3A_510 = arith.index_cast %add3A_509 : i32 to index
          %get3A_511 = arith.constant 0 : index
          %get3A_512 = tpu.vector_load %arg14[%get3A_510, %get3A_511] {strides = array<i32>} : memref<128x128xbf16, #tpu.memory_space<vmem>>, vector<32xbf16>,
          %unpack3A_513 = tpu.unpack_subelements %get3A_512, 0 {pack_format = #tpu.pack_format<interleaved>} : vector<32xbf16> -> vector<16xf32>
          %unpack3A_514 = tpu.unpack_subelements %get3A_512, 1 {pack_format = #tpu.pack_format<interleaved>} : vector<32xbf16> -> vector<16xf32>
          %get3A_515 = arith.index_cast %add3A_509 : i32 to index
          %get3A_516 = arith.constant 0 : index
          %get3A_517 = tpu.vector_load %arg16[%get3A_515, %get3A_516] {strides = array<i32>} : memref<128x128xbf16, #tpu.memory_space<vmem>>, vector<32xbf16>,
          %unpack3A_518 = tpu.unpack_subelements %get3A_517, 0 {pack_format = #tpu.pack_format<interleaved>} : vector<32xbf16> -> vector<16xf32>
          %unpack3A_519 = tpu.unpack_subelements %get3A_517, 1 {pack_format = #tpu.pack_format<interleaved>} : vector<32xbf16> -> vector<16xf32>
          %add3A_520 = arith.addf %unpack3A_513, %unpack3A_518 : vector<16xf32>
          %swap3A_521 = arith.index_cast %add3A_509 : i32 to index
          %swap3A_522 = arith.constant 0 : index
          %swap3A_523 = tpu.vector_load %arg22[%swap3A_521, %swap3A_522] {strides = array<i32>} : memref<128x128xf32, #tpu.memory_space<vmem>>, vector<16xf32>,
          tpu.vector_store %arg22[%swap3A_521, %swap3A_522], %add3A_520 {strides = array<i32>} : memref<128x128xf32, #tpu.memory_space<vmem>>, vector<16xf32>,
          %add3A_524 = arith.addf %unpack3A_514, %unpack3A_519 : vector<16xf32>
          %swap3A_525 = arith.index_cast %add3A_509 : i32 to index
          %swap3A_526 = arith.constant 16 : index
          %swap3A_527 = tpu.vector_load %arg22[%swap3A_525, %swap3A_526] {strides = array<i32>} : memref<128x128xf32, #tpu.memory_space<vmem>>, vector<16xf32>,
          tpu.vector_store %arg22[%swap3A_525, %swap3A_526], %add3A_524 {strides = array<i32>} : memref<128x128xf32, #tpu.memory_space<vmem>>, vector<16xf32>,
          %get3A_528 = arith.index_cast %add3A_509 : i32 to index
          %get3A_529 = arith.constant 32 : index
          %get3A_530 = tpu.vector_load %arg14[%get3A_528, %get3A_529] {strides = array<i32>} : memref<128x128xbf16, #tpu.memory_space<vmem>>, vector<32xbf16>,
          %unpack3A_531 = tpu.unpack_subelements %get3A_530, 0 {pack_format = #tpu.pack_format<interleaved>} : vector<32xbf16> -> vector<16xf32>
          %unpack3A_532 = tpu.unpack_subelements %get3A_530, 1 {pack_format = #tpu.pack_format<interleaved>} : vector<32xbf16> -> vector<16xf32>
          %get3A_533 = arith.index_cast %add3A_509 : i32 to index
          %get3A_534 = arith.constant 32 : index
          %get3A_535 = tpu.vector_load %arg16[%get3A_533, %get3A_534] {strides = array<i32>} : memref<128x128xbf16, #tpu.memory_space<vmem>>, vector<32xbf16>,
          %unpack3A_536 = tpu.unpack_subelements %get3A_535, 0 {pack_format = #tpu.pack_format<interleaved>} : vector<32xbf16> -> vector<16xf32>
          %unpack3A_537 = tpu.unpack_subelements %get3A_535, 1 {pack_format = #tpu.pack_format<interleaved>} : vector<32xbf16> -> vector<16xf32>
          %add3A_538 = arith.addf %unpack3A_531, %unpack3A_536 : vector<16xf32>
          %swap3A_539 = arith.index_cast %add3A_509 : i32 to index
          %swap3A_540 = arith.constant 32 : index
          %swap3A_541 = tpu.vector_load %arg22[%swap3A_539, %swap3A_540] {strides = array<i32>} : memref<128x128xf32, #tpu.memory_space<vmem>>, vector<16xf32>,
          tpu.vector_store %arg22[%swap3A_539, %swap3A_540], %add3A_538 {strides = array<i32>} : memref<128x128xf32, #tpu.memory_space<vmem>>, vector<16xf32>,
          %add3A_542 = arith.addf %unpack3A_532, %unpack3A_537 : vector<16xf32>
          %swap3A_543 = arith.index_cast %add3A_509 : i32 to index
          %swap3A_544 = arith.constant 48 : index
          %swap3A_545 = tpu.vector_load %arg22[%swap3A_543, %swap3A_544] {strides = array<i32>} : memref<128x128xf32, #tpu.memory_space<vmem>>, vector<16xf32>,
          tpu.vector_store %arg22[%swap3A_543, %swap3A_544], %add3A_542 {strides = array<i32>} : memref<128x128xf32, #tpu.memory_space<vmem>>, vector<16xf32>,
          %get3A_546 = arith.index_cast %add3A_509 : i32 to index
          %get3A_547 = arith.constant 64 : index
          %get3A_548 = tpu.vector_load %arg14[%get3A_546, %get3A_547] {strides = array<i32>} : memref<128x128xbf16, #tpu.memory_space<vmem>>, vector<32xbf16>,
          %unpack3A_549 = tpu.unpack_subelements %get3A_548, 0 {pack_format = #tpu.pack_format<interleaved>} : vector<32xbf16> -> vector<16xf32>
          %unpack3A_550 = tpu.unpack_subelements %get3A_548, 1 {pack_format = #tpu.pack_format<interleaved>} : vector<32xbf16> -> vector<16xf32>
          %get3A_551 = arith.index_cast %add3A_509 : i32 to index
          %get3A_552 = arith.constant 64 : index
          %get3A_553 = tpu.vector_load %arg16[%get3A_551, %get3A_552] {strides = array<i32>} : memref<128x128xbf16, #tpu.memory_space<vmem>>, vector<32xbf16>,
          %unpack3A_554 = tpu.unpack_subelements %get3A_553, 0 {pack_format = #tpu.pack_format<interleaved>} : vector<32xbf16> -> vector<16xf32>
          %unpack3A_555 = tpu.unpack_subelements %get3A_553, 1 {pack_format = #tpu.pack_format<interleaved>} : vector<32xbf16> -> vector<16xf32>
          %add3A_556 = arith.addf %unpack3A_549, %unpack3A_554 : vector<16xf32>
          %swap3A_557 = arith.index_cast %add3A_509 : i32 to index
          %swap3A_558 = arith.constant 64 : index
          %swap3A_559 = tpu.vector_load %arg22[%swap3A_557, %swap3A_558] {strides = array<i32>} : memref<128x128xf32, #tpu.memory_space<vmem>>, vector<16xf32>,
          tpu.vector_store %arg22[%swap3A_557, %swap3A_558], %add3A_556 {strides = array<i32>} : memref<128x128xf32, #tpu.memory_space<vmem>>, vector<16xf32>,
          %add3A_560 = arith.addf %unpack3A_550, %unpack3A_555 : vector<16xf32>
          %swap3A_561 = arith.index_cast %add3A_509 : i32 to index
          %swap3A_562 = arith.constant 80 : index
          %swap3A_563 = tpu.vector_load %arg22[%swap3A_561, %swap3A_562] {strides = array<i32>} : memref<128x128xf32, #tpu.memory_space<vmem>>, vector<16xf32>,
          tpu.vector_store %arg22[%swap3A_561, %swap3A_562], %add3A_560 {strides = array<i32>} : memref<128x128xf32, #tpu.memory_space<vmem>>, vector<16xf32>,
          %get3A_564 = arith.index_cast %add3A_509 : i32 to index
          %get3A_565 = arith.constant 96 : index
          %get3A_566 = tpu.vector_load %arg14[%get3A_564, %get3A_565] {strides = array<i32>} : memref<128x128xbf16, #tpu.memory_space<vmem>>, vector<32xbf16>,
          %unpack3A_567 = tpu.unpack_subelements %get3A_566, 0 {pack_format = #tpu.pack_format<interleaved>} : vector<32xbf16> -> vector<16xf32>
          %unpack3A_568 = tpu.unpack_subelements %get3A_566, 1 {pack_format = #tpu.pack_format<interleaved>} : vector<32xbf16> -> vector<16xf32>
          %get3A_569 = arith.index_cast %add3A_509 : i32 to index
          %get3A_570 = arith.constant 96 : index
          %get3A_571 = tpu.vector_load %arg16[%get3A_569, %get3A_570] {strides = array<i32>} : memref<128x128xbf16, #tpu.memory_space<vmem>>, vector<32xbf16>,
          %unpack3A_572 = tpu.unpack_subelements %get3A_571, 0 {pack_format = #tpu.pack_format<interleaved>} : vector<32xbf16> -> vector<16xf32>
          %unpack3A_573 = tpu.unpack_subelements %get3A_571, 1 {pack_format = #tpu.pack_format<interleaved>} : vector<32xbf16> -> vector<16xf32>
          %add3A_574 = arith.addf %unpack3A_567, %unpack3A_572 : vector<16xf32>
          %swap3A_575 = arith.index_cast %add3A_509 : i32 to index
          %swap3A_576 = arith.constant 96 : index
          %swap3A_577 = tpu.vector_load %arg22[%swap3A_575, %swap3A_576] {strides = array<i32>} : memref<128x128xf32, #tpu.memory_space<vmem>>, vector<16xf32>,
          tpu.vector_store %arg22[%swap3A_575, %swap3A_576], %add3A_574 {strides = array<i32>} : memref<128x128xf32, #tpu.memory_space<vmem>>, vector<16xf32>,
          %add3A_578 = arith.addf %unpack3A_568, %unpack3A_573 : vector<16xf32>
          %swap3A_579 = arith.index_cast %add3A_509 : i32 to index
          %swap3A_580 = arith.constant 112 : index
          %swap3A_581 = tpu.vector_load %arg22[%swap3A_579, %swap3A_580] {strides = array<i32>} : memref<128x128xf32, #tpu.memory_space<vmem>>, vector<16xf32>,
          tpu.vector_store %arg22[%swap3A_579, %swap3A_580], %add3A_578 {strides = array<i32>} : memref<128x128xf32, #tpu.memory_space<vmem>>, vector<16xf32>,
          %get3A_582 = arith.index_cast %add3A_509 : i32 to index
          %get3A_583 = arith.constant 0 : index
          %get3A_584 = tpu.vector_load %arg18[%get3A_582, %get3A_583] {strides = array<i32>} : memref<128x16xf32, #tpu.memory_space<vmem>>, vector<16xf32>,
          %swap3A_585 = arith.index_cast %add3A_164 : i32 to index
          %swap3A_586 = arith.constant 64 : index
          %swap3A_587 = tpu.vector_load %arg24[%swap3A_585, %swap3A_586] {strides = array<i32>} : memref<16x128xf32, #tpu.memory_space<vmem>>, vector<16xf32>,
          tpu.vector_store %arg24[%swap3A_585, %swap3A_586], %get3A_584 {strides = array<i32>} : memref<16x128xf32, #tpu.memory_space<vmem>>, vector<16xf32>,
          %get3A_588 = arith.index_cast %add3A_509 : i32 to index
          %get3A_589 = arith.constant 0 : index
          %get3A_590 = tpu.vector_load %arg20[%get3A_588, %get3A_589] {strides = array<i32>} : memref<128x16xf32, #tpu.memory_space<vmem>>, vector<16xf32>,
          %swap3A_591 = arith.index_cast %add3A_164 : i32 to index
          %swap3A_592 = arith.constant 64 : index
          %swap3A_593 = tpu.vector_load %arg26[%swap3A_591, %swap3A_592] {strides = array<i32>} : memref<16x128xf32, #tpu.memory_space<vmem>>, vector<16xf32>,
          tpu.vector_store %arg26[%swap3A_591, %swap3A_592], %get3A_590 {strides = array<i32>} : memref<16x128xf32, #tpu.memory_space<vmem>>, vector<16xf32>,
          %add3A_594 = arith.constant 5 : i32
          %add3A_595 = arith.addi %mul3A_166, %add3A_594 : i32
          %get3A_596 = arith.index_cast %add3A_595 : i32 to index
          %get3A_597 = arith.constant 0 : index
          %get3A_598 = tpu.vector_load %arg14[%get3A_596, %get3A_597] {strides = array<i32>} : memref<128x128xbf16, #tpu.memory_space<vmem>>, vector<32xbf16>,
          %unpack3A_599 = tpu.unpack_subelements %get3A_598, 0 {pack_format = #tpu.pack_format<interleaved>} : vector<32xbf16> -> vector<16xf32>
          %unpack3A_600 = tpu.unpack_subelements %get3A_598, 1 {pack_format = #tpu.pack_format<interleaved>} : vector<32xbf16> -> vector<16xf32>
          %get3A_601 = arith.index_cast %add3A_595 : i32 to index
          %get3A_602 = arith.constant 0 : index
          %get3A_603 = tpu.vector_load %arg16[%get3A_601, %get3A_602] {strides = array<i32>} : memref<128x128xbf16, #tpu.memory_space<vmem>>, vector<32xbf16>,
          %unpack3A_604 = tpu.unpack_subelements %get3A_603, 0 {pack_format = #tpu.pack_format<interleaved>} : vector<32xbf16> -> vector<16xf32>
          %unpack3A_605 = tpu.unpack_subelements %get3A_603, 1 {pack_format = #tpu.pack_format<interleaved>} : vector<32xbf16> -> vector<16xf32>
          %add3A_606 = arith.addf %unpack3A_599, %unpack3A_604 : vector<16xf32>
          %swap3A_607 = arith.index_cast %add3A_595 : i32 to index
          %swap3A_608 = arith.constant 0 : index
          %swap3A_609 = tpu.vector_load %arg22[%swap3A_607, %swap3A_608] {strides = array<i32>} : memref<128x128xf32, #tpu.memory_space<vmem>>, vector<16xf32>,
          tpu.vector_store %arg22[%swap3A_607, %swap3A_608], %add3A_606 {strides = array<i32>} : memref<128x128xf32, #tpu.memory_space<vmem>>, vector<16xf32>,
          %add3A_610 = arith.addf %unpack3A_600, %unpack3A_605 : vector<16xf32>
          %swap3A_611 = arith.index_cast %add3A_595 : i32 to index
          %swap3A_612 = arith.constant 16 : index
          %swap3A_613 = tpu.vector_load %arg22[%swap3A_611, %swap3A_612] {strides = array<i32>} : memref<128x128xf32, #tpu.memory_space<vmem>>, vector<16xf32>,
          tpu.vector_store %arg22[%swap3A_611, %swap3A_612], %add3A_610 {strides = array<i32>} : memref<128x128xf32, #tpu.memory_space<vmem>>, vector<16xf32>,
          %get3A_614 = arith.index_cast %add3A_595 : i32 to index
          %get3A_615 = arith.constant 32 : index
          %get3A_616 = tpu.vector_load %arg14[%get3A_614, %get3A_615] {strides = array<i32>} : memref<128x128xbf16, #tpu.memory_space<vmem>>, vector<32xbf16>,
          %unpack3A_617 = tpu.unpack_subelements %get3A_616, 0 {pack_format = #tpu.pack_format<interleaved>} : vector<32xbf16> -> vector<16xf32>
          %unpack3A_618 = tpu.unpack_subelements %get3A_616, 1 {pack_format = #tpu.pack_format<interleaved>} : vector<32xbf16> -> vector<16xf32>
          %get3A_619 = arith.index_cast %add3A_595 : i32 to index
          %get3A_620 = arith.constant 32 : index
          %get3A_621 = tpu.vector_load %arg16[%get3A_619, %get3A_620] {strides = array<i32>} : memref<128x128xbf16, #tpu.memory_space<vmem>>, vector<32xbf16>,
          %unpack3A_622 = tpu.unpack_subelements %get3A_621, 0 {pack_format = #tpu.pack_format<interleaved>} : vector<32xbf16> -> vector<16xf32>
          %unpack3A_623 = tpu.unpack_subelements %get3A_621, 1 {pack_format = #tpu.pack_format<interleaved>} : vector<32xbf16> -> vector<16xf32>
          %add3A_624 = arith.addf %unpack3A_617, %unpack3A_622 : vector<16xf32>
          %swap3A_625 = arith.index_cast %add3A_595 : i32 to index
          %swap3A_626 = arith.constant 32 : index
          %swap3A_627 = tpu.vector_load %arg22[%swap3A_625, %swap3A_626] {strides = array<i32>} : memref<128x128xf32, #tpu.memory_space<vmem>>, vector<16xf32>,
          tpu.vector_store %arg22[%swap3A_625, %swap3A_626], %add3A_624 {strides = array<i32>} : memref<128x128xf32, #tpu.memory_space<vmem>>, vector<16xf32>,
          %add3A_628 = arith.addf %unpack3A_618, %unpack3A_623 : vector<16xf32>
          %swap3A_629 = arith.index_cast %add3A_595 : i32 to index
          %swap3A_630 = arith.constant 48 : index
          %swap3A_631 = tpu.vector_load %arg22[%swap3A_629, %swap3A_630] {strides = array<i32>} : memref<128x128xf32, #tpu.memory_space<vmem>>, vector<16xf32>,
          tpu.vector_store %arg22[%swap3A_629, %swap3A_630], %add3A_628 {strides = array<i32>} : memref<128x128xf32, #tpu.memory_space<vmem>>, vector<16xf32>,
          %get3A_632 = arith.index_cast %add3A_595 : i32 to index
          %get3A_633 = arith.constant 64 : index
          %get3A_634 = tpu.vector_load %arg14[%get3A_632, %get3A_633] {strides = array<i32>} : memref<128x128xbf16, #tpu.memory_space<vmem>>, vector<32xbf16>,
          %unpack3A_635 = tpu.unpack_subelements %get3A_634, 0 {pack_format = #tpu.pack_format<interleaved>} : vector<32xbf16> -> vector<16xf32>
          %unpack3A_636 = tpu.unpack_subelements %get3A_634, 1 {pack_format = #tpu.pack_format<interleaved>} : vector<32xbf16> -> vector<16xf32>
          %get3A_637 = arith.index_cast %add3A_595 : i32 to index
          %get3A_638 = arith.constant 64 : index
          %get3A_639 = tpu.vector_load %arg16[%get3A_637, %get3A_638] {strides = array<i32>} : memref<128x128xbf16, #tpu.memory_space<vmem>>, vector<32xbf16>,
          %unpack3A_640 = tpu.unpack_subelements %get3A_639, 0 {pack_format = #tpu.pack_format<interleaved>} : vector<32xbf16> -> vector<16xf32>
          %unpack3A_641 = tpu.unpack_subelements %get3A_639, 1 {pack_format = #tpu.pack_format<interleaved>} : vector<32xbf16> -> vector<16xf32>
          %add3A_642 = arith.addf %unpack3A_635, %unpack3A_640 : vector<16xf32>
          %swap3A_643 = arith.index_cast %add3A_595 : i32 to index
          %swap3A_644 = arith.constant 64 : index
          %swap3A_645 = tpu.vector_load %arg22[%swap3A_643, %swap3A_644] {strides = array<i32>} : memref<128x128xf32, #tpu.memory_space<vmem>>, vector<16xf32>,
          tpu.vector_store %arg22[%swap3A_643, %swap3A_644], %add3A_642 {strides = array<i32>} : memref<128x128xf32, #tpu.memory_space<vmem>>, vector<16xf32>,
          %add3A_646 = arith.addf %unpack3A_636, %unpack3A_641 : vector<16xf32>
          %swap3A_647 = arith.index_cast %add3A_595 : i32 to index
          %swap3A_648 = arith.constant 80 : index
          %swap3A_649 = tpu.vector_load %arg22[%swap3A_647, %swap3A_648] {strides = array<i32>} : memref<128x128xf32, #tpu.memory_space<vmem>>, vector<16xf32>,
          tpu.vector_store %arg22[%swap3A_647, %swap3A_648], %add3A_646 {strides = array<i32>} : memref<128x128xf32, #tpu.memory_space<vmem>>, vector<16xf32>,
          %get3A_650 = arith.index_cast %add3A_595 : i32 to index
          %get3A_651 = arith.constant 96 : index
          %get3A_652 = tpu.vector_load %arg14[%get3A_650, %get3A_651] {strides = array<i32>} : memref<128x128xbf16, #tpu.memory_space<vmem>>, vector<32xbf16>,
          %unpack3A_653 = tpu.unpack_subelements %get3A_652, 0 {pack_format = #tpu.pack_format<interleaved>} : vector<32xbf16> -> vector<16xf32>
          %unpack3A_654 = tpu.unpack_subelements %get3A_652, 1 {pack_format = #tpu.pack_format<interleaved>} : vector<32xbf16> -> vector<16xf32>
          %get3A_655 = arith.index_cast %add3A_595 : i32 to index
          %get3A_656 = arith.constant 96 : index
          %get3A_657 = tpu.vector_load %arg16[%get3A_655, %get3A_656] {strides = array<i32>} : memref<128x128xbf16, #tpu.memory_space<vmem>>, vector<32xbf16>,
          %unpack3A_658 = tpu.unpack_subelements %get3A_657, 0 {pack_format = #tpu.pack_format<interleaved>} : vector<32xbf16> -> vector<16xf32>
          %unpack3A_659 = tpu.unpack_subelements %get3A_657, 1 {pack_format = #tpu.pack_format<interleaved>} : vector<32xbf16> -> vector<16xf32>
          %add3A_660 = arith.addf %unpack3A_653, %unpack3A_658 : vector<16xf32>
          %swap3A_661 = arith.index_cast %add3A_595 : i32 to index
          %swap3A_662 = arith.constant 96 : index
          %swap3A_663 = tpu.vector_load %arg22[%swap3A_661, %swap3A_662] {strides = array<i32>} : memref<128x128xf32, #tpu.memory_space<vmem>>, vector<16xf32>,
          tpu.vector_store %arg22[%swap3A_661, %swap3A_662], %add3A_660 {strides = array<i32>} : memref<128x128xf32, #tpu.memory_space<vmem>>, vector<16xf32>,
          %add3A_664 = arith.addf %unpack3A_654, %unpack3A_659 : vector<16xf32>
          %swap3A_665 = arith.index_cast %add3A_595 : i32 to index
          %swap3A_666 = arith.constant 112 : index
          %swap3A_667 = tpu.vector_load %arg22[%swap3A_665, %swap3A_666] {strides = array<i32>} : memref<128x128xf32, #tpu.memory_space<vmem>>, vector<16xf32>,
          tpu.vector_store %arg22[%swap3A_665, %swap3A_666], %add3A_664 {strides = array<i32>} : memref<128x128xf32, #tpu.memory_space<vmem>>, vector<16xf32>,
          %get3A_668 = arith.index_cast %add3A_595 : i32 to index
          %get3A_669 = arith.constant 0 : index
          %get3A_670 = tpu.vector_load %arg18[%get3A_668, %get3A_669] {strides = array<i32>} : memref<128x16xf32, #tpu.memory_space<vmem>>, vector<16xf32>,
          %swap3A_671 = arith.index_cast %add3A_164 : i32 to index
          %swap3A_672 = arith.constant 80 : index
          %swap3A_673 = tpu.vector_load %arg24[%swap3A_671, %swap3A_672] {strides = array<i32>} : memref<16x128xf32, #tpu.memory_space<vmem>>, vector<16xf32>,
          tpu.vector_store %arg24[%swap3A_671, %swap3A_672], %get3A_670 {strides = array<i32>} : memref<16x128xf32, #tpu.memory_space<vmem>>, vector<16xf32>,
          %get3A_674 = arith.index_cast %add3A_595 : i32 to index
          %get3A_675 = arith.constant 0 : index
          %get3A_676 = tpu.vector_load %arg20[%get3A_674, %get3A_675] {strides = array<i32>} : memref<128x16xf32, #tpu.memory_space<vmem>>, vector<16xf32>,
          %swap3A_677 = arith.index_cast %add3A_164 : i32 to index
          %swap3A_678 = arith.constant 80 : index
          %swap3A_679 = tpu.vector_load %arg26[%swap3A_677, %swap3A_678] {strides = array<i32>} : memref<16x128xf32, #tpu.memory_space<vmem>>, vector<16xf32>,
          tpu.vector_store %arg26[%swap3A_677, %swap3A_678], %get3A_676 {strides = array<i32>} : memref<16x128xf32, #tpu.memory_space<vmem>>, vector<16xf32>,
          %add3A_680 = arith.constant 6 : i32
          %add3A_681 = arith.addi %mul3A_166, %add3A_680 : i32
          %get3A_682 = arith.index_cast %add3A_681 : i32 to index
          %get3A_683 = arith.constant 0 : index
          %get3A_684 = tpu.vector_load %arg14[%get3A_682, %get3A_683] {strides = array<i32>} : memref<128x128xbf16, #tpu.memory_space<vmem>>, vector<32xbf16>,
          %unpack3A_685 = tpu.unpack_subelements %get3A_684, 0 {pack_format = #tpu.pack_format<interleaved>} : vector<32xbf16> -> vector<16xf32>
          %unpack3A_686 = tpu.unpack_subelements %get3A_684, 1 {pack_format = #tpu.pack_format<interleaved>} : vector<32xbf16> -> vector<16xf32>
          %get3A_687 = arith.index_cast %add3A_681 : i32 to index
          %get3A_688 = arith.constant 0 : index
          %get3A_689 = tpu.vector_load %arg16[%get3A_687, %get3A_688] {strides = array<i32>} : memref<128x128xbf16, #tpu.memory_space<vmem>>, vector<32xbf16>,
          %unpack3A_690 = tpu.unpack_subelements %get3A_689, 0 {pack_format = #tpu.pack_format<interleaved>} : vector<32xbf16> -> vector<16xf32>
          %unpack3A_691 = tpu.unpack_subelements %get3A_689, 1 {pack_format = #tpu.pack_format<interleaved>} : vector<32xbf16> -> vector<16xf32>
          %add3A_692 = arith.addf %unpack3A_685, %unpack3A_690 : vector<16xf32>
          %swap3A_693 = arith.index_cast %add3A_681 : i32 to index
          %swap3A_694 = arith.constant 0 : index
          %swap3A_695 = tpu.vector_load %arg22[%swap3A_693, %swap3A_694] {strides = array<i32>} : memref<128x128xf32, #tpu.memory_space<vmem>>, vector<16xf32>,
          tpu.vector_store %arg22[%swap3A_693, %swap3A_694], %add3A_692 {strides = array<i32>} : memref<128x128xf32, #tpu.memory_space<vmem>>, vector<16xf32>,
          %add3A_696 = arith.addf %unpack3A_686, %unpack3A_691 : vector<16xf32>
          %swap3A_697 = arith.index_cast %add3A_681 : i32 to index
          %swap3A_698 = arith.constant 16 : index
          %swap3A_699 = tpu.vector_load %arg22[%swap3A_697, %swap3A_698] {strides = array<i32>} : memref<128x128xf32, #tpu.memory_space<vmem>>, vector<16xf32>,
          tpu.vector_store %arg22[%swap3A_697, %swap3A_698], %add3A_696 {strides = array<i32>} : memref<128x128xf32, #tpu.memory_space<vmem>>, vector<16xf32>,
          %get3A_700 = arith.index_cast %add3A_681 : i32 to index
          %get3A_701 = arith.constant 32 : index
          %get3A_702 = tpu.vector_load %arg14[%get3A_700, %get3A_701] {strides = array<i32>} : memref<128x128xbf16, #tpu.memory_space<vmem>>, vector<32xbf16>,
          %unpack3A_703 = tpu.unpack_subelements %get3A_702, 0 {pack_format = #tpu.pack_format<interleaved>} : vector<32xbf16> -> vector<16xf32>
          %unpack3A_704 = tpu.unpack_subelements %get3A_702, 1 {pack_format = #tpu.pack_format<interleaved>} : vector<32xbf16> -> vector<16xf32>
          %get3A_705 = arith.index_cast %add3A_681 : i32 to index
          %get3A_706 = arith.constant 32 : index
          %get3A_707 = tpu.vector_load %arg16[%get3A_705, %get3A_706] {strides = array<i32>} : memref<128x128xbf16, #tpu.memory_space<vmem>>, vector<32xbf16>,
          %unpack3A_708 = tpu.unpack_subelements %get3A_707, 0 {pack_format = #tpu.pack_format<interleaved>} : vector<32xbf16> -> vector<16xf32>
          %unpack3A_709 = tpu.unpack_subelements %get3A_707, 1 {pack_format = #tpu.pack_format<interleaved>} : vector<32xbf16> -> vector<16xf32>
          %add3A_710 = arith.addf %unpack3A_703, %unpack3A_708 : vector<16xf32>
          %swap3A_711 = arith.index_cast %add3A_681 : i32 to index
          %swap3A_712 = arith.constant 32 : index
          %swap3A_713 = tpu.vector_load %arg22[%swap3A_711, %swap3A_712] {strides = array<i32>} : memref<128x128xf32, #tpu.memory_space<vmem>>, vector<16xf32>,
          tpu.vector_store %arg22[%swap3A_711, %swap3A_712], %add3A_710 {strides = array<i32>} : memref<128x128xf32, #tpu.memory_space<vmem>>, vector<16xf32>,
          %add3A_714 = arith.addf %unpack3A_704, %unpack3A_709 : vector<16xf32>
          %swap3A_715 = arith.index_cast %add3A_681 : i32 to index
          %swap3A_716 = arith.constant 48 : index
          %swap3A_717 = tpu.vector_load %arg22[%swap3A_715, %swap3A_716] {strides = array<i32>} : memref<128x128xf32, #tpu.memory_space<vmem>>, vector<16xf32>,
          tpu.vector_store %arg22[%swap3A_715, %swap3A_716], %add3A_714 {strides = array<i32>} : memref<128x128xf32, #tpu.memory_space<vmem>>, vector<16xf32>,
          %get3A_718 = arith.index_cast %add3A_681 : i32 to index
          %get3A_719 = arith.constant 64 : index
          %get3A_720 = tpu.vector_load %arg14[%get3A_718, %get3A_719] {strides = array<i32>} : memref<128x128xbf16, #tpu.memory_space<vmem>>, vector<32xbf16>,
          %unpack3A_721 = tpu.unpack_subelements %get3A_720, 0 {pack_format = #tpu.pack_format<interleaved>} : vector<32xbf16> -> vector<16xf32>
          %unpack3A_722 = tpu.unpack_subelements %get3A_720, 1 {pack_format = #tpu.pack_format<interleaved>} : vector<32xbf16> -> vector<16xf32>
          %get3A_723 = arith.index_cast %add3A_681 : i32 to index
          %get3A_724 = arith.constant 64 : index
          %get3A_725 = tpu.vector_load %arg16[%get3A_723, %get3A_724] {strides = array<i32>} : memref<128x128xbf16, #tpu.memory_space<vmem>>, vector<32xbf16>,
          %unpack3A_726 = tpu.unpack_subelements %get3A_725, 0 {pack_format = #tpu.pack_format<interleaved>} : vector<32xbf16> -> vector<16xf32>
          %unpack3A_727 = tpu.unpack_subelements %get3A_725, 1 {pack_format = #tpu.pack_format<interleaved>} : vector<32xbf16> -> vector<16xf32>
          %add3A_728 = arith.addf %unpack3A_721, %unpack3A_726 : vector<16xf32>
          %swap3A_729 = arith.index_cast %add3A_681 : i32 to index
          %swap3A_730 = arith.constant 64 : index
          %swap3A_731 = tpu.vector_load %arg22[%swap3A_729, %swap3A_730] {strides = array<i32>} : memref<128x128xf32, #tpu.memory_space<vmem>>, vector<16xf32>,
          tpu.vector_store %arg22[%swap3A_729, %swap3A_730], %add3A_728 {strides = array<i32>} : memref<128x128xf32, #tpu.memory_space<vmem>>, vector<16xf32>,
          %add3A_732 = arith.addf %unpack3A_722, %unpack3A_727 : vector<16xf32>
          %swap3A_733 = arith.index_cast %add3A_681 : i32 to index
          %swap3A_734 = arith.constant 80 : index
          %swap3A_735 = tpu.vector_load %arg22[%swap3A_733, %swap3A_734] {strides = array<i32>} : memref<128x128xf32, #tpu.memory_space<vmem>>, vector<16xf32>,
          tpu.vector_store %arg22[%swap3A_733, %swap3A_734], %add3A_732 {strides = array<i32>} : memref<128x128xf32, #tpu.memory_space<vmem>>, vector<16xf32>,
          %get3A_736 = arith.index_cast %add3A_681 : i32 to index
          %get3A_737 = arith.constant 96 : index
          %get3A_738 = tpu.vector_load %arg14[%get3A_736, %get3A_737] {strides = array<i32>} : memref<128x128xbf16, #tpu.memory_space<vmem>>, vector<32xbf16>,
          %unpack3A_739 = tpu.unpack_subelements %get3A_738, 0 {pack_format = #tpu.pack_format<interleaved>} : vector<32xbf16> -> vector<16xf32>
          %unpack3A_740 = tpu.unpack_subelements %get3A_738, 1 {pack_format = #tpu.pack_format<interleaved>} : vector<32xbf16> -> vector<16xf32>
          %get3A_741 = arith.index_cast %add3A_681 : i32 to index
          %get3A_742 = arith.constant 96 : index
          %get3A_743 = tpu.vector_load %arg16[%get3A_741, %get3A_742] {strides = array<i32>} : memref<128x128xbf16, #tpu.memory_space<vmem>>, vector<32xbf16>,
          %unpack3A_744 = tpu.unpack_subelements %get3A_743, 0 {pack_format = #tpu.pack_format<interleaved>} : vector<32xbf16> -> vector<16xf32>
          %unpack3A_745 = tpu.unpack_subelements %get3A_743, 1 {pack_format = #tpu.pack_format<interleaved>} : vector<32xbf16> -> vector<16xf32>
          %add3A_746 = arith.addf %unpack3A_739, %unpack3A_744 : vector<16xf32>
          %swap3A_747 = arith.index_cast %add3A_681 : i32 to index
          %swap3A_748 = arith.constant 96 : index
          %swap3A_749 = tpu.vector_load %arg22[%swap3A_747, %swap3A_748] {strides = array<i32>} : memref<128x128xf32, #tpu.memory_space<vmem>>, vector<16xf32>,
          tpu.vector_store %arg22[%swap3A_747, %swap3A_748], %add3A_746 {strides = array<i32>} : memref<128x128xf32, #tpu.memory_space<vmem>>, vector<16xf32>,
          %add3A_750 = arith.addf %unpack3A_740, %unpack3A_745 : vector<16xf32>
          %swap3A_751 = arith.index_cast %add3A_681 : i32 to index
          %swap3A_752 = arith.constant 112 : index
          %swap3A_753 = tpu.vector_load %arg22[%swap3A_751, %swap3A_752] {strides = array<i32>} : memref<128x128xf32, #tpu.memory_space<vmem>>, vector<16xf32>,
          tpu.vector_store %arg22[%swap3A_751, %swap3A_752], %add3A_750 {strides = array<i32>} : memref<128x128xf32, #tpu.memory_space<vmem>>, vector<16xf32>,
          %get3A_754 = arith.index_cast %add3A_681 : i32 to index
          %get3A_755 = arith.constant 0 : index
          %get3A_756 = tpu.vector_load %arg18[%get3A_754, %get3A_755] {strides = array<i32>} : memref<128x16xf32, #tpu.memory_space<vmem>>, vector<16xf32>,
          %swap3A_757 = arith.index_cast %add3A_164 : i32 to index
          %swap3A_758 = arith.constant 96 : index
          %swap3A_759 = tpu.vector_load %arg24[%swap3A_757, %swap3A_758] {strides = array<i32>} : memref<16x128xf32, #tpu.memory_space<vmem>>, vector<16xf32>,
          tpu.vector_store %arg24[%swap3A_757, %swap3A_758], %get3A_756 {strides = array<i32>} : memref<16x128xf32, #tpu.memory_space<vmem>>, vector<16xf32>,
          %get3A_760 = arith.index_cast %add3A_681 : i32 to index
          %get3A_761 = arith.constant 0 : index
          %get3A_762 = tpu.vector_load %arg20[%get3A_760, %get3A_761] {strides = array<i32>} : memref<128x16xf32, #tpu.memory_space<vmem>>, vector<16xf32>,
          %swap3A_763 = arith.index_cast %add3A_164 : i32 to index
          %swap3A_764 = arith.constant 96 : index
          %swap3A_765 = tpu.vector_load %arg26[%swap3A_763, %swap3A_764] {strides = array<i32>} : memref<16x128xf32, #tpu.memory_space<vmem>>, vector<16xf32>,
          tpu.vector_store %arg26[%swap3A_763, %swap3A_764], %get3A_762 {strides = array<i32>} : memref<16x128xf32, #tpu.memory_space<vmem>>, vector<16xf32>,
          %add3A_766 = arith.constant 7 : i32
          %add3A_767 = arith.addi %mul3A_166, %add3A_766 : i32
          %get3A_768 = arith.index_cast %add3A_767 : i32 to index
          %get3A_769 = arith.constant 0 : index
          %get3A_770 = tpu.vector_load %arg14[%get3A_768, %get3A_769] {strides = array<i32>} : memref<128x128xbf16, #tpu.memory_space<vmem>>, vector<32xbf16>,
          %unpack3A_771 = tpu.unpack_subelements %get3A_770, 0 {pack_format = #tpu.pack_format<interleaved>} : vector<32xbf16> -> vector<16xf32>
          %unpack3A_772 = tpu.unpack_subelements %get3A_770, 1 {pack_format = #tpu.pack_format<interleaved>} : vector<32xbf16> -> vector<16xf32>
          %get3A_773 = arith.index_cast %add3A_767 : i32 to index
          %get3A_774 = arith.constant 0 : index
          %get3A_775 = tpu.vector_load %arg16[%get3A_773, %get3A_774] {strides = array<i32>} : memref<128x128xbf16, #tpu.memory_space<vmem>>, vector<32xbf16>,
          %unpack3A_776 = tpu.unpack_subelements %get3A_775, 0 {pack_format = #tpu.pack_format<interleaved>} : vector<32xbf16> -> vector<16xf32>
          %unpack3A_777 = tpu.unpack_subelements %get3A_775, 1 {pack_format = #tpu.pack_format<interleaved>} : vector<32xbf16> -> vector<16xf32>
          %add3A_778 = arith.addf %unpack3A_771, %unpack3A_776 : vector<16xf32>
          %swap3A_779 = arith.index_cast %add3A_767 : i32 to index
          %swap3A_780 = arith.constant 0 : index
          %swap3A_781 = tpu.vector_load %arg22[%swap3A_779, %swap3A_780] {strides = array<i32>} : memref<128x128xf32, #tpu.memory_space<vmem>>, vector<16xf32>,
          tpu.vector_store %arg22[%swap3A_779, %swap3A_780], %add3A_778 {strides = array<i32>} : memref<128x128xf32, #tpu.memory_space<vmem>>, vector<16xf32>,
          %add3A_782 = arith.addf %unpack3A_772, %unpack3A_777 : vector<16xf32>
          %swap3A_783 = arith.index_cast %add3A_767 : i32 to index
          %swap3A_784 = arith.constant 16 : index
          %swap3A_785 = tpu.vector_load %arg22[%swap3A_783, %swap3A_784] {strides = array<i32>} : memref<128x128xf32, #tpu.memory_space<vmem>>, vector<16xf32>,
          tpu.vector_store %arg22[%swap3A_783, %swap3A_784], %add3A_782 {strides = array<i32>} : memref<128x128xf32, #tpu.memory_space<vmem>>, vector<16xf32>,
          %get3A_786 = arith.index_cast %add3A_767 : i32 to index
          %get3A_787 = arith.constant 32 : index
          %get3A_788 = tpu.vector_load %arg14[%get3A_786, %get3A_787] {strides = array<i32>} : memref<128x128xbf16, #tpu.memory_space<vmem>>, vector<32xbf16>,
          %unpack3A_789 = tpu.unpack_subelements %get3A_788, 0 {pack_format = #tpu.pack_format<interleaved>} : vector<32xbf16> -> vector<16xf32>
          %unpack3A_790 = tpu.unpack_subelements %get3A_788, 1 {pack_format = #tpu.pack_format<interleaved>} : vector<32xbf16> -> vector<16xf32>
          %get3A_791 = arith.index_cast %add3A_767 : i32 to index
          %get3A_792 = arith.constant 32 : index
          %get3A_793 = tpu.vector_load %arg16[%get3A_791, %get3A_792] {strides = array<i32>} : memref<128x128xbf16, #tpu.memory_space<vmem>>, vector<32xbf16>,
          %unpack3A_794 = tpu.unpack_subelements %get3A_793, 0 {pack_format = #tpu.pack_format<interleaved>} : vector<32xbf16> -> vector<16xf32>
          %unpack3A_795 = tpu.unpack_subelements %get3A_793, 1 {pack_format = #tpu.pack_format<interleaved>} : vector<32xbf16> -> vector<16xf32>
          %add3A_796 = arith.addf %unpack3A_789, %unpack3A_794 : vector<16xf32>
          %swap3A_797 = arith.index_cast %add3A_767 : i32 to index
          %swap3A_798 = arith.constant 32 : index
          %swap3A_799 = tpu.vector_load %arg22[%swap3A_797, %swap3A_798] {strides = array<i32>} : memref<128x128xf32, #tpu.memory_space<vmem>>, vector<16xf32>,
          tpu.vector_store %arg22[%swap3A_797, %swap3A_798], %add3A_796 {strides = array<i32>} : memref<128x128xf32, #tpu.memory_space<vmem>>, vector<16xf32>,
          %add3A_800 = arith.addf %unpack3A_790, %unpack3A_795 : vector<16xf32>
          %swap3A_801 = arith.index_cast %add3A_767 : i32 to index
          %swap3A_802 = arith.constant 48 : index
          %swap3A_803 = tpu.vector_load %arg22[%swap3A_801, %swap3A_802] {strides = array<i32>} : memref<128x128xf32, #tpu.memory_space<vmem>>, vector<16xf32>,
          tpu.vector_store %arg22[%swap3A_801, %swap3A_802], %add3A_800 {strides = array<i32>} : memref<128x128xf32, #tpu.memory_space<vmem>>, vector<16xf32>,
          %get3A_804 = arith.index_cast %add3A_767 : i32 to index
          %get3A_805 = arith.constant 64 : index
          %get3A_806 = tpu.vector_load %arg14[%get3A_804, %get3A_805] {strides = array<i32>} : memref<128x128xbf16, #tpu.memory_space<vmem>>, vector<32xbf16>,
          %unpack3A_807 = tpu.unpack_subelements %get3A_806, 0 {pack_format = #tpu.pack_format<interleaved>} : vector<32xbf16> -> vector<16xf32>
          %unpack3A_808 = tpu.unpack_subelements %get3A_806, 1 {pack_format = #tpu.pack_format<interleaved>} : vector<32xbf16> -> vector<16xf32>
          %get3A_809 = arith.index_cast %add3A_767 : i32 to index
          %get3A_810 = arith.constant 64 : index
          %get3A_811 = tpu.vector_load %arg16[%get3A_809, %get3A_810] {strides = array<i32>} : memref<128x128xbf16, #tpu.memory_space<vmem>>, vector<32xbf16>,
          %unpack3A_812 = tpu.unpack_subelements %get3A_811, 0 {pack_format = #tpu.pack_format<interleaved>} : vector<32xbf16> -> vector<16xf32>
          %unpack3A_813 = tpu.unpack_subelements %get3A_811, 1 {pack_format = #tpu.pack_format<interleaved>} : vector<32xbf16> -> vector<16xf32>
          %add3A_814 = arith.addf %unpack3A_807, %unpack3A_812 : vector<16xf32>
          %swap3A_815 = arith.index_cast %add3A_767 : i32 to index
          %swap3A_816 = arith.constant 64 : index
          %swap3A_817 = tpu.vector_load %arg22[%swap3A_815, %swap3A_816] {strides = array<i32>} : memref<128x128xf32, #tpu.memory_space<vmem>>, vector<16xf32>,
          tpu.vector_store %arg22[%swap3A_815, %swap3A_816], %add3A_814 {strides = array<i32>} : memref<128x128xf32, #tpu.memory_space<vmem>>, vector<16xf32>,
          %add3A_818 = arith.addf %unpack3A_808, %unpack3A_813 : vector<16xf32>
          %swap3A_819 = arith.index_cast %add3A_767 : i32 to index
          %swap3A_820 = arith.constant 80 : index
          %swap3A_821 = tpu.vector_load %arg22[%swap3A_819, %swap3A_820] {strides = array<i32>} : memref<128x128xf32, #tpu.memory_space<vmem>>, vector<16xf32>,
          tpu.vector_store %arg22[%swap3A_819, %swap3A_820], %add3A_818 {strides = array<i32>} : memref<128x128xf32, #tpu.memory_space<vmem>>, vector<16xf32>,
          %get3A_822 = arith.index_cast %add3A_767 : i32 to index
          %get3A_823 = arith.constant 96 : index
          %get3A_824 = tpu.vector_load %arg14[%get3A_822, %get3A_823] {strides = array<i32>} : memref<128x128xbf16, #tpu.memory_space<vmem>>, vector<32xbf16>,
          %unpack3A_825 = tpu.unpack_subelements %get3A_824, 0 {pack_format = #tpu.pack_format<interleaved>} : vector<32xbf16> -> vector<16xf32>
          %unpack3A_826 = tpu.unpack_subelements %get3A_824, 1 {pack_format = #tpu.pack_format<interleaved>} : vector<32xbf16> -> vector<16xf32>
          %get3A_827 = arith.index_cast %add3A_767 : i32 to index
          %get3A_828 = arith.constant 96 : index
          %get3A_829 = tpu.vector_load %arg16[%get3A_827, %get3A_828] {strides = array<i32>} : memref<128x128xbf16, #tpu.memory_space<vmem>>, vector<32xbf16>,
          %unpack3A_830 = tpu.unpack_subelements %get3A_829, 0 {pack_format = #tpu.pack_format<interleaved>} : vector<32xbf16> -> vector<16xf32>
          %unpack3A_831 = tpu.unpack_subelements %get3A_829, 1 {pack_format = #tpu.pack_format<interleaved>} : vector<32xbf16> -> vector<16xf32>
          %add3A_832 = arith.addf %unpack3A_825, %unpack3A_830 : vector<16xf32>
          %swap3A_833 = arith.index_cast %add3A_767 : i32 to index
          %swap3A_834 = arith.constant 96 : index
          %swap3A_835 = tpu.vector_load %arg22[%swap3A_833, %swap3A_834] {strides = array<i32>} : memref<128x128xf32, #tpu.memory_space<vmem>>, vector<16xf32>,
          tpu.vector_store %arg22[%swap3A_833, %swap3A_834], %add3A_832 {strides = array<i32>} : memref<128x128xf32, #tpu.memory_space<vmem>>, vector<16xf32>,
          %add3A_836 = arith.addf %unpack3A_826, %unpack3A_831 : vector<16xf32>
          %swap3A_837 = arith.index_cast %add3A_767 : i32 to index
          %swap3A_838 = arith.constant 112 : index
          %swap3A_839 = tpu.vector_load %arg22[%swap3A_837, %swap3A_838] {strides = array<i32>} : memref<128x128xf32, #tpu.memory_space<vmem>>, vector<16xf32>,
          tpu.vector_store %arg22[%swap3A_837, %swap3A_838], %add3A_836 {strides = array<i32>} : memref<128x128xf32, #tpu.memory_space<vmem>>, vector<16xf32>,
          %get3A_840 = arith.index_cast %add3A_767 : i32 to index
          %get3A_841 = arith.constant 0 : index
          %get3A_842 = tpu.vector_load %arg18[%get3A_840, %get3A_841] {strides = array<i32>} : memref<128x16xf32, #tpu.memory_space<vmem>>, vector<16xf32>,
          %swap3A_843 = arith.index_cast %add3A_164 : i32 to index
          %swap3A_844 = arith.constant 112 : index
          %swap3A_845 = tpu.vector_load %arg24[%swap3A_843, %swap3A_844] {strides = array<i32>} : memref<16x128xf32, #tpu.memory_space<vmem>>, vector<16xf32>,
          tpu.vector_store %arg24[%swap3A_843, %swap3A_844], %get3A_842 {strides = array<i32>} : memref<16x128xf32, #tpu.memory_space<vmem>>, vector<16xf32>,
          %get3A_846 = arith.index_cast %add3A_767 : i32 to index
          %get3A_847 = arith.constant 0 : index
          %get3A_848 = tpu.vector_load %arg20[%get3A_846, %get3A_847] {strides = array<i32>} : memref<128x16xf32, #tpu.memory_space<vmem>>, vector<16xf32>,
          %swap3A_849 = arith.index_cast %add3A_164 : i32 to index
          %swap3A_850 = arith.constant 112 : index
          %swap3A_851 = tpu.vector_load %arg26[%swap3A_849, %swap3A_850] {strides = array<i32>} : memref<16x128xf32, #tpu.memory_space<vmem>>, vector<16xf32>,
          tpu.vector_store %arg26[%swap3A_849, %swap3A_850], %get3A_848 {strides = array<i32>} : memref<16x128xf32, #tpu.memory_space<vmem>>, vector<16xf32>,
        }
        %scan3A_93 = arith.constant 16 : i32
        %mul3A_94 = arith.constant 128 : i32
        %mul3A_95 = arith.muli %add3A_56, %mul3A_94 : i32
        %dma_start3A_96 = arith.constant 0 : i32
        %dma_start3A_97 = tpu.memref_slice %arg7[%mul3A_95, %dma_start3A_96] : memref<320000x128xf32, #tpu.memory_space<hbm>> -> memref<128x128xf32, #tpu.memory_space<hbm>>
        %dma_start3A_98 = arith.constant 0 : i32
        %dma_start3A_99 = tpu.memref_slice %arg7[%mul3A_95, %dma_start3A_98] : memref<320000x128xf32, #tpu.memory_space<hbm>> -> memref<128x128xf32, #tpu.memory_space<hbm>>
        tpu.enqueue_dma source(%arg22 : memref<128x128xf32, #tpu.memory_space<vmem>>) target(%dma_start3A_99 : memref<128x128xf32, #tpu.memory_space<hbm>>) target_semaphore(%arg30 : memref<!tpu.dma_semaphore, #tpu.memory_space<semaphore_mem>>)
        %mul3A_100 = arith.constant 128 : i32
        %mul3A_101 = arith.muli %add3A_56, %mul3A_100 : i32
        %jit3A_102 = arith.constant 8 : i32
        %div3A_103 = arith.divsi %mul3A_101, %jit3A_102 : i32
        %sign3A_104 = arith.constant 0 : i32
        %sign3A_105 = arith.cmpi sgt, %mul3A_101, %sign3A_104 : i32
        %sign3A_106 = arith.extui %sign3A_105 : i1 to i32
        %sign3A_107 = arith.constant 0 : i32
        %sign3A_108 = arith.cmpi slt, %mul3A_101, %sign3A_107 : i32
        %sign3A_109 = arith.extui %sign3A_108 : i1 to i32
        %sign3A_110 = arith.subi %sign3A_106, %sign3A_109 : i32
        %sign3A_111 = arith.constant 0 : i32
        %sign3A_112 = arith.cmpi sgt, %jit3A_102, %sign3A_111 : i32
        %sign3A_113 = arith.extui %sign3A_112 : i1 to i32
        %sign3A_114 = arith.constant 0 : i32
        %sign3A_115 = arith.cmpi slt, %jit3A_102, %sign3A_114 : i32
        %sign3A_116 = arith.extui %sign3A_115 : i1 to i32
        %sign3A_117 = arith.subi %sign3A_113, %sign3A_116 : i32
        %ne3A_118 = arith.cmpi ne, %sign3A_110, %sign3A_117 : i32
        %rem3A_119 = arith.remsi %mul3A_101, %jit3A_102 : i32
        %ne3A_120 = arith.constant 0 : i32
        %ne3A_121 = arith.cmpi ne, %rem3A_119, %ne3A_120 : i32
        %and3A_122 = arith.andi %ne3A_118, %ne3A_121 : i1
        %sub3A_123 = arith.constant 1 : i32
        %sub3A_124 = arith.subi %div3A_103, %sub3A_123 : i32
        %select_n3A_125 = arith.select %and3A_122, %sub3A_124, %div3A_103 : i32
        %dma_start3A_126 = arith.constant 0 : i32
        %dma_start3A_127 = tpu.memref_slice %arg8[%select_n3A_125, %dma_start3A_126] : memref<40000x128xf32, #tpu.memory_space<hbm>> -> memref<16x128xf32, #tpu.memory_space<hbm>>
        %dma_start3A_128 = arith.constant 0 : i32
        %dma_start3A_129 = tpu.memref_slice %arg8[%select_n3A_125, %dma_start3A_128] : memref<40000x128xf32, #tpu.memory_space<hbm>> -> memref<16x128xf32, #tpu.memory_space<hbm>>
        tpu.enqueue_dma source(%arg24 : memref<16x128xf32, #tpu.memory_space<vmem>>) target(%dma_start3A_129 : memref<16x128xf32, #tpu.memory_space<hbm>>) target_semaphore(%arg30 : memref<!tpu.dma_semaphore, #tpu.memory_space<semaphore_mem>>)
        %mul3A_130 = arith.constant 128 : i32
        %mul3A_131 = arith.muli %add3A_56, %mul3A_130 : i32
        %jit3A_132 = arith.constant 8 : i32
        %div3A_133 = arith.divsi %mul3A_131, %jit3A_132 : i32
        %sign3A_134 = arith.constant 0 : i32
        %sign3A_135 = arith.cmpi sgt, %mul3A_131, %sign3A_134 : i32
        %sign3A_136 = arith.extui %sign3A_135 : i1 to i32
        %sign3A_137 = arith.constant 0 : i32
        %sign3A_138 = arith.cmpi slt, %mul3A_131, %sign3A_137 : i32
        %sign3A_139 = arith.extui %sign3A_138 : i1 to i32
        %sign3A_140 = arith.subi %sign3A_136, %sign3A_139 : i32
        %sign3A_141 = arith.constant 0 : i32
        %sign3A_142 = arith.cmpi sgt, %jit3A_132, %sign3A_141 : i32
        %sign3A_143 = arith.extui %sign3A_142 : i1 to i32
        %sign3A_144 = arith.constant 0 : i32
        %sign3A_145 = arith.cmpi slt, %jit3A_132, %sign3A_144 : i32
        %sign3A_146 = arith.extui %sign3A_145 : i1 to i32
        %sign3A_147 = arith.subi %sign3A_143, %sign3A_146 : i32
        %ne3A_148 = arith.cmpi ne, %sign3A_140, %sign3A_147 : i32
        %rem3A_149 = arith.remsi %mul3A_131, %jit3A_132 : i32
        %ne3A_150 = arith.constant 0 : i32
        %ne3A_151 = arith.cmpi ne, %rem3A_149, %ne3A_150 : i32
        %and3A_152 = arith.andi %ne3A_148, %ne3A_151 : i1
        %sub3A_153 = arith.constant 1 : i32
        %sub3A_154 = arith.subi %div3A_133, %sub3A_153 : i32
        %select_n3A_155 = arith.select %and3A_152, %sub3A_154, %div3A_133 : i32
        %dma_start3A_156 = arith.constant 0 : i32
        %dma_start3A_157 = tpu.memref_slice %arg9[%select_n3A_155, %dma_start3A_156] : memref<40000x128xf32, #tpu.memory_space<hbm>> -> memref<16x128xf32, #tpu.memory_space<hbm>>
        %dma_start3A_158 = arith.constant 0 : i32
        %dma_start3A_159 = tpu.memref_slice %arg9[%select_n3A_155, %dma_start3A_158] : memref<40000x128xf32, #tpu.memory_space<hbm>> -> memref<16x128xf32, #tpu.memory_space<hbm>>
        tpu.enqueue_dma source(%arg26 : memref<16x128xf32, #tpu.memory_space<vmem>>) target(%dma_start3A_159 : memref<16x128xf32, #tpu.memory_space<hbm>>) target_semaphore(%arg30 : memref<!tpu.dma_semaphore, #tpu.memory_space<semaphore_mem>>)
      } else {
      }
      %add3A_61 = arith.constant 1 : i32
      %add3A_62 = arith.addi %add3A_51, %add3A_61 : i32
      %mul3A_63 = arith.constant 32 : i32
      %mul3A_64 = arith.muli %add3A_62, %mul3A_63 : i32
      %add3A_65 = arith.addi %mul3A_64, %add3A : i32
      %lt3A_66 = arith.constant 2500 : i32
      %lt3A_67 = arith.cmpi slt, %add3A_65, %lt3A_66 : i32
      %convert_element_type3A_68 = arith.extui %lt3A_67 : i1 to i32
      %cond3A_69 = arith.constant 0 : i32
      %cond3A_70 = arith.cmpi ne, %convert_element_type3A_68, %cond3A_69 : i32
      scf.if %cond3A_70 {
        %dma_wait3A = arith.constant 0 : i32
        %dma_wait3A_71 = arith.constant 0 : i32
        %dma_wait3A_72 = tpu.memref_slice %arg2[%dma_wait3A, %dma_wait3A_71] : memref<10000x128xbf16, #tpu.memory_space<hbm>> -> memref<10000x128xbf16, #tpu.memory_space<hbm>>
        tpu.wait_indirect_dma semaphore(%arg29 : memref<!tpu.dma_semaphore, #tpu.memory_space<semaphore_mem>>) src(%dma_wait3A_72 : memref<10000x128xbf16, #tpu.memory_space<hbm>>) dst(%arg15 : memref<128x128xbf16, #tpu.memory_space<vmem>>)
        %dma_wait3A_73 = arith.constant 0 : i32
        %dma_wait3A_74 = arith.constant 0 : i32
        %dma_wait3A_75 = tpu.memref_slice %arg3[%dma_wait3A_73, %dma_wait3A_74] : memref<10000x128xbf16, #tpu.memory_space<hbm>> -> memref<10000x128xbf16, #tpu.memory_space<hbm>>
        tpu.wait_indirect_dma semaphore(%arg29 : memref<!tpu.dma_semaphore, #tpu.memory_space<semaphore_mem>>) src(%dma_wait3A_75 : memref<10000x128xbf16, #tpu.memory_space<hbm>>) dst(%arg17 : memref<128x128xbf16, #tpu.memory_space<vmem>>)
        %dma_wait3A_76 = arith.constant 0 : i32
        %dma_wait3A_77 = arith.constant 0 : i32
        %dma_wait3A_78 = tpu.memref_slice %arg4[%dma_wait3A_76, %dma_wait3A_77] : memref<10000x16xf32, #tpu.memory_space<hbm>> -> memref<10000x16xf32, #tpu.memory_space<hbm>>
        tpu.wait_indirect_dma semaphore(%arg29 : memref<!tpu.dma_semaphore, #tpu.memory_space<semaphore_mem>>) src(%dma_wait3A_78 : memref<10000x16xf32, #tpu.memory_space<hbm>>) dst(%arg19 : memref<128x16xf32, #tpu.memory_space<vmem>>)
        %dma_wait3A_79 = arith.constant 0 : i32
        %dma_wait3A_80 = arith.constant 0 : i32
        %dma_wait3A_81 = tpu.memref_slice %arg4[%dma_wait3A_79, %dma_wait3A_80] : memref<10000x16xf32, #tpu.memory_space<hbm>> -> memref<10000x16xf32, #tpu.memory_space<hbm>>
        tpu.wait_indirect_dma semaphore(%arg29 : memref<!tpu.dma_semaphore, #tpu.memory_space<semaphore_mem>>) src(%dma_wait3A_81 : memref<10000x16xf32, #tpu.memory_space<hbm>>) dst(%arg21 : memref<128x16xf32, #tpu.memory_space<vmem>>)
        %add3A_82 = arith.constant 32 : i32
        %add3A_83 = arith.addi %add3A_65, %add3A_82 : i32
        %lt3A_84 = arith.constant 2500 : i32
        %lt3A_85 = arith.cmpi slt, %add3A_83, %lt3A_84 : i32
        %convert_element_type3A_86 = arith.extui %lt3A_85 : i1 to i32
        %cond3A_87 = arith.constant 0 : i32
        %cond3A_88 = arith.cmpi ne, %convert_element_type3A_86, %cond3A_87 : i32
        scf.if %cond3A_88 {
          %ge3A_160 = arith.constant 1 : i32
          %ge3A_161 = arith.cmpi sge, %add3A_62, %ge3A_160 : i32
          %convert_element_type3A_162 = arith.extui %ge3A_161 : i1 to i32
          %cond3A_163 = arith.constant 0 : i32
          %cond3A_164 = arith.cmpi ne, %convert_element_type3A_162, %cond3A_163 : i32
          scf.if %cond3A_164 {
            %dma_wait3A_179 = arith.constant 0 : i32
            %dma_wait3A_180 = arith.constant 0 : i32
            %dma_wait3A_181 = tpu.memref_slice %arg7[%dma_wait3A_179, %dma_wait3A_180] : memref<320000x128xf32, #tpu.memory_space<hbm>> -> memref<128x128xf32, #tpu.memory_space<hbm>>
            %dma_wait3A_182 = arith.constant 0 : i32
            %dma_wait3A_183 = arith.constant 0 : i32
            %dma_wait3A_184 = tpu.memref_slice %arg7[%dma_wait3A_182, %dma_wait3A_183] : memref<320000x128xf32, #tpu.memory_space<hbm>> -> memref<128x128xf32, #tpu.memory_space<hbm>>
            tpu.wait_dma2 semaphore(%arg30 : memref<!tpu.dma_semaphore, #tpu.memory_space<semaphore_mem>>) src(%arg22 : memref<128x128xf32, #tpu.memory_space<vmem>>) dst(%dma_wait3A_184 : memref<128x128xf32, #tpu.memory_space<hbm>>)
            %dma_wait3A_185 = arith.constant 0 : i32
            %dma_wait3A_186 = arith.constant 0 : i32
            %dma_wait3A_187 = tpu.memref_slice %arg8[%dma_wait3A_185, %dma_wait3A_186] : memref<40000x128xf32, #tpu.memory_space<hbm>> -> memref<16x128xf32, #tpu.memory_space<hbm>>
            %dma_wait3A_188 = arith.constant 0 : i32
            %dma_wait3A_189 = arith.constant 0 : i32
            %dma_wait3A_190 = tpu.memref_slice %arg8[%dma_wait3A_188, %dma_wait3A_189] : memref<40000x128xf32, #tpu.memory_space<hbm>> -> memref<16x128xf32, #tpu.memory_space<hbm>>
            tpu.wait_dma2 semaphore(%arg30 : memref<!tpu.dma_semaphore, #tpu.memory_space<semaphore_mem>>) src(%arg24 : memref<16x128xf32, #tpu.memory_space<vmem>>) dst(%dma_wait3A_190 : memref<16x128xf32, #tpu.memory_space<hbm>>)
            %dma_wait3A_191 = arith.constant 0 : i32
            %dma_wait3A_192 = arith.constant 0 : i32
            %dma_wait3A_193 = tpu.memref_slice %arg9[%dma_wait3A_191, %dma_wait3A_192] : memref<40000x128xf32, #tpu.memory_space<hbm>> -> memref<16x128xf32, #tpu.memory_space<hbm>>
            %dma_wait3A_194 = arith.constant 0 : i32
            %dma_wait3A_195 = arith.constant 0 : i32
            %dma_wait3A_196 = tpu.memref_slice %arg9[%dma_wait3A_194, %dma_wait3A_195] : memref<40000x128xf32, #tpu.memory_space<hbm>> -> memref<16x128xf32, #tpu.memory_space<hbm>>
            tpu.wait_dma2 semaphore(%arg30 : memref<!tpu.dma_semaphore, #tpu.memory_space<semaphore_mem>>) src(%arg26 : memref<16x128xf32, #tpu.memory_space<vmem>>) dst(%dma_wait3A_196 : memref<16x128xf32, #tpu.memory_space<hbm>>)
          } else {
          }
          %mul3A_165 = arith.constant 128 : i32
          %mul3A_166 = arith.muli %add3A_83, %mul3A_165 : i32
          "tpu.region"() ({
            %run_scoped3A = tpu.sem_alloc : memref<!tpu.dma_semaphore, #tpu.memory_space<semaphore_mem>>
            %dma_start3A_179 = tpu.memref_slice %arg5[%mul3A_166] : memref<320000xi32, #tpu.memory_space<hbm>> -> memref<128xi32, #tpu.memory_space<hbm>>
            %dma_start3A_180 = tpu.memref_slice %arg5[%mul3A_166] : memref<320000xi32, #tpu.memory_space<hbm>> -> memref<128xi32, #tpu.memory_space<hbm>>
            tpu.enqueue_dma source(%dma_start3A_180 : memref<128xi32, #tpu.memory_space<hbm>>) target(%arg10 : memref<128xi32, #tpu.memory_space<vmem>>) target_semaphore(%run_scoped3A : memref<!tpu.dma_semaphore, #tpu.memory_space<semaphore_mem>>)
            %dma_wait3A_181 = tpu.memref_slice %arg5[%mul3A_166] : memref<320000xi32, #tpu.memory_space<hbm>> -> memref<128xi32, #tpu.memory_space<hbm>>
            %dma_wait3A_182 = tpu.memref_slice %arg5[%mul3A_166] : memref<320000xi32, #tpu.memory_space<hbm>> -> memref<128xi32, #tpu.memory_space<hbm>>
            tpu.wait_dma2 semaphore(%run_scoped3A : memref<!tpu.dma_semaphore, #tpu.memory_space<semaphore_mem>>) src(%dma_wait3A_182 : memref<128xi32, #tpu.memory_space<hbm>>) dst(%arg10 : memref<128xi32, #tpu.memory_space<vmem>>)
            tpu.yield
          }) : () -> ()
          "tpu.region"() ({
            %run_scoped3A = tpu.sem_alloc : memref<!tpu.dma_semaphore, #tpu.memory_space<semaphore_mem>>
            %dma_start3A_179 = tpu.memref_slice %arg6[%mul3A_166] : memref<320000xi32, #tpu.memory_space<hbm>> -> memref<128xi32, #tpu.memory_space<hbm>>
            %dma_start3A_180 = tpu.memref_slice %arg6[%mul3A_166] : memref<320000xi32, #tpu.memory_space<hbm>> -> memref<128xi32, #tpu.memory_space<hbm>>
            tpu.enqueue_dma source(%dma_start3A_180 : memref<128xi32, #tpu.memory_space<hbm>>) target(%arg12 : memref<128xi32, #tpu.memory_space<vmem>>) target_semaphore(%run_scoped3A : memref<!tpu.dma_semaphore, #tpu.memory_space<semaphore_mem>>)
            %dma_wait3A_181 = tpu.memref_slice %arg6[%mul3A_166] : memref<320000xi32, #tpu.memory_space<hbm>> -> memref<128xi32, #tpu.memory_space<hbm>>
            %dma_wait3A_182 = tpu.memref_slice %arg6[%mul3A_166] : memref<320000xi32, #tpu.memory_space<hbm>> -> memref<128xi32, #tpu.memory_space<hbm>>
            tpu.wait_dma2 semaphore(%run_scoped3A : memref<!tpu.dma_semaphore, #tpu.memory_space<semaphore_mem>>) src(%dma_wait3A_182 : memref<128xi32, #tpu.memory_space<hbm>>) dst(%arg12 : memref<128xi32, #tpu.memory_space<vmem>>)
            tpu.yield
          }) : () -> ()
          %dma_start3A_167 = arith.constant 0 : i32
          %dma_start3A_168 = arith.constant 0 : i32
          %dma_start3A_169 = tpu.memref_slice %arg2[%dma_start3A_167, %dma_start3A_168] : memref<10000x128xbf16, #tpu.memory_space<hbm>> -> memref<10000x128xbf16, #tpu.memory_space<hbm>>
          tpu.enqueue_indirect_dma source(%dma_start3A_169 : memref<10000x128xbf16, #tpu.memory_space<hbm>>) target(%arg14 : memref<128x128xbf16, #tpu.memory_space<vmem>>) offsets(%arg10 : memref<128xi32, #tpu.memory_space<vmem>>) semaphore(%arg28 : memref<!tpu.dma_semaphore, #tpu.memory_space<semaphore_mem>>)
          %dma_start3A_170 = arith.constant 0 : i32
          %dma_start3A_171 = arith.constant 0 : i32
          %dma_start3A_172 = tpu.memref_slice %arg3[%dma_start3A_170, %dma_start3A_171] : memref<10000x128xbf16, #tpu.memory_space<hbm>> -> memref<10000x128xbf16, #tpu.memory_space<hbm>>
          tpu.enqueue_indirect_dma source(%dma_start3A_172 : memref<10000x128xbf16, #tpu.memory_space<hbm>>) target(%arg16 : memref<128x128xbf16, #tpu.memory_space<vmem>>) offsets(%arg12 : memref<128xi32, #tpu.memory_space<vmem>>) semaphore(%arg28 : memref<!tpu.dma_semaphore, #tpu.memory_space<semaphore_mem>>)
          %dma_start3A_173 = arith.constant 0 : i32
          %dma_start3A_174 = arith.constant 0 : i32
          %dma_start3A_175 = tpu.memref_slice %arg4[%dma_start3A_173, %dma_start3A_174] : memref<10000x16xf32, #tpu.memory_space<hbm>> -> memref<10000x16xf32, #tpu.memory_space<hbm>>
          tpu.enqueue_indirect_dma source(%dma_start3A_175 : memref<10000x16xf32, #tpu.memory_space<hbm>>) target(%arg18 : memref<128x16xf32, #tpu.memory_space<vmem>>) offsets(%arg10 : memref<128xi32, #tpu.memory_space<vmem>>) semaphore(%arg28 : memref<!tpu.dma_semaphore, #tpu.memory_space<semaphore_mem>>)
          %dma_start3A_176 = arith.constant 0 : i32
          %dma_start3A_177 = arith.constant 0 : i32
          %dma_start3A_178 = tpu.memref_slice %arg4[%dma_start3A_176, %dma_start3A_177] : memref<10000x16xf32, #tpu.memory_space<hbm>> -> memref<10000x16xf32, #tpu.memory_space<hbm>>
          tpu.enqueue_indirect_dma source(%dma_start3A_178 : memref<10000x16xf32, #tpu.memory_space<hbm>>) target(%arg20 : memref<128x16xf32, #tpu.memory_space<vmem>>) offsets(%arg12 : memref<128xi32, #tpu.memory_space<vmem>>) semaphore(%arg28 : memref<!tpu.dma_semaphore, #tpu.memory_space<semaphore_mem>>)
        } else {
        }
        %scan3A_89 = arith.constant 0 : i32
        %scan3A_90 = arith.constant 16 : i32
        %scan3A_91 = arith.addi %scan3A_89, %scan3A_90 : i32
        %scan3A_92 = arith.constant 1 : i32
        scf.for %scan3A_160 = %scan3A_89 to %scan3A_91 step %scan3A_92  : i32 {
          %mul3A_161 = arith.constant 1 : i32
          %mul3A_162 = arith.muli %scan3A_160, %mul3A_161 : i32
          %add3A_163 = arith.constant 0 : i32
          %add3A_164 = arith.addi %add3A_163, %mul3A_162 : i32
          %mul3A_165 = arith.constant 8 : i32
          %mul3A_166 = arith.muli %add3A_164, %mul3A_165 : i32
          %add3A_167 = arith.constant 0 : i32
          %add3A_168 = arith.addi %mul3A_166, %add3A_167 : i32
          %get3A = arith.index_cast %add3A_168 : i32 to index
          %get3A_169 = arith.constant 0 : index
          %get3A_170 = tpu.vector_load %arg15[%get3A, %get3A_169] {strides = array<i32>} : memref<128x128xbf16, #tpu.memory_space<vmem>>, vector<32xbf16>,
          %unpack3A = tpu.unpack_subelements %get3A_170, 0 {pack_format = #tpu.pack_format<interleaved>} : vector<32xbf16> -> vector<16xf32>
          %unpack3A_171 = tpu.unpack_subelements %get3A_170, 1 {pack_format = #tpu.pack_format<interleaved>} : vector<32xbf16> -> vector<16xf32>
          %get3A_172 = arith.index_cast %add3A_168 : i32 to index
          %get3A_173 = arith.constant 0 : index
          %get3A_174 = tpu.vector_load %arg17[%get3A_172, %get3A_173] {strides = array<i32>} : memref<128x128xbf16, #tpu.memory_space<vmem>>, vector<32xbf16>,
          %unpack3A_175 = tpu.unpack_subelements %get3A_174, 0 {pack_format = #tpu.pack_format<interleaved>} : vector<32xbf16> -> vector<16xf32>
          %unpack3A_176 = tpu.unpack_subelements %get3A_174, 1 {pack_format = #tpu.pack_format<interleaved>} : vector<32xbf16> -> vector<16xf32>
          %add3A_177 = arith.addf %unpack3A, %unpack3A_175 : vector<16xf32>
          %swap3A = arith.index_cast %add3A_168 : i32 to index
          %swap3A_178 = arith.constant 0 : index
          %swap3A_179 = tpu.vector_load %arg23[%swap3A, %swap3A_178] {strides = array<i32>} : memref<128x128xf32, #tpu.memory_space<vmem>>, vector<16xf32>,
          tpu.vector_store %arg23[%swap3A, %swap3A_178], %add3A_177 {strides = array<i32>} : memref<128x128xf32, #tpu.memory_space<vmem>>, vector<16xf32>,
          %add3A_180 = arith.addf %unpack3A_171, %unpack3A_176 : vector<16xf32>
          %swap3A_181 = arith.index_cast %add3A_168 : i32 to index
          %swap3A_182 = arith.constant 16 : index
          %swap3A_183 = tpu.vector_load %arg23[%swap3A_181, %swap3A_182] {strides = array<i32>} : memref<128x128xf32, #tpu.memory_space<vmem>>, vector<16xf32>,
          tpu.vector_store %arg23[%swap3A_181, %swap3A_182], %add3A_180 {strides = array<i32>} : memref<128x128xf32, #tpu.memory_space<vmem>>, vector<16xf32>,
          %get3A_184 = arith.index_cast %add3A_168 : i32 to index
          %get3A_185 = arith.constant 32 : index
          %get3A_186 = tpu.vector_load %arg15[%get3A_184, %get3A_185] {strides = array<i32>} : memref<128x128xbf16, #tpu.memory_space<vmem>>, vector<32xbf16>,
          %unpack3A_187 = tpu.unpack_subelements %get3A_186, 0 {pack_format = #tpu.pack_format<interleaved>} : vector<32xbf16> -> vector<16xf32>
          %unpack3A_188 = tpu.unpack_subelements %get3A_186, 1 {pack_format = #tpu.pack_format<interleaved>} : vector<32xbf16> -> vector<16xf32>
          %get3A_189 = arith.index_cast %add3A_168 : i32 to index
          %get3A_190 = arith.constant 32 : index
          %get3A_191 = tpu.vector_load %arg17[%get3A_189, %get3A_190] {strides = array<i32>} : memref<128x128xbf16, #tpu.memory_space<vmem>>, vector<32xbf16>,
          %unpack3A_192 = tpu.unpack_subelements %get3A_191, 0 {pack_format = #tpu.pack_format<interleaved>} : vector<32xbf16> -> vector<16xf32>
          %unpack3A_193 = tpu.unpack_subelements %get3A_191, 1 {pack_format = #tpu.pack_format<interleaved>} : vector<32xbf16> -> vector<16xf32>
          %add3A_194 = arith.addf %unpack3A_187, %unpack3A_192 : vector<16xf32>
          %swap3A_195 = arith.index_cast %add3A_168 : i32 to index
          %swap3A_196 = arith.constant 32 : index
          %swap3A_197 = tpu.vector_load %arg23[%swap3A_195, %swap3A_196] {strides = array<i32>} : memref<128x128xf32, #tpu.memory_space<vmem>>, vector<16xf32>,
          tpu.vector_store %arg23[%swap3A_195, %swap3A_196], %add3A_194 {strides = array<i32>} : memref<128x128xf32, #tpu.memory_space<vmem>>, vector<16xf32>,
          %add3A_198 = arith.addf %unpack3A_188, %unpack3A_193 : vector<16xf32>
          %swap3A_199 = arith.index_cast %add3A_168 : i32 to index
          %swap3A_200 = arith.constant 48 : index
          %swap3A_201 = tpu.vector_load %arg23[%swap3A_199, %swap3A_200] {strides = array<i32>} : memref<128x128xf32, #tpu.memory_space<vmem>>, vector<16xf32>,
          tpu.vector_store %arg23[%swap3A_199, %swap3A_200], %add3A_198 {strides = array<i32>} : memref<128x128xf32, #tpu.memory_space<vmem>>, vector<16xf32>,
          %get3A_202 = arith.index_cast %add3A_168 : i32 to index
          %get3A_203 = arith.constant 64 : index
          %get3A_204 = tpu.vector_load %arg15[%get3A_202, %get3A_203] {strides = array<i32>} : memref<128x128xbf16, #tpu.memory_space<vmem>>, vector<32xbf16>,
          %unpack3A_205 = tpu.unpack_subelements %get3A_204, 0 {pack_format = #tpu.pack_format<interleaved>} : vector<32xbf16> -> vector<16xf32>
          %unpack3A_206 = tpu.unpack_subelements %get3A_204, 1 {pack_format = #tpu.pack_format<interleaved>} : vector<32xbf16> -> vector<16xf32>
          %get3A_207 = arith.index_cast %add3A_168 : i32 to index
          %get3A_208 = arith.constant 64 : index
          %get3A_209 = tpu.vector_load %arg17[%get3A_207, %get3A_208] {strides = array<i32>} : memref<128x128xbf16, #tpu.memory_space<vmem>>, vector<32xbf16>,
          %unpack3A_210 = tpu.unpack_subelements %get3A_209, 0 {pack_format = #tpu.pack_format<interleaved>} : vector<32xbf16> -> vector<16xf32>
          %unpack3A_211 = tpu.unpack_subelements %get3A_209, 1 {pack_format = #tpu.pack_format<interleaved>} : vector<32xbf16> -> vector<16xf32>
          %add3A_212 = arith.addf %unpack3A_205, %unpack3A_210 : vector<16xf32>
          %swap3A_213 = arith.index_cast %add3A_168 : i32 to index
          %swap3A_214 = arith.constant 64 : index
          %swap3A_215 = tpu.vector_load %arg23[%swap3A_213, %swap3A_214] {strides = array<i32>} : memref<128x128xf32, #tpu.memory_space<vmem>>, vector<16xf32>,
          tpu.vector_store %arg23[%swap3A_213, %swap3A_214], %add3A_212 {strides = array<i32>} : memref<128x128xf32, #tpu.memory_space<vmem>>, vector<16xf32>,
          %add3A_216 = arith.addf %unpack3A_206, %unpack3A_211 : vector<16xf32>
          %swap3A_217 = arith.index_cast %add3A_168 : i32 to index
          %swap3A_218 = arith.constant 80 : index
          %swap3A_219 = tpu.vector_load %arg23[%swap3A_217, %swap3A_218] {strides = array<i32>} : memref<128x128xf32, #tpu.memory_space<vmem>>, vector<16xf32>,
          tpu.vector_store %arg23[%swap3A_217, %swap3A_218], %add3A_216 {strides = array<i32>} : memref<128x128xf32, #tpu.memory_space<vmem>>, vector<16xf32>,
          %get3A_220 = arith.index_cast %add3A_168 : i32 to index
          %get3A_221 = arith.constant 96 : index
          %get3A_222 = tpu.vector_load %arg15[%get3A_220, %get3A_221] {strides = array<i32>} : memref<128x128xbf16, #tpu.memory_space<vmem>>, vector<32xbf16>,
          %unpack3A_223 = tpu.unpack_subelements %get3A_222, 0 {pack_format = #tpu.pack_format<interleaved>} : vector<32xbf16> -> vector<16xf32>
          %unpack3A_224 = tpu.unpack_subelements %get3A_222, 1 {pack_format = #tpu.pack_format<interleaved>} : vector<32xbf16> -> vector<16xf32>
          %get3A_225 = arith.index_cast %add3A_168 : i32 to index
          %get3A_226 = arith.constant 96 : index
          %get3A_227 = tpu.vector_load %arg17[%get3A_225, %get3A_226] {strides = array<i32>} : memref<128x128xbf16, #tpu.memory_space<vmem>>, vector<32xbf16>,
          %unpack3A_228 = tpu.unpack_subelements %get3A_227, 0 {pack_format = #tpu.pack_format<interleaved>} : vector<32xbf16> -> vector<16xf32>
          %unpack3A_229 = tpu.unpack_subelements %get3A_227, 1 {pack_format = #tpu.pack_format<interleaved>} : vector<32xbf16> -> vector<16xf32>
          %add3A_230 = arith.addf %unpack3A_223, %unpack3A_228 : vector<16xf32>
          %swap3A_231 = arith.index_cast %add3A_168 : i32 to index
          %swap3A_232 = arith.constant 96 : index
          %swap3A_233 = tpu.vector_load %arg23[%swap3A_231, %swap3A_232] {strides = array<i32>} : memref<128x128xf32, #tpu.memory_space<vmem>>, vector<16xf32>,
          tpu.vector_store %arg23[%swap3A_231, %swap3A_232], %add3A_230 {strides = array<i32>} : memref<128x128xf32, #tpu.memory_space<vmem>>, vector<16xf32>,
          %add3A_234 = arith.addf %unpack3A_224, %unpack3A_229 : vector<16xf32>
          %swap3A_235 = arith.index_cast %add3A_168 : i32 to index
          %swap3A_236 = arith.constant 112 : index
          %swap3A_237 = tpu.vector_load %arg23[%swap3A_235, %swap3A_236] {strides = array<i32>} : memref<128x128xf32, #tpu.memory_space<vmem>>, vector<16xf32>,
          tpu.vector_store %arg23[%swap3A_235, %swap3A_236], %add3A_234 {strides = array<i32>} : memref<128x128xf32, #tpu.memory_space<vmem>>, vector<16xf32>,
          %get3A_238 = arith.index_cast %add3A_168 : i32 to index
          %get3A_239 = arith.constant 0 : index
          %get3A_240 = tpu.vector_load %arg19[%get3A_238, %get3A_239] {strides = array<i32>} : memref<128x16xf32, #tpu.memory_space<vmem>>, vector<16xf32>,
          %swap3A_241 = arith.index_cast %add3A_164 : i32 to index
          %swap3A_242 = arith.constant 0 : index
          %swap3A_243 = tpu.vector_load %arg25[%swap3A_241, %swap3A_242] {strides = array<i32>} : memref<16x128xf32, #tpu.memory_space<vmem>>, vector<16xf32>,
          tpu.vector_store %arg25[%swap3A_241, %swap3A_242], %get3A_240 {strides = array<i32>} : memref<16x128xf32, #tpu.memory_space<vmem>>, vector<16xf32>,
          %get3A_244 = arith.index_cast %add3A_168 : i32 to index
          %get3A_245 = arith.constant 0 : index
          %get3A_246 = tpu.vector_load %arg21[%get3A_244, %get3A_245] {strides = array<i32>} : memref<128x16xf32, #tpu.memory_space<vmem>>, vector<16xf32>,
          %swap3A_247 = arith.index_cast %add3A_164 : i32 to index
          %swap3A_248 = arith.constant 0 : index
          %swap3A_249 = tpu.vector_load %arg27[%swap3A_247, %swap3A_248] {strides = array<i32>} : memref<16x128xf32, #tpu.memory_space<vmem>>, vector<16xf32>,
          tpu.vector_store %arg27[%swap3A_247, %swap3A_248], %get3A_246 {strides = array<i32>} : memref<16x128xf32, #tpu.memory_space<vmem>>, vector<16xf32>,
          %add3A_250 = arith.constant 1 : i32
          %add3A_251 = arith.addi %mul3A_166, %add3A_250 : i32
          %get3A_252 = arith.index_cast %add3A_251 : i32 to index
          %get3A_253 = arith.constant 0 : index
          %get3A_254 = tpu.vector_load %arg15[%get3A_252, %get3A_253] {strides = array<i32>} : memref<128x128xbf16, #tpu.memory_space<vmem>>, vector<32xbf16>,
          %unpack3A_255 = tpu.unpack_subelements %get3A_254, 0 {pack_format = #tpu.pack_format<interleaved>} : vector<32xbf16> -> vector<16xf32>
          %unpack3A_256 = tpu.unpack_subelements %get3A_254, 1 {pack_format = #tpu.pack_format<interleaved>} : vector<32xbf16> -> vector<16xf32>
          %get3A_257 = arith.index_cast %add3A_251 : i32 to index
          %get3A_258 = arith.constant 0 : index
          %get3A_259 = tpu.vector_load %arg17[%get3A_257, %get3A_258] {strides = array<i32>} : memref<128x128xbf16, #tpu.memory_space<vmem>>, vector<32xbf16>,
          %unpack3A_260 = tpu.unpack_subelements %get3A_259, 0 {pack_format = #tpu.pack_format<interleaved>} : vector<32xbf16> -> vector<16xf32>
          %unpack3A_261 = tpu.unpack_subelements %get3A_259, 1 {pack_format = #tpu.pack_format<interleaved>} : vector<32xbf16> -> vector<16xf32>
          %add3A_262 = arith.addf %unpack3A_255, %unpack3A_260 : vector<16xf32>
          %swap3A_263 = arith.index_cast %add3A_251 : i32 to index
          %swap3A_264 = arith.constant 0 : index
          %swap3A_265 = tpu.vector_load %arg23[%swap3A_263, %swap3A_264] {strides = array<i32>} : memref<128x128xf32, #tpu.memory_space<vmem>>, vector<16xf32>,
          tpu.vector_store %arg23[%swap3A_263, %swap3A_264], %add3A_262 {strides = array<i32>} : memref<128x128xf32, #tpu.memory_space<vmem>>, vector<16xf32>,
          %add3A_266 = arith.addf %unpack3A_256, %unpack3A_261 : vector<16xf32>
          %swap3A_267 = arith.index_cast %add3A_251 : i32 to index
          %swap3A_268 = arith.constant 16 : index
          %swap3A_269 = tpu.vector_load %arg23[%swap3A_267, %swap3A_268] {strides = array<i32>} : memref<128x128xf32, #tpu.memory_space<vmem>>, vector<16xf32>,
          tpu.vector_store %arg23[%swap3A_267, %swap3A_268], %add3A_266 {strides = array<i32>} : memref<128x128xf32, #tpu.memory_space<vmem>>, vector<16xf32>,
          %get3A_270 = arith.index_cast %add3A_251 : i32 to index
          %get3A_271 = arith.constant 32 : index
          %get3A_272 = tpu.vector_load %arg15[%get3A_270, %get3A_271] {strides = array<i32>} : memref<128x128xbf16, #tpu.memory_space<vmem>>, vector<32xbf16>,
          %unpack3A_273 = tpu.unpack_subelements %get3A_272, 0 {pack_format = #tpu.pack_format<interleaved>} : vector<32xbf16> -> vector<16xf32>
          %unpack3A_274 = tpu.unpack_subelements %get3A_272, 1 {pack_format = #tpu.pack_format<interleaved>} : vector<32xbf16> -> vector<16xf32>
          %get3A_275 = arith.index_cast %add3A_251 : i32 to index
          %get3A_276 = arith.constant 32 : index
          %get3A_277 = tpu.vector_load %arg17[%get3A_275, %get3A_276] {strides = array<i32>} : memref<128x128xbf16, #tpu.memory_space<vmem>>, vector<32xbf16>,
          %unpack3A_278 = tpu.unpack_subelements %get3A_277, 0 {pack_format = #tpu.pack_format<interleaved>} : vector<32xbf16> -> vector<16xf32>
          %unpack3A_279 = tpu.unpack_subelements %get3A_277, 1 {pack_format = #tpu.pack_format<interleaved>} : vector<32xbf16> -> vector<16xf32>
          %add3A_280 = arith.addf %unpack3A_273, %unpack3A_278 : vector<16xf32>
          %swap3A_281 = arith.index_cast %add3A_251 : i32 to index
          %swap3A_282 = arith.constant 32 : index
          %swap3A_283 = tpu.vector_load %arg23[%swap3A_281, %swap3A_282] {strides = array<i32>} : memref<128x128xf32, #tpu.memory_space<vmem>>, vector<16xf32>,
          tpu.vector_store %arg23[%swap3A_281, %swap3A_282], %add3A_280 {strides = array<i32>} : memref<128x128xf32, #tpu.memory_space<vmem>>, vector<16xf32>,
          %add3A_284 = arith.addf %unpack3A_274, %unpack3A_279 : vector<16xf32>
          %swap3A_285 = arith.index_cast %add3A_251 : i32 to index
          %swap3A_286 = arith.constant 48 : index
          %swap3A_287 = tpu.vector_load %arg23[%swap3A_285, %swap3A_286] {strides = array<i32>} : memref<128x128xf32, #tpu.memory_space<vmem>>, vector<16xf32>,
          tpu.vector_store %arg23[%swap3A_285, %swap3A_286], %add3A_284 {strides = array<i32>} : memref<128x128xf32, #tpu.memory_space<vmem>>, vector<16xf32>,
          %get3A_288 = arith.index_cast %add3A_251 : i32 to index
          %get3A_289 = arith.constant 64 : index
          %get3A_290 = tpu.vector_load %arg15[%get3A_288, %get3A_289] {strides = array<i32>} : memref<128x128xbf16, #tpu.memory_space<vmem>>, vector<32xbf16>,
          %unpack3A_291 = tpu.unpack_subelements %get3A_290, 0 {pack_format = #tpu.pack_format<interleaved>} : vector<32xbf16> -> vector<16xf32>
          %unpack3A_292 = tpu.unpack_subelements %get3A_290, 1 {pack_format = #tpu.pack_format<interleaved>} : vector<32xbf16> -> vector<16xf32>
          %get3A_293 = arith.index_cast %add3A_251 : i32 to index
          %get3A_294 = arith.constant 64 : index
          %get3A_295 = tpu.vector_load %arg17[%get3A_293, %get3A_294] {strides = array<i32>} : memref<128x128xbf16, #tpu.memory_space<vmem>>, vector<32xbf16>,
          %unpack3A_296 = tpu.unpack_subelements %get3A_295, 0 {pack_format = #tpu.pack_format<interleaved>} : vector<32xbf16> -> vector<16xf32>
          %unpack3A_297 = tpu.unpack_subelements %get3A_295, 1 {pack_format = #tpu.pack_format<interleaved>} : vector<32xbf16> -> vector<16xf32>
          %add3A_298 = arith.addf %unpack3A_291, %unpack3A_296 : vector<16xf32>
          %swap3A_299 = arith.index_cast %add3A_251 : i32 to index
          %swap3A_300 = arith.constant 64 : index
          %swap3A_301 = tpu.vector_load %arg23[%swap3A_299, %swap3A_300] {strides = array<i32>} : memref<128x128xf32, #tpu.memory_space<vmem>>, vector<16xf32>,
          tpu.vector_store %arg23[%swap3A_299, %swap3A_300], %add3A_298 {strides = array<i32>} : memref<128x128xf32, #tpu.memory_space<vmem>>, vector<16xf32>,
          %add3A_302 = arith.addf %unpack3A_292, %unpack3A_297 : vector<16xf32>
          %swap3A_303 = arith.index_cast %add3A_251 : i32 to index
          %swap3A_304 = arith.constant 80 : index
          %swap3A_305 = tpu.vector_load %arg23[%swap3A_303, %swap3A_304] {strides = array<i32>} : memref<128x128xf32, #tpu.memory_space<vmem>>, vector<16xf32>,
          tpu.vector_store %arg23[%swap3A_303, %swap3A_304], %add3A_302 {strides = array<i32>} : memref<128x128xf32, #tpu.memory_space<vmem>>, vector<16xf32>,
          %get3A_306 = arith.index_cast %add3A_251 : i32 to index
          %get3A_307 = arith.constant 96 : index
          %get3A_308 = tpu.vector_load %arg15[%get3A_306, %get3A_307] {strides = array<i32>} : memref<128x128xbf16, #tpu.memory_space<vmem>>, vector<32xbf16>,
          %unpack3A_309 = tpu.unpack_subelements %get3A_308, 0 {pack_format = #tpu.pack_format<interleaved>} : vector<32xbf16> -> vector<16xf32>
          %unpack3A_310 = tpu.unpack_subelements %get3A_308, 1 {pack_format = #tpu.pack_format<interleaved>} : vector<32xbf16> -> vector<16xf32>
          %get3A_311 = arith.index_cast %add3A_251 : i32 to index
          %get3A_312 = arith.constant 96 : index
          %get3A_313 = tpu.vector_load %arg17[%get3A_311, %get3A_312] {strides = array<i32>} : memref<128x128xbf16, #tpu.memory_space<vmem>>, vector<32xbf16>,
          %unpack3A_314 = tpu.unpack_subelements %get3A_313, 0 {pack_format = #tpu.pack_format<interleaved>} : vector<32xbf16> -> vector<16xf32>
          %unpack3A_315 = tpu.unpack_subelements %get3A_313, 1 {pack_format = #tpu.pack_format<interleaved>} : vector<32xbf16> -> vector<16xf32>
          %add3A_316 = arith.addf %unpack3A_309, %unpack3A_314 : vector<16xf32>
          %swap3A_317 = arith.index_cast %add3A_251 : i32 to index
          %swap3A_318 = arith.constant 96 : index
          %swap3A_319 = tpu.vector_load %arg23[%swap3A_317, %swap3A_318] {strides = array<i32>} : memref<128x128xf32, #tpu.memory_space<vmem>>, vector<16xf32>,
          tpu.vector_store %arg23[%swap3A_317, %swap3A_318], %add3A_316 {strides = array<i32>} : memref<128x128xf32, #tpu.memory_space<vmem>>, vector<16xf32>,
          %add3A_320 = arith.addf %unpack3A_310, %unpack3A_315 : vector<16xf32>
          %swap3A_321 = arith.index_cast %add3A_251 : i32 to index
          %swap3A_322 = arith.constant 112 : index
          %swap3A_323 = tpu.vector_load %arg23[%swap3A_321, %swap3A_322] {strides = array<i32>} : memref<128x128xf32, #tpu.memory_space<vmem>>, vector<16xf32>,
          tpu.vector_store %arg23[%swap3A_321, %swap3A_322], %add3A_320 {strides = array<i32>} : memref<128x128xf32, #tpu.memory_space<vmem>>, vector<16xf32>,
          %get3A_324 = arith.index_cast %add3A_251 : i32 to index
          %get3A_325 = arith.constant 0 : index
          %get3A_326 = tpu.vector_load %arg19[%get3A_324, %get3A_325] {strides = array<i32>} : memref<128x16xf32, #tpu.memory_space<vmem>>, vector<16xf32>,
          %swap3A_327 = arith.index_cast %add3A_164 : i32 to index
          %swap3A_328 = arith.constant 16 : index
          %swap3A_329 = tpu.vector_load %arg25[%swap3A_327, %swap3A_328] {strides = array<i32>} : memref<16x128xf32, #tpu.memory_space<vmem>>, vector<16xf32>,
          tpu.vector_store %arg25[%swap3A_327, %swap3A_328], %get3A_326 {strides = array<i32>} : memref<16x128xf32, #tpu.memory_space<vmem>>, vector<16xf32>,
          %get3A_330 = arith.index_cast %add3A_251 : i32 to index
          %get3A_331 = arith.constant 0 : index
          %get3A_332 = tpu.vector_load %arg21[%get3A_330, %get3A_331] {strides = array<i32>} : memref<128x16xf32, #tpu.memory_space<vmem>>, vector<16xf32>,
          %swap3A_333 = arith.index_cast %add3A_164 : i32 to index
          %swap3A_334 = arith.constant 16 : index
          %swap3A_335 = tpu.vector_load %arg27[%swap3A_333, %swap3A_334] {strides = array<i32>} : memref<16x128xf32, #tpu.memory_space<vmem>>, vector<16xf32>,
          tpu.vector_store %arg27[%swap3A_333, %swap3A_334], %get3A_332 {strides = array<i32>} : memref<16x128xf32, #tpu.memory_space<vmem>>, vector<16xf32>,
          %add3A_336 = arith.constant 2 : i32
          %add3A_337 = arith.addi %mul3A_166, %add3A_336 : i32
          %get3A_338 = arith.index_cast %add3A_337 : i32 to index
          %get3A_339 = arith.constant 0 : index
          %get3A_340 = tpu.vector_load %arg15[%get3A_338, %get3A_339] {strides = array<i32>} : memref<128x128xbf16, #tpu.memory_space<vmem>>, vector<32xbf16>,
          %unpack3A_341 = tpu.unpack_subelements %get3A_340, 0 {pack_format = #tpu.pack_format<interleaved>} : vector<32xbf16> -> vector<16xf32>
          %unpack3A_342 = tpu.unpack_subelements %get3A_340, 1 {pack_format = #tpu.pack_format<interleaved>} : vector<32xbf16> -> vector<16xf32>
          %get3A_343 = arith.index_cast %add3A_337 : i32 to index
          %get3A_344 = arith.constant 0 : index
          %get3A_345 = tpu.vector_load %arg17[%get3A_343, %get3A_344] {strides = array<i32>} : memref<128x128xbf16, #tpu.memory_space<vmem>>, vector<32xbf16>,
          %unpack3A_346 = tpu.unpack_subelements %get3A_345, 0 {pack_format = #tpu.pack_format<interleaved>} : vector<32xbf16> -> vector<16xf32>
          %unpack3A_347 = tpu.unpack_subelements %get3A_345, 1 {pack_format = #tpu.pack_format<interleaved>} : vector<32xbf16> -> vector<16xf32>
          %add3A_348 = arith.addf %unpack3A_341, %unpack3A_346 : vector<16xf32>
          %swap3A_349 = arith.index_cast %add3A_337 : i32 to index
          %swap3A_350 = arith.constant 0 : index
          %swap3A_351 = tpu.vector_load %arg23[%swap3A_349, %swap3A_350] {strides = array<i32>} : memref<128x128xf32, #tpu.memory_space<vmem>>, vector<16xf32>,
          tpu.vector_store %arg23[%swap3A_349, %swap3A_350], %add3A_348 {strides = array<i32>} : memref<128x128xf32, #tpu.memory_space<vmem>>, vector<16xf32>,
          %add3A_352 = arith.addf %unpack3A_342, %unpack3A_347 : vector<16xf32>
          %swap3A_353 = arith.index_cast %add3A_337 : i32 to index
          %swap3A_354 = arith.constant 16 : index
          %swap3A_355 = tpu.vector_load %arg23[%swap3A_353, %swap3A_354] {strides = array<i32>} : memref<128x128xf32, #tpu.memory_space<vmem>>, vector<16xf32>,
          tpu.vector_store %arg23[%swap3A_353, %swap3A_354], %add3A_352 {strides = array<i32>} : memref<128x128xf32, #tpu.memory_space<vmem>>, vector<16xf32>,
          %get3A_356 = arith.index_cast %add3A_337 : i32 to index
          %get3A_357 = arith.constant 32 : index
          %get3A_358 = tpu.vector_load %arg15[%get3A_356, %get3A_357] {strides = array<i32>} : memref<128x128xbf16, #tpu.memory_space<vmem>>, vector<32xbf16>,
          %unpack3A_359 = tpu.unpack_subelements %get3A_358, 0 {pack_format = #tpu.pack_format<interleaved>} : vector<32xbf16> -> vector<16xf32>
          %unpack3A_360 = tpu.unpack_subelements %get3A_358, 1 {pack_format = #tpu.pack_format<interleaved>} : vector<32xbf16> -> vector<16xf32>
          %get3A_361 = arith.index_cast %add3A_337 : i32 to index
          %get3A_362 = arith.constant 32 : index
          %get3A_363 = tpu.vector_load %arg17[%get3A_361, %get3A_362] {strides = array<i32>} : memref<128x128xbf16, #tpu.memory_space<vmem>>, vector<32xbf16>,
          %unpack3A_364 = tpu.unpack_subelements %get3A_363, 0 {pack_format = #tpu.pack_format<interleaved>} : vector<32xbf16> -> vector<16xf32>
          %unpack3A_365 = tpu.unpack_subelements %get3A_363, 1 {pack_format = #tpu.pack_format<interleaved>} : vector<32xbf16> -> vector<16xf32>
          %add3A_366 = arith.addf %unpack3A_359, %unpack3A_364 : vector<16xf32>
          %swap3A_367 = arith.index_cast %add3A_337 : i32 to index
          %swap3A_368 = arith.constant 32 : index
          %swap3A_369 = tpu.vector_load %arg23[%swap3A_367, %swap3A_368] {strides = array<i32>} : memref<128x128xf32, #tpu.memory_space<vmem>>, vector<16xf32>,
          tpu.vector_store %arg23[%swap3A_367, %swap3A_368], %add3A_366 {strides = array<i32>} : memref<128x128xf32, #tpu.memory_space<vmem>>, vector<16xf32>,
          %add3A_370 = arith.addf %unpack3A_360, %unpack3A_365 : vector<16xf32>
          %swap3A_371 = arith.index_cast %add3A_337 : i32 to index
          %swap3A_372 = arith.constant 48 : index
          %swap3A_373 = tpu.vector_load %arg23[%swap3A_371, %swap3A_372] {strides = array<i32>} : memref<128x128xf32, #tpu.memory_space<vmem>>, vector<16xf32>,
          tpu.vector_store %arg23[%swap3A_371, %swap3A_372], %add3A_370 {strides = array<i32>} : memref<128x128xf32, #tpu.memory_space<vmem>>, vector<16xf32>,
          %get3A_374 = arith.index_cast %add3A_337 : i32 to index
          %get3A_375 = arith.constant 64 : index
          %get3A_376 = tpu.vector_load %arg15[%get3A_374, %get3A_375] {strides = array<i32>} : memref<128x128xbf16, #tpu.memory_space<vmem>>, vector<32xbf16>,
          %unpack3A_377 = tpu.unpack_subelements %get3A_376, 0 {pack_format = #tpu.pack_format<interleaved>} : vector<32xbf16> -> vector<16xf32>
          %unpack3A_378 = tpu.unpack_subelements %get3A_376, 1 {pack_format = #tpu.pack_format<interleaved>} : vector<32xbf16> -> vector<16xf32>
          %get3A_379 = arith.index_cast %add3A_337 : i32 to index
          %get3A_380 = arith.constant 64 : index
          %get3A_381 = tpu.vector_load %arg17[%get3A_379, %get3A_380] {strides = array<i32>} : memref<128x128xbf16, #tpu.memory_space<vmem>>, vector<32xbf16>,
          %unpack3A_382 = tpu.unpack_subelements %get3A_381, 0 {pack_format = #tpu.pack_format<interleaved>} : vector<32xbf16> -> vector<16xf32>
          %unpack3A_383 = tpu.unpack_subelements %get3A_381, 1 {pack_format = #tpu.pack_format<interleaved>} : vector<32xbf16> -> vector<16xf32>
          %add3A_384 = arith.addf %unpack3A_377, %unpack3A_382 : vector<16xf32>
          %swap3A_385 = arith.index_cast %add3A_337 : i32 to index
          %swap3A_386 = arith.constant 64 : index
          %swap3A_387 = tpu.vector_load %arg23[%swap3A_385, %swap3A_386] {strides = array<i32>} : memref<128x128xf32, #tpu.memory_space<vmem>>, vector<16xf32>,
          tpu.vector_store %arg23[%swap3A_385, %swap3A_386], %add3A_384 {strides = array<i32>} : memref<128x128xf32, #tpu.memory_space<vmem>>, vector<16xf32>,
          %add3A_388 = arith.addf %unpack3A_378, %unpack3A_383 : vector<16xf32>
          %swap3A_389 = arith.index_cast %add3A_337 : i32 to index
          %swap3A_390 = arith.constant 80 : index
          %swap3A_391 = tpu.vector_load %arg23[%swap3A_389, %swap3A_390] {strides = array<i32>} : memref<128x128xf32, #tpu.memory_space<vmem>>, vector<16xf32>,
          tpu.vector_store %arg23[%swap3A_389, %swap3A_390], %add3A_388 {strides = array<i32>} : memref<128x128xf32, #tpu.memory_space<vmem>>, vector<16xf32>,
          %get3A_392 = arith.index_cast %add3A_337 : i32 to index
          %get3A_393 = arith.constant 96 : index
          %get3A_394 = tpu.vector_load %arg15[%get3A_392, %get3A_393] {strides = array<i32>} : memref<128x128xbf16, #tpu.memory_space<vmem>>, vector<32xbf16>,
          %unpack3A_395 = tpu.unpack_subelements %get3A_394, 0 {pack_format = #tpu.pack_format<interleaved>} : vector<32xbf16> -> vector<16xf32>
          %unpack3A_396 = tpu.unpack_subelements %get3A_394, 1 {pack_format = #tpu.pack_format<interleaved>} : vector<32xbf16> -> vector<16xf32>
          %get3A_397 = arith.index_cast %add3A_337 : i32 to index
          %get3A_398 = arith.constant 96 : index
          %get3A_399 = tpu.vector_load %arg17[%get3A_397, %get3A_398] {strides = array<i32>} : memref<128x128xbf16, #tpu.memory_space<vmem>>, vector<32xbf16>,
          %unpack3A_400 = tpu.unpack_subelements %get3A_399, 0 {pack_format = #tpu.pack_format<interleaved>} : vector<32xbf16> -> vector<16xf32>
          %unpack3A_401 = tpu.unpack_subelements %get3A_399, 1 {pack_format = #tpu.pack_format<interleaved>} : vector<32xbf16> -> vector<16xf32>
          %add3A_402 = arith.addf %unpack3A_395, %unpack3A_400 : vector<16xf32>
          %swap3A_403 = arith.index_cast %add3A_337 : i32 to index
          %swap3A_404 = arith.constant 96 : index
          %swap3A_405 = tpu.vector_load %arg23[%swap3A_403, %swap3A_404] {strides = array<i32>} : memref<128x128xf32, #tpu.memory_space<vmem>>, vector<16xf32>,
          tpu.vector_store %arg23[%swap3A_403, %swap3A_404], %add3A_402 {strides = array<i32>} : memref<128x128xf32, #tpu.memory_space<vmem>>, vector<16xf32>,
          %add3A_406 = arith.addf %unpack3A_396, %unpack3A_401 : vector<16xf32>
          %swap3A_407 = arith.index_cast %add3A_337 : i32 to index
          %swap3A_408 = arith.constant 112 : index
          %swap3A_409 = tpu.vector_load %arg23[%swap3A_407, %swap3A_408] {strides = array<i32>} : memref<128x128xf32, #tpu.memory_space<vmem>>, vector<16xf32>,
          tpu.vector_store %arg23[%swap3A_407, %swap3A_408], %add3A_406 {strides = array<i32>} : memref<128x128xf32, #tpu.memory_space<vmem>>, vector<16xf32>,
          %get3A_410 = arith.index_cast %add3A_337 : i32 to index
          %get3A_411 = arith.constant 0 : index
          %get3A_412 = tpu.vector_load %arg19[%get3A_410, %get3A_411] {strides = array<i32>} : memref<128x16xf32, #tpu.memory_space<vmem>>, vector<16xf32>,
          %swap3A_413 = arith.index_cast %add3A_164 : i32 to index
          %swap3A_414 = arith.constant 32 : index
          %swap3A_415 = tpu.vector_load %arg25[%swap3A_413, %swap3A_414] {strides = array<i32>} : memref<16x128xf32, #tpu.memory_space<vmem>>, vector<16xf32>,
          tpu.vector_store %arg25[%swap3A_413, %swap3A_414], %get3A_412 {strides = array<i32>} : memref<16x128xf32, #tpu.memory_space<vmem>>, vector<16xf32>,
          %get3A_416 = arith.index_cast %add3A_337 : i32 to index
          %get3A_417 = arith.constant 0 : index
          %get3A_418 = tpu.vector_load %arg21[%get3A_416, %get3A_417] {strides = array<i32>} : memref<128x16xf32, #tpu.memory_space<vmem>>, vector<16xf32>,
          %swap3A_419 = arith.index_cast %add3A_164 : i32 to index
          %swap3A_420 = arith.constant 32 : index
          %swap3A_421 = tpu.vector_load %arg27[%swap3A_419, %swap3A_420] {strides = array<i32>} : memref<16x128xf32, #tpu.memory_space<vmem>>, vector<16xf32>,
          tpu.vector_store %arg27[%swap3A_419, %swap3A_420], %get3A_418 {strides = array<i32>} : memref<16x128xf32, #tpu.memory_space<vmem>>, vector<16xf32>,
          %add3A_422 = arith.constant 3 : i32
          %add3A_423 = arith.addi %mul3A_166, %add3A_422 : i32
          %get3A_424 = arith.index_cast %add3A_423 : i32 to index
          %get3A_425 = arith.constant 0 : index
          %get3A_426 = tpu.vector_load %arg15[%get3A_424, %get3A_425] {strides = array<i32>} : memref<128x128xbf16, #tpu.memory_space<vmem>>, vector<32xbf16>,
          %unpack3A_427 = tpu.unpack_subelements %get3A_426, 0 {pack_format = #tpu.pack_format<interleaved>} : vector<32xbf16> -> vector<16xf32>
          %unpack3A_428 = tpu.unpack_subelements %get3A_426, 1 {pack_format = #tpu.pack_format<interleaved>} : vector<32xbf16> -> vector<16xf32>
          %get3A_429 = arith.index_cast %add3A_423 : i32 to index
          %get3A_430 = arith.constant 0 : index
          %get3A_431 = tpu.vector_load %arg17[%get3A_429, %get3A_430] {strides = array<i32>} : memref<128x128xbf16, #tpu.memory_space<vmem>>, vector<32xbf16>,
          %unpack3A_432 = tpu.unpack_subelements %get3A_431, 0 {pack_format = #tpu.pack_format<interleaved>} : vector<32xbf16> -> vector<16xf32>
          %unpack3A_433 = tpu.unpack_subelements %get3A_431, 1 {pack_format = #tpu.pack_format<interleaved>} : vector<32xbf16> -> vector<16xf32>
          %add3A_434 = arith.addf %unpack3A_427, %unpack3A_432 : vector<16xf32>
          %swap3A_435 = arith.index_cast %add3A_423 : i32 to index
          %swap3A_436 = arith.constant 0 : index
          %swap3A_437 = tpu.vector_load %arg23[%swap3A_435, %swap3A_436] {strides = array<i32>} : memref<128x128xf32, #tpu.memory_space<vmem>>, vector<16xf32>,
          tpu.vector_store %arg23[%swap3A_435, %swap3A_436], %add3A_434 {strides = array<i32>} : memref<128x128xf32, #tpu.memory_space<vmem>>, vector<16xf32>,
          %add3A_438 = arith.addf %unpack3A_428, %unpack3A_433 : vector<16xf32>
          %swap3A_439 = arith.index_cast %add3A_423 : i32 to index
          %swap3A_440 = arith.constant 16 : index
          %swap3A_441 = tpu.vector_load %arg23[%swap3A_439, %swap3A_440] {strides = array<i32>} : memref<128x128xf32, #tpu.memory_space<vmem>>, vector<16xf32>,
          tpu.vector_store %arg23[%swap3A_439, %swap3A_440], %add3A_438 {strides = array<i32>} : memref<128x128xf32, #tpu.memory_space<vmem>>, vector<16xf32>,
          %get3A_442 = arith.index_cast %add3A_423 : i32 to index
          %get3A_443 = arith.constant 32 : index
          %get3A_444 = tpu.vector_load %arg15[%get3A_442, %get3A_443] {strides = array<i32>} : memref<128x128xbf16, #tpu.memory_space<vmem>>, vector<32xbf16>,
          %unpack3A_445 = tpu.unpack_subelements %get3A_444, 0 {pack_format = #tpu.pack_format<interleaved>} : vector<32xbf16> -> vector<16xf32>
          %unpack3A_446 = tpu.unpack_subelements %get3A_444, 1 {pack_format = #tpu.pack_format<interleaved>} : vector<32xbf16> -> vector<16xf32>
          %get3A_447 = arith.index_cast %add3A_423 : i32 to index
          %get3A_448 = arith.constant 32 : index
          %get3A_449 = tpu.vector_load %arg17[%get3A_447, %get3A_448] {strides = array<i32>} : memref<128x128xbf16, #tpu.memory_space<vmem>>, vector<32xbf16>,
          %unpack3A_450 = tpu.unpack_subelements %get3A_449, 0 {pack_format = #tpu.pack_format<interleaved>} : vector<32xbf16> -> vector<16xf32>
          %unpack3A_451 = tpu.unpack_subelements %get3A_449, 1 {pack_format = #tpu.pack_format<interleaved>} : vector<32xbf16> -> vector<16xf32>
          %add3A_452 = arith.addf %unpack3A_445, %unpack3A_450 : vector<16xf32>
          %swap3A_453 = arith.index_cast %add3A_423 : i32 to index
          %swap3A_454 = arith.constant 32 : index
          %swap3A_455 = tpu.vector_load %arg23[%swap3A_453, %swap3A_454] {strides = array<i32>} : memref<128x128xf32, #tpu.memory_space<vmem>>, vector<16xf32>,
          tpu.vector_store %arg23[%swap3A_453, %swap3A_454], %add3A_452 {strides = array<i32>} : memref<128x128xf32, #tpu.memory_space<vmem>>, vector<16xf32>,
          %add3A_456 = arith.addf %unpack3A_446, %unpack3A_451 : vector<16xf32>
          %swap3A_457 = arith.index_cast %add3A_423 : i32 to index
          %swap3A_458 = arith.constant 48 : index
          %swap3A_459 = tpu.vector_load %arg23[%swap3A_457, %swap3A_458] {strides = array<i32>} : memref<128x128xf32, #tpu.memory_space<vmem>>, vector<16xf32>,
          tpu.vector_store %arg23[%swap3A_457, %swap3A_458], %add3A_456 {strides = array<i32>} : memref<128x128xf32, #tpu.memory_space<vmem>>, vector<16xf32>,
          %get3A_460 = arith.index_cast %add3A_423 : i32 to index
          %get3A_461 = arith.constant 64 : index
          %get3A_462 = tpu.vector_load %arg15[%get3A_460, %get3A_461] {strides = array<i32>} : memref<128x128xbf16, #tpu.memory_space<vmem>>, vector<32xbf16>,
          %unpack3A_463 = tpu.unpack_subelements %get3A_462, 0 {pack_format = #tpu.pack_format<interleaved>} : vector<32xbf16> -> vector<16xf32>
          %unpack3A_464 = tpu.unpack_subelements %get3A_462, 1 {pack_format = #tpu.pack_format<interleaved>} : vector<32xbf16> -> vector<16xf32>
          %get3A_465 = arith.index_cast %add3A_423 : i32 to index
          %get3A_466 = arith.constant 64 : index
          %get3A_467 = tpu.vector_load %arg17[%get3A_465, %get3A_466] {strides = array<i32>} : memref<128x128xbf16, #tpu.memory_space<vmem>>, vector<32xbf16>,
          %unpack3A_468 = tpu.unpack_subelements %get3A_467, 0 {pack_format = #tpu.pack_format<interleaved>} : vector<32xbf16> -> vector<16xf32>
          %unpack3A_469 = tpu.unpack_subelements %get3A_467, 1 {pack_format = #tpu.pack_format<interleaved>} : vector<32xbf16> -> vector<16xf32>
          %add3A_470 = arith.addf %unpack3A_463, %unpack3A_468 : vector<16xf32>
          %swap3A_471 = arith.index_cast %add3A_423 : i32 to index
          %swap3A_472 = arith.constant 64 : index
          %swap3A_473 = tpu.vector_load %arg23[%swap3A_471, %swap3A_472] {strides = array<i32>} : memref<128x128xf32, #tpu.memory_space<vmem>>, vector<16xf32>,
          tpu.vector_store %arg23[%swap3A_471, %swap3A_472], %add3A_470 {strides = array<i32>} : memref<128x128xf32, #tpu.memory_space<vmem>>, vector<16xf32>,
          %add3A_474 = arith.addf %unpack3A_464, %unpack3A_469 : vector<16xf32>
          %swap3A_475 = arith.index_cast %add3A_423 : i32 to index
          %swap3A_476 = arith.constant 80 : index
          %swap3A_477 = tpu.vector_load %arg23[%swap3A_475, %swap3A_476] {strides = array<i32>} : memref<128x128xf32, #tpu.memory_space<vmem>>, vector<16xf32>,
          tpu.vector_store %arg23[%swap3A_475, %swap3A_476], %add3A_474 {strides = array<i32>} : memref<128x128xf32, #tpu.memory_space<vmem>>, vector<16xf32>,
          %get3A_478 = arith.index_cast %add3A_423 : i32 to index
          %get3A_479 = arith.constant 96 : index
          %get3A_480 = tpu.vector_load %arg15[%get3A_478, %get3A_479] {strides = array<i32>} : memref<128x128xbf16, #tpu.memory_space<vmem>>, vector<32xbf16>,
          %unpack3A_481 = tpu.unpack_subelements %get3A_480, 0 {pack_format = #tpu.pack_format<interleaved>} : vector<32xbf16> -> vector<16xf32>
          %unpack3A_482 = tpu.unpack_subelements %get3A_480, 1 {pack_format = #tpu.pack_format<interleaved>} : vector<32xbf16> -> vector<16xf32>
          %get3A_483 = arith.index_cast %add3A_423 : i32 to index
          %get3A_484 = arith.constant 96 : index
          %get3A_485 = tpu.vector_load %arg17[%get3A_483, %get3A_484] {strides = array<i32>} : memref<128x128xbf16, #tpu.memory_space<vmem>>, vector<32xbf16>,
          %unpack3A_486 = tpu.unpack_subelements %get3A_485, 0 {pack_format = #tpu.pack_format<interleaved>} : vector<32xbf16> -> vector<16xf32>
          %unpack3A_487 = tpu.unpack_subelements %get3A_485, 1 {pack_format = #tpu.pack_format<interleaved>} : vector<32xbf16> -> vector<16xf32>
          %add3A_488 = arith.addf %unpack3A_481, %unpack3A_486 : vector<16xf32>
          %swap3A_489 = arith.index_cast %add3A_423 : i32 to index
          %swap3A_490 = arith.constant 96 : index
          %swap3A_491 = tpu.vector_load %arg23[%swap3A_489, %swap3A_490] {strides = array<i32>} : memref<128x128xf32, #tpu.memory_space<vmem>>, vector<16xf32>,
          tpu.vector_store %arg23[%swap3A_489, %swap3A_490], %add3A_488 {strides = array<i32>} : memref<128x128xf32, #tpu.memory_space<vmem>>, vector<16xf32>,
          %add3A_492 = arith.addf %unpack3A_482, %unpack3A_487 : vector<16xf32>
          %swap3A_493 = arith.index_cast %add3A_423 : i32 to index
          %swap3A_494 = arith.constant 112 : index
          %swap3A_495 = tpu.vector_load %arg23[%swap3A_493, %swap3A_494] {strides = array<i32>} : memref<128x128xf32, #tpu.memory_space<vmem>>, vector<16xf32>,
          tpu.vector_store %arg23[%swap3A_493, %swap3A_494], %add3A_492 {strides = array<i32>} : memref<128x128xf32, #tpu.memory_space<vmem>>, vector<16xf32>,
          %get3A_496 = arith.index_cast %add3A_423 : i32 to index
          %get3A_497 = arith.constant 0 : index
          %get3A_498 = tpu.vector_load %arg19[%get3A_496, %get3A_497] {strides = array<i32>} : memref<128x16xf32, #tpu.memory_space<vmem>>, vector<16xf32>,
          %swap3A_499 = arith.index_cast %add3A_164 : i32 to index
          %swap3A_500 = arith.constant 48 : index
          %swap3A_501 = tpu.vector_load %arg25[%swap3A_499, %swap3A_500] {strides = array<i32>} : memref<16x128xf32, #tpu.memory_space<vmem>>, vector<16xf32>,
          tpu.vector_store %arg25[%swap3A_499, %swap3A_500], %get3A_498 {strides = array<i32>} : memref<16x128xf32, #tpu.memory_space<vmem>>, vector<16xf32>,
          %get3A_502 = arith.index_cast %add3A_423 : i32 to index
          %get3A_503 = arith.constant 0 : index
          %get3A_504 = tpu.vector_load %arg21[%get3A_502, %get3A_503] {strides = array<i32>} : memref<128x16xf32, #tpu.memory_space<vmem>>, vector<16xf32>,
          %swap3A_505 = arith.index_cast %add3A_164 : i32 to index
          %swap3A_506 = arith.constant 48 : index
          %swap3A_507 = tpu.vector_load %arg27[%swap3A_505, %swap3A_506] {strides = array<i32>} : memref<16x128xf32, #tpu.memory_space<vmem>>, vector<16xf32>,
          tpu.vector_store %arg27[%swap3A_505, %swap3A_506], %get3A_504 {strides = array<i32>} : memref<16x128xf32, #tpu.memory_space<vmem>>, vector<16xf32>,
          %add3A_508 = arith.constant 4 : i32
          %add3A_509 = arith.addi %mul3A_166, %add3A_508 : i32
          %get3A_510 = arith.index_cast %add3A_509 : i32 to index
          %get3A_511 = arith.constant 0 : index
          %get3A_512 = tpu.vector_load %arg15[%get3A_510, %get3A_511] {strides = array<i32>} : memref<128x128xbf16, #tpu.memory_space<vmem>>, vector<32xbf16>,
          %unpack3A_513 = tpu.unpack_subelements %get3A_512, 0 {pack_format = #tpu.pack_format<interleaved>} : vector<32xbf16> -> vector<16xf32>
          %unpack3A_514 = tpu.unpack_subelements %get3A_512, 1 {pack_format = #tpu.pack_format<interleaved>} : vector<32xbf16> -> vector<16xf32>
          %get3A_515 = arith.index_cast %add3A_509 : i32 to index
          %get3A_516 = arith.constant 0 : index
          %get3A_517 = tpu.vector_load %arg17[%get3A_515, %get3A_516] {strides = array<i32>} : memref<128x128xbf16, #tpu.memory_space<vmem>>, vector<32xbf16>,
          %unpack3A_518 = tpu.unpack_subelements %get3A_517, 0 {pack_format = #tpu.pack_format<interleaved>} : vector<32xbf16> -> vector<16xf32>
          %unpack3A_519 = tpu.unpack_subelements %get3A_517, 1 {pack_format = #tpu.pack_format<interleaved>} : vector<32xbf16> -> vector<16xf32>
          %add3A_520 = arith.addf %unpack3A_513, %unpack3A_518 : vector<16xf32>
          %swap3A_521 = arith.index_cast %add3A_509 : i32 to index
          %swap3A_522 = arith.constant 0 : index
          %swap3A_523 = tpu.vector_load %arg23[%swap3A_521, %swap3A_522] {strides = array<i32>} : memref<128x128xf32, #tpu.memory_space<vmem>>, vector<16xf32>,
          tpu.vector_store %arg23[%swap3A_521, %swap3A_522], %add3A_520 {strides = array<i32>} : memref<128x128xf32, #tpu.memory_space<vmem>>, vector<16xf32>,
          %add3A_524 = arith.addf %unpack3A_514, %unpack3A_519 : vector<16xf32>
          %swap3A_525 = arith.index_cast %add3A_509 : i32 to index
          %swap3A_526 = arith.constant 16 : index
          %swap3A_527 = tpu.vector_load %arg23[%swap3A_525, %swap3A_526] {strides = array<i32>} : memref<128x128xf32, #tpu.memory_space<vmem>>, vector<16xf32>,
          tpu.vector_store %arg23[%swap3A_525, %swap3A_526], %add3A_524 {strides = array<i32>} : memref<128x128xf32, #tpu.memory_space<vmem>>, vector<16xf32>,
          %get3A_528 = arith.index_cast %add3A_509 : i32 to index
          %get3A_529 = arith.constant 32 : index
          %get3A_530 = tpu.vector_load %arg15[%get3A_528, %get3A_529] {strides = array<i32>} : memref<128x128xbf16, #tpu.memory_space<vmem>>, vector<32xbf16>,
          %unpack3A_531 = tpu.unpack_subelements %get3A_530, 0 {pack_format = #tpu.pack_format<interleaved>} : vector<32xbf16> -> vector<16xf32>
          %unpack3A_532 = tpu.unpack_subelements %get3A_530, 1 {pack_format = #tpu.pack_format<interleaved>} : vector<32xbf16> -> vector<16xf32>
          %get3A_533 = arith.index_cast %add3A_509 : i32 to index
          %get3A_534 = arith.constant 32 : index
          %get3A_535 = tpu.vector_load %arg17[%get3A_533, %get3A_534] {strides = array<i32>} : memref<128x128xbf16, #tpu.memory_space<vmem>>, vector<32xbf16>,
          %unpack3A_536 = tpu.unpack_subelements %get3A_535, 0 {pack_format = #tpu.pack_format<interleaved>} : vector<32xbf16> -> vector<16xf32>
          %unpack3A_537 = tpu.unpack_subelements %get3A_535, 1 {pack_format = #tpu.pack_format<interleaved>} : vector<32xbf16> -> vector<16xf32>
          %add3A_538 = arith.addf %unpack3A_531, %unpack3A_536 : vector<16xf32>
          %swap3A_539 = arith.index_cast %add3A_509 : i32 to index
          %swap3A_540 = arith.constant 32 : index
          %swap3A_541 = tpu.vector_load %arg23[%swap3A_539, %swap3A_540] {strides = array<i32>} : memref<128x128xf32, #tpu.memory_space<vmem>>, vector<16xf32>,
          tpu.vector_store %arg23[%swap3A_539, %swap3A_540], %add3A_538 {strides = array<i32>} : memref<128x128xf32, #tpu.memory_space<vmem>>, vector<16xf32>,
          %add3A_542 = arith.addf %unpack3A_532, %unpack3A_537 : vector<16xf32>
          %swap3A_543 = arith.index_cast %add3A_509 : i32 to index
          %swap3A_544 = arith.constant 48 : index
          %swap3A_545 = tpu.vector_load %arg23[%swap3A_543, %swap3A_544] {strides = array<i32>} : memref<128x128xf32, #tpu.memory_space<vmem>>, vector<16xf32>,
          tpu.vector_store %arg23[%swap3A_543, %swap3A_544], %add3A_542 {strides = array<i32>} : memref<128x128xf32, #tpu.memory_space<vmem>>, vector<16xf32>,
          %get3A_546 = arith.index_cast %add3A_509 : i32 to index
          %get3A_547 = arith.constant 64 : index
          %get3A_548 = tpu.vector_load %arg15[%get3A_546, %get3A_547] {strides = array<i32>} : memref<128x128xbf16, #tpu.memory_space<vmem>>, vector<32xbf16>,
          %unpack3A_549 = tpu.unpack_subelements %get3A_548, 0 {pack_format = #tpu.pack_format<interleaved>} : vector<32xbf16> -> vector<16xf32>
          %unpack3A_550 = tpu.unpack_subelements %get3A_548, 1 {pack_format = #tpu.pack_format<interleaved>} : vector<32xbf16> -> vector<16xf32>
          %get3A_551 = arith.index_cast %add3A_509 : i32 to index
          %get3A_552 = arith.constant 64 : index
          %get3A_553 = tpu.vector_load %arg17[%get3A_551, %get3A_552] {strides = array<i32>} : memref<128x128xbf16, #tpu.memory_space<vmem>>, vector<32xbf16>,
          %unpack3A_554 = tpu.unpack_subelements %get3A_553, 0 {pack_format = #tpu.pack_format<interleaved>} : vector<32xbf16> -> vector<16xf32>
          %unpack3A_555 = tpu.unpack_subelements %get3A_553, 1 {pack_format = #tpu.pack_format<interleaved>} : vector<32xbf16> -> vector<16xf32>
          %add3A_556 = arith.addf %unpack3A_549, %unpack3A_554 : vector<16xf32>
          %swap3A_557 = arith.index_cast %add3A_509 : i32 to index
          %swap3A_558 = arith.constant 64 : index
          %swap3A_559 = tpu.vector_load %arg23[%swap3A_557, %swap3A_558] {strides = array<i32>} : memref<128x128xf32, #tpu.memory_space<vmem>>, vector<16xf32>,
          tpu.vector_store %arg23[%swap3A_557, %swap3A_558], %add3A_556 {strides = array<i32>} : memref<128x128xf32, #tpu.memory_space<vmem>>, vector<16xf32>,
          %add3A_560 = arith.addf %unpack3A_550, %unpack3A_555 : vector<16xf32>
          %swap3A_561 = arith.index_cast %add3A_509 : i32 to index
          %swap3A_562 = arith.constant 80 : index
          %swap3A_563 = tpu.vector_load %arg23[%swap3A_561, %swap3A_562] {strides = array<i32>} : memref<128x128xf32, #tpu.memory_space<vmem>>, vector<16xf32>,
          tpu.vector_store %arg23[%swap3A_561, %swap3A_562], %add3A_560 {strides = array<i32>} : memref<128x128xf32, #tpu.memory_space<vmem>>, vector<16xf32>,
          %get3A_564 = arith.index_cast %add3A_509 : i32 to index
          %get3A_565 = arith.constant 96 : index
          %get3A_566 = tpu.vector_load %arg15[%get3A_564, %get3A_565] {strides = array<i32>} : memref<128x128xbf16, #tpu.memory_space<vmem>>, vector<32xbf16>,
          %unpack3A_567 = tpu.unpack_subelements %get3A_566, 0 {pack_format = #tpu.pack_format<interleaved>} : vector<32xbf16> -> vector<16xf32>
          %unpack3A_568 = tpu.unpack_subelements %get3A_566, 1 {pack_format = #tpu.pack_format<interleaved>} : vector<32xbf16> -> vector<16xf32>
          %get3A_569 = arith.index_cast %add3A_509 : i32 to index
          %get3A_570 = arith.constant 96 : index
          %get3A_571 = tpu.vector_load %arg17[%get3A_569, %get3A_570] {strides = array<i32>} : memref<128x128xbf16, #tpu.memory_space<vmem>>, vector<32xbf16>,
          %unpack3A_572 = tpu.unpack_subelements %get3A_571, 0 {pack_format = #tpu.pack_format<interleaved>} : vector<32xbf16> -> vector<16xf32>
          %unpack3A_573 = tpu.unpack_subelements %get3A_571, 1 {pack_format = #tpu.pack_format<interleaved>} : vector<32xbf16> -> vector<16xf32>
          %add3A_574 = arith.addf %unpack3A_567, %unpack3A_572 : vector<16xf32>
          %swap3A_575 = arith.index_cast %add3A_509 : i32 to index
          %swap3A_576 = arith.constant 96 : index
          %swap3A_577 = tpu.vector_load %arg23[%swap3A_575, %swap3A_576] {strides = array<i32>} : memref<128x128xf32, #tpu.memory_space<vmem>>, vector<16xf32>,
          tpu.vector_store %arg23[%swap3A_575, %swap3A_576], %add3A_574 {strides = array<i32>} : memref<128x128xf32, #tpu.memory_space<vmem>>, vector<16xf32>,
          %add3A_578 = arith.addf %unpack3A_568, %unpack3A_573 : vector<16xf32>
          %swap3A_579 = arith.index_cast %add3A_509 : i32 to index
          %swap3A_580 = arith.constant 112 : index
          %swap3A_581 = tpu.vector_load %arg23[%swap3A_579, %swap3A_580] {strides = array<i32>} : memref<128x128xf32, #tpu.memory_space<vmem>>, vector<16xf32>,
          tpu.vector_store %arg23[%swap3A_579, %swap3A_580], %add3A_578 {strides = array<i32>} : memref<128x128xf32, #tpu.memory_space<vmem>>, vector<16xf32>,
          %get3A_582 = arith.index_cast %add3A_509 : i32 to index
          %get3A_583 = arith.constant 0 : index
          %get3A_584 = tpu.vector_load %arg19[%get3A_582, %get3A_583] {strides = array<i32>} : memref<128x16xf32, #tpu.memory_space<vmem>>, vector<16xf32>,
          %swap3A_585 = arith.index_cast %add3A_164 : i32 to index
          %swap3A_586 = arith.constant 64 : index
          %swap3A_587 = tpu.vector_load %arg25[%swap3A_585, %swap3A_586] {strides = array<i32>} : memref<16x128xf32, #tpu.memory_space<vmem>>, vector<16xf32>,
          tpu.vector_store %arg25[%swap3A_585, %swap3A_586], %get3A_584 {strides = array<i32>} : memref<16x128xf32, #tpu.memory_space<vmem>>, vector<16xf32>,
          %get3A_588 = arith.index_cast %add3A_509 : i32 to index
          %get3A_589 = arith.constant 0 : index
          %get3A_590 = tpu.vector_load %arg21[%get3A_588, %get3A_589] {strides = array<i32>} : memref<128x16xf32, #tpu.memory_space<vmem>>, vector<16xf32>,
          %swap3A_591 = arith.index_cast %add3A_164 : i32 to index
          %swap3A_592 = arith.constant 64 : index
          %swap3A_593 = tpu.vector_load %arg27[%swap3A_591, %swap3A_592] {strides = array<i32>} : memref<16x128xf32, #tpu.memory_space<vmem>>, vector<16xf32>,
          tpu.vector_store %arg27[%swap3A_591, %swap3A_592], %get3A_590 {strides = array<i32>} : memref<16x128xf32, #tpu.memory_space<vmem>>, vector<16xf32>,
          %add3A_594 = arith.constant 5 : i32
          %add3A_595 = arith.addi %mul3A_166, %add3A_594 : i32
          %get3A_596 = arith.index_cast %add3A_595 : i32 to index
          %get3A_597 = arith.constant 0 : index
          %get3A_598 = tpu.vector_load %arg15[%get3A_596, %get3A_597] {strides = array<i32>} : memref<128x128xbf16, #tpu.memory_space<vmem>>, vector<32xbf16>,
          %unpack3A_599 = tpu.unpack_subelements %get3A_598, 0 {pack_format = #tpu.pack_format<interleaved>} : vector<32xbf16> -> vector<16xf32>
          %unpack3A_600 = tpu.unpack_subelements %get3A_598, 1 {pack_format = #tpu.pack_format<interleaved>} : vector<32xbf16> -> vector<16xf32>
          %get3A_601 = arith.index_cast %add3A_595 : i32 to index
          %get3A_602 = arith.constant 0 : index
          %get3A_603 = tpu.vector_load %arg17[%get3A_601, %get3A_602] {strides = array<i32>} : memref<128x128xbf16, #tpu.memory_space<vmem>>, vector<32xbf16>,
          %unpack3A_604 = tpu.unpack_subelements %get3A_603, 0 {pack_format = #tpu.pack_format<interleaved>} : vector<32xbf16> -> vector<16xf32>
          %unpack3A_605 = tpu.unpack_subelements %get3A_603, 1 {pack_format = #tpu.pack_format<interleaved>} : vector<32xbf16> -> vector<16xf32>
          %add3A_606 = arith.addf %unpack3A_599, %unpack3A_604 : vector<16xf32>
          %swap3A_607 = arith.index_cast %add3A_595 : i32 to index
          %swap3A_608 = arith.constant 0 : index
          %swap3A_609 = tpu.vector_load %arg23[%swap3A_607, %swap3A_608] {strides = array<i32>} : memref<128x128xf32, #tpu.memory_space<vmem>>, vector<16xf32>,
          tpu.vector_store %arg23[%swap3A_607, %swap3A_608], %add3A_606 {strides = array<i32>} : memref<128x128xf32, #tpu.memory_space<vmem>>, vector<16xf32>,
          %add3A_610 = arith.addf %unpack3A_600, %unpack3A_605 : vector<16xf32>
          %swap3A_611 = arith.index_cast %add3A_595 : i32 to index
          %swap3A_612 = arith.constant 16 : index
          %swap3A_613 = tpu.vector_load %arg23[%swap3A_611, %swap3A_612] {strides = array<i32>} : memref<128x128xf32, #tpu.memory_space<vmem>>, vector<16xf32>,
          tpu.vector_store %arg23[%swap3A_611, %swap3A_612], %add3A_610 {strides = array<i32>} : memref<128x128xf32, #tpu.memory_space<vmem>>, vector<16xf32>,
          %get3A_614 = arith.index_cast %add3A_595 : i32 to index
          %get3A_615 = arith.constant 32 : index
          %get3A_616 = tpu.vector_load %arg15[%get3A_614, %get3A_615] {strides = array<i32>} : memref<128x128xbf16, #tpu.memory_space<vmem>>, vector<32xbf16>,
          %unpack3A_617 = tpu.unpack_subelements %get3A_616, 0 {pack_format = #tpu.pack_format<interleaved>} : vector<32xbf16> -> vector<16xf32>
          %unpack3A_618 = tpu.unpack_subelements %get3A_616, 1 {pack_format = #tpu.pack_format<interleaved>} : vector<32xbf16> -> vector<16xf32>
          %get3A_619 = arith.index_cast %add3A_595 : i32 to index
          %get3A_620 = arith.constant 32 : index
          %get3A_621 = tpu.vector_load %arg17[%get3A_619, %get3A_620] {strides = array<i32>} : memref<128x128xbf16, #tpu.memory_space<vmem>>, vector<32xbf16>,
          %unpack3A_622 = tpu.unpack_subelements %get3A_621, 0 {pack_format = #tpu.pack_format<interleaved>} : vector<32xbf16> -> vector<16xf32>
          %unpack3A_623 = tpu.unpack_subelements %get3A_621, 1 {pack_format = #tpu.pack_format<interleaved>} : vector<32xbf16> -> vector<16xf32>
          %add3A_624 = arith.addf %unpack3A_617, %unpack3A_622 : vector<16xf32>
          %swap3A_625 = arith.index_cast %add3A_595 : i32 to index
          %swap3A_626 = arith.constant 32 : index
          %swap3A_627 = tpu.vector_load %arg23[%swap3A_625, %swap3A_626] {strides = array<i32>} : memref<128x128xf32, #tpu.memory_space<vmem>>, vector<16xf32>,
          tpu.vector_store %arg23[%swap3A_625, %swap3A_626], %add3A_624 {strides = array<i32>} : memref<128x128xf32, #tpu.memory_space<vmem>>, vector<16xf32>,
          %add3A_628 = arith.addf %unpack3A_618, %unpack3A_623 : vector<16xf32>
          %swap3A_629 = arith.index_cast %add3A_595 : i32 to index
          %swap3A_630 = arith.constant 48 : index
          %swap3A_631 = tpu.vector_load %arg23[%swap3A_629, %swap3A_630] {strides = array<i32>} : memref<128x128xf32, #tpu.memory_space<vmem>>, vector<16xf32>,
          tpu.vector_store %arg23[%swap3A_629, %swap3A_630], %add3A_628 {strides = array<i32>} : memref<128x128xf32, #tpu.memory_space<vmem>>, vector<16xf32>,
          %get3A_632 = arith.index_cast %add3A_595 : i32 to index
          %get3A_633 = arith.constant 64 : index
          %get3A_634 = tpu.vector_load %arg15[%get3A_632, %get3A_633] {strides = array<i32>} : memref<128x128xbf16, #tpu.memory_space<vmem>>, vector<32xbf16>,
          %unpack3A_635 = tpu.unpack_subelements %get3A_634, 0 {pack_format = #tpu.pack_format<interleaved>} : vector<32xbf16> -> vector<16xf32>
          %unpack3A_636 = tpu.unpack_subelements %get3A_634, 1 {pack_format = #tpu.pack_format<interleaved>} : vector<32xbf16> -> vector<16xf32>
          %get3A_637 = arith.index_cast %add3A_595 : i32 to index
          %get3A_638 = arith.constant 64 : index
          %get3A_639 = tpu.vector_load %arg17[%get3A_637, %get3A_638] {strides = array<i32>} : memref<128x128xbf16, #tpu.memory_space<vmem>>, vector<32xbf16>,
          %unpack3A_640 = tpu.unpack_subelements %get3A_639, 0 {pack_format = #tpu.pack_format<interleaved>} : vector<32xbf16> -> vector<16xf32>
          %unpack3A_641 = tpu.unpack_subelements %get3A_639, 1 {pack_format = #tpu.pack_format<interleaved>} : vector<32xbf16> -> vector<16xf32>
          %add3A_642 = arith.addf %unpack3A_635, %unpack3A_640 : vector<16xf32>
          %swap3A_643 = arith.index_cast %add3A_595 : i32 to index
          %swap3A_644 = arith.constant 64 : index
          %swap3A_645 = tpu.vector_load %arg23[%swap3A_643, %swap3A_644] {strides = array<i32>} : memref<128x128xf32, #tpu.memory_space<vmem>>, vector<16xf32>,
          tpu.vector_store %arg23[%swap3A_643, %swap3A_644], %add3A_642 {strides = array<i32>} : memref<128x128xf32, #tpu.memory_space<vmem>>, vector<16xf32>,
          %add3A_646 = arith.addf %unpack3A_636, %unpack3A_641 : vector<16xf32>
          %swap3A_647 = arith.index_cast %add3A_595 : i32 to index
          %swap3A_648 = arith.constant 80 : index
          %swap3A_649 = tpu.vector_load %arg23[%swap3A_647, %swap3A_648] {strides = array<i32>} : memref<128x128xf32, #tpu.memory_space<vmem>>, vector<16xf32>,
          tpu.vector_store %arg23[%swap3A_647, %swap3A_648], %add3A_646 {strides = array<i32>} : memref<128x128xf32, #tpu.memory_space<vmem>>, vector<16xf32>,
          %get3A_650 = arith.index_cast %add3A_595 : i32 to index
          %get3A_651 = arith.constant 96 : index
          %get3A_652 = tpu.vector_load %arg15[%get3A_650, %get3A_651] {strides = array<i32>} : memref<128x128xbf16, #tpu.memory_space<vmem>>, vector<32xbf16>,
          %unpack3A_653 = tpu.unpack_subelements %get3A_652, 0 {pack_format = #tpu.pack_format<interleaved>} : vector<32xbf16> -> vector<16xf32>
          %unpack3A_654 = tpu.unpack_subelements %get3A_652, 1 {pack_format = #tpu.pack_format<interleaved>} : vector<32xbf16> -> vector<16xf32>
          %get3A_655 = arith.index_cast %add3A_595 : i32 to index
          %get3A_656 = arith.constant 96 : index
          %get3A_657 = tpu.vector_load %arg17[%get3A_655, %get3A_656] {strides = array<i32>} : memref<128x128xbf16, #tpu.memory_space<vmem>>, vector<32xbf16>,
          %unpack3A_658 = tpu.unpack_subelements %get3A_657, 0 {pack_format = #tpu.pack_format<interleaved>} : vector<32xbf16> -> vector<16xf32>
          %unpack3A_659 = tpu.unpack_subelements %get3A_657, 1 {pack_format = #tpu.pack_format<interleaved>} : vector<32xbf16> -> vector<16xf32>
          %add3A_660 = arith.addf %unpack3A_653, %unpack3A_658 : vector<16xf32>
          %swap3A_661 = arith.index_cast %add3A_595 : i32 to index
          %swap3A_662 = arith.constant 96 : index
          %swap3A_663 = tpu.vector_load %arg23[%swap3A_661, %swap3A_662] {strides = array<i32>} : memref<128x128xf32, #tpu.memory_space<vmem>>, vector<16xf32>,
          tpu.vector_store %arg23[%swap3A_661, %swap3A_662], %add3A_660 {strides = array<i32>} : memref<128x128xf32, #tpu.memory_space<vmem>>, vector<16xf32>,
          %add3A_664 = arith.addf %unpack3A_654, %unpack3A_659 : vector<16xf32>
          %swap3A_665 = arith.index_cast %add3A_595 : i32 to index
          %swap3A_666 = arith.constant 112 : index
          %swap3A_667 = tpu.vector_load %arg23[%swap3A_665, %swap3A_666] {strides = array<i32>} : memref<128x128xf32, #tpu.memory_space<vmem>>, vector<16xf32>,
          tpu.vector_store %arg23[%swap3A_665, %swap3A_666], %add3A_664 {strides = array<i32>} : memref<128x128xf32, #tpu.memory_space<vmem>>, vector<16xf32>,
          %get3A_668 = arith.index_cast %add3A_595 : i32 to index
          %get3A_669 = arith.constant 0 : index
          %get3A_670 = tpu.vector_load %arg19[%get3A_668, %get3A_669] {strides = array<i32>} : memref<128x16xf32, #tpu.memory_space<vmem>>, vector<16xf32>,
          %swap3A_671 = arith.index_cast %add3A_164 : i32 to index
          %swap3A_672 = arith.constant 80 : index
          %swap3A_673 = tpu.vector_load %arg25[%swap3A_671, %swap3A_672] {strides = array<i32>} : memref<16x128xf32, #tpu.memory_space<vmem>>, vector<16xf32>,
          tpu.vector_store %arg25[%swap3A_671, %swap3A_672], %get3A_670 {strides = array<i32>} : memref<16x128xf32, #tpu.memory_space<vmem>>, vector<16xf32>,
          %get3A_674 = arith.index_cast %add3A_595 : i32 to index
          %get3A_675 = arith.constant 0 : index
          %get3A_676 = tpu.vector_load %arg21[%get3A_674, %get3A_675] {strides = array<i32>} : memref<128x16xf32, #tpu.memory_space<vmem>>, vector<16xf32>,
          %swap3A_677 = arith.index_cast %add3A_164 : i32 to index
          %swap3A_678 = arith.constant 80 : index
          %swap3A_679 = tpu.vector_load %arg27[%swap3A_677, %swap3A_678] {strides = array<i32>} : memref<16x128xf32, #tpu.memory_space<vmem>>, vector<16xf32>,
          tpu.vector_store %arg27[%swap3A_677, %swap3A_678], %get3A_676 {strides = array<i32>} : memref<16x128xf32, #tpu.memory_space<vmem>>, vector<16xf32>,
          %add3A_680 = arith.constant 6 : i32
          %add3A_681 = arith.addi %mul3A_166, %add3A_680 : i32
          %get3A_682 = arith.index_cast %add3A_681 : i32 to index
          %get3A_683 = arith.constant 0 : index
          %get3A_684 = tpu.vector_load %arg15[%get3A_682, %get3A_683] {strides = array<i32>} : memref<128x128xbf16, #tpu.memory_space<vmem>>, vector<32xbf16>,
          %unpack3A_685 = tpu.unpack_subelements %get3A_684, 0 {pack_format = #tpu.pack_format<interleaved>} : vector<32xbf16> -> vector<16xf32>
          %unpack3A_686 = tpu.unpack_subelements %get3A_684, 1 {pack_format = #tpu.pack_format<interleaved>} : vector<32xbf16> -> vector<16xf32>
          %get3A_687 = arith.index_cast %add3A_681 : i32 to index
          %get3A_688 = arith.constant 0 : index
          %get3A_689 = tpu.vector_load %arg17[%get3A_687, %get3A_688] {strides = array<i32>} : memref<128x128xbf16, #tpu.memory_space<vmem>>, vector<32xbf16>,
          %unpack3A_690 = tpu.unpack_subelements %get3A_689, 0 {pack_format = #tpu.pack_format<interleaved>} : vector<32xbf16> -> vector<16xf32>
          %unpack3A_691 = tpu.unpack_subelements %get3A_689, 1 {pack_format = #tpu.pack_format<interleaved>} : vector<32xbf16> -> vector<16xf32>
          %add3A_692 = arith.addf %unpack3A_685, %unpack3A_690 : vector<16xf32>
          %swap3A_693 = arith.index_cast %add3A_681 : i32 to index
          %swap3A_694 = arith.constant 0 : index
          %swap3A_695 = tpu.vector_load %arg23[%swap3A_693, %swap3A_694] {strides = array<i32>} : memref<128x128xf32, #tpu.memory_space<vmem>>, vector<16xf32>,
          tpu.vector_store %arg23[%swap3A_693, %swap3A_694], %add3A_692 {strides = array<i32>} : memref<128x128xf32, #tpu.memory_space<vmem>>, vector<16xf32>,
          %add3A_696 = arith.addf %unpack3A_686, %unpack3A_691 : vector<16xf32>
          %swap3A_697 = arith.index_cast %add3A_681 : i32 to index
          %swap3A_698 = arith.constant 16 : index
          %swap3A_699 = tpu.vector_load %arg23[%swap3A_697, %swap3A_698] {strides = array<i32>} : memref<128x128xf32, #tpu.memory_space<vmem>>, vector<16xf32>,
          tpu.vector_store %arg23[%swap3A_697, %swap3A_698], %add3A_696 {strides = array<i32>} : memref<128x128xf32, #tpu.memory_space<vmem>>, vector<16xf32>,
          %get3A_700 = arith.index_cast %add3A_681 : i32 to index
          %get3A_701 = arith.constant 32 : index
          %get3A_702 = tpu.vector_load %arg15[%get3A_700, %get3A_701] {strides = array<i32>} : memref<128x128xbf16, #tpu.memory_space<vmem>>, vector<32xbf16>,
          %unpack3A_703 = tpu.unpack_subelements %get3A_702, 0 {pack_format = #tpu.pack_format<interleaved>} : vector<32xbf16> -> vector<16xf32>
          %unpack3A_704 = tpu.unpack_subelements %get3A_702, 1 {pack_format = #tpu.pack_format<interleaved>} : vector<32xbf16> -> vector<16xf32>
          %get3A_705 = arith.index_cast %add3A_681 : i32 to index
          %get3A_706 = arith.constant 32 : index
          %get3A_707 = tpu.vector_load %arg17[%get3A_705, %get3A_706] {strides = array<i32>} : memref<128x128xbf16, #tpu.memory_space<vmem>>, vector<32xbf16>,
          %unpack3A_708 = tpu.unpack_subelements %get3A_707, 0 {pack_format = #tpu.pack_format<interleaved>} : vector<32xbf16> -> vector<16xf32>
          %unpack3A_709 = tpu.unpack_subelements %get3A_707, 1 {pack_format = #tpu.pack_format<interleaved>} : vector<32xbf16> -> vector<16xf32>
          %add3A_710 = arith.addf %unpack3A_703, %unpack3A_708 : vector<16xf32>
          %swap3A_711 = arith.index_cast %add3A_681 : i32 to index
          %swap3A_712 = arith.constant 32 : index
          %swap3A_713 = tpu.vector_load %arg23[%swap3A_711, %swap3A_712] {strides = array<i32>} : memref<128x128xf32, #tpu.memory_space<vmem>>, vector<16xf32>,
          tpu.vector_store %arg23[%swap3A_711, %swap3A_712], %add3A_710 {strides = array<i32>} : memref<128x128xf32, #tpu.memory_space<vmem>>, vector<16xf32>,
          %add3A_714 = arith.addf %unpack3A_704, %unpack3A_709 : vector<16xf32>
          %swap3A_715 = arith.index_cast %add3A_681 : i32 to index
          %swap3A_716 = arith.constant 48 : index
          %swap3A_717 = tpu.vector_load %arg23[%swap3A_715, %swap3A_716] {strides = array<i32>} : memref<128x128xf32, #tpu.memory_space<vmem>>, vector<16xf32>,
          tpu.vector_store %arg23[%swap3A_715, %swap3A_716], %add3A_714 {strides = array<i32>} : memref<128x128xf32, #tpu.memory_space<vmem>>, vector<16xf32>,
          %get3A_718 = arith.index_cast %add3A_681 : i32 to index
          %get3A_719 = arith.constant 64 : index
          %get3A_720 = tpu.vector_load %arg15[%get3A_718, %get3A_719] {strides = array<i32>} : memref<128x128xbf16, #tpu.memory_space<vmem>>, vector<32xbf16>,
          %unpack3A_721 = tpu.unpack_subelements %get3A_720, 0 {pack_format = #tpu.pack_format<interleaved>} : vector<32xbf16> -> vector<16xf32>
          %unpack3A_722 = tpu.unpack_subelements %get3A_720, 1 {pack_format = #tpu.pack_format<interleaved>} : vector<32xbf16> -> vector<16xf32>
          %get3A_723 = arith.index_cast %add3A_681 : i32 to index
          %get3A_724 = arith.constant 64 : index
          %get3A_725 = tpu.vector_load %arg17[%get3A_723, %get3A_724] {strides = array<i32>} : memref<128x128xbf16, #tpu.memory_space<vmem>>, vector<32xbf16>,
          %unpack3A_726 = tpu.unpack_subelements %get3A_725, 0 {pack_format = #tpu.pack_format<interleaved>} : vector<32xbf16> -> vector<16xf32>
          %unpack3A_727 = tpu.unpack_subelements %get3A_725, 1 {pack_format = #tpu.pack_format<interleaved>} : vector<32xbf16> -> vector<16xf32>
          %add3A_728 = arith.addf %unpack3A_721, %unpack3A_726 : vector<16xf32>
          %swap3A_729 = arith.index_cast %add3A_681 : i32 to index
          %swap3A_730 = arith.constant 64 : index
          %swap3A_731 = tpu.vector_load %arg23[%swap3A_729, %swap3A_730] {strides = array<i32>} : memref<128x128xf32, #tpu.memory_space<vmem>>, vector<16xf32>,
          tpu.vector_store %arg23[%swap3A_729, %swap3A_730], %add3A_728 {strides = array<i32>} : memref<128x128xf32, #tpu.memory_space<vmem>>, vector<16xf32>,
          %add3A_732 = arith.addf %unpack3A_722, %unpack3A_727 : vector<16xf32>
          %swap3A_733 = arith.index_cast %add3A_681 : i32 to index
          %swap3A_734 = arith.constant 80 : index
          %swap3A_735 = tpu.vector_load %arg23[%swap3A_733, %swap3A_734] {strides = array<i32>} : memref<128x128xf32, #tpu.memory_space<vmem>>, vector<16xf32>,
          tpu.vector_store %arg23[%swap3A_733, %swap3A_734], %add3A_732 {strides = array<i32>} : memref<128x128xf32, #tpu.memory_space<vmem>>, vector<16xf32>,
          %get3A_736 = arith.index_cast %add3A_681 : i32 to index
          %get3A_737 = arith.constant 96 : index
          %get3A_738 = tpu.vector_load %arg15[%get3A_736, %get3A_737] {strides = array<i32>} : memref<128x128xbf16, #tpu.memory_space<vmem>>, vector<32xbf16>,
          %unpack3A_739 = tpu.unpack_subelements %get3A_738, 0 {pack_format = #tpu.pack_format<interleaved>} : vector<32xbf16> -> vector<16xf32>
          %unpack3A_740 = tpu.unpack_subelements %get3A_738, 1 {pack_format = #tpu.pack_format<interleaved>} : vector<32xbf16> -> vector<16xf32>
          %get3A_741 = arith.index_cast %add3A_681 : i32 to index
          %get3A_742 = arith.constant 96 : index
          %get3A_743 = tpu.vector_load %arg17[%get3A_741, %get3A_742] {strides = array<i32>} : memref<128x128xbf16, #tpu.memory_space<vmem>>, vector<32xbf16>,
          %unpack3A_744 = tpu.unpack_subelements %get3A_743, 0 {pack_format = #tpu.pack_format<interleaved>} : vector<32xbf16> -> vector<16xf32>
          %unpack3A_745 = tpu.unpack_subelements %get3A_743, 1 {pack_format = #tpu.pack_format<interleaved>} : vector<32xbf16> -> vector<16xf32>
          %add3A_746 = arith.addf %unpack3A_739, %unpack3A_744 : vector<16xf32>
          %swap3A_747 = arith.index_cast %add3A_681 : i32 to index
          %swap3A_748 = arith.constant 96 : index
          %swap3A_749 = tpu.vector_load %arg23[%swap3A_747, %swap3A_748] {strides = array<i32>} : memref<128x128xf32, #tpu.memory_space<vmem>>, vector<16xf32>,
          tpu.vector_store %arg23[%swap3A_747, %swap3A_748], %add3A_746 {strides = array<i32>} : memref<128x128xf32, #tpu.memory_space<vmem>>, vector<16xf32>,
          %add3A_750 = arith.addf %unpack3A_740, %unpack3A_745 : vector<16xf32>
          %swap3A_751 = arith.index_cast %add3A_681 : i32 to index
          %swap3A_752 = arith.constant 112 : index
          %swap3A_753 = tpu.vector_load %arg23[%swap3A_751, %swap3A_752] {strides = array<i32>} : memref<128x128xf32, #tpu.memory_space<vmem>>, vector<16xf32>,
          tpu.vector_store %arg23[%swap3A_751, %swap3A_752], %add3A_750 {strides = array<i32>} : memref<128x128xf32, #tpu.memory_space<vmem>>, vector<16xf32>,
          %get3A_754 = arith.index_cast %add3A_681 : i32 to index
          %get3A_755 = arith.constant 0 : index
          %get3A_756 = tpu.vector_load %arg19[%get3A_754, %get3A_755] {strides = array<i32>} : memref<128x16xf32, #tpu.memory_space<vmem>>, vector<16xf32>,
          %swap3A_757 = arith.index_cast %add3A_164 : i32 to index
          %swap3A_758 = arith.constant 96 : index
          %swap3A_759 = tpu.vector_load %arg25[%swap3A_757, %swap3A_758] {strides = array<i32>} : memref<16x128xf32, #tpu.memory_space<vmem>>, vector<16xf32>,
          tpu.vector_store %arg25[%swap3A_757, %swap3A_758], %get3A_756 {strides = array<i32>} : memref<16x128xf32, #tpu.memory_space<vmem>>, vector<16xf32>,
          %get3A_760 = arith.index_cast %add3A_681 : i32 to index
          %get3A_761 = arith.constant 0 : index
          %get3A_762 = tpu.vector_load %arg21[%get3A_760, %get3A_761] {strides = array<i32>} : memref<128x16xf32, #tpu.memory_space<vmem>>, vector<16xf32>,
          %swap3A_763 = arith.index_cast %add3A_164 : i32 to index
          %swap3A_764 = arith.constant 96 : index
          %swap3A_765 = tpu.vector_load %arg27[%swap3A_763, %swap3A_764] {strides = array<i32>} : memref<16x128xf32, #tpu.memory_space<vmem>>, vector<16xf32>,
          tpu.vector_store %arg27[%swap3A_763, %swap3A_764], %get3A_762 {strides = array<i32>} : memref<16x128xf32, #tpu.memory_space<vmem>>, vector<16xf32>,
          %add3A_766 = arith.constant 7 : i32
          %add3A_767 = arith.addi %mul3A_166, %add3A_766 : i32
          %get3A_768 = arith.index_cast %add3A_767 : i32 to index
          %get3A_769 = arith.constant 0 : index
          %get3A_770 = tpu.vector_load %arg15[%get3A_768, %get3A_769] {strides = array<i32>} : memref<128x128xbf16, #tpu.memory_space<vmem>>, vector<32xbf16>,
          %unpack3A_771 = tpu.unpack_subelements %get3A_770, 0 {pack_format = #tpu.pack_format<interleaved>} : vector<32xbf16> -> vector<16xf32>
          %unpack3A_772 = tpu.unpack_subelements %get3A_770, 1 {pack_format = #tpu.pack_format<interleaved>} : vector<32xbf16> -> vector<16xf32>
          %get3A_773 = arith.index_cast %add3A_767 : i32 to index
          %get3A_774 = arith.constant 0 : index
          %get3A_775 = tpu.vector_load %arg17[%get3A_773, %get3A_774] {strides = array<i32>} : memref<128x128xbf16, #tpu.memory_space<vmem>>, vector<32xbf16>,
          %unpack3A_776 = tpu.unpack_subelements %get3A_775, 0 {pack_format = #tpu.pack_format<interleaved>} : vector<32xbf16> -> vector<16xf32>
          %unpack3A_777 = tpu.unpack_subelements %get3A_775, 1 {pack_format = #tpu.pack_format<interleaved>} : vector<32xbf16> -> vector<16xf32>
          %add3A_778 = arith.addf %unpack3A_771, %unpack3A_776 : vector<16xf32>
          %swap3A_779 = arith.index_cast %add3A_767 : i32 to index
          %swap3A_780 = arith.constant 0 : index
          %swap3A_781 = tpu.vector_load %arg23[%swap3A_779, %swap3A_780] {strides = array<i32>} : memref<128x128xf32, #tpu.memory_space<vmem>>, vector<16xf32>,
          tpu.vector_store %arg23[%swap3A_779, %swap3A_780], %add3A_778 {strides = array<i32>} : memref<128x128xf32, #tpu.memory_space<vmem>>, vector<16xf32>,
          %add3A_782 = arith.addf %unpack3A_772, %unpack3A_777 : vector<16xf32>
          %swap3A_783 = arith.index_cast %add3A_767 : i32 to index
          %swap3A_784 = arith.constant 16 : index
          %swap3A_785 = tpu.vector_load %arg23[%swap3A_783, %swap3A_784] {strides = array<i32>} : memref<128x128xf32, #tpu.memory_space<vmem>>, vector<16xf32>,
          tpu.vector_store %arg23[%swap3A_783, %swap3A_784], %add3A_782 {strides = array<i32>} : memref<128x128xf32, #tpu.memory_space<vmem>>, vector<16xf32>,
          %get3A_786 = arith.index_cast %add3A_767 : i32 to index
          %get3A_787 = arith.constant 32 : index
          %get3A_788 = tpu.vector_load %arg15[%get3A_786, %get3A_787] {strides = array<i32>} : memref<128x128xbf16, #tpu.memory_space<vmem>>, vector<32xbf16>,
          %unpack3A_789 = tpu.unpack_subelements %get3A_788, 0 {pack_format = #tpu.pack_format<interleaved>} : vector<32xbf16> -> vector<16xf32>
          %unpack3A_790 = tpu.unpack_subelements %get3A_788, 1 {pack_format = #tpu.pack_format<interleaved>} : vector<32xbf16> -> vector<16xf32>
          %get3A_791 = arith.index_cast %add3A_767 : i32 to index
          %get3A_792 = arith.constant 32 : index
          %get3A_793 = tpu.vector_load %arg17[%get3A_791, %get3A_792] {strides = array<i32>} : memref<128x128xbf16, #tpu.memory_space<vmem>>, vector<32xbf16>,
          %unpack3A_794 = tpu.unpack_subelements %get3A_793, 0 {pack_format = #tpu.pack_format<interleaved>} : vector<32xbf16> -> vector<16xf32>
          %unpack3A_795 = tpu.unpack_subelements %get3A_793, 1 {pack_format = #tpu.pack_format<interleaved>} : vector<32xbf16> -> vector<16xf32>
          %add3A_796 = arith.addf %unpack3A_789, %unpack3A_794 : vector<16xf32>
          %swap3A_797 = arith.index_cast %add3A_767 : i32 to index
          %swap3A_798 = arith.constant 32 : index
          %swap3A_799 = tpu.vector_load %arg23[%swap3A_797, %swap3A_798] {strides = array<i32>} : memref<128x128xf32, #tpu.memory_space<vmem>>, vector<16xf32>,
          tpu.vector_store %arg23[%swap3A_797, %swap3A_798], %add3A_796 {strides = array<i32>} : memref<128x128xf32, #tpu.memory_space<vmem>>, vector<16xf32>,
          %add3A_800 = arith.addf %unpack3A_790, %unpack3A_795 : vector<16xf32>
          %swap3A_801 = arith.index_cast %add3A_767 : i32 to index
          %swap3A_802 = arith.constant 48 : index
          %swap3A_803 = tpu.vector_load %arg23[%swap3A_801, %swap3A_802] {strides = array<i32>} : memref<128x128xf32, #tpu.memory_space<vmem>>, vector<16xf32>,
          tpu.vector_store %arg23[%swap3A_801, %swap3A_802], %add3A_800 {strides = array<i32>} : memref<128x128xf32, #tpu.memory_space<vmem>>, vector<16xf32>,
          %get3A_804 = arith.index_cast %add3A_767 : i32 to index
          %get3A_805 = arith.constant 64 : index
          %get3A_806 = tpu.vector_load %arg15[%get3A_804, %get3A_805] {strides = array<i32>} : memref<128x128xbf16, #tpu.memory_space<vmem>>, vector<32xbf16>,
          %unpack3A_807 = tpu.unpack_subelements %get3A_806, 0 {pack_format = #tpu.pack_format<interleaved>} : vector<32xbf16> -> vector<16xf32>
          %unpack3A_808 = tpu.unpack_subelements %get3A_806, 1 {pack_format = #tpu.pack_format<interleaved>} : vector<32xbf16> -> vector<16xf32>
          %get3A_809 = arith.index_cast %add3A_767 : i32 to index
          %get3A_810 = arith.constant 64 : index
          %get3A_811 = tpu.vector_load %arg17[%get3A_809, %get3A_810] {strides = array<i32>} : memref<128x128xbf16, #tpu.memory_space<vmem>>, vector<32xbf16>,
          %unpack3A_812 = tpu.unpack_subelements %get3A_811, 0 {pack_format = #tpu.pack_format<interleaved>} : vector<32xbf16> -> vector<16xf32>
          %unpack3A_813 = tpu.unpack_subelements %get3A_811, 1 {pack_format = #tpu.pack_format<interleaved>} : vector<32xbf16> -> vector<16xf32>
          %add3A_814 = arith.addf %unpack3A_807, %unpack3A_812 : vector<16xf32>
          %swap3A_815 = arith.index_cast %add3A_767 : i32 to index
          %swap3A_816 = arith.constant 64 : index
          %swap3A_817 = tpu.vector_load %arg23[%swap3A_815, %swap3A_816] {strides = array<i32>} : memref<128x128xf32, #tpu.memory_space<vmem>>, vector<16xf32>,
          tpu.vector_store %arg23[%swap3A_815, %swap3A_816], %add3A_814 {strides = array<i32>} : memref<128x128xf32, #tpu.memory_space<vmem>>, vector<16xf32>,
          %add3A_818 = arith.addf %unpack3A_808, %unpack3A_813 : vector<16xf32>
          %swap3A_819 = arith.index_cast %add3A_767 : i32 to index
          %swap3A_820 = arith.constant 80 : index
          %swap3A_821 = tpu.vector_load %arg23[%swap3A_819, %swap3A_820] {strides = array<i32>} : memref<128x128xf32, #tpu.memory_space<vmem>>, vector<16xf32>,
          tpu.vector_store %arg23[%swap3A_819, %swap3A_820], %add3A_818 {strides = array<i32>} : memref<128x128xf32, #tpu.memory_space<vmem>>, vector<16xf32>,
          %get3A_822 = arith.index_cast %add3A_767 : i32 to index
          %get3A_823 = arith.constant 96 : index
          %get3A_824 = tpu.vector_load %arg15[%get3A_822, %get3A_823] {strides = array<i32>} : memref<128x128xbf16, #tpu.memory_space<vmem>>, vector<32xbf16>,
          %unpack3A_825 = tpu.unpack_subelements %get3A_824, 0 {pack_format = #tpu.pack_format<interleaved>} : vector<32xbf16> -> vector<16xf32>
          %unpack3A_826 = tpu.unpack_subelements %get3A_824, 1 {pack_format = #tpu.pack_format<interleaved>} : vector<32xbf16> -> vector<16xf32>
          %get3A_827 = arith.index_cast %add3A_767 : i32 to index
          %get3A_828 = arith.constant 96 : index
          %get3A_829 = tpu.vector_load %arg17[%get3A_827, %get3A_828] {strides = array<i32>} : memref<128x128xbf16, #tpu.memory_space<vmem>>, vector<32xbf16>,
          %unpack3A_830 = tpu.unpack_subelements %get3A_829, 0 {pack_format = #tpu.pack_format<interleaved>} : vector<32xbf16> -> vector<16xf32>
          %unpack3A_831 = tpu.unpack_subelements %get3A_829, 1 {pack_format = #tpu.pack_format<interleaved>} : vector<32xbf16> -> vector<16xf32>
          %add3A_832 = arith.addf %unpack3A_825, %unpack3A_830 : vector<16xf32>
          %swap3A_833 = arith.index_cast %add3A_767 : i32 to index
          %swap3A_834 = arith.constant 96 : index
          %swap3A_835 = tpu.vector_load %arg23[%swap3A_833, %swap3A_834] {strides = array<i32>} : memref<128x128xf32, #tpu.memory_space<vmem>>, vector<16xf32>,
          tpu.vector_store %arg23[%swap3A_833, %swap3A_834], %add3A_832 {strides = array<i32>} : memref<128x128xf32, #tpu.memory_space<vmem>>, vector<16xf32>,
          %add3A_836 = arith.addf %unpack3A_826, %unpack3A_831 : vector<16xf32>
          %swap3A_837 = arith.index_cast %add3A_767 : i32 to index
          %swap3A_838 = arith.constant 112 : index
          %swap3A_839 = tpu.vector_load %arg23[%swap3A_837, %swap3A_838] {strides = array<i32>} : memref<128x128xf32, #tpu.memory_space<vmem>>, vector<16xf32>,
          tpu.vector_store %arg23[%swap3A_837, %swap3A_838], %add3A_836 {strides = array<i32>} : memref<128x128xf32, #tpu.memory_space<vmem>>, vector<16xf32>,
          %get3A_840 = arith.index_cast %add3A_767 : i32 to index
          %get3A_841 = arith.constant 0 : index
          %get3A_842 = tpu.vector_load %arg19[%get3A_840, %get3A_841] {strides = array<i32>} : memref<128x16xf32, #tpu.memory_space<vmem>>, vector<16xf32>,
          %swap3A_843 = arith.index_cast %add3A_164 : i32 to index
          %swap3A_844 = arith.constant 112 : index
          %swap3A_845 = tpu.vector_load %arg25[%swap3A_843, %swap3A_844] {strides = array<i32>} : memref<16x128xf32, #tpu.memory_space<vmem>>, vector<16xf32>,
          tpu.vector_store %arg25[%swap3A_843, %swap3A_844], %get3A_842 {strides = array<i32>} : memref<16x128xf32, #tpu.memory_space<vmem>>, vector<16xf32>,
          %get3A_846 = arith.index_cast %add3A_767 : i32 to index
          %get3A_847 = arith.constant 0 : index
          %get3A_848 = tpu.vector_load %arg21[%get3A_846, %get3A_847] {strides = array<i32>} : memref<128x16xf32, #tpu.memory_space<vmem>>, vector<16xf32>,
          %swap3A_849 = arith.index_cast %add3A_164 : i32 to index
          %swap3A_850 = arith.constant 112 : index
          %swap3A_851 = tpu.vector_load %arg27[%swap3A_849, %swap3A_850] {strides = array<i32>} : memref<16x128xf32, #tpu.memory_space<vmem>>, vector<16xf32>,
          tpu.vector_store %arg27[%swap3A_849, %swap3A_850], %get3A_848 {strides = array<i32>} : memref<16x128xf32, #tpu.memory_space<vmem>>, vector<16xf32>,
        }
        %scan3A_93 = arith.constant 16 : i32
        %mul3A_94 = arith.constant 128 : i32
        %mul3A_95 = arith.muli %add3A_65, %mul3A_94 : i32
        %dma_start3A_96 = arith.constant 0 : i32
        %dma_start3A_97 = tpu.memref_slice %arg7[%mul3A_95, %dma_start3A_96] : memref<320000x128xf32, #tpu.memory_space<hbm>> -> memref<128x128xf32, #tpu.memory_space<hbm>>
        %dma_start3A_98 = arith.constant 0 : i32
        %dma_start3A_99 = tpu.memref_slice %arg7[%mul3A_95, %dma_start3A_98] : memref<320000x128xf32, #tpu.memory_space<hbm>> -> memref<128x128xf32, #tpu.memory_space<hbm>>
        tpu.enqueue_dma source(%arg23 : memref<128x128xf32, #tpu.memory_space<vmem>>) target(%dma_start3A_99 : memref<128x128xf32, #tpu.memory_space<hbm>>) target_semaphore(%arg31 : memref<!tpu.dma_semaphore, #tpu.memory_space<semaphore_mem>>)
        %mul3A_100 = arith.constant 128 : i32
        %mul3A_101 = arith.muli %add3A_65, %mul3A_100 : i32
        %jit3A_102 = arith.constant 8 : i32
        %div3A_103 = arith.divsi %mul3A_101, %jit3A_102 : i32
        %sign3A_104 = arith.constant 0 : i32
        %sign3A_105 = arith.cmpi sgt, %mul3A_101, %sign3A_104 : i32
        %sign3A_106 = arith.extui %sign3A_105 : i1 to i32
        %sign3A_107 = arith.constant 0 : i32
        %sign3A_108 = arith.cmpi slt, %mul3A_101, %sign3A_107 : i32
        %sign3A_109 = arith.extui %sign3A_108 : i1 to i32
        %sign3A_110 = arith.subi %sign3A_106, %sign3A_109 : i32
        %sign3A_111 = arith.constant 0 : i32
        %sign3A_112 = arith.cmpi sgt, %jit3A_102, %sign3A_111 : i32
        %sign3A_113 = arith.extui %sign3A_112 : i1 to i32
        %sign3A_114 = arith.constant 0 : i32
        %sign3A_115 = arith.cmpi slt, %jit3A_102, %sign3A_114 : i32
        %sign3A_116 = arith.extui %sign3A_115 : i1 to i32
        %sign3A_117 = arith.subi %sign3A_113, %sign3A_116 : i32
        %ne3A_118 = arith.cmpi ne, %sign3A_110, %sign3A_117 : i32
        %rem3A_119 = arith.remsi %mul3A_101, %jit3A_102 : i32
        %ne3A_120 = arith.constant 0 : i32
        %ne3A_121 = arith.cmpi ne, %rem3A_119, %ne3A_120 : i32
        %and3A_122 = arith.andi %ne3A_118, %ne3A_121 : i1
        %sub3A_123 = arith.constant 1 : i32
        %sub3A_124 = arith.subi %div3A_103, %sub3A_123 : i32
        %select_n3A_125 = arith.select %and3A_122, %sub3A_124, %div3A_103 : i32
        %dma_start3A_126 = arith.constant 0 : i32
        %dma_start3A_127 = tpu.memref_slice %arg8[%select_n3A_125, %dma_start3A_126] : memref<40000x128xf32, #tpu.memory_space<hbm>> -> memref<16x128xf32, #tpu.memory_space<hbm>>
        %dma_start3A_128 = arith.constant 0 : i32
        %dma_start3A_129 = tpu.memref_slice %arg8[%select_n3A_125, %dma_start3A_128] : memref<40000x128xf32, #tpu.memory_space<hbm>> -> memref<16x128xf32, #tpu.memory_space<hbm>>
        tpu.enqueue_dma source(%arg25 : memref<16x128xf32, #tpu.memory_space<vmem>>) target(%dma_start3A_129 : memref<16x128xf32, #tpu.memory_space<hbm>>) target_semaphore(%arg31 : memref<!tpu.dma_semaphore, #tpu.memory_space<semaphore_mem>>)
        %mul3A_130 = arith.constant 128 : i32
        %mul3A_131 = arith.muli %add3A_65, %mul3A_130 : i32
        %jit3A_132 = arith.constant 8 : i32
        %div3A_133 = arith.divsi %mul3A_131, %jit3A_132 : i32
        %sign3A_134 = arith.constant 0 : i32
        %sign3A_135 = arith.cmpi sgt, %mul3A_131, %sign3A_134 : i32
        %sign3A_136 = arith.extui %sign3A_135 : i1 to i32
        %sign3A_137 = arith.constant 0 : i32
        %sign3A_138 = arith.cmpi slt, %mul3A_131, %sign3A_137 : i32
        %sign3A_139 = arith.extui %sign3A_138 : i1 to i32
        %sign3A_140 = arith.subi %sign3A_136, %sign3A_139 : i32
        %sign3A_141 = arith.constant 0 : i32
        %sign3A_142 = arith.cmpi sgt, %jit3A_132, %sign3A_141 : i32
        %sign3A_143 = arith.extui %sign3A_142 : i1 to i32
        %sign3A_144 = arith.constant 0 : i32
        %sign3A_145 = arith.cmpi slt, %jit3A_132, %sign3A_144 : i32
        %sign3A_146 = arith.extui %sign3A_145 : i1 to i32
        %sign3A_147 = arith.subi %sign3A_143, %sign3A_146 : i32
        %ne3A_148 = arith.cmpi ne, %sign3A_140, %sign3A_147 : i32
        %rem3A_149 = arith.remsi %mul3A_131, %jit3A_132 : i32
        %ne3A_150 = arith.constant 0 : i32
        %ne3A_151 = arith.cmpi ne, %rem3A_149, %ne3A_150 : i32
        %and3A_152 = arith.andi %ne3A_148, %ne3A_151 : i1
        %sub3A_153 = arith.constant 1 : i32
        %sub3A_154 = arith.subi %div3A_133, %sub3A_153 : i32
        %select_n3A_155 = arith.select %and3A_152, %sub3A_154, %div3A_133 : i32
        %dma_start3A_156 = arith.constant 0 : i32
        %dma_start3A_157 = tpu.memref_slice %arg9[%select_n3A_155, %dma_start3A_156] : memref<40000x128xf32, #tpu.memory_space<hbm>> -> memref<16x128xf32, #tpu.memory_space<hbm>>
        %dma_start3A_158 = arith.constant 0 : i32
        %dma_start3A_159 = tpu.memref_slice %arg9[%select_n3A_155, %dma_start3A_158] : memref<40000x128xf32, #tpu.memory_space<hbm>> -> memref<16x128xf32, #tpu.memory_space<hbm>>
        tpu.enqueue_dma source(%arg27 : memref<16x128xf32, #tpu.memory_space<vmem>>) target(%dma_start3A_159 : memref<16x128xf32, #tpu.memory_space<hbm>>) target_semaphore(%arg31 : memref<!tpu.dma_semaphore, #tpu.memory_space<semaphore_mem>>)
      } else {
      }
    }
    %scan3A_39 = arith.constant 40 : i32
    %ge3A = arith.constant 1 : i32
    %ge3A_40 = arith.cmpi sge, %select_n3A, %ge3A : i32
    %convert_element_type3A = arith.extui %ge3A_40 : i1 to i32
    %cond3A = arith.constant 0 : i32
    %cond3A_41 = arith.cmpi ne, %convert_element_type3A, %cond3A : i32
    scf.if %cond3A_41 {
      %dma_wait3A = arith.constant 0 : i32
      %dma_wait3A_47 = arith.constant 0 : i32
      %dma_wait3A_48 = tpu.memref_slice %arg7[%dma_wait3A, %dma_wait3A_47] : memref<320000x128xf32, #tpu.memory_space<hbm>> -> memref<128x128xf32, #tpu.memory_space<hbm>>
      %dma_wait3A_49 = arith.constant 0 : i32
      %dma_wait3A_50 = arith.constant 0 : i32
      %dma_wait3A_51 = tpu.memref_slice %arg7[%dma_wait3A_49, %dma_wait3A_50] : memref<320000x128xf32, #tpu.memory_space<hbm>> -> memref<128x128xf32, #tpu.memory_space<hbm>>
      tpu.wait_dma2 semaphore(%arg30 : memref<!tpu.dma_semaphore, #tpu.memory_space<semaphore_mem>>) src(%arg22 : memref<128x128xf32, #tpu.memory_space<vmem>>) dst(%dma_wait3A_51 : memref<128x128xf32, #tpu.memory_space<hbm>>)
      %dma_wait3A_52 = arith.constant 0 : i32
      %dma_wait3A_53 = arith.constant 0 : i32
      %dma_wait3A_54 = tpu.memref_slice %arg8[%dma_wait3A_52, %dma_wait3A_53] : memref<40000x128xf32, #tpu.memory_space<hbm>> -> memref<16x128xf32, #tpu.memory_space<hbm>>
      %dma_wait3A_55 = arith.constant 0 : i32
      %dma_wait3A_56 = arith.constant 0 : i32
      %dma_wait3A_57 = tpu.memref_slice %arg8[%dma_wait3A_55, %dma_wait3A_56] : memref<40000x128xf32, #tpu.memory_space<hbm>> -> memref<16x128xf32, #tpu.memory_space<hbm>>
      tpu.wait_dma2 semaphore(%arg30 : memref<!tpu.dma_semaphore, #tpu.memory_space<semaphore_mem>>) src(%arg24 : memref<16x128xf32, #tpu.memory_space<vmem>>) dst(%dma_wait3A_57 : memref<16x128xf32, #tpu.memory_space<hbm>>)
      %dma_wait3A_58 = arith.constant 0 : i32
      %dma_wait3A_59 = arith.constant 0 : i32
      %dma_wait3A_60 = tpu.memref_slice %arg9[%dma_wait3A_58, %dma_wait3A_59] : memref<40000x128xf32, #tpu.memory_space<hbm>> -> memref<16x128xf32, #tpu.memory_space<hbm>>
      %dma_wait3A_61 = arith.constant 0 : i32
      %dma_wait3A_62 = arith.constant 0 : i32
      %dma_wait3A_63 = tpu.memref_slice %arg9[%dma_wait3A_61, %dma_wait3A_62] : memref<40000x128xf32, #tpu.memory_space<hbm>> -> memref<16x128xf32, #tpu.memory_space<hbm>>
      tpu.wait_dma2 semaphore(%arg30 : memref<!tpu.dma_semaphore, #tpu.memory_space<semaphore_mem>>) src(%arg26 : memref<16x128xf32, #tpu.memory_space<vmem>>) dst(%dma_wait3A_63 : memref<16x128xf32, #tpu.memory_space<hbm>>)
    } else {
    }
    %ge3A_42 = arith.constant 2 : i32
    %ge3A_43 = arith.cmpi sge, %select_n3A, %ge3A_42 : i32
    %convert_element_type3A_44 = arith.extui %ge3A_43 : i1 to i32
    %cond3A_45 = arith.constant 0 : i32
    %cond3A_46 = arith.cmpi ne, %convert_element_type3A_44, %cond3A_45 : i32
    scf.if %cond3A_46 {
      %dma_wait3A = arith.constant 0 : i32
      %dma_wait3A_47 = arith.constant 0 : i32
      %dma_wait3A_48 = tpu.memref_slice %arg7[%dma_wait3A, %dma_wait3A_47] : memref<320000x128xf32, #tpu.memory_space<hbm>> -> memref<128x128xf32, #tpu.memory_space<hbm>>
      %dma_wait3A_49 = arith.constant 0 : i32
      %dma_wait3A_50 = arith.constant 0 : i32
      %dma_wait3A_51 = tpu.memref_slice %arg7[%dma_wait3A_49, %dma_wait3A_50] : memref<320000x128xf32, #tpu.memory_space<hbm>> -> memref<128x128xf32, #tpu.memory_space<hbm>>
      tpu.wait_dma2 semaphore(%arg31 : memref<!tpu.dma_semaphore, #tpu.memory_space<semaphore_mem>>) src(%arg23 : memref<128x128xf32, #tpu.memory_space<vmem>>) dst(%dma_wait3A_51 : memref<128x128xf32, #tpu.memory_space<hbm>>)
      %dma_wait3A_52 = arith.constant 0 : i32
      %dma_wait3A_53 = arith.constant 0 : i32
      %dma_wait3A_54 = tpu.memref_slice %arg8[%dma_wait3A_52, %dma_wait3A_53] : memref<40000x128xf32, #tpu.memory_space<hbm>> -> memref<16x128xf32, #tpu.memory_space<hbm>>
      %dma_wait3A_55 = arith.constant 0 : i32
      %dma_wait3A_56 = arith.constant 0 : i32
      %dma_wait3A_57 = tpu.memref_slice %arg8[%dma_wait3A_55, %dma_wait3A_56] : memref<40000x128xf32, #tpu.memory_space<hbm>> -> memref<16x128xf32, #tpu.memory_space<hbm>>
      tpu.wait_dma2 semaphore(%arg31 : memref<!tpu.dma_semaphore, #tpu.memory_space<semaphore_mem>>) src(%arg25 : memref<16x128xf32, #tpu.memory_space<vmem>>) dst(%dma_wait3A_57 : memref<16x128xf32, #tpu.memory_space<hbm>>)
      %dma_wait3A_58 = arith.constant 0 : i32
      %dma_wait3A_59 = arith.constant 0 : i32
      %dma_wait3A_60 = tpu.memref_slice %arg9[%dma_wait3A_58, %dma_wait3A_59] : memref<40000x128xf32, #tpu.memory_space<hbm>> -> memref<16x128xf32, #tpu.memory_space<hbm>>
      %dma_wait3A_61 = arith.constant 0 : i32
      %dma_wait3A_62 = arith.constant 0 : i32
      %dma_wait3A_63 = tpu.memref_slice %arg9[%dma_wait3A_61, %dma_wait3A_62] : memref<40000x128xf32, #tpu.memory_space<hbm>> -> memref<16x128xf32, #tpu.memory_space<hbm>>
      tpu.wait_dma2 semaphore(%arg31 : memref<!tpu.dma_semaphore, #tpu.memory_space<semaphore_mem>>) src(%arg27 : memref<16x128xf32, #tpu.memory_space<vmem>>) dst(%dma_wait3A_63 : memref<16x128xf32, #tpu.memory_space<hbm>>)
    } else {
    }
    return
  }
}

#map = affine_map<(d0, d1) -> (0, 0)>
#map1 = affine_map<(d0, d1) -> (0)>
#map2 = affine_map<(d0, d1) -> (0, 0, 0)>
module attributes {stable_mosaic.version = 14 : i64} {
  func.func @sc_scatter_m(%arg0: i32, %arg1: i32, %arg2: memref<320000x128xf32, #tpu.memory_space<hbm>>, %arg3: memref<320000xi32, #tpu.memory_space<hbm>>, %arg4: memref<10000x128xf32, #tpu.memory_space<hbm>>, %arg5: memref<2x10000x128xf32, #tpu.memory_space<hbm>>, %arg6: memref<128xi32, #tpu.memory_space<vmem>>, %arg7: memref<128xi32, #tpu.memory_space<vmem>>, %arg8: memref<128x128xf32, #tpu.memory_space<vmem>>, %arg9: memref<128x128xf32, #tpu.memory_space<vmem>>, %arg10: memref<10000x128xf32, #tpu.memory_space<vmem_shared>>, %arg11: memref<!tpu.dma_semaphore, #tpu.memory_space<semaphore_mem>>, %arg12: memref<!tpu.dma_semaphore, #tpu.memory_space<semaphore_mem>>) attributes {dimension_semantics = [#tpu.dimension_semantics<core_parallel>, #tpu.dimension_semantics<subcore_parallel>], iteration_bounds = array<i64: 2, 16>, scalar_prefetch = 0 : i64, scratch_operands = 7 : i64, tpu.core_type = #tpu.core_type<sc_vector_subcore>, window_params = [{transform_indices = #map}, {transform_indices = #map1}, {transform_indices = #map}, {transform_indices = #map2}]} {
    %mul3A = arith.constant 2 : i32
    %mul3A_0 = arith.muli %arg1, %mul3A : i32
    %add3A = arith.addi %mul3A_0, %arg0 : i32
    %mul3A_1 = arith.constant 625 : i32
    %mul3A_2 = arith.muli %arg1, %mul3A_1 : i32
    "tpu.region"() ({
      %run_scoped3A = tpu.sem_alloc : memref<!tpu.dma_semaphore, #tpu.memory_space<semaphore_mem>>
      %dma_start3A_13 = arith.constant 0 : i32
      %dma_start3A_14 = tpu.memref_slice %arg10[%mul3A_2, %dma_start3A_13] : memref<10000x128xf32, #tpu.memory_space<vmem_shared>> -> memref<625x128xf32, #tpu.memory_space<vmem_shared>>
      %dma_start3A_15 = arith.constant 0 : i32
      %dma_start3A_16 = tpu.memref_slice %arg4[%mul3A_2, %dma_start3A_15] : memref<10000x128xf32, #tpu.memory_space<hbm>> -> memref<625x128xf32, #tpu.memory_space<hbm>>
      tpu.enqueue_dma source(%dma_start3A_16 : memref<625x128xf32, #tpu.memory_space<hbm>>) target(%dma_start3A_14 : memref<625x128xf32, #tpu.memory_space<vmem_shared>>) target_semaphore(%run_scoped3A : memref<!tpu.dma_semaphore, #tpu.memory_space<semaphore_mem>>)
      %dma_wait3A = arith.constant 0 : i32
      %dma_wait3A_17 = tpu.memref_slice %arg10[%mul3A_2, %dma_wait3A] : memref<10000x128xf32, #tpu.memory_space<vmem_shared>> -> memref<625x128xf32, #tpu.memory_space<vmem_shared>>
      %dma_wait3A_18 = arith.constant 0 : i32
      %dma_wait3A_19 = tpu.memref_slice %arg4[%mul3A_2, %dma_wait3A_18] : memref<10000x128xf32, #tpu.memory_space<hbm>> -> memref<625x128xf32, #tpu.memory_space<hbm>>
      tpu.wait_dma2 semaphore(%run_scoped3A : memref<!tpu.dma_semaphore, #tpu.memory_space<semaphore_mem>>) src(%dma_wait3A_19 : memref<625x128xf32, #tpu.memory_space<hbm>>) dst(%dma_wait3A_17 : memref<625x128xf32, #tpu.memory_space<vmem_shared>>)
      tpu.yield
    }) : () -> ()
    %barrier3A = arith.constant 0 : index
    tpu.barrier barrier_id(%barrier3A)
    %mul3A_3 = arith.constant 128 : i32
    %mul3A_4 = arith.muli %add3A, %mul3A_3 : i32
    "tpu.region"() ({
      %run_scoped3A = tpu.sem_alloc : memref<!tpu.dma_semaphore, #tpu.memory_space<semaphore_mem>>
      %dma_start3A_13 = tpu.memref_slice %arg3[%mul3A_4] : memref<320000xi32, #tpu.memory_space<hbm>> -> memref<128xi32, #tpu.memory_space<hbm>>
      %dma_start3A_14 = tpu.memref_slice %arg3[%mul3A_4] : memref<320000xi32, #tpu.memory_space<hbm>> -> memref<128xi32, #tpu.memory_space<hbm>>
      tpu.enqueue_dma source(%dma_start3A_14 : memref<128xi32, #tpu.memory_space<hbm>>) target(%arg6 : memref<128xi32, #tpu.memory_space<vmem>>) target_semaphore(%run_scoped3A : memref<!tpu.dma_semaphore, #tpu.memory_space<semaphore_mem>>)
      %dma_wait3A = tpu.memref_slice %arg3[%mul3A_4] : memref<320000xi32, #tpu.memory_space<hbm>> -> memref<128xi32, #tpu.memory_space<hbm>>
      %dma_wait3A_15 = tpu.memref_slice %arg3[%mul3A_4] : memref<320000xi32, #tpu.memory_space<hbm>> -> memref<128xi32, #tpu.memory_space<hbm>>
      tpu.wait_dma2 semaphore(%run_scoped3A : memref<!tpu.dma_semaphore, #tpu.memory_space<semaphore_mem>>) src(%dma_wait3A_15 : memref<128xi32, #tpu.memory_space<hbm>>) dst(%arg6 : memref<128xi32, #tpu.memory_space<vmem>>)
      tpu.yield
    }) : () -> ()
    %dma_start3A = arith.constant 0 : i32
    %dma_start3A_5 = tpu.memref_slice %arg2[%mul3A_4, %dma_start3A] : memref<320000x128xf32, #tpu.memory_space<hbm>> -> memref<128x128xf32, #tpu.memory_space<hbm>>
    %dma_start3A_6 = arith.constant 0 : i32
    %dma_start3A_7 = tpu.memref_slice %arg2[%mul3A_4, %dma_start3A_6] : memref<320000x128xf32, #tpu.memory_space<hbm>> -> memref<128x128xf32, #tpu.memory_space<hbm>>
    tpu.enqueue_dma source(%dma_start3A_7 : memref<128x128xf32, #tpu.memory_space<hbm>>) target(%arg8 : memref<128x128xf32, #tpu.memory_space<vmem>>) target_semaphore(%arg11 : memref<!tpu.dma_semaphore, #tpu.memory_space<semaphore_mem>>)
    %scan3A = arith.constant 0 : i32
    %scan3A_8 = arith.constant 40 : i32
    %scan3A_9 = arith.addi %scan3A, %scan3A_8 : i32
    %scan3A_10 = arith.constant 1 : i32
    scf.for %scan3A_13 = %scan3A to %scan3A_9 step %scan3A_10  : i32 {
      %mul3A_14 = arith.constant 2 : i32
      %mul3A_15 = arith.muli %scan3A_13, %mul3A_14 : i32
      %add3A_16 = arith.constant 0 : i32
      %add3A_17 = arith.addi %add3A_16, %mul3A_15 : i32
      %add3A_18 = arith.constant 0 : i32
      %add3A_19 = arith.addi %add3A_17, %add3A_18 : i32
      %mul3A_20 = arith.constant 32 : i32
      %mul3A_21 = arith.muli %add3A_19, %mul3A_20 : i32
      %add3A_22 = arith.addi %mul3A_21, %add3A : i32
      %lt3A = arith.constant 2500 : i32
      %lt3A_23 = arith.cmpi slt, %add3A_22, %lt3A : i32
      %convert_element_type3A = arith.extui %lt3A_23 : i1 to i32
      %cond3A = arith.constant 0 : i32
      %cond3A_24 = arith.cmpi ne, %convert_element_type3A, %cond3A : i32
      scf.if %cond3A_24 {
        %dma_wait3A = arith.constant 0 : i32
        %dma_wait3A_35 = arith.constant 0 : i32
        %dma_wait3A_36 = tpu.memref_slice %arg2[%dma_wait3A, %dma_wait3A_35] : memref<320000x128xf32, #tpu.memory_space<hbm>> -> memref<128x128xf32, #tpu.memory_space<hbm>>
        %dma_wait3A_37 = arith.constant 0 : i32
        %dma_wait3A_38 = arith.constant 0 : i32
        %dma_wait3A_39 = tpu.memref_slice %arg2[%dma_wait3A_37, %dma_wait3A_38] : memref<320000x128xf32, #tpu.memory_space<hbm>> -> memref<128x128xf32, #tpu.memory_space<hbm>>
        tpu.wait_dma2 semaphore(%arg11 : memref<!tpu.dma_semaphore, #tpu.memory_space<semaphore_mem>>) src(%dma_wait3A_39 : memref<128x128xf32, #tpu.memory_space<hbm>>) dst(%arg8 : memref<128x128xf32, #tpu.memory_space<vmem>>)
        %add3A_40 = arith.constant 32 : i32
        %add3A_41 = arith.addi %add3A_22, %add3A_40 : i32
        %lt3A_42 = arith.constant 2500 : i32
        %lt3A_43 = arith.cmpi slt, %add3A_41, %lt3A_42 : i32
        %convert_element_type3A_44 = arith.extui %lt3A_43 : i1 to i32
        %cond3A_45 = arith.constant 0 : i32
        %cond3A_46 = arith.cmpi ne, %convert_element_type3A_44, %cond3A_45 : i32
        scf.if %cond3A_46 {
          %add3A_47 = arith.constant 32 : i32
          %add3A_48 = arith.addi %add3A_22, %add3A_47 : i32
          %mul3A_49 = arith.constant 128 : i32
          %mul3A_50 = arith.muli %add3A_48, %mul3A_49 : i32
          "tpu.region"() ({
            %run_scoped3A = tpu.sem_alloc : memref<!tpu.dma_semaphore, #tpu.memory_space<semaphore_mem>>
            %dma_start3A_55 = tpu.memref_slice %arg3[%mul3A_50] : memref<320000xi32, #tpu.memory_space<hbm>> -> memref<128xi32, #tpu.memory_space<hbm>>
            %dma_start3A_56 = tpu.memref_slice %arg3[%mul3A_50] : memref<320000xi32, #tpu.memory_space<hbm>> -> memref<128xi32, #tpu.memory_space<hbm>>
            tpu.enqueue_dma source(%dma_start3A_56 : memref<128xi32, #tpu.memory_space<hbm>>) target(%arg7 : memref<128xi32, #tpu.memory_space<vmem>>) target_semaphore(%run_scoped3A : memref<!tpu.dma_semaphore, #tpu.memory_space<semaphore_mem>>)
            %dma_wait3A_57 = tpu.memref_slice %arg3[%mul3A_50] : memref<320000xi32, #tpu.memory_space<hbm>> -> memref<128xi32, #tpu.memory_space<hbm>>
            %dma_wait3A_58 = tpu.memref_slice %arg3[%mul3A_50] : memref<320000xi32, #tpu.memory_space<hbm>> -> memref<128xi32, #tpu.memory_space<hbm>>
            tpu.wait_dma2 semaphore(%run_scoped3A : memref<!tpu.dma_semaphore, #tpu.memory_space<semaphore_mem>>) src(%dma_wait3A_58 : memref<128xi32, #tpu.memory_space<hbm>>) dst(%arg7 : memref<128xi32, #tpu.memory_space<vmem>>)
            tpu.yield
          }) : () -> ()
          %dma_start3A_51 = arith.constant 0 : i32
          %dma_start3A_52 = tpu.memref_slice %arg2[%mul3A_50, %dma_start3A_51] : memref<320000x128xf32, #tpu.memory_space<hbm>> -> memref<128x128xf32, #tpu.memory_space<hbm>>
          %dma_start3A_53 = arith.constant 0 : i32
          %dma_start3A_54 = tpu.memref_slice %arg2[%mul3A_50, %dma_start3A_53] : memref<320000x128xf32, #tpu.memory_space<hbm>> -> memref<128x128xf32, #tpu.memory_space<hbm>>
          tpu.enqueue_dma source(%dma_start3A_54 : memref<128x128xf32, #tpu.memory_space<hbm>>) target(%arg9 : memref<128x128xf32, #tpu.memory_space<vmem>>) target_semaphore(%arg12 : memref<!tpu.dma_semaphore, #tpu.memory_space<semaphore_mem>>)
        } else {
        }
        "tpu.region"() ({
          %run_scoped3A = tpu.sem_alloc : memref<!tpu.dma_semaphore, #tpu.memory_space<semaphore_mem>>
          %dma_start3A_47 = arith.constant 0 : i32
          %dma_start3A_48 = arith.constant 0 : i32
          %dma_start3A_49 = tpu.memref_slice %arg10[%dma_start3A_47, %dma_start3A_48] : memref<10000x128xf32, #tpu.memory_space<vmem_shared>> -> memref<10000x128xf32, #tpu.memory_space<vmem_shared>>
          tpu.enqueue_indirect_dma source(%arg8 : memref<128x128xf32, #tpu.memory_space<vmem>>) target(%dma_start3A_49 : memref<10000x128xf32, #tpu.memory_space<vmem_shared>>) offsets(%arg6 : memref<128xi32, #tpu.memory_space<vmem>>) semaphore(%run_scoped3A : memref<!tpu.dma_semaphore, #tpu.memory_space<semaphore_mem>>) {add = true}
          %dma_wait3A_50 = arith.constant 0 : i32
          %dma_wait3A_51 = arith.constant 0 : i32
          %dma_wait3A_52 = tpu.memref_slice %arg10[%dma_wait3A_50, %dma_wait3A_51] : memref<10000x128xf32, #tpu.memory_space<vmem_shared>> -> memref<10000x128xf32, #tpu.memory_space<vmem_shared>>
          tpu.wait_indirect_dma semaphore(%run_scoped3A : memref<!tpu.dma_semaphore, #tpu.memory_space<semaphore_mem>>) src(%arg8 : memref<128x128xf32, #tpu.memory_space<vmem>>) dst(%dma_wait3A_52 : memref<10000x128xf32, #tpu.memory_space<vmem_shared>>)
          tpu.yield
        }) : () -> ()
      } else {
      }
      %add3A_25 = arith.constant 1 : i32
      %add3A_26 = arith.addi %add3A_17, %add3A_25 : i32
      %mul3A_27 = arith.constant 32 : i32
      %mul3A_28 = arith.muli %add3A_26, %mul3A_27 : i32
      %add3A_29 = arith.addi %mul3A_28, %add3A : i32
      %lt3A_30 = arith.constant 2500 : i32
      %lt3A_31 = arith.cmpi slt, %add3A_29, %lt3A_30 : i32
      %convert_element_type3A_32 = arith.extui %lt3A_31 : i1 to i32
      %cond3A_33 = arith.constant 0 : i32
      %cond3A_34 = arith.cmpi ne, %convert_element_type3A_32, %cond3A_33 : i32
      scf.if %cond3A_34 {
        %dma_wait3A = arith.constant 0 : i32
        %dma_wait3A_35 = arith.constant 0 : i32
        %dma_wait3A_36 = tpu.memref_slice %arg2[%dma_wait3A, %dma_wait3A_35] : memref<320000x128xf32, #tpu.memory_space<hbm>> -> memref<128x128xf32, #tpu.memory_space<hbm>>
        %dma_wait3A_37 = arith.constant 0 : i32
        %dma_wait3A_38 = arith.constant 0 : i32
        %dma_wait3A_39 = tpu.memref_slice %arg2[%dma_wait3A_37, %dma_wait3A_38] : memref<320000x128xf32, #tpu.memory_space<hbm>> -> memref<128x128xf32, #tpu.memory_space<hbm>>
        tpu.wait_dma2 semaphore(%arg12 : memref<!tpu.dma_semaphore, #tpu.memory_space<semaphore_mem>>) src(%dma_wait3A_39 : memref<128x128xf32, #tpu.memory_space<hbm>>) dst(%arg9 : memref<128x128xf32, #tpu.memory_space<vmem>>)
        %add3A_40 = arith.constant 32 : i32
        %add3A_41 = arith.addi %add3A_29, %add3A_40 : i32
        %lt3A_42 = arith.constant 2500 : i32
        %lt3A_43 = arith.cmpi slt, %add3A_41, %lt3A_42 : i32
        %convert_element_type3A_44 = arith.extui %lt3A_43 : i1 to i32
        %cond3A_45 = arith.constant 0 : i32
        %cond3A_46 = arith.cmpi ne, %convert_element_type3A_44, %cond3A_45 : i32
        scf.if %cond3A_46 {
          %add3A_47 = arith.constant 32 : i32
          %add3A_48 = arith.addi %add3A_29, %add3A_47 : i32
          %mul3A_49 = arith.constant 128 : i32
          %mul3A_50 = arith.muli %add3A_48, %mul3A_49 : i32
          "tpu.region"() ({
            %run_scoped3A = tpu.sem_alloc : memref<!tpu.dma_semaphore, #tpu.memory_space<semaphore_mem>>
            %dma_start3A_55 = tpu.memref_slice %arg3[%mul3A_50] : memref<320000xi32, #tpu.memory_space<hbm>> -> memref<128xi32, #tpu.memory_space<hbm>>
            %dma_start3A_56 = tpu.memref_slice %arg3[%mul3A_50] : memref<320000xi32, #tpu.memory_space<hbm>> -> memref<128xi32, #tpu.memory_space<hbm>>
            tpu.enqueue_dma source(%dma_start3A_56 : memref<128xi32, #tpu.memory_space<hbm>>) target(%arg6 : memref<128xi32, #tpu.memory_space<vmem>>) target_semaphore(%run_scoped3A : memref<!tpu.dma_semaphore, #tpu.memory_space<semaphore_mem>>)
            %dma_wait3A_57 = tpu.memref_slice %arg3[%mul3A_50] : memref<320000xi32, #tpu.memory_space<hbm>> -> memref<128xi32, #tpu.memory_space<hbm>>
            %dma_wait3A_58 = tpu.memref_slice %arg3[%mul3A_50] : memref<320000xi32, #tpu.memory_space<hbm>> -> memref<128xi32, #tpu.memory_space<hbm>>
            tpu.wait_dma2 semaphore(%run_scoped3A : memref<!tpu.dma_semaphore, #tpu.memory_space<semaphore_mem>>) src(%dma_wait3A_58 : memref<128xi32, #tpu.memory_space<hbm>>) dst(%arg6 : memref<128xi32, #tpu.memory_space<vmem>>)
            tpu.yield
          }) : () -> ()
          %dma_start3A_51 = arith.constant 0 : i32
          %dma_start3A_52 = tpu.memref_slice %arg2[%mul3A_50, %dma_start3A_51] : memref<320000x128xf32, #tpu.memory_space<hbm>> -> memref<128x128xf32, #tpu.memory_space<hbm>>
          %dma_start3A_53 = arith.constant 0 : i32
          %dma_start3A_54 = tpu.memref_slice %arg2[%mul3A_50, %dma_start3A_53] : memref<320000x128xf32, #tpu.memory_space<hbm>> -> memref<128x128xf32, #tpu.memory_space<hbm>>
          tpu.enqueue_dma source(%dma_start3A_54 : memref<128x128xf32, #tpu.memory_space<hbm>>) target(%arg8 : memref<128x128xf32, #tpu.memory_space<vmem>>) target_semaphore(%arg11 : memref<!tpu.dma_semaphore, #tpu.memory_space<semaphore_mem>>)
        } else {
        }
        "tpu.region"() ({
          %run_scoped3A = tpu.sem_alloc : memref<!tpu.dma_semaphore, #tpu.memory_space<semaphore_mem>>
          %dma_start3A_47 = arith.constant 0 : i32
          %dma_start3A_48 = arith.constant 0 : i32
          %dma_start3A_49 = tpu.memref_slice %arg10[%dma_start3A_47, %dma_start3A_48] : memref<10000x128xf32, #tpu.memory_space<vmem_shared>> -> memref<10000x128xf32, #tpu.memory_space<vmem_shared>>
          tpu.enqueue_indirect_dma source(%arg9 : memref<128x128xf32, #tpu.memory_space<vmem>>) target(%dma_start3A_49 : memref<10000x128xf32, #tpu.memory_space<vmem_shared>>) offsets(%arg7 : memref<128xi32, #tpu.memory_space<vmem>>) semaphore(%run_scoped3A : memref<!tpu.dma_semaphore, #tpu.memory_space<semaphore_mem>>) {add = true}
          %dma_wait3A_50 = arith.constant 0 : i32
          %dma_wait3A_51 = arith.constant 0 : i32
          %dma_wait3A_52 = tpu.memref_slice %arg10[%dma_wait3A_50, %dma_wait3A_51] : memref<10000x128xf32, #tpu.memory_space<vmem_shared>> -> memref<10000x128xf32, #tpu.memory_space<vmem_shared>>
          tpu.wait_indirect_dma semaphore(%run_scoped3A : memref<!tpu.dma_semaphore, #tpu.memory_space<semaphore_mem>>) src(%arg9 : memref<128x128xf32, #tpu.memory_space<vmem>>) dst(%dma_wait3A_52 : memref<10000x128xf32, #tpu.memory_space<vmem_shared>>)
          tpu.yield
        }) : () -> ()
      } else {
      }
    }
    %scan3A_11 = arith.constant 40 : i32
    %barrier3A_12 = arith.constant 0 : index
    tpu.barrier barrier_id(%barrier3A_12)
    "tpu.region"() ({
      %run_scoped3A = tpu.sem_alloc : memref<!tpu.dma_semaphore, #tpu.memory_space<semaphore_mem>>
      %dma_start3A_13 = arith.constant 0 : i32
      %dma_start3A_14 = tpu.memref_slice %arg5[%arg0, %mul3A_2, %dma_start3A_13] : memref<2x10000x128xf32, #tpu.memory_space<hbm>> -> memref<1x625x128xf32, #tpu.memory_space<hbm>>
      %dma_start3A_15 = tpu.memref_squeeze %dma_start3A_14 : memref<1x625x128xf32, #tpu.memory_space<hbm>> -> memref<625x128xf32, #tpu.memory_space<hbm>>
      %dma_start3A_16 = arith.constant 0 : i32
      %dma_start3A_17 = tpu.memref_slice %arg10[%mul3A_2, %dma_start3A_16] : memref<10000x128xf32, #tpu.memory_space<vmem_shared>> -> memref<625x128xf32, #tpu.memory_space<vmem_shared>>
      tpu.enqueue_dma source(%dma_start3A_17 : memref<625x128xf32, #tpu.memory_space<vmem_shared>>) target(%dma_start3A_15 : memref<625x128xf32, #tpu.memory_space<hbm>>) target_semaphore(%run_scoped3A : memref<!tpu.dma_semaphore, #tpu.memory_space<semaphore_mem>>)
      %dma_wait3A = arith.constant 0 : i32
      %dma_wait3A_18 = tpu.memref_slice %arg5[%arg0, %mul3A_2, %dma_wait3A] : memref<2x10000x128xf32, #tpu.memory_space<hbm>> -> memref<1x625x128xf32, #tpu.memory_space<hbm>>
      %dma_wait3A_19 = tpu.memref_squeeze %dma_wait3A_18 : memref<1x625x128xf32, #tpu.memory_space<hbm>> -> memref<625x128xf32, #tpu.memory_space<hbm>>
      %dma_wait3A_20 = arith.constant 0 : i32
      %dma_wait3A_21 = tpu.memref_slice %arg10[%mul3A_2, %dma_wait3A_20] : memref<10000x128xf32, #tpu.memory_space<vmem_shared>> -> memref<625x128xf32, #tpu.memory_space<vmem_shared>>
      tpu.wait_dma2 semaphore(%run_scoped3A : memref<!tpu.dma_semaphore, #tpu.memory_space<semaphore_mem>>) src(%dma_wait3A_21 : memref<625x128xf32, #tpu.memory_space<vmem_shared>>) dst(%dma_wait3A_19 : memref<625x128xf32, #tpu.memory_space<hbm>>)
      tpu.yield
    }) : () -> ()
    return
  }
}

module attributes {stable_mosaic.version = 14 : i64} {
  func.func @body(%arg0: i32, %arg1: memref<2000x128xf32, #tpu.memory_space<vmem>>, %arg2: memref<128x128xf32, #tpu.memory_space<vmem>>, %arg3: memref<128x128xf32, #tpu.memory_space<vmem>>, %arg4: memref<1x128xf32, #tpu.memory_space<vmem>>, %arg5: memref<2000x128xbf16, #tpu.memory_space<vmem>>, %arg6: memref<2000x128xbf16, #tpu.memory_space<vmem>>) attributes {dimension_semantics = [#tpu.dimension_semantics<arbitrary>], iteration_bounds = array<i64: 5>, scalar_prefetch = 0 : i64, scratch_operands = 0 : i64, tpu.core_type = #tpu.core_type<tc>, window_params = [{transform_indices = @transform_0, window_bounds = array<i64: 2000, 128>}, {pipeline_mode = #tpu.pipeline_mode<synchronous>, transform_indices = @transform_1, window_bounds = array<i64: 128, 128>}, {pipeline_mode = #tpu.pipeline_mode<synchronous>, transform_indices = @transform_2, window_bounds = array<i64: 128, 128>}, {pipeline_mode = #tpu.pipeline_mode<synchronous>, transform_indices = @transform_3, window_bounds = array<i64: 1, 128>}, {transform_indices = @transform_4, window_bounds = array<i64: 2000, 128>}, {transform_indices = @transform_5, window_bounds = array<i64: 2000, 128>}]} {
    %get3A = arith.constant 0 : index
    %get3A_0 = arith.constant 0 : index
    %get3A_1 = vector.load %arg1[%get3A, %get3A_0] : memref<2000x128xf32, #tpu.memory_space<vmem>>, vector<2000x128xf32>
    %get3A_2 = arith.constant 0 : index
    %get3A_3 = arith.constant 0 : index
    %get3A_4 = vector.load %arg2[%get3A_2, %get3A_3] : memref<128x128xf32, #tpu.memory_space<vmem>>, vector<128x128xf32>
    %dot_general3A = arith.constant dense<0.000000e+00> : vector<2000x128xf32>
    %dot_general3A_5 = tpu.matmul %get3A_1, %get3A_4, %dot_general3A {dimension_numbers = #tpu.dot_dimension_numbers<[1], [0], [0], [1], [0, 0, 1, 1], [], []>, transpose_lhs_hint = false} : vector<2000x128xf32>, vector<128x128xf32>, vector<2000x128xf32> -> vector<2000x128xf32>
    %get3A_6 = arith.constant 0 : index
    %get3A_7 = arith.constant 0 : index
    %get3A_8 = vector.load %arg3[%get3A_6, %get3A_7] : memref<128x128xf32, #tpu.memory_space<vmem>>, vector<128x128xf32>
    %dot_general3A_9 = arith.constant dense<0.000000e+00> : vector<2000x128xf32>
    %dot_general3A_10 = tpu.matmul %get3A_1, %get3A_8, %dot_general3A_9 {dimension_numbers = #tpu.dot_dimension_numbers<[1], [0], [0], [1], [0, 0, 1, 1], [], []>, transpose_lhs_hint = false} : vector<2000x128xf32>, vector<128x128xf32>, vector<2000x128xf32> -> vector<2000x128xf32>
    %get3A_11 = arith.constant 0 : index
    %get3A_12 = arith.constant 0 : index
    %get3A_13 = vector.load %arg4[%get3A_11, %get3A_12] : memref<1x128xf32, #tpu.memory_space<vmem>>, vector<1x128xf32>
    %add3A = vector.broadcast %get3A_13 : vector<1x128xf32> to vector<2000x128xf32>
    %add3A_14 = arith.addf %dot_general3A_10, %add3A : vector<2000x128xf32>
    %convert_element_type3A = arith.truncf %dot_general3A_5 : vector<2000x128xf32> to vector<2000x128xbf16>
    %swap3A = arith.constant 0 : index
    %swap3A_15 = arith.constant 0 : index
    %swap3A_16 = vector.load %arg5[%swap3A, %swap3A_15] : memref<2000x128xbf16, #tpu.memory_space<vmem>>, vector<2000x128xbf16>
    tpu.vector_store %arg5[%swap3A, %swap3A_15], %convert_element_type3A {strides = array<i32>} : memref<2000x128xbf16, #tpu.memory_space<vmem>>, vector<2000x128xbf16>,
    %convert_element_type3A_17 = arith.truncf %add3A_14 : vector<2000x128xf32> to vector<2000x128xbf16>
    %swap3A_18 = arith.constant 0 : index
    %swap3A_19 = arith.constant 0 : index
    %swap3A_20 = vector.load %arg6[%swap3A_18, %swap3A_19] : memref<2000x128xbf16, #tpu.memory_space<vmem>>, vector<2000x128xbf16>
    tpu.vector_store %arg6[%swap3A_18, %swap3A_19], %convert_element_type3A_17 {strides = array<i32>} : memref<2000x128xbf16, #tpu.memory_space<vmem>>, vector<2000x128xbf16>,
    return
  }
  func.func @transform_0(%arg0: i32) -> (i32, i32) {
    %c0_i32 = arith.constant 0 : i32
    %c0_i32_0 = arith.constant 0 : i32
    return %arg0, %c0_i32 : i32, i32
  }
  func.func @transform_1(%arg0: i32) -> (i32, i32) {
    %c0_i32 = arith.constant 0 : i32
    %c0_i32_0 = arith.constant 0 : i32
    %c0_i32_1 = arith.constant 0 : i32
    return %c0_i32, %c0_i32_0 : i32, i32
  }
  func.func @transform_2(%arg0: i32) -> (i32, i32) {
    %c0_i32 = arith.constant 0 : i32
    %c0_i32_0 = arith.constant 0 : i32
    %c0_i32_1 = arith.constant 0 : i32
    return %c0_i32, %c0_i32_0 : i32, i32
  }
  func.func @transform_3(%arg0: i32) -> (i32, i32) {
    %c0_i32 = arith.constant 0 : i32
    %c0_i32_0 = arith.constant 0 : i32
    %c0_i32_1 = arith.constant 0 : i32
    return %c0_i32, %c0_i32_0 : i32, i32
  }
  func.func @transform_4(%arg0: i32) -> (i32, i32) {
    %c0_i32 = arith.constant 0 : i32
    %c0_i32_0 = arith.constant 0 : i32
    return %arg0, %c0_i32 : i32, i32
  }
  func.func @transform_5(%arg0: i32) -> (i32, i32) {
    %c0_i32 = arith.constant 0 : i32
    %c0_i32_0 = arith.constant 0 : i32
    return %arg0, %c0_i32 : i32, i32
  }
}

module attributes {stable_mosaic.version = 14 : i64} {
  func.func @body(%arg0: i32, %arg1: memref<3200x128xf32, #tpu.memory_space<vmem>>, %arg2: memref<400x128xf32, #tpu.memory_space<vmem>>, %arg3: memref<400x128xf32, #tpu.memory_space<vmem>>, %arg4: memref<128x1024xbf16, #tpu.memory_space<vmem>>, %arg5: memref<128x128xbf16, #tpu.memory_space<vmem>>, %arg6: memref<1x128xf32, #tpu.memory_space<vmem>>, %arg7: memref<128x128xf32, #tpu.memory_space<vmem>>, %arg8: memref<1x128xf32, #tpu.memory_space<vmem>>, %arg9: memref<128x128xf32, #tpu.memory_space<vmem>>, %arg10: memref<1x1xf32, #tpu.memory_space<vmem>>, %arg11: memref<3200x128xf32, #tpu.memory_space<vmem>>, %arg12: memref<3200x1xf32, #tpu.memory_space<vmem>>) attributes {dimension_semantics = [#tpu.dimension_semantics<arbitrary>], iteration_bounds = array<i64: 100>, scalar_prefetch = 0 : i64, scratch_operands = 0 : i64, tpu.core_type = #tpu.core_type<tc>, window_params = [{transform_indices = @transform_0, window_bounds = array<i64: 3200, 128>}, {transform_indices = @transform_1, window_bounds = array<i64: 400, 128>}, {transform_indices = @transform_2, window_bounds = array<i64: 400, 128>}, {pipeline_mode = #tpu.pipeline_mode<synchronous>, transform_indices = @transform_3, window_bounds = array<i64: 128, 1024>}, {pipeline_mode = #tpu.pipeline_mode<synchronous>, transform_indices = @transform_4, window_bounds = array<i64: 128, 128>}, {pipeline_mode = #tpu.pipeline_mode<synchronous>, transform_indices = @transform_5, window_bounds = array<i64: 1, 128>}, {pipeline_mode = #tpu.pipeline_mode<synchronous>, transform_indices = @transform_6, window_bounds = array<i64: 128, 128>}, {pipeline_mode = #tpu.pipeline_mode<synchronous>, transform_indices = @transform_7, window_bounds = array<i64: 1, 128>}, {pipeline_mode = #tpu.pipeline_mode<synchronous>, transform_indices = @transform_8, window_bounds = array<i64: 128, 128>}, {pipeline_mode = #tpu.pipeline_mode<synchronous>, transform_indices = @transform_9, window_bounds = array<i64: 1, 1>}, {transform_indices = @transform_10, window_bounds = array<i64: 3200, 128>}, {transform_indices = @transform_11, window_bounds = array<i64: 3200, 1>}]} {
    %get3A = arith.constant 0 : index
    %get3A_0 = arith.constant 0 : index
    %get3A_1 = vector.load %arg2[%get3A, %get3A_0] : memref<400x128xf32, #tpu.memory_space<vmem>>, vector<400x128xf32>
    %get3A_2 = arith.constant 0 : index
    %get3A_3 = arith.constant 0 : index
    %get3A_4 = vector.load %arg3[%get3A_2, %get3A_3] : memref<400x128xf32, #tpu.memory_space<vmem>>, vector<400x128xf32>
    %sub3A = arith.subf %get3A_1, %get3A_4 : vector<400x128xf32>
    %mul3A = arith.mulf %sub3A, %sub3A : vector<400x128xf32>
    %convert_element_type3A = arith.truncf %mul3A : vector<400x128xf32> to vector<400x128xbf16>
    %get3A_5 = arith.constant 0 : index
    %get3A_6 = arith.constant 0 : index
    %get3A_7 = vector.load %arg4[%get3A_5, %get3A_6] : memref<128x1024xbf16, #tpu.memory_space<vmem>>, vector<128x1024xbf16>
    %dot_general3A = arith.constant dense<0.000000e+00> : vector<400x1024xf32>
    %dot_general3A_8 = tpu.matmul %convert_element_type3A, %get3A_7, %dot_general3A {dimension_numbers = #tpu.dot_dimension_numbers<[1], [0], [0], [1], [0, 0, 1, 1], [], []>, transpose_lhs_hint = false} : vector<400x128xbf16>, vector<128x1024xbf16>, vector<400x1024xf32> -> vector<400x1024xf32>
    %get3A_9 = arith.constant 0 : index
    %get3A_10 = arith.constant 0 : index
    %get3A_11 = vector.load %arg1[%get3A_9, %get3A_10] : memref<3200x128xf32, #tpu.memory_space<vmem>>, vector<3200x128xf32>
    %reshape3A = vector.shape_cast %dot_general3A_8 : vector<400x1024xf32> to vector<3200x128xf32>
    %add3A = arith.addf %get3A_11, %reshape3A : vector<3200x128xf32>
    %logistic3A = arith.negf %add3A : vector<3200x128xf32>
    %logistic3A_12 = math.exp %logistic3A : vector<3200x128xf32>
    %logistic3A_13 = arith.constant 1.000000e+00 : f32
    %logistic3A_14 = vector.broadcast %logistic3A_13 : f32 to vector<3200x128xf32>
    %logistic3A_15 = arith.addf %logistic3A_14, %logistic3A_12 : vector<3200x128xf32>
    %logistic3A_16 = arith.divf %logistic3A_14, %logistic3A_15 : vector<3200x128xf32>
    %mul3A_17 = arith.mulf %add3A, %logistic3A_16 : vector<3200x128xf32>
    %convert_element_type3A_18 = arith.truncf %mul3A_17 : vector<3200x128xf32> to vector<3200x128xbf16>
    %get3A_19 = arith.constant 0 : index
    %get3A_20 = arith.constant 0 : index
    %get3A_21 = vector.load %arg5[%get3A_19, %get3A_20] : memref<128x128xbf16, #tpu.memory_space<vmem>>, vector<128x128xbf16>
    %dot_general3A_22 = arith.constant dense<0.000000e+00> : vector<3200x128xf32>
    %dot_general3A_23 = tpu.matmul %convert_element_type3A_18, %get3A_21, %dot_general3A_22 {dimension_numbers = #tpu.dot_dimension_numbers<[1], [0], [0], [1], [0, 0, 1, 1], [], []>, transpose_lhs_hint = false} : vector<3200x128xbf16>, vector<128x128xbf16>, vector<3200x128xf32> -> vector<3200x128xf32>
    %get3A_24 = arith.constant 0 : index
    %get3A_25 = arith.constant 0 : index
    %get3A_26 = vector.load %arg6[%get3A_24, %get3A_25] : memref<1x128xf32, #tpu.memory_space<vmem>>, vector<1x128xf32>
    %add3A_27 = vector.broadcast %get3A_26 : vector<1x128xf32> to vector<3200x128xf32>
    %add3A_28 = arith.addf %dot_general3A_23, %add3A_27 : vector<3200x128xf32>
    %logistic3A_29 = arith.negf %add3A_28 : vector<3200x128xf32>
    %logistic3A_30 = math.exp %logistic3A_29 : vector<3200x128xf32>
    %logistic3A_31 = arith.constant 1.000000e+00 : f32
    %logistic3A_32 = vector.broadcast %logistic3A_31 : f32 to vector<3200x128xf32>
    %logistic3A_33 = arith.addf %logistic3A_32, %logistic3A_30 : vector<3200x128xf32>
    %logistic3A_34 = arith.divf %logistic3A_32, %logistic3A_33 : vector<3200x128xf32>
    %mul3A_35 = arith.mulf %add3A_28, %logistic3A_34 : vector<3200x128xf32>
    %swap3A = arith.constant 0 : index
    %swap3A_36 = arith.constant 0 : index
    %swap3A_37 = vector.load %arg11[%swap3A, %swap3A_36] : memref<3200x128xf32, #tpu.memory_space<vmem>>, vector<3200x128xf32>
    tpu.vector_store %arg11[%swap3A, %swap3A_36], %mul3A_35 {strides = array<i32>} : memref<3200x128xf32, #tpu.memory_space<vmem>>, vector<3200x128xf32>,
    %get3A_38 = arith.constant 0 : index
    %get3A_39 = arith.constant 0 : index
    %get3A_40 = vector.load %arg7[%get3A_38, %get3A_39] : memref<128x128xf32, #tpu.memory_space<vmem>>, vector<128x128xf32>
    %dot_general3A_41 = arith.constant dense<0.000000e+00> : vector<3200x128xf32>
    %dot_general3A_42 = tpu.matmul %mul3A_35, %get3A_40, %dot_general3A_41 {dimension_numbers = #tpu.dot_dimension_numbers<[1], [0], [0], [1], [0, 0, 1, 1], [], []>, transpose_lhs_hint = false} : vector<3200x128xf32>, vector<128x128xf32>, vector<3200x128xf32> -> vector<3200x128xf32>
    %get3A_43 = arith.constant 0 : index
    %get3A_44 = arith.constant 0 : index
    %get3A_45 = vector.load %arg8[%get3A_43, %get3A_44] : memref<1x128xf32, #tpu.memory_space<vmem>>, vector<1x128xf32>
    %add3A_46 = vector.broadcast %get3A_45 : vector<1x128xf32> to vector<3200x128xf32>
    %add3A_47 = arith.addf %dot_general3A_42, %add3A_46 : vector<3200x128xf32>
    %logistic3A_48 = arith.negf %add3A_47 : vector<3200x128xf32>
    %logistic3A_49 = math.exp %logistic3A_48 : vector<3200x128xf32>
    %logistic3A_50 = arith.constant 1.000000e+00 : f32
    %logistic3A_51 = vector.broadcast %logistic3A_50 : f32 to vector<3200x128xf32>
    %logistic3A_52 = arith.addf %logistic3A_51, %logistic3A_49 : vector<3200x128xf32>
    %logistic3A_53 = arith.divf %logistic3A_51, %logistic3A_52 : vector<3200x128xf32>
    %mul3A_54 = arith.mulf %add3A_47, %logistic3A_53 : vector<3200x128xf32>
    %get3A_55 = arith.constant 0 : index
    %get3A_56 = arith.constant 0 : index
    %get3A_57 = vector.load %arg9[%get3A_55, %get3A_56] : memref<128x128xf32, #tpu.memory_space<vmem>>, vector<128x128xf32>
    %dot_general3A_58 = arith.constant dense<0.000000e+00> : vector<3200x128xf32>
    %dot_general3A_59 = tpu.matmul %mul3A_54, %get3A_57, %dot_general3A_58 {dimension_numbers = #tpu.dot_dimension_numbers<[1], [0], [0], [1], [0, 0, 1, 1], [], []>, transpose_lhs_hint = false} : vector<3200x128xf32>, vector<128x128xf32>, vector<3200x128xf32> -> vector<3200x128xf32>
    %slice3A = vector.extract_strided_slice %dot_general3A_59 {offsets = [0, 0], sizes = [3200, 1], strides = [1, 1]} : vector<3200x128xf32> to vector<3200x1xf32>
    %get3A_60 = arith.constant 0 : index
    %get3A_61 = arith.constant 0 : index
    %get3A_62 = vector.load %arg10[%get3A_60, %get3A_61] : memref<1x1xf32, #tpu.memory_space<vmem>>, vector<1x1xf32>
    %add3A_63 = vector.broadcast %get3A_62 : vector<1x1xf32> to vector<3200x1xf32>
    %add3A_64 = arith.addf %slice3A, %add3A_63 : vector<3200x1xf32>
    %swap3A_65 = arith.constant 0 : index
    %swap3A_66 = arith.constant 0 : index
    %swap3A_67 = vector.load %arg12[%swap3A_65, %swap3A_66] : memref<3200x1xf32, #tpu.memory_space<vmem>>, vector<3200x1xf32>
    tpu.vector_store %arg12[%swap3A_65, %swap3A_66], %add3A_64 {strides = array<i32>} : memref<3200x1xf32, #tpu.memory_space<vmem>>, vector<3200x1xf32>,
    return
  }
  func.func @transform_0(%arg0: i32) -> (i32, i32) {
    %c0_i32 = arith.constant 0 : i32
    %c0_i32_0 = arith.constant 0 : i32
    return %arg0, %c0_i32 : i32, i32
  }
  func.func @transform_1(%arg0: i32) -> (i32, i32) {
    %c0_i32 = arith.constant 0 : i32
    %c0_i32_0 = arith.constant 0 : i32
    return %arg0, %c0_i32 : i32, i32
  }
  func.func @transform_2(%arg0: i32) -> (i32, i32) {
    %c0_i32 = arith.constant 0 : i32
    %c0_i32_0 = arith.constant 0 : i32
    return %arg0, %c0_i32 : i32, i32
  }
  func.func @transform_3(%arg0: i32) -> (i32, i32) {
    %c0_i32 = arith.constant 0 : i32
    %c0_i32_0 = arith.constant 0 : i32
    %c0_i32_1 = arith.constant 0 : i32
    return %c0_i32, %c0_i32_0 : i32, i32
  }
  func.func @transform_4(%arg0: i32) -> (i32, i32) {
    %c0_i32 = arith.constant 0 : i32
    %c0_i32_0 = arith.constant 0 : i32
    %c0_i32_1 = arith.constant 0 : i32
    return %c0_i32, %c0_i32_0 : i32, i32
  }
  func.func @transform_5(%arg0: i32) -> (i32, i32) {
    %c0_i32 = arith.constant 0 : i32
    %c0_i32_0 = arith.constant 0 : i32
    %c0_i32_1 = arith.constant 0 : i32
    return %c0_i32, %c0_i32_0 : i32, i32
  }
  func.func @transform_6(%arg0: i32) -> (i32, i32) {
    %c0_i32 = arith.constant 0 : i32
    %c0_i32_0 = arith.constant 0 : i32
    %c0_i32_1 = arith.constant 0 : i32
    return %c0_i32, %c0_i32_0 : i32, i32
  }
  func.func @transform_7(%arg0: i32) -> (i32, i32) {
    %c0_i32 = arith.constant 0 : i32
    %c0_i32_0 = arith.constant 0 : i32
    %c0_i32_1 = arith.constant 0 : i32
    return %c0_i32, %c0_i32_0 : i32, i32
  }
  func.func @transform_8(%arg0: i32) -> (i32, i32) {
    %c0_i32 = arith.constant 0 : i32
    %c0_i32_0 = arith.constant 0 : i32
    %c0_i32_1 = arith.constant 0 : i32
    return %c0_i32, %c0_i32_0 : i32, i32
  }
  func.func @transform_9(%arg0: i32) -> (i32, i32) {
    %c0_i32 = arith.constant 0 : i32
    %c0_i32_0 = arith.constant 0 : i32
    %c0_i32_1 = arith.constant 0 : i32
    return %c0_i32, %c0_i32_0 : i32, i32
  }
  func.func @transform_10(%arg0: i32) -> (i32, i32) {
    %c0_i32 = arith.constant 0 : i32
    %c0_i32_0 = arith.constant 0 : i32
    return %arg0, %c0_i32 : i32, i32
  }
  func.func @transform_11(%arg0: i32) -> (i32, i32) {
    %c0_i32 = arith.constant 0 : i32
    %c0_i32_0 = arith.constant 0 : i32
    return %arg0, %c0_i32 : i32, i32
  }
}

module attributes {stable_mosaic.version = 14 : i64} {
  func.func @body(%arg0: i32, %arg1: memref<2x2000x128xf32, #tpu.memory_space<vmem>>, %arg2: memref<2x2000x16xf32, #tpu.memory_space<vmem>>, %arg3: memref<2000x128xf32, #tpu.memory_space<vmem>>, %arg4: memref<2000x3xf32, #tpu.memory_space<vmem>>, %arg5: memref<256x128xf32, #tpu.memory_space<vmem>>, %arg6: memref<1x128xf32, #tpu.memory_space<vmem>>, %arg7: memref<128x128xf32, #tpu.memory_space<vmem>>, %arg8: memref<1x128xf32, #tpu.memory_space<vmem>>, %arg9: memref<1x128xf32, #tpu.memory_space<vmem>>, %arg10: memref<1x128xf32, #tpu.memory_space<vmem>>, %arg11: memref<2000x128xf32, #tpu.memory_space<vmem>>, %arg12: memref<2000x3xf32, #tpu.memory_space<vmem>>) attributes {dimension_semantics = [#tpu.dimension_semantics<arbitrary>], iteration_bounds = array<i64: 5>, scalar_prefetch = 0 : i64, scratch_operands = 0 : i64, tpu.core_type = #tpu.core_type<tc>, window_params = [{transform_indices = @transform_0, window_bounds = array<i64: 2, 2000, 128>}, {transform_indices = @transform_1, window_bounds = array<i64: 2, 2000, 16>}, {transform_indices = @transform_2, window_bounds = array<i64: 2000, 128>}, {transform_indices = @transform_3, window_bounds = array<i64: 2000, 3>}, {pipeline_mode = #tpu.pipeline_mode<synchronous>, transform_indices = @transform_4, window_bounds = array<i64: 256, 128>}, {pipeline_mode = #tpu.pipeline_mode<synchronous>, transform_indices = @transform_5, window_bounds = array<i64: 1, 128>}, {pipeline_mode = #tpu.pipeline_mode<synchronous>, transform_indices = @transform_6, window_bounds = array<i64: 128, 128>}, {pipeline_mode = #tpu.pipeline_mode<synchronous>, transform_indices = @transform_7, window_bounds = array<i64: 1, 128>}, {pipeline_mode = #tpu.pipeline_mode<synchronous>, transform_indices = @transform_8, window_bounds = array<i64: 1, 128>}, {pipeline_mode = #tpu.pipeline_mode<synchronous>, transform_indices = @transform_9, window_bounds = array<i64: 1, 128>}, {transform_indices = @transform_10, window_bounds = array<i64: 2000, 128>}, {transform_indices = @transform_11, window_bounds = array<i64: 2000, 3>}]} {
    %get3A = arith.constant 0 : index
    %get3A_0 = arith.constant 0 : index
    %get3A_1 = arith.constant 0 : index
    %get3A_2 = vector.load %arg1[%get3A, %get3A_0, %get3A_1] : memref<2x2000x128xf32, #tpu.memory_space<vmem>>, vector<2x2000x128xf32>
    %get3A_3 = arith.constant 0 : index
    %get3A_4 = arith.constant 0 : index
    %get3A_5 = arith.constant 0 : index
    %get3A_6 = vector.load %arg2[%get3A_3, %get3A_4, %get3A_5] : memref<2x2000x16xf32, #tpu.memory_space<vmem>>, vector<2x2000x16xf32>
    %slice3A = vector.extract_strided_slice %get3A_2 {offsets = [0, 0, 0], sizes = [1, 2000, 128], strides = [1, 1, 1]} : vector<2x2000x128xf32> to vector<1x2000x128xf32>
    %squeeze3A = vector.shape_cast %slice3A : vector<1x2000x128xf32> to vector<2000x128xf32>
    %slice3A_7 = vector.extract_strided_slice %get3A_2 {offsets = [1, 0, 0], sizes = [1, 2000, 128], strides = [1, 1, 1]} : vector<2x2000x128xf32> to vector<1x2000x128xf32>
    %squeeze3A_8 = vector.shape_cast %slice3A_7 : vector<1x2000x128xf32> to vector<2000x128xf32>
    %add3A = arith.addf %squeeze3A, %squeeze3A_8 : vector<2000x128xf32>
    %slice3A_9 = vector.extract_strided_slice %get3A_6 {offsets = [0, 0, 0], sizes = [1, 2000, 16], strides = [1, 1, 1]} : vector<2x2000x16xf32> to vector<1x2000x16xf32>
    %squeeze3A_10 = vector.shape_cast %slice3A_9 : vector<1x2000x16xf32> to vector<2000x16xf32>
    %slice3A_11 = vector.extract_strided_slice %get3A_6 {offsets = [1, 0, 0], sizes = [1, 2000, 16], strides = [1, 1, 1]} : vector<2x2000x16xf32> to vector<1x2000x16xf32>
    %squeeze3A_12 = vector.shape_cast %slice3A_11 : vector<1x2000x16xf32> to vector<2000x16xf32>
    %add3A_13 = arith.addf %squeeze3A_10, %squeeze3A_12 : vector<2000x16xf32>
    %slice3A_14 = vector.extract_strided_slice %add3A_13 {offsets = [0, 0], sizes = [2000, 3], strides = [1, 1]} : vector<2000x16xf32> to vector<2000x3xf32>
    %slice3A_15 = vector.extract_strided_slice %add3A_13 {offsets = [0, 3], sizes = [2000, 1], strides = [1, 1]} : vector<2000x16xf32> to vector<2000x1xf32>
    %slice3A_16 = vector.extract_strided_slice %add3A_13 {offsets = [0, 4], sizes = [2000, 1], strides = [1, 1]} : vector<2000x16xf32> to vector<2000x1xf32>
    %get3A_17 = arith.constant 0 : index
    %get3A_18 = arith.constant 0 : index
    %get3A_19 = vector.load %arg3[%get3A_17, %get3A_18] : memref<2000x128xf32, #tpu.memory_space<vmem>>, vector<2000x128xf32>
    %get3A_20 = arith.constant 0 : index
    %get3A_21 = arith.constant 0 : index
    %get3A_22 = vector.load %arg4[%get3A_20, %get3A_21] : memref<2000x3xf32, #tpu.memory_space<vmem>>, vector<2000x3xf32>
    %get3A_23 = arith.constant 0 : index
    %get3A_24 = arith.constant 0 : index
    %get3A_25 = vector.load %arg5[%get3A_23, %get3A_24] : memref<256x128xf32, #tpu.memory_space<vmem>>, vector<128x128xf32>
    %dot_general3A = arith.constant dense<0.000000e+00> : vector<2000x128xf32>
    %dot_general3A_26 = tpu.matmul %get3A_19, %get3A_25, %dot_general3A {dimension_numbers = #tpu.dot_dimension_numbers<[1], [0], [0], [1], [0, 0, 1, 1], [], []>, transpose_lhs_hint = false} : vector<2000x128xf32>, vector<128x128xf32>, vector<2000x128xf32> -> vector<2000x128xf32>
    %get3A_27 = arith.constant 128 : index
    %get3A_28 = arith.constant 0 : index
    %get3A_29 = vector.load %arg5[%get3A_27, %get3A_28] : memref<256x128xf32, #tpu.memory_space<vmem>>, vector<128x128xf32>
    %dot_general3A_30 = arith.constant dense<0.000000e+00> : vector<2000x128xf32>
    %dot_general3A_31 = tpu.matmul %add3A, %get3A_29, %dot_general3A_30 {dimension_numbers = #tpu.dot_dimension_numbers<[1], [0], [0], [1], [0, 0, 1, 1], [], []>, transpose_lhs_hint = false} : vector<2000x128xf32>, vector<128x128xf32>, vector<2000x128xf32> -> vector<2000x128xf32>
    %add3A_32 = arith.addf %dot_general3A_26, %dot_general3A_31 : vector<2000x128xf32>
    %get3A_33 = arith.constant 0 : index
    %get3A_34 = arith.constant 0 : index
    %get3A_35 = vector.load %arg6[%get3A_33, %get3A_34] : memref<1x128xf32, #tpu.memory_space<vmem>>, vector<1x128xf32>
    %add3A_36 = vector.broadcast %get3A_35 : vector<1x128xf32> to vector<2000x128xf32>
    %add3A_37 = arith.addf %add3A_32, %add3A_36 : vector<2000x128xf32>
    %logistic3A = arith.negf %add3A_37 : vector<2000x128xf32>
    %logistic3A_38 = math.exp %logistic3A : vector<2000x128xf32>
    %logistic3A_39 = arith.constant 1.000000e+00 : f32
    %logistic3A_40 = vector.broadcast %logistic3A_39 : f32 to vector<2000x128xf32>
    %logistic3A_41 = arith.addf %logistic3A_40, %logistic3A_38 : vector<2000x128xf32>
    %logistic3A_42 = arith.divf %logistic3A_40, %logistic3A_41 : vector<2000x128xf32>
    %mul3A = arith.mulf %add3A_37, %logistic3A_42 : vector<2000x128xf32>
    %get3A_43 = arith.constant 0 : index
    %get3A_44 = arith.constant 0 : index
    %get3A_45 = vector.load %arg7[%get3A_43, %get3A_44] : memref<128x128xf32, #tpu.memory_space<vmem>>, vector<128x128xf32>
    %dot_general3A_46 = arith.constant dense<0.000000e+00> : vector<2000x128xf32>
    %dot_general3A_47 = tpu.matmul %mul3A, %get3A_45, %dot_general3A_46 {dimension_numbers = #tpu.dot_dimension_numbers<[1], [0], [0], [1], [0, 0, 1, 1], [], []>, transpose_lhs_hint = false} : vector<2000x128xf32>, vector<128x128xf32>, vector<2000x128xf32> -> vector<2000x128xf32>
    %get3A_48 = arith.constant 0 : index
    %get3A_49 = arith.constant 0 : index
    %get3A_50 = vector.load %arg8[%get3A_48, %get3A_49] : memref<1x128xf32, #tpu.memory_space<vmem>>, vector<1x128xf32>
    %add3A_51 = vector.broadcast %get3A_50 : vector<1x128xf32> to vector<2000x128xf32>
    %add3A_52 = arith.addf %dot_general3A_47, %add3A_51 : vector<2000x128xf32>
    %add3A_53 = arith.addf %get3A_19, %add3A_52 : vector<2000x128xf32>
    %reduce_sum3A = arith.constant dense<0.000000e+00> : vector<2000xf32>
    %reduce_sum3A_54 = vector.multi_reduction <add>, %add3A_53, %reduce_sum3A [1] : vector<2000x128xf32> to vector<2000xf32>
    %broadcast_in_dim3A = vector.shape_cast %reduce_sum3A_54 : vector<2000xf32> to vector<2000x1xf32>
    %div3A = arith.constant 1.280000e+02 : f32
    %div3A_55 = vector.broadcast %div3A : f32 to vector<2000x1xf32>
    %div3A_56 = arith.divf %broadcast_in_dim3A, %div3A_55 : vector<2000x1xf32>
    %sub3A = vector.broadcast %div3A_56 : vector<2000x1xf32> to vector<2000x128xf32>
    %sub3A_57 = arith.subf %add3A_53, %sub3A : vector<2000x128xf32>
    %integer_pow3A = arith.mulf %sub3A_57, %sub3A_57 : vector<2000x128xf32>
    %reduce_sum3A_58 = arith.constant dense<0.000000e+00> : vector<2000xf32>
    %reduce_sum3A_59 = vector.multi_reduction <add>, %integer_pow3A, %reduce_sum3A_58 [1] : vector<2000x128xf32> to vector<2000xf32>
    %broadcast_in_dim3A_60 = vector.shape_cast %reduce_sum3A_59 : vector<2000xf32> to vector<2000x1xf32>
    %div3A_61 = arith.constant 1.280000e+02 : f32
    %div3A_62 = vector.broadcast %div3A_61 : f32 to vector<2000x1xf32>
    %div3A_63 = arith.divf %broadcast_in_dim3A_60, %div3A_62 : vector<2000x1xf32>
    %sub3A_64 = vector.broadcast %div3A_56 : vector<2000x1xf32> to vector<2000x128xf32>
    %sub3A_65 = arith.subf %add3A_53, %sub3A_64 : vector<2000x128xf32>
    %add3A_66 = arith.constant 9.99999974E-6 : f32
    %add3A_67 = vector.broadcast %add3A_66 : f32 to vector<2000x1xf32>
    %add3A_68 = arith.addf %div3A_63, %add3A_67 : vector<2000x1xf32>
    %sqrt3A = math.sqrt %add3A_68 : vector<2000x1xf32>
    %div3A_69 = vector.broadcast %sqrt3A : vector<2000x1xf32> to vector<2000x128xf32>
    %div3A_70 = arith.divf %sub3A_65, %div3A_69 : vector<2000x128xf32>
    %get3A_71 = arith.constant 0 : index
    %get3A_72 = arith.constant 0 : index
    %get3A_73 = vector.load %arg9[%get3A_71, %get3A_72] : memref<1x128xf32, #tpu.memory_space<vmem>>, vector<1x128xf32>
    %mul3A_74 = vector.broadcast %get3A_73 : vector<1x128xf32> to vector<2000x128xf32>
    %mul3A_75 = arith.mulf %div3A_70, %mul3A_74 : vector<2000x128xf32>
    %get3A_76 = arith.constant 0 : index
    %get3A_77 = arith.constant 0 : index
    %get3A_78 = vector.load %arg10[%get3A_76, %get3A_77] : memref<1x128xf32, #tpu.memory_space<vmem>>, vector<1x128xf32>
    %add3A_79 = vector.broadcast %get3A_78 : vector<1x128xf32> to vector<2000x128xf32>
    %add3A_80 = arith.addf %mul3A_75, %add3A_79 : vector<2000x128xf32>
    %swap3A = arith.constant 0 : index
    %swap3A_81 = arith.constant 0 : index
    %swap3A_82 = vector.load %arg11[%swap3A, %swap3A_81] : memref<2000x128xf32, #tpu.memory_space<vmem>>, vector<2000x128xf32>
    tpu.vector_store %arg11[%swap3A, %swap3A_81], %add3A_80 {strides = array<i32>} : memref<2000x128xf32, #tpu.memory_space<vmem>>, vector<2000x128xf32>,
    %mul3A_83 = vector.broadcast %slice3A_15 : vector<2000x1xf32> to vector<2000x3xf32>
    %mul3A_84 = arith.mulf %get3A_22, %mul3A_83 : vector<2000x3xf32>
    %sub3A_85 = arith.subf %slice3A_14, %mul3A_84 : vector<2000x3xf32>
    %max3A = arith.constant 1.000000e+00 : f32
    %max3A_86 = vector.broadcast %max3A : f32 to vector<2000x1xf32>
    %max3A_87 = arith.maximumf %slice3A_16, %max3A_86 : vector<2000x1xf32>
    %div3A_88 = vector.broadcast %max3A_87 : vector<2000x1xf32> to vector<2000x3xf32>
    %div3A_89 = arith.divf %sub3A_85, %div3A_88 : vector<2000x3xf32>
    %add3A_90 = arith.addf %get3A_22, %div3A_89 : vector<2000x3xf32>
    %swap3A_91 = arith.constant 0 : index
    %swap3A_92 = arith.constant 0 : index
    %swap3A_93 = vector.load %arg12[%swap3A_91, %swap3A_92] : memref<2000x3xf32, #tpu.memory_space<vmem>>, vector<2000x3xf32>
    tpu.vector_store %arg12[%swap3A_91, %swap3A_92], %add3A_90 {strides = array<i32>} : memref<2000x3xf32, #tpu.memory_space<vmem>>, vector<2000x3xf32>,
    return
  }
  func.func @transform_0(%arg0: i32) -> (i32, i32, i32) {
    %c0_i32 = arith.constant 0 : i32
    %c0_i32_0 = arith.constant 0 : i32
    %c0_i32_1 = arith.constant 0 : i32
    return %c0_i32, %arg0, %c0_i32_0 : i32, i32, i32
  }
  func.func @transform_1(%arg0: i32) -> (i32, i32, i32) {
    %c0_i32 = arith.constant 0 : i32
    %c0_i32_0 = arith.constant 0 : i32
    %c0_i32_1 = arith.constant 0 : i32
    return %c0_i32, %arg0, %c0_i32_0 : i32, i32, i32
  }
  func.func @transform_2(%arg0: i32) -> (i32, i32) {
    %c0_i32 = arith.constant 0 : i32
    %c0_i32_0 = arith.constant 0 : i32
    return %arg0, %c0_i32 : i32, i32
  }
  func.func @transform_3(%arg0: i32) -> (i32, i32) {
    %c0_i32 = arith.constant 0 : i32
    %c0_i32_0 = arith.constant 0 : i32
    return %arg0, %c0_i32 : i32, i32
  }
  func.func @transform_4(%arg0: i32) -> (i32, i32) {
    %c0_i32 = arith.constant 0 : i32
    %c0_i32_0 = arith.constant 0 : i32
    %c0_i32_1 = arith.constant 0 : i32
    return %c0_i32, %c0_i32_0 : i32, i32
  }
  func.func @transform_5(%arg0: i32) -> (i32, i32) {
    %c0_i32 = arith.constant 0 : i32
    %c0_i32_0 = arith.constant 0 : i32
    %c0_i32_1 = arith.constant 0 : i32
    return %c0_i32, %c0_i32_0 : i32, i32
  }
  func.func @transform_6(%arg0: i32) -> (i32, i32) {
    %c0_i32 = arith.constant 0 : i32
    %c0_i32_0 = arith.constant 0 : i32
    %c0_i32_1 = arith.constant 0 : i32
    return %c0_i32, %c0_i32_0 : i32, i32
  }
  func.func @transform_7(%arg0: i32) -> (i32, i32) {
    %c0_i32 = arith.constant 0 : i32
    %c0_i32_0 = arith.constant 0 : i32
    %c0_i32_1 = arith.constant 0 : i32
    return %c0_i32, %c0_i32_0 : i32, i32
  }
  func.func @transform_8(%arg0: i32) -> (i32, i32) {
    %c0_i32 = arith.constant 0 : i32
    %c0_i32_0 = arith.constant 0 : i32
    %c0_i32_1 = arith.constant 0 : i32
    return %c0_i32, %c0_i32_0 : i32, i32
  }
  func.func @transform_9(%arg0: i32) -> (i32, i32) {
    %c0_i32 = arith.constant 0 : i32
    %c0_i32_0 = arith.constant 0 : i32
    %c0_i32_1 = arith.constant 0 : i32
    return %c0_i32, %c0_i32_0 : i32, i32
  }
  func.func @transform_10(%arg0: i32) -> (i32, i32) {
    %c0_i32 = arith.constant 0 : i32
    %c0_i32_0 = arith.constant 0 : i32
    return %arg0, %c0_i32 : i32, i32
  }
  func.func @transform_11(%arg0: i32) -> (i32, i32) {
    %c0_i32 = arith.constant 0 : i32
    %c0_i32_0 = arith.constant 0 : i32
    return %arg0, %c0_i32 : i32, i32
  }
}

</mosaic_0001>

<sc_bundles>
// kernel: kernel.11.cloned.1.call-start
scs
__scs_entry_jumppad:
0x0: {  	(pc) =	sbr.rel $0x88, $3  }
0x1: {  	(tag) =	ssettag $0x0;
	lr =	simm.s32 $0x1  }
0x2: {  	[smem:$0x3F90] =	sst lr;
	_ =	strace $0xD0000000  }
0x3: {  	_ = 	snop  }
0x4: {  	_ = 	snop  }
0x5: {  	_ = 	snop  }
0x6: {  	_ = 	snop  }
0x7: {  	_ = 	snop  }
__scs_overlays_trampoline_lowered:
0x8: {  	[smem:$0x3F9F] =	sst s0  }
0x9: {  	[smem:$0x3FA0] =	sst s1  }
0xa: {  	[smem:$0x3FA1] =	sst s2  }
0xb: {  	[smem:$0x3FA2] =	sst s3  }
0xc: {  	[smem:$0x3FA3] =	sst s4  }
0xd: {  	[smem:$0x3FA4] =	sst s5  }
0xe: {  	[smem:$0x3FA5] =	sst s6  }
0xf: {  	[smem:$0x3FA6] =	sst s7  }
0x10: {  	[smem:$0x3FA7] =	sst s8  }
0x11: {  	[smem:$0x3FA8] =	sst s9;
	s0 =	simm.s32 @!p0 $0x0  }
0x12: {  	s1 =	sld [smem:$0x3F8E];
	s0 =	simm.s32 @p0 $0x1  }
0x13: {  	[smem:$0x3FA9] =	sst s0;
	s0 =	simm.s32 @!p1 $0x0  }
0x14: {  	s2 =	sld [smem:$0x3F8D];
	s0 =	simm.s32 @p1 $0x1  }
0x15: {  	[smem:$0x3FAA] =	sst s0;
	s0 =	simm.s32 @!p2 $0x0  }
0x16: {  	s3 =	sld [smem:$0x3FDB];
	s0 =	simm.s32 @p2 $0x1  }
0x17: {  	s4 =	simm.s32 $0x1BF5;
	[smem:$0x3FAC] =	sst s0  }
0x18: {  	s0 =	sld [smem:$0x3F8F];
	_ =	swait.ge [sflag:s4], $0x0  }
0x19: {  	s7 =	sld [smem:$0x3F90]  }
0x1a: {  	s8 =	sadd.s32 $0xFFFFE003, lr  }
0x1b: {  	s9 =	sadd.s32 $0xFFFFFEF7, lr;
	s5 =	simm.s32 $0xFFFFFFFF;
	p2 =	slt.u32 s8, $0xFFFFF086  }
0x1c: {  	p1 =	slt.u32 s9, $0xF7A;
	s5 =	simm.s32 @!p2 $0x0  }
0x1d: {  	s5 =	simm.s32 @p1 $0x1;
	p0 =	seq.s32 s7, s2  }
0x1e: {  	s7 =	smul.u32 @!p0 $0xF7A, s2;
	p2 =	seq.s32 @!p0 s5, $0x0  }
0x1f: {  	s9 =	smul.u32 $0xF7A, s1;
	s8 =	simm.s32 @!p0 $0x1BF5;
	p2 =	por !p2, p0  }
0x20: {  	[sflag:s8] =	ssyncset.s32 @!p0 $0xFFFFF086;
	s6 =	sadd.s32 @!p0 s3, s7;
	s7 =	simm.s32 @!p0 $0x108  }
0x21: {  	s3 =	sadd.s32 s3, s9;
	s6 =	sadd.s32 @!p0 $0x88, s6;
	s7 =	simm.s32 @p2 $0x1082  }
0x22: {  	[simem:s7], [sflag:s8] =	dma.local @!p0 [hbm:s6], $0xF7A  }
0x23: {  	s9 =	sor.u32 $0xD0000000, s2;
	s6 =	simm.s32 $0x108;
	_ =	swait.ge @!p0 [sflag:s8], $0x0  }
0x24: {  	s3 =	sadd.s32 $0x88, s3;
	s6 =	simm.s32 @!p1 $0x1082;
	[sflag:s4] =	ssyncset.s32 $0xFFFFF086  }
0x25: {  	[simem:s6], [sflag:s4] =	dma.local [hbm:s3], $0xF7A  }
0x26: {  	[smem:$0x3F90] =	sst s1;
	(tag) =	ssettag s2;
	_ =	strace s9  }
0x27: {  	s1 =	sld [smem:$0x3FA0]  }
0x28: {  	s2 =	sld [smem:$0x3FA1]  }
0x29: {  	s4 =	sld [smem:$0x3FA3]  }
0x2a: {  	p0 =	seq.s32 s5, $0x0;
	s5 =	sld [smem:$0x3FA4]  }
0x2b: {  	s6 =	sld [smem:$0x3FA5]  }
0x2c: {  	s7 =	sld [smem:$0x3FA6]  }
0x2d: {  	s3 =	simm.s32 $0x108;
	s8 =	sld [smem:$0x3FA7]  }
0x2e: {  	s3 =	simm.s32 @!p0 $0x1082;
	s9 =	sld [smem:$0x3FA8]  }
0x2f: {  	lr =	sadd.s32 s0, s3;
	s0 =	sld [smem:$0x3F9F]  }
0x30: {  	s3 =	sld [smem:$0x3FA2]  }
0x31: {  	[smem:$0x3FAB] =	sst s10  }
0x32: {  	s10 =	sld [smem:$0x3FA9];
	_ =	sdelay $0x3  }
0x33: {  	p0 =	seq.s32 s10, $0x1;
	s10 =	sld [smem:$0x3FAB];
	_ =	sdelay $0x3  }
0x34: {  	[smem:$0x3FAB] =	sst s10  }
0x35: {  	s10 =	sld [smem:$0x3FAA];
	_ =	sdelay $0x3  }
0x36: {  	p1 =	seq.s32 s10, $0x1;
	s10 =	sld [smem:$0x3FAB];
	_ =	sdelay $0x3  }
0x37: {  	[smem:$0x3FAB] =	sst s10  }
0x38: {  	s10 =	sld [smem:$0x3FAC]  }
0x39: {  	_ = 	snop;
	(pc) =	sbr.ind lr, $3  }
0x3a: {  	_ = 	snop  }
0x3b: {  	_ = 	snop  }
0x3c: {  	p2 =	seq.s32 s10, $0x1;
	s10 =	sld [smem:$0x3FAB]  }
0x3d: {  	_ =	shalt  }
0x3e: {  	_ =	shalt  }
0x3f: {  	_ =	shalt  }
0x40: {  	_ =	shalt  }
0x41: {  	_ =	shalt  }
0x42: {  	_ =	shalt  }
0x43: {  	_ =	shalt  }
0x44: {  	_ =	shalt  }
0x45: {  	_ =	shalt  }
0x46: {  	_ =	shalt  }
0x47: {  	_ =	shalt  }
0x48: {  	_ =	shalt  }
0x49: {  	_ =	shalt  }
0x4a: {  	_ =	shalt  }
0x4b: {  	_ =	shalt  }
0x4c: {  	_ =	shalt  }
0x4d: {  	_ =	shalt  }
0x4e: {  	_ =	shalt  }
0x4f: {  	_ =	shalt  }
0x50: {  	_ =	shalt  }
0x51: {  	_ =	shalt  }
0x52: {  	_ =	shalt  }
0x53: {  	_ =	shalt  }
0x54: {  	_ =	shalt  }
0x55: {  	_ =	shalt  }
0x56: {  	_ =	shalt  }
0x57: {  	_ =	shalt  }
0x58: {  	_ =	shalt  }
0x59: {  	_ =	shalt  }
0x5a: {  	_ =	shalt  }
0x5b: {  	_ =	shalt  }
0x5c: {  	_ =	shalt  }
0x5d: {  	_ =	shalt  }
0x5e: {  	_ =	shalt  }
0x5f: {  	_ =	shalt  }
0x60: {  	_ =	shalt  }
0x61: {  	_ =	shalt  }
0x62: {  	_ =	shalt  }
0x63: {  	_ =	shalt  }
0x64: {  	_ =	shalt  }
0x65: {  	_ =	shalt  }
0x66: {  	_ =	shalt  }
0x67: {  	_ =	shalt  }
0x68: {  	_ =	shalt  }
0x69: {  	_ =	shalt  }
0x6a: {  	_ =	shalt  }
0x6b: {  	_ =	shalt  }
0x6c: {  	_ =	shalt  }
0x6d: {  	_ =	shalt  }
0x6e: {  	_ =	shalt  }
0x6f: {  	_ =	shalt  }
0x70: {  	_ =	shalt  }
0x71: {  	_ =	shalt  }
0x72: {  	_ =	shalt  }
0x73: {  	_ =	shalt  }
0x74: {  	_ =	shalt  }
0x75: {  	_ =	shalt  }
0x76: {  	_ =	shalt  }
0x77: {  	_ =	shalt  }
0x78: {  	_ =	shalt  }
0x79: {  	_ =	shalt  }
0x7a: {  	_ =	shalt  }
0x7b: {  	_ =	shalt  }
0x7c: {  	_ =	shalt  }
0x7d: {  	_ =	shalt  }
0x7e: {  	_ =	shalt  }
0x7f: {  	_ =	shalt  }
0x80: {  	_ =	shalt  }
0x81: {  	_ =	shalt  }
0x82: {  	_ =	shalt  }
0x83: {  	_ =	shalt  }
0x84: {  	_ =	shalt  }
0x85: {  	_ =	shalt  }
0x86: {  	_ =	shalt  }
0x87: {  	_ =	shalt  }
.Lfunc_end0:
.L_simem_size_0:
called_computation.1_lowered:
.L_overlay_start_0:
0x88: {  	s2 =	sld [smem:$0x3FD9]  }
0x89: {  	s3 =	sld [smem:$0x3FFE];
	_ =	sdelay $0x1  }
0x8a: {  	s1 =	srdreg.scid  }
0x8b: {  	s0 =	sand.u32 $0x1, s1  }
0x8c: {  	s15 =	sshll.u32 s0, $0xA;
	s2 =	sadd.s32 s3, s2  }
0x8d: {  	s2 =	sadd.s32 s2, s15  }
0x8e: {  	[smem:$0x3FB7] =	sst s2  }
0x8f: {  	_ = 	snop  }
0x90: {  	s2 =	sld [smem:$0x3FD0];
	_ =	sdelay $0x2  }
0x91: {  	s16 =	simm.s32 $0xB;
	s4 =	simm.s32 $0x10  }
0x92: {  	[smem:s4], [sflag:s16] =	dma.local [hbm:s2], $0x1  }
0x93: {  	_ =	swait.eq [sflag:s16], $0x1  }
0x94: {  	[sflag:s16] =	ssyncset.done $0x0  }
0x95: {  	[sflag:s16] =	ssyncadd.s32 $0xFFFFFFFF  }
0x96: {  	s17 =	sld [smem:$0x10];
	(tm) =	ssettm $0x1  }
0x97: {  	s18 =	sld [smem:$0x3FFB];
	_ =	sdelay $0x3  }
0x98: {  	_ =	strace s18  }
0x99: {  	s2 =	sld [smem:$0x3FFC];
	_ =	sdelay $0x3  }
0x9a: {  	_ =	strace s2  }
0x9b: {  	s2 =	sld [smem:$0x3FFD];
	_ =	sdelay $0x3  }
0x9c: {  	_ =	strace s2  }
0x9d: {  	_ =	strace $0x8FFFFFFF  }
0x9e: {  	s19 =	sld [smem:$0x3FDB];
	_ =	sdelay $0x1  }
0x9f: {  	s20 =	simm.s32 $_scs_section_size  }
0xa0: {  	s5 =	simm.s32 $_size__tile_overlayer_lowered;
	s6 =	simm.s32 $_tile_overlayer_lowered  }
0xa1: {  	s7 =	simm.s32 $0x1BFF;
	s21 =	sshll.u32 s6, $0x1;
	s4 =	sadd.s32 s20, s19  }
0xa2: {  	s22 =	simm.s32 $0x0;
	s5 =	sshll.u32 s5, $0x1;
	s6 =	sadd.s32 s21, s4  }
0xa3: {  	[timem:s22], [sflag:s7] =	dma.local [hbm:s6], s5  }
0xa4: {  	_ =	swait.ge [sflag:s7], s5  }
0xa5: {  	s5 =	ssub.s32 $0x0, s5;
	[sflag:s7] =	ssyncset.done $0x0  }
0xa6: {  	[sflag:s7] =	ssyncadd.s32 s5;
	_ =	sdelay $0x1  }
0xa7: {  	s23 =	simm.s32 $0x1B8B  }
0xa8: {  	_ =	swait.ge [sflag:s23], $0x1  }
0xa9: {  	[sflag:s23] =	ssyncset.done $0x0  }
0xaa: {  	[sflag:s23] =	ssyncadd.s32 $0xFFFFFFFF  }
0xab: {  	s5 =	sld [smem:$0x0]  }
0xac: {  	s6 =	sand.u32 $0xFFFFFFFE, s1  }
0xad: {  	p0 =	sne.s32 s1, s6  }
0xae: {  	s6 =	sshll.u32 @p0 s6, $0xE  }
0xaf: {  	s6 =	sadd.s32 @p0 $0x11B8D, s6;
	s7 =	sshll.u32 @p0 s5, $0x11  }
0xb0: {  	s6 =	sor.u32 @p0 s7, s6  }
0xb1: {  	[sflag:s6] =	ssyncadd.remote.s32 @p0 $0x1;
	_ =	sdelay $0x1  }
0xb2: {  	s6 =	simm.s32 @p0 $0x1B8D  }
0xb3: {  	_ =	swait.eq @p0 [sflag:s6], $0x1  }
0xb4: {  	[sflag:s6] =	ssyncadd.s32 @p0 $0xFFFFFFFF  }
0xb5: {  	s7 =	sshll.u32 @!p0 s1, $0xE  }
0xb6: {  	s7 =	sor.u32 @!p0 $0x4000, s7;
	s6 =	simm.s32 @!p0 $0x1B8D  }
0xb7: {  	s5 =	sshll.u32 @!p0 s5, $0x11;
	s7 =	sadd.s32 @!p0 $0x11B8D, s7;
	_ =	swait.eq @!p0 [sflag:s6], $0x1  }
0xb8: {  	s5 =	sor.u32 @!p0 s5, s7;
	[sflag:s6] =	ssyncadd.s32 @!p0 $0xFFFFFFFF  }
0xb9: {  	s25 =	simm.s32 $0x1B8E;
	s24 =	sld [smem:$0x3FFE];
	[sflag:s5] =	ssyncadd.remote.s32 @!p0 $0x1  }
0xba: {  	s26 =	simm.s32 $execute0_lowered;
	[smem:$0x3FD2] =	sst s25  }
0xbb: {  	s6 =	sshll.u32 s26, $0x1;
	_ =	strace $0x8000004C;
	[dreg:$0x1] =	wrdreg $0xFFFFFFFF  }
0xbc: {  	s28 =	simm.s32 $_size_execute0_lowered;
	s4 =	sadd.s32 s4, s6;
	[dreg:$0x0] =	wrdreg $0x0  }
0xbd: {  	s6 =	sshll.u32 s28, $0x1;
	[dreg:$0x2] =	wrdreg s4  }
0xbe: {  	[dreg:$0x3] =	wrdreg s6  }
0xbf: {  	[dreg:$0x4] =	wrdreg $0xC0  }
0xc0: {  	_ =	task [dreg:s22], $0x5FFFF  }
0xc1: {  	[dreg:$0x1] =	wrdreg $0xFFFFFFFF  }
0xc2: {  	[dreg:$0x0] =	wrdreg $0x60  }
0xc3: {  	[dreg:$0x2] =	wrdreg s24  }
0xc4: {  	[dreg:$0x3] =	wrdreg s17  }
0xc5: {  	[dreg:$0x4] =	wrdreg $0x81000  }
0xc6: {  	[dreg:$0x5] =	wrdreg $0x9  }
0xc7: {  	_ =	task.clear_ibuf [dreg:s22], $0x6FFFF;
	_ =	strace $0x9000004C  }
0xc8: {  	s29 =	simm.s32 $0x9;
	_ =	strace $0x8000004E  }
0xc9: {  	_ =	swait.ge [sflag:s29], $0x1  }
0xca: {  	[sflag:s29] =	ssyncadd.s32 $0xFFFFFFFF  }
0xcb: {  	_ =	strace $0x9000004E  }
0xcc: {  	_ =	sfence  }
0xcd: {  	s30 =	sld [smem:$0x0];
	_ =	sdelay $0x2  }
0xce: {  	s31 =	sshll.u32 s1, $0xD;
	s1 =	sshrl.u32 s1, $0x2  }
0xcf: {  	s4 =	sand.u32 $0x4000, s31;
	s1 =	sadd.s32 s1, s30  }
0xd0: {  	s0 =	sor.u32 s4, s0;
	s1 =	sshll.u32 s1, $0x11  }
0xd1: {  	s0 =	sor.u32 s1, s0  }
0xd2: {  	s0 =	sadd.s32 $0x8F2B, s0  }
0xd3: {  	[sflag:s0] =	ssyncadd.remote.s32 $0x1  }
0xd4: {  	_ =	sfence.sel $0xFFFF  }
0xd5: {  	[dreg:$0x0] =	wrdreg $0xFFFFFFFF;
	(pc) =	sbr.abs _section_cstart, $3  }
0xd6: {  	[dreg:$0x1] =	wrdreg $0xFFFFFFFF  }
0xd7: {  	_ =	task.clear_ibuf [dreg:s22], $0x2FFFF;
	_ =	strace $0x9FFFFFFF  }
0xd8: {  	(tm) =	ssettm $0x7FFFFFFF  }
0xd9: {  	_ =	shalt  }
tec
execute0_lowered:
.L_overlay_start_1:
0x0: {  	(tag) =	ssettag $0x1  }
0x1: {  	s4 =	rddreg [dreg:$0x0]  }
0x2: {  	s5 =	rddreg [dreg:$0x1];
	s1 =	srdreg.scid  }
0x3: {  	s0 =	stileid.u32;
	s2 =	rddreg [dreg:$0x2]  }
0x4: {  	s3 =	simm.s32 $0x0;
	s17 =	simm.s32 $0x80;
	s18 =	simm.s32 $0x4  }
0x5: {  	s19 =	simm.s32 $0x4100;
	s11 =	sand.u32 $0x1, s1;
	s1 =	rddreg [dreg:$0x3]  }
0x6: {  	s20 =	simm.s32 $0x2;
	s6 =	smul.u32 $0x13880, s0;
	[smem:$0x7FF] =	sst s3  }
0x7: {  	s12 =	sadd.s32 $0xB2C600, s4;
	s13 =	sadd.s32 $0x20E00, s4;
	s14 =	sshll.u32 s0, $0x1  }
0x8: {  	s26 =	sshll.u32 s0, $0x6;
	s30 =	sshll.u32 s0, $0x5;
	s16 =	sshll.u32 s0, $0xC  }
0x9: {  	s7 =	smul.u32 $0x138800, s11;
	_ =	strace $0x8000004D;
	s8 =	ssub.s32 $0x2, s11  }
0xa: {  	s21 =	sor.u32 $0x9C0, s14;
	s31 =	sshll.u32 s11, $0x4;
	s24 =	sshrl.u32 s8, $0x1  }
0xb: {  	s25 =	sshrl.u32 s6, $0x3;
	s15 =	sadd.s32 s6, s2;
	p0 =	sgt.u32 s21, $0x9C3  }
0xc: {  	s21 =	simm.s32 $0x0;
	s7 =	sadd.s32 s6, s7;
	s10 =	ssub.s32 s8, s24  }
0xd: {  	s5 =	sadd.s32 s5, s25;
	s6 =	sor.u32 $0x1C03, s26;
	s7 =	sshrl.u32 s7, $0x3  }
0xe: {  	s10 =	smax.u32 s10, $0x1;
	s9 =	sadd.s32 s7, s4;
	s4 =	sor.u32 s11, s14  }
0xf: {  	s11 =	sshll.u32 s11, $0xB;
	s14 =	simm.s32 $0x3;
	s28 =	sshll.u32 s4, $0x4  }
0x10: {  	s29 =	sshll.u32 s4, $0xB;
	s9 =	sadd.s32 $0x64A600, s9;
	s7 =	sadd.s32 s13, s28  }
0x11: {  	s8 =	sadd.s32 s12, s29;
	s13 =	sadd.s32 s30, s13;
	s12 =	sadd.s32 s16, s12  }
0x12: {  	s16 =	simm.s32 $0x1;
	s13 =	sadd.s32 s31, s13;
	s11 =	sadd.s32 s11, s12  }
0x13: {  	s12 =	sadd.s32 $0x400, s13;
	s13 =	sshrl.u32 s15, $0x3;
	s15 =	simm.s32 $0x100  }
.LBB2_1:
0x14: {  	[spmem:s13], [sflag:s6] =	dma.local [hbm:s5], $0x2710  }
0x15: {  	_ =	swait.ge [sflag:s14], $0x2710  }
0x16: {  	[sflag:s14] =	ssyncset.done $0x0  }
0x17: {  	[sflag:s14] =	ssyncadd.s32 $0xFFFFD8F0  }
0x18: {  	[bflag:$0x0] =	sbarrier.arrive $0xFFFF  }
0x19: {  	[tilespmem:s3], [sflag:$0x3] =	stream.linear.gather [hbm4b:s7+s3], $0x80, $0x38;
	[tilespmem:$0x1B980] =	vst v63  }
0x1a: {  	_ =	swait.ge [sflag:s14], $0x80  }
0x1b: {  	[sflag:s14] =	ssyncset.done $0x0  }
0x1c: {  	[sflag:s14] =	ssyncadd.s32 $0xFFFFFF80  }
0x1d: {  	[tilespmem:s15], [sflag:$0x1] =	stream.linear.gather [hbm4b:s8+s3], $0x4000, $0x38;
	[tilespmem:$0x1B980] =	vst v63  }
0x1e: {  	_ =	swait.ge [sflag:s16], $0x4000  }
0x1f: {  	[sflag:s16] =	ssyncset.done $0x0  }
0x20: {  	s22 =	sadd.s32 $0xFFFFFE00, s12;
	[sflag:s16] =	ssyncadd.s32 $0xFFFFC000  }
0x21: {  	[tilespmem:s17], [sflag:$0x4] =	stream.linear.gather [hbm4b:s22+s3], $0x80, $0x38;
	[tilespmem:$0x1B980] =	vst v63  }
0x22: {  	_ =	swait.ge [sflag:s18], $0x80  }
0x23: {  	s31 =	sadd.s32 $0x0, s11;
	[sflag:s18] =	ssyncset.done $0x0  }
0x24: {  	s22 =	sadd.s32 $0x10000, s31;
	[sflag:s18] =	ssyncadd.s32 $0xFFFFFF80  }
0x25: {  	[tilespmem:s19], [sflag:$0x2] =	stream.linear.gather [hbm4b:s22+s3], $0x4000, $0x38;
	[tilespmem:$0x1B980] =	vst v63  }
0x26: {  	_ = 	snop  }
0x27: {  	[spmem:s2] =	stream.indirect.scatter.add.f32 [tilespmem:s15], [sflag:$0x4], $0x80, s3, s17, $0xb8;
	[tilespmem:$0x1B980] =	vst v63  }
0x28: {  	_ =	swait.ge [sflag:s18], $0x4000  }
0x29: {  	[sflag:s18] =	ssyncset.done $0x0  }
0x2a: {  	[sflag:s18] =	ssyncadd.s32 $0xFFFFC000  }
0x2b: {  	_ =	swait.ge [sflag:s20], $0x4000  }
0x2c: {  	p1 =	sgt.u32 s4, $0x983;
	[sflag:s20] =	ssyncset.done $0x0  }
0x2d: {  	s23 =	simm.s32 @!p1 $0x4;
	s22 =	simm.s32 @!p1 $0x0;
	[sflag:s20] =	ssyncadd.s32 $0xFFFFC000  }
0x2e: {  	[tilespmem:s22], [sflag:$0x4] =	stream.linear.gather @!p1 [hbm4b:s12+s22], $0x80, $0x38;
	[tilespmem:$0x1B980] =	vst v63  }
0x2f: {  	_ =	swait.ge @!p1 [sflag:s23], $0x80  }
0x30: {  	s24 =	sadd.s32 @!p1 $0x0, s11;
	[sflag:s23] =	ssyncset.done @!p1 $0x0  }
0x31: {  	s24 =	sadd.s32 @!p1 $0x20000, s24;
	[sflag:s23] =	ssyncadd.s32 @!p1 $0xFFFFFF80;
	s23 =	simm.s32 @!p1 $0x100  }
0x32: {  	[tilespmem:s23], [sflag:$0x1] =	stream.linear.gather @!p1 [hbm4b:s24+s22], $0x4000, $0x38;
	[tilespmem:$0x1B980] =	vst v63  }
0x33: {  	_ = 	snop  }
0x34: {  	[spmem:s2] =	stream.indirect.scatter.add.f32 [tilespmem:s19], [sflag:$0x3], $0x80, s17, s17, $0xb8;
	[tilespmem:$0x1B980] =	vst v63  }
0x35: {  	s22 =	simm.s32 $0x20000;
	_ =	swait.ge [sflag:s14], $0x4000  }
0x36: {  	s23 =	sadd.s32 $0x40, s4;
	s24 =	smov.u32 s12;
	[sflag:s14] =	ssyncset.done $0x0  }
.LBB2_2:
0x37: {  	[sflag:s14] =	ssyncadd.s32 $0xFFFFC000  }
0x38: {  	s24 =	sadd.s32 $0x400, s24;
	s25 =	smov.u32 s22;
	s22 =	sadd.s32 $0x20000, s22  }
0x39: {  	p1 =	sne.s32 s22, $0x4E0000  }
0x3a: {  	_ =	swait.ge [sflag:s16], $0x4000  }
0x3b: {  	[sflag:s16] =	ssyncset.done $0x0  }
0x3c: {  	s26 =	sadd.s32 $0xFFFFFE00, s24;
	[sflag:s16] =	ssyncadd.s32 $0xFFFFC000  }
0x3d: {  	[tilespmem:s17], [sflag:$0x4] =	stream.linear.gather [hbm4b:s26+s3], $0x80, $0x38;
	[tilespmem:$0x1B980] =	vst v63  }
0x3e: {  	_ =	swait.ge [sflag:s18], $0x80  }
0x3f: {  	s26 =	sadd.s32 s25, s11;
	[sflag:s18] =	ssyncset.done $0x0  }
0x40: {  	s26 =	sadd.s32 $0x10000, s26;
	[sflag:s18] =	ssyncadd.s32 $0xFFFFFF80  }
0x41: {  	[tilespmem:s19], [sflag:$0x2] =	stream.linear.gather [hbm4b:s26+s3], $0x4000, $0x38;
	[tilespmem:$0x1B980] =	vst v63  }
0x42: {  	_ = 	snop  }
0x43: {  	[spmem:s2] =	stream.indirect.scatter.add.f32 [tilespmem:s15], [sflag:$0x4], $0x80, s3, s17, $0xb8;
	[tilespmem:$0x1B980] =	vst v63  }
0x44: {  	_ =	swait.ge [sflag:s18], $0x4000  }
0x45: {  	[sflag:s18] =	ssyncset.done $0x0  }
0x46: {  	[sflag:s18] =	ssyncadd.s32 $0xFFFFC000  }
0x47: {  	_ =	swait.ge [sflag:s20], $0x4000  }
0x48: {  	p2 =	sgt.u32 s23, $0x983;
	[sflag:s20] =	ssyncset.done $0x0  }
0x49: {  	s28 =	simm.s32 @!p2 $0x4;
	s26 =	simm.s32 @!p2 $0x0;
	[sflag:s20] =	ssyncadd.s32 $0xFFFFC000  }
0x4a: {  	[tilespmem:s26], [sflag:$0x4] =	stream.linear.gather @!p2 [hbm4b:s24+s26], $0x80, $0x38;
	[tilespmem:$0x1B980] =	vst v63  }
0x4b: {  	s25 =	sadd.s32 @!p2 s25, s11;
	_ =	swait.ge @!p2 [sflag:s28], $0x80  }
0x4c: {  	s25 =	sadd.s32 @!p2 $0x20000, s25;
	[sflag:s28] =	ssyncset.done @!p2 $0x0  }
0x4d: {  	[sflag:s28] =	ssyncadd.s32 @!p2 $0xFFFFFF80;
	s28 =	simm.s32 @!p2 $0x100  }
0x4e: {  	[tilespmem:s28], [sflag:$0x1] =	stream.linear.gather @!p2 [hbm4b:s25+s26], $0x4000, $0x38;
	[tilespmem:$0x1B980] =	vst v63  }
.Ltmp0:
0x4f: {  	_ = 	snop;
	(pc) =	sbr.rel @p1 .LBB2_2-.Ltmp0, $4  }
0x50: {  	_ = 	snop  }
0x51: {  	[spmem:s2] =	stream.indirect.scatter.add.f32 [tilespmem:s19], [sflag:$0x3], $0x80, s17, s17, $0xb8;
	[tilespmem:$0x1B980] =	vst v63  }
0x52: {  	_ =	swait.ge [sflag:s14], $0x4000  }
0x53: {  	s23 =	sadd.s32 $0x40, s23;
	[sflag:s14] =	ssyncset.done $0x0  }
0x54: {  	[sflag:s14] =	ssyncadd.s32 $0xFFFFC000;
	s22 =	simm.s32 @!p0 $0x1  }
0x55: {  	_ =	swait.ge @!p0 [sflag:s22], $0x4000  }
0x56: {  	s23 =	simm.s32 @!p0 $0x0;
	[sflag:s22] =	ssyncset.done @!p0 $0x0  }
0x57: {  	s24 =	simm.s32 @!p0 $0x100;
	[sflag:s22] =	ssyncadd.s32 @!p0 $0xFFFFC000;
	s22 =	simm.s32 @!p0 $0x80  }
0x58: {  	[spmem:s2] =	stream.indirect.scatter.add.f32 @!p0 [tilespmem:s24], [sflag:$0x4], $0x80, s23, s22, $0xb8;
	[tilespmem:$0x1B980] =	vst v63  }
0x59: {  	s22 =	simm.s32 @!p0 $0x4  }
0x5a: {  	_ =	swait.ge @!p0 [sflag:s22], $0x4000  }
0x5b: {  	s21 =	sadd.s32 $0x1, s21;
	[sflag:s22] =	ssyncset.done @!p0 $0x0  }
0x5c: {  	p1 =	sne.s32 s21, s10;
	[sflag:s22] =	ssyncadd.s32 @!p0 $0xFFFFC000  }
.Ltmp1:
0x5d: {  	[bflag:$0x0] =	sbarrier.arrive $0xFFFF;
	(pc) =	sbr.rel @p1 .LBB2_1-.Ltmp1, $4  }
0x5e: {  	[hbm:s9], [sflag:s6] =	dma.local [spmem:s13], $0x2710  }
0x5f: {  	_ =	swait.ge [sflag:s14], $0x2710  }
0x60: {  	[sflag:s14] =	ssyncset.done $0x0  }
0x61: {  	[sflag:s14] =	ssyncadd.s32 $0xFFFFD8F0  }
0x62: {  	_ =	sfence.sel $0x180000  }
0x63: {  	[bflag:$0x0] =	sbarrier.arrive $0xFFFF  }
0x64: {  	p0 =	sne.s32 s0, $0x0;
	_ =	strace $0x9000004D  }
0x65: {  	s0 =	sadd.s32 @!p0 $0x100000, s1;
	[bflag:$0x2] =	sbarrier.arrive $0xFFFF  }
0x66: {  	[sflag:s0] =	ssyncadd.tile.s32 @!p0 $0x1;
	_ =	shalt  }
.Lfunc_end2:
_tile_overlayer_lowered:
.L_overlay_start_2:
0x67: {  	(tag) =	ssettag $0x2  }
0x68: {  	s0 =	rddreg [dreg:$0x0];
	s2 =	stileid.u32  }
0x69: {  	s1 =	rddreg [dreg:$0x1];
	p0 =	sne.s32 s2, $0x0  }
0x6a: {  	s3 =	rddreg [dreg:$0x2];
	[bflag:$0x3] =	sbarrier.arrive $0xFFFF;
	s2 =	simm.s32 @!p0 $0x1C03  }
0x6b: {  	[timem:s3], [sflag:s2] =	dma.local @!p0 [hbm:s0], s1  }
0x6c: {  	s0 =	simm.s32 @!p0 $0x3  }
0x6d: {  	_ =	swait.ge @!p0 [sflag:s0], s1  }
0x6e: {  	s1 =	ssub.s32 @!p0 $0x0, s1;
	[sflag:s0] =	ssyncset.done @!p0 $0x0  }
0x6f: {  	[sflag:s0] =	ssyncadd.s32 @!p0 s1  }
0x70: {  	[bflag:$0x3] =	sbarrier.arrive $0xFFFF  }
0x71: {  	_ =	shalt  }

// kernel: kernel.14.cloned.1.call-start
scs
__scs_entry_jumppad:
0x0: {  	(pc) =	sbr.rel $0x88, $3  }
0x1: {  	(tag) =	ssettag $0x0;
	lr =	simm.s32 $0x1  }
0x2: {  	[smem:$0x3F90] =	sst lr;
	_ =	strace $0xD0000000  }
0x3: {  	_ = 	snop  }
0x4: {  	_ = 	snop  }
0x5: {  	_ = 	snop  }
0x6: {  	_ = 	snop  }
0x7: {  	_ = 	snop  }
__scs_overlays_trampoline_lowered:
0x8: {  	[smem:$0x3F9F] =	sst s0  }
0x9: {  	[smem:$0x3FA0] =	sst s1  }
0xa: {  	[smem:$0x3FA1] =	sst s2  }
0xb: {  	[smem:$0x3FA2] =	sst s3  }
0xc: {  	[smem:$0x3FA3] =	sst s4  }
0xd: {  	[smem:$0x3FA4] =	sst s5  }
0xe: {  	[smem:$0x3FA5] =	sst s6  }
0xf: {  	[smem:$0x3FA6] =	sst s7  }
0x10: {  	[smem:$0x3FA7] =	sst s8  }
0x11: {  	[smem:$0x3FA8] =	sst s9;
	s0 =	simm.s32 @!p0 $0x0  }
0x12: {  	s1 =	sld [smem:$0x3F8E];
	s0 =	simm.s32 @p0 $0x1  }
0x13: {  	[smem:$0x3FA9] =	sst s0;
	s0 =	simm.s32 @!p1 $0x0  }
0x14: {  	s2 =	sld [smem:$0x3F8D];
	s0 =	simm.s32 @p1 $0x1  }
0x15: {  	[smem:$0x3FAA] =	sst s0;
	s0 =	simm.s32 @!p2 $0x0  }
0x16: {  	s3 =	sld [smem:$0x3FDB];
	s0 =	simm.s32 @p2 $0x1  }
0x17: {  	s4 =	simm.s32 $0x1BF5;
	[smem:$0x3FAC] =	sst s0  }
0x18: {  	s0 =	sld [smem:$0x3F8F];
	_ =	swait.ge [sflag:s4], $0x0  }
0x19: {  	s7 =	sld [smem:$0x3F90]  }
0x1a: {  	s8 =	sadd.s32 $0xFFFFE003, lr  }
0x1b: {  	s9 =	sadd.s32 $0xFFFFFEF7, lr;
	s5 =	simm.s32 $0xFFFFFFFF;
	p2 =	slt.u32 s8, $0xFFFFF086  }
0x1c: {  	p1 =	slt.u32 s9, $0xF7A;
	s5 =	simm.s32 @!p2 $0x0  }
0x1d: {  	s5 =	simm.s32 @p1 $0x1;
	p0 =	seq.s32 s7, s2  }
0x1e: {  	s7 =	smul.u32 @!p0 $0xF7A, s2;
	p2 =	seq.s32 @!p0 s5, $0x0  }
0x1f: {  	s9 =	smul.u32 $0xF7A, s1;
	s8 =	simm.s32 @!p0 $0x1BF5;
	p2 =	por !p2, p0  }
0x20: {  	[sflag:s8] =	ssyncset.s32 @!p0 $0xFFFFF086;
	s6 =	sadd.s32 @!p0 s3, s7;
	s7 =	simm.s32 @!p0 $0x108  }
0x21: {  	s3 =	sadd.s32 s3, s9;
	s6 =	sadd.s32 @!p0 $0x88, s6;
	s7 =	simm.s32 @p2 $0x1082  }
0x22: {  	[simem:s7], [sflag:s8] =	dma.local @!p0 [hbm:s6], $0xF7A  }
0x23: {  	s9 =	sor.u32 $0xD0000000, s2;
	s6 =	simm.s32 $0x108;
	_ =	swait.ge @!p0 [sflag:s8], $0x0  }
0x24: {  	s3 =	sadd.s32 $0x88, s3;
	s6 =	simm.s32 @!p1 $0x1082;
	[sflag:s4] =	ssyncset.s32 $0xFFFFF086  }
0x25: {  	[simem:s6], [sflag:s4] =	dma.local [hbm:s3], $0xF7A  }
0x26: {  	[smem:$0x3F90] =	sst s1;
	(tag) =	ssettag s2;
	_ =	strace s9  }
0x27: {  	s1 =	sld [smem:$0x3FA0]  }
0x28: {  	s2 =	sld [smem:$0x3FA1]  }
0x29: {  	s4 =	sld [smem:$0x3FA3]  }
0x2a: {  	p0 =	seq.s32 s5, $0x0;
	s5 =	sld [smem:$0x3FA4]  }
0x2b: {  	s6 =	sld [smem:$0x3FA5]  }
0x2c: {  	s7 =	sld [smem:$0x3FA6]  }
0x2d: {  	s3 =	simm.s32 $0x108;
	s8 =	sld [smem:$0x3FA7]  }
0x2e: {  	s3 =	simm.s32 @!p0 $0x1082;
	s9 =	sld [smem:$0x3FA8]  }
0x2f: {  	lr =	sadd.s32 s0, s3;
	s0 =	sld [smem:$0x3F9F]  }
0x30: {  	s3 =	sld [smem:$0x3FA2]  }
0x31: {  	[smem:$0x3FAB] =	sst s10  }
0x32: {  	s10 =	sld [smem:$0x3FA9];
	_ =	sdelay $0x3  }
0x33: {  	p0 =	seq.s32 s10, $0x1;
	s10 =	sld [smem:$0x3FAB];
	_ =	sdelay $0x3  }
0x34: {  	[smem:$0x3FAB] =	sst s10  }
0x35: {  	s10 =	sld [smem:$0x3FAA];
	_ =	sdelay $0x3  }
0x36: {  	p1 =	seq.s32 s10, $0x1;
	s10 =	sld [smem:$0x3FAB];
	_ =	sdelay $0x3  }
0x37: {  	[smem:$0x3FAB] =	sst s10  }
0x38: {  	s10 =	sld [smem:$0x3FAC]  }
0x39: {  	_ = 	snop;
	(pc) =	sbr.ind lr, $3  }
0x3a: {  	_ = 	snop  }
0x3b: {  	_ = 	snop  }
0x3c: {  	p2 =	seq.s32 s10, $0x1;
	s10 =	sld [smem:$0x3FAB]  }
0x3d: {  	_ =	shalt  }
0x3e: {  	_ =	shalt  }
0x3f: {  	_ =	shalt  }
0x40: {  	_ =	shalt  }
0x41: {  	_ =	shalt  }
0x42: {  	_ =	shalt  }
0x43: {  	_ =	shalt  }
0x44: {  	_ =	shalt  }
0x45: {  	_ =	shalt  }
0x46: {  	_ =	shalt  }
0x47: {  	_ =	shalt  }
0x48: {  	_ =	shalt  }
0x49: {  	_ =	shalt  }
0x4a: {  	_ =	shalt  }
0x4b: {  	_ =	shalt  }
0x4c: {  	_ =	shalt  }
0x4d: {  	_ =	shalt  }
0x4e: {  	_ =	shalt  }
0x4f: {  	_ =	shalt  }
0x50: {  	_ =	shalt  }
0x51: {  	_ =	shalt  }
0x52: {  	_ =	shalt  }
0x53: {  	_ =	shalt  }
0x54: {  	_ =	shalt  }
0x55: {  	_ =	shalt  }
0x56: {  	_ =	shalt  }
0x57: {  	_ =	shalt  }
0x58: {  	_ =	shalt  }
0x59: {  	_ =	shalt  }
0x5a: {  	_ =	shalt  }
0x5b: {  	_ =	shalt  }
0x5c: {  	_ =	shalt  }
0x5d: {  	_ =	shalt  }
0x5e: {  	_ =	shalt  }
0x5f: {  	_ =	shalt  }
0x60: {  	_ =	shalt  }
0x61: {  	_ =	shalt  }
0x62: {  	_ =	shalt  }
0x63: {  	_ =	shalt  }
0x64: {  	_ =	shalt  }
0x65: {  	_ =	shalt  }
0x66: {  	_ =	shalt  }
0x67: {  	_ =	shalt  }
0x68: {  	_ =	shalt  }
0x69: {  	_ =	shalt  }
0x6a: {  	_ =	shalt  }
0x6b: {  	_ =	shalt  }
0x6c: {  	_ =	shalt  }
0x6d: {  	_ =	shalt  }
0x6e: {  	_ =	shalt  }
0x6f: {  	_ =	shalt  }
0x70: {  	_ =	shalt  }
0x71: {  	_ =	shalt  }
0x72: {  	_ =	shalt  }
0x73: {  	_ =	shalt  }
0x74: {  	_ =	shalt  }
0x75: {  	_ =	shalt  }
0x76: {  	_ =	shalt  }
0x77: {  	_ =	shalt  }
0x78: {  	_ =	shalt  }
0x79: {  	_ =	shalt  }
0x7a: {  	_ =	shalt  }
0x7b: {  	_ =	shalt  }
0x7c: {  	_ =	shalt  }
0x7d: {  	_ =	shalt  }
0x7e: {  	_ =	shalt  }
0x7f: {  	_ =	shalt  }
0x80: {  	_ =	shalt  }
0x81: {  	_ =	shalt  }
0x82: {  	_ =	shalt  }
0x83: {  	_ =	shalt  }
0x84: {  	_ =	shalt  }
0x85: {  	_ =	shalt  }
0x86: {  	_ =	shalt  }
0x87: {  	_ =	shalt  }
.Lfunc_end0:
.L_simem_size_0:
called_computation.2_lowered:
.L_overlay_start_0:
0x88: {  	s2 =	sld [smem:$0x3FD9]  }
0x89: {  	s3 =	sld [smem:$0x3FFE];
	_ =	sdelay $0x1  }
0x8a: {  	s1 =	srdreg.scid  }
0x8b: {  	s0 =	sand.u32 $0x1, s1  }
0x8c: {  	s16 =	sshll.u32 s0, $0xA;
	s2 =	sadd.s32 s3, s2  }
0x8d: {  	s2 =	sadd.s32 s2, s16  }
0x8e: {  	[smem:$0x3FB7] =	sst s2  }
0x8f: {  	_ = 	snop  }
0x90: {  	(tm) =	ssettm $0x1  }
0x91: {  	s17 =	sld [smem:$0x3FFB];
	_ =	sdelay $0x3  }
0x92: {  	_ =	strace s17  }
0x93: {  	s2 =	sld [smem:$0x3FFC];
	_ =	sdelay $0x3  }
0x94: {  	_ =	strace s2  }
0x95: {  	s2 =	sld [smem:$0x3FFD];
	_ =	sdelay $0x3  }
0x96: {  	_ =	strace s2  }
0x97: {  	_ =	strace $0x8FFFFFFF  }
0x98: {  	s18 =	sld [smem:$0x3FDB];
	_ =	sdelay $0x1  }
0x99: {  	s19 =	simm.s32 $_scs_section_size  }
0x9a: {  	s4 =	simm.s32 $_size__tile_overlayer_lowered;
	s5 =	simm.s32 $_tile_overlayer_lowered  }
0x9b: {  	s22 =	simm.s32 $0x1BFF;
	s21 =	sshll.u32 s5, $0x1;
	s2 =	sadd.s32 s19, s18  }
0x9c: {  	s6 =	simm.s32 $0x0;
	s20 =	sshll.u32 s4, $0x1;
	s4 =	sadd.s32 s21, s2  }
0x9d: {  	[timem:s6], [sflag:s22] =	dma.local [hbm:s4], s20  }
0x9e: {  	_ =	swait.ge [sflag:s22], s20  }
0x9f: {  	s3 =	ssub.s32 $0x0, s20;
	[sflag:s22] =	ssyncset.done $0x0  }
0xa0: {  	[sflag:s22] =	ssyncadd.s32 s3;
	_ =	sdelay $0x1  }
0xa1: {  	s23 =	simm.s32 $0x1B8B  }
0xa2: {  	_ =	swait.ge [sflag:s23], $0x1  }
0xa3: {  	[sflag:s23] =	ssyncset.done $0x0  }
0xa4: {  	s25 =	simm.s32 $0x1B8E;
	s24 =	sld [smem:$0x3FFE];
	[sflag:s23] =	ssyncadd.s32 $0xFFFFFFFF  }
0xa5: {  	s26 =	simm.s32 $execute0_lowered;
	[smem:$0x3FD2] =	sst s25  }
0xa6: {  	s4 =	sshll.u32 s26, $0x1;
	_ =	strace $0x80000049;
	[dreg:$0x1] =	wrdreg $0xFFFFFFFF  }
0xa7: {  	s28 =	simm.s32 $_size_execute0_lowered;
	s2 =	sadd.s32 s2, s4;
	[dreg:$0x0] =	wrdreg $0x0  }
0xa8: {  	s4 =	sshll.u32 s28, $0x1;
	[dreg:$0x2] =	wrdreg s2  }
0xa9: {  	[dreg:$0x3] =	wrdreg s4  }
0xaa: {  	[dreg:$0x4] =	wrdreg $0xC0  }
0xab: {  	_ =	task [dreg:s6], $0x5FFFF  }
0xac: {  	[dreg:$0x1] =	wrdreg $0xFFFFFFFF  }
0xad: {  	[dreg:$0x0] =	wrdreg $0x60  }
0xae: {  	[dreg:$0x2] =	wrdreg s24  }
0xaf: {  	[dreg:$0x3] =	wrdreg $0x22100  }
0xb0: {  	[dreg:$0x4] =	wrdreg $0xA  }
0xb1: {  	_ =	task.clear_ibuf [dreg:s6], $0x5FFFF;
	_ =	strace $0x90000049  }
0xb2: {  	s29 =	simm.s32 $0xA;
	_ =	strace $0x8000004B  }
0xb3: {  	_ =	swait.ge [sflag:s29], $0x1  }
0xb4: {  	[sflag:s29] =	ssyncadd.s32 $0xFFFFFFFF  }
0xb5: {  	_ =	strace $0x9000004B  }
0xb6: {  	_ =	sfence  }
0xb7: {  	s30 =	sld [smem:$0x0];
	_ =	sdelay $0x2  }
0xb8: {  	s31 =	sshll.u32 s1, $0xD;
	s1 =	sshrl.u32 s1, $0x2  }
0xb9: {  	s3 =	sand.u32 $0x4000, s31;
	s1 =	sadd.s32 s1, s30  }
0xba: {  	s0 =	sor.u32 s3, s0;
	s1 =	sshll.u32 s1, $0x11  }
0xbb: {  	s0 =	sor.u32 s1, s0  }
0xbc: {  	s0 =	sadd.s32 $0x8F2B, s0  }
0xbd: {  	[sflag:s0] =	ssyncadd.remote.s32 $0x1  }
0xbe: {  	_ =	sfence.sel $0xFFFF  }
0xbf: {  	[dreg:$0x0] =	wrdreg $0xFFFFFFFF;
	(pc) =	sbr.abs _section_cstart, $3  }
0xc0: {  	[dreg:$0x1] =	wrdreg $0xFFFFFFFF  }
0xc1: {  	_ =	task.clear_ibuf [dreg:s6], $0x2FFFF;
	_ =	strace $0x9FFFFFFF  }
0xc2: {  	(tm) =	ssettm $0x7FFFFFFF  }
0xc3: {  	_ =	shalt  }
tec
execute0_lowered:
.L_overlay_start_1:
0x0: {  	(tag) =	ssettag $0x1  }
0x1: {  	s0 =	rddreg [dreg:$0x0]  }
0x2: {  	s2 =	rddreg [dreg:$0x1];
	s3 =	simm.s32 $0x0;
	s13 =	stileid.u32  }
0x3: {  	s4 =	srdreg.scid;
	s17 =	simm.s32 $0x3;
	s19 =	simm.s32 $0x100  }
0x4: {  	s21 =	simm.s32 $0x1;
	s28 =	simm.s32 $0x1A00;
	s29 =	simm.s32 $0x0  }
0x5: {  	[smem:$0x7FF] =	sst s3;
	s1 =	smul.u32 $0x2710, s13;
	s7 =	sand.u32 $0x1, s4  }
0x6: {  	s4 =	sadd.s32 $0x3600, s0;
	s5 =	sadd.s32 $0x5AE000, s0;
	s6 =	sadd.s32 $0x20E00, s0  }
0x7: {  	s22 =	sadd.s32 $0x64A400, s0;
	s12 =	sshll.u32 s13, $0x1;
	s26 =	sshll.u32 s13, $0x6  }
0x8: {  	_ =	strace $0x8000004A;
	s9 =	smul.u32 $0x27100, s7;
	[dreg:$0x3] =	wrdreg s22  }
0x9: {  	s24 =	ssub.s32 $0x2, s7;
	s22 =	simm.s32 $0x80;
	s8 =	sshrl.u32 s1, $0x3  }
0xa: {  	s11 =	sshrl.u32 s24, $0x1;
	s10 =	sadd.s32 s8, s0;
	s23 =	sadd.s32 s1, s9  }
0xb: {  	s9 =	ssub.s32 s24, s11;
	s1 =	sadd.s32 s1, s2;
	s24 =	simm.s32 $0x4  }
0xc: {  	s8 =	sshrl.u32 s23, $0x3;
	s25 =	sadd.s32 $0xD400, s10;
	s10 =	sor.u32 $0x1C03, s26  }
.Ltmp0:
0xd: {  	s15 =	smax.u32 s9, $0x1;
	s16 =	sshrl.u32 s1, $0x3;
	(pc) =	sbr.rel .LBB2_1-.Ltmp0, $4  }
0xe: {  	s23 =	simm.s32 $0x1200;
	s26 =	simm.s32 $0x180;
	s0 =	sadd.s32 s8, s0  }
0xf: {  	s8 =	sor.u32 s7, s12;
	[dreg:$0x4] =	wrdreg s25;
	s25 =	simm.s32 $0x2  }
0x10: {  	v0 =	vimm.s32 $0x0;
	vm0 =	vcmask $0x300;
	s30 =	sshll.u32 s8, $0x4;
	s31 =	sshll.u32 s8, $0x8;
	s14 =	sadd.s32 $0x12400, s0  }
0x11: {  	v0 =	vsel vm0, $0x3, v0;
	s11 =	sadd.s32 s6, s30;
	s12 =	sadd.s32 s4, s30;
	s13 =	sadd.s32 s5, s31  }
.LBB2_10:
0x12: {  	s29 =	sadd.s32 $0x1, s29  }
0x13: {  	p0 =	sne.s32 s29, s15  }
.Ltmp1:
0x14: {  	[bflag:$0x0] =	sbarrier.arrive $0xFFFF;
	(pc) =	sbr.rel @!p0 .LBB2_11-.Ltmp1, $4  }
0x15: {  	[hbm:s14], [sflag:s10] =	dma.local [spmem:s16], $0x4E2  }
0x16: {  	_ =	swait.ge [sflag:s17], $0x4E2  }
0x17: {  	[sflag:s17] =	ssyncset.done $0x0  }
0x18: {  	[sflag:s17] =	ssyncadd.s32 $0xFFFFFB1E  }
.LBB2_1:
0x19: {  	s0 =	rddreg [dreg:$0x4]  }
0x1a: {  	[spmem:s16], [sflag:s10] =	dma.local [hbm:s0], $0x4E2  }
0x1b: {  	_ =	swait.ge [sflag:s17], $0x4E2  }
0x1c: {  	[sflag:s17] =	ssyncset.done $0x0  }
0x1d: {  	s1 =	simm.s32 $0x2200;
	s20 =	rddreg [dreg:$0x3];
	[sflag:s17] =	ssyncadd.s32 $0xFFFFFB1E  }
0x1e: {  	[tilespmem:s1], [sflag:$0x3] =	stream.linear.gather [hbm4b:s20+s3], $0x10, $0x38;
	[tilespmem:$0x4920] =	vst v63  }
0x1f: {  	_ =	swait.ge [sflag:s17], $0x10  }
0x20: {  	[sflag:s17] =	ssyncset.done $0x0  }
0x21: {  	[sflag:s17] =	ssyncadd.s32 $0xFFFFFFF0  }
0x22: {  	[bflag:$0x0] =	sbarrier.arrive $0xFFFF  }
0x23: {  	[tilespmem:s3], [sflag:$0x3] =	stream.linear.gather [hbm4b:s11+s3], $0x80, $0x38;
	[tilespmem:$0x4920] =	vst v63  }
0x24: {  	_ =	swait.ge [sflag:s17], $0x80  }
.Ltmp2:
0x25: {  	[sflag:s17] =	ssyncset.done $0x0;
	(pc) =	sbr.rel .LBB2_2-.Ltmp2, $4  }
0x26: {  	[sflag:s17] =	ssyncadd.s32 $0xFFFFFF80  }
0x27: {  	[tilespmem:s19], [sflag:$0x1] =	stream.linear.gather [hbm4b:s12+s3], $0x80, $0x38;
	[tilespmem:$0x4920] =	vst v63  }
0x28: {  	s31 =	simm.s32 $0x200;
	s30 =	simm.s32 $0x0  }
0x29: {  	[tilespmem:s31], [sflag:$0x1] =	stream.linear.gather [hbm4b:s13+s3], $0x800, $0x38;
	[tilespmem:$0x4920] =	vst v63  }
.LBB2_9:
0x2a: {  	s30 =	sadd.s32 $0x1, s30  }
0x2b: {  	p0 =	sne.s32 s30, $0x28  }
.Ltmp3:
0x2c: {  	_ = 	snop;
	(pc) =	sbr.rel @!p0 .LBB2_10-.Ltmp3, $1  }
0x2d: {  	_ =	sdelay $0x3  }
.LBB2_2:
0x2e: {  	s0 =	sshll.u32 s30, $0x6  }
0x2f: {  	s31 =	sor.u32 s8, s0  }
0x30: {  	p0 =	sgt.u32 s31, $0x9C3  }
.Ltmp4:
0x31: {  	_ = 	snop;
	(pc) =	sbr.rel @p0 .LBB2_9-.Ltmp4, $1  }
0x32: {  	_ =	sdelay $0x3  }
0x33: {  	_ =	swait.ge [sflag:s21], $0x80  }
0x34: {  	[sflag:s21] =	ssyncset.done $0x0  }
0x35: {  	s0 =	sor.u32 $0x20, s31;
	[sflag:s21] =	ssyncadd.s32 $0xFFFFFF80  }
0x36: {  	s20 =	simm.s32 $0x0;
	p0 =	sgt.u32 s0, $0x9C3;
	_ =	swait.ge [sflag:s21], $0x800  }
0x37: {  	s1 =	sshll.u32 @!p0 s0, $0x4;
	s9 =	simm.s32 @!p0 $0x0;
	[sflag:s21] =	ssyncset.done $0x0  }
0x38: {  	v1 =	vmov s20;
	s18 =	simm.s32 @!p0 $0x80;
	s7 =	sadd.s32 @!p0 s6, s1;
	[sflag:s21] =	ssyncadd.s32 $0xFFFFF800  }
0x39: {  	v1 =	vshrl.u32 v1, $0x3;
	[tilespmem:s18], [sflag:$0x4] =	stream.linear.gather @!p0 [hbm4b:s7+s9], $0x80, $0x38;
	[tilespmem:$0x4920] =	vst v63  }
0x3a: {  	v1 =	vshll.u32 v1, v0;
	s7 =	simm.s32 @!p0 $0x4  }
0x3b: {  	v1 =	vbroadcast v1, $0x0;
	_ =	swait.ge @!p0 [sflag:s7], $0x80  }
0x3c: {  	s0 =	sshll.u32 @!p0 s0, $0x8;
	[sflag:s7] =	ssyncset.done @!p0 $0x0  }
0x3d: {  	s1 =	sadd.s32 @!p0 s4, s1;
	[sflag:s7] =	ssyncadd.s32 @!p0 $0xFFFFFF80;
	s7 =	simm.s32 @!p0 $0x180  }
0x3e: {  	[tilespmem:s7], [sflag:$0x2] =	stream.linear.gather @!p0 [hbm4b:s1+s9], $0x80, $0x38;
	[tilespmem:$0x4920] =	vst v63  }
0x3f: {  	s0 =	sadd.s32 @!p0 s5, s0;
	s1 =	simm.s32 @!p0 $0xA00  }
0x40: {  	[tilespmem:s1], [sflag:$0x2] =	stream.linear.gather @!p0 [hbm4b:s0+s9], $0x800, $0x38;
	[tilespmem:$0x4920] =	vst v63  }
0x41: {  	s18 =	simm.s32 $0x1;
	s1 =	simm.s32 $0x240;
	v1 =	vld.idx.msk [tilespmem:v1+s19+$0x0], $0xffff  }
0x42: {  	v3 =	vmov s18;
	v2 =	vld [tilespmem:s1+$0xFFFFFFC0]  }
0x43: {  	v3 =	vshrl.u32 v3, $0x3  }
0x44: {  	v3 =	vshll.u32 v3, v0;
	v4 =	vld [tilespmem:$0x2200]  }
0x45: {  	v3 =	vadd.s32 $0x1, v3  }
0x46: {  	v3 =	vbroadcast v3, $0x0  }
0x47: {  	v1 =	vmul.f32 v2, v1;
	_ =	sdelay $0x1  }
0x48: {  	v1 =	vadd.f32 v4, v1  }
0x49: {  	s0 =	simm.s32 $0x1240  }
0x4a: {  	[tilespmem:s0+$0xFFFFFFC0] =	vst v1  }
0x4b: {  	s20 =	simm.s32 $0x2;
	v1 =	vld.idx.msk [tilespmem:v3+s19+$0x0], $0xffff  }
0x4c: {  	v2 =	vld [tilespmem:s1+$0xFFFFFFD0];
	v3 =	vmov s20  }
0x4d: {  	v3 =	vshrl.u32 v3, $0x3  }
0x4e: {  	v57 =	vld [tilespmem:$0x2200];
	v3 =	vshll.u32 v3, v0  }
0x4f: {  	v3 =	vadd.s32 $0x2, v3  }
0x50: {  	v3 =	vbroadcast v3, $0x0  }
0x51: {  	v1 =	vmul.f32 v2, v1;
	_ =	sdelay $0x1  }
0x52: {  	v1 =	vadd.f32 v57, v1;
	_ =	sdelay $0x1  }
0x53: {  	[tilespmem:s0+$0xFFFFFFD0] =	vst v1  }
0x54: {  	s9 =	simm.s32 $0x3;
	v1 =	vld.idx.msk [tilespmem:v3+s19+$0x0], $0xffff  }
0x55: {  	v2 =	vld [tilespmem:s1+$0xFFFFFFE0];
	v3 =	vmov s9  }
0x56: {  	v3 =	vshrl.u32 v3, $0x3  }
0x57: {  	v58 =	vld [tilespmem:$0x2200];
	v3 =	vshll.u32 v3, v0  }
0x58: {  	v3 =	vadd.s32 $0x3, v3  }
0x59: {  	v3 =	vbroadcast v3, $0x0  }
0x5a: {  	v1 =	vmul.f32 v2, v1;
	_ =	sdelay $0x1  }
0x5b: {  	v1 =	vadd.f32 v58, v1;
	_ =	sdelay $0x1  }
0x5c: {  	[tilespmem:s0+$0xFFFFFFE0] =	vst v1  }
0x5d: {  	s18 =	simm.s32 $0x4;
	v1 =	vld.idx.msk [tilespmem:v3+s19+$0x0], $0xffff  }
0x5e: {  	v2 =	vld [tilespmem:s1+$0xFFFFFFF0];
	v3 =	vmov s18  }
0x5f: {  	v3 =	vshrl.u32 v3, $0x3  }
0x60: {  	v59 =	vld [tilespmem:$0x2200];
	v3 =	vshll.u32 v3, v0  }
0x61: {  	v3 =	vadd.s32 $0x4, v3  }
0x62: {  	v3 =	vbroadcast v3, $0x0  }
0x63: {  	v1 =	vmul.f32 v2, v1;
	_ =	sdelay $0x1  }
0x64: {  	v1 =	vadd.f32 v59, v1;
	_ =	sdelay $0x1  }
0x65: {  	[tilespmem:s0+$0xFFFFFFF0] =	vst v1  }
0x66: {  	s20 =	simm.s32 $0x5;
	v1 =	vld.idx.msk [tilespmem:v3+s19+$0x0], $0xffff  }
0x67: {  	v2 =	vld [tilespmem:s1+$0x0];
	v3 =	vmov s20  }
0x68: {  	v3 =	vshrl.u32 v3, $0x3  }
0x69: {  	v60 =	vld [tilespmem:$0x2200];
	v3 =	vshll.u32 v3, v0  }
0x6a: {  	v3 =	vadd.s32 $0x5, v3  }
0x6b: {  	v3 =	vbroadcast v3, $0x0  }
0x6c: {  	v1 =	vmul.f32 v2, v1;
	_ =	sdelay $0x1  }
0x6d: {  	v1 =	vadd.f32 v60, v1;
	_ =	sdelay $0x1  }
0x6e: {  	[tilespmem:s0+$0x0] =	vst v1  }
0x6f: {  	s9 =	simm.s32 $0x6;
	v1 =	vld.idx.msk [tilespmem:v3+s19+$0x0], $0xffff  }
0x70: {  	v2 =	vld [tilespmem:s1+$0x10];
	v3 =	vmov s9  }
0x71: {  	v3 =	vshrl.u32 v3, $0x3  }
0x72: {  	v61 =	vld [tilespmem:$0x2200];
	v3 =	vshll.u32 v3, v0  }
0x73: {  	v3 =	vadd.s32 $0x6, v3  }
0x74: {  	v3 =	vbroadcast v3, $0x0  }
0x75: {  	v1 =	vmul.f32 v2, v1;
	_ =	sdelay $0x1  }
0x76: {  	v1 =	vadd.f32 v61, v1;
	_ =	sdelay $0x1  }
0x77: {  	[tilespmem:s0+$0x10] =	vst v1  }
0x78: {  	s18 =	simm.s32 $0x7;
	v1 =	vld.idx.msk [tilespmem:v3+s19+$0x0], $0xffff  }
0x79: {  	v2 =	vld [tilespmem:s1+$0x20];
	v3 =	vmov s18  }
0x7a: {  	v3 =	vshrl.u32 v3, $0x3  }
0x7b: {  	v62 =	vld [tilespmem:$0x2200];
	v3 =	vshll.u32 v3, v0  }
0x7c: {  	v3 =	vadd.s32 $0x7, v3  }
0x7d: {  	v3 =	vbroadcast v3, $0x0  }
0x7e: {  	v1 =	vmul.f32 v2, v1;
	_ =	sdelay $0x1  }
0x7f: {  	v1 =	vadd.f32 v62, v1;
	_ =	sdelay $0x1  }
0x80: {  	[tilespmem:s0+$0x20] =	vst v1  }
0x81: {  	v1 =	vld.idx.msk [tilespmem:v3+s19+$0x0], $0xffff  }
0x82: {  	v2 =	vld [tilespmem:s1+$0x30];
	_ =	sdelay $0x1  }
0x83: {  	s20 =	simm.s32 $0x8  }
0x84: {  	v63 =	vmov s20  }
0x85: {  	v4 =	vshrl.u32 v63, $0x3;
	v3 =	vld [tilespmem:$0x2200]  }
0x86: {  	v2 =	vmul.f32 v2, v1;
	v1 =	vshll.u32 v4, v0  }
0x87: {  	v1 =	vbroadcast v1, $0x0;
	_ =	sdelay $0x2  }
0x88: {  	s20 =	simm.s32 $0x17;
	s18 =	simm.s32 $0xF;
	v2 =	vadd.f32 v3, v2  }
.LBB2_4:
0x89: {  	s1 =	sadd.s32 $0x80, s1  }
0x8a: {  	s7 =	smov.u32 s20;
	s9 =	sadd.s32 $0x8, s20;
	[tilespmem:s0+$0x30] =	vst v2;
	s0 =	sadd.s32 $0x80, s0  }
0x8b: {  	p0 =	sne.s32 s20, $0x7F;
	s20 =	sadd.s32 $0xFFFFFFFA, s18;
	v1 =	vld.idx.msk [tilespmem:v1+s19+$0x0], $0xffff  }
0x8c: {  	v3 =	vmov s20;
	v2 =	vld [tilespmem:s1+$0xFFFFFFC0]  }
0x8d: {  	v3 =	vshrl.u32 v3, $0x3  }
0x8e: {  	v3 =	vshll.u32 v3, v0;
	v4 =	vld [tilespmem:$0x2200]  }
0x8f: {  	v3 =	vadd.s32 $0x1, v3  }
0x90: {  	v3 =	vbroadcast v3, $0x0  }
0x91: {  	v1 =	vmul.f32 v2, v1;
	_ =	sdelay $0x1  }
0x92: {  	v1 =	vadd.f32 v4, v1;
	_ =	sdelay $0x1  }
0x93: {  	[tilespmem:s0+$0xFFFFFFC0] =	vst v1  }
0x94: {  	s20 =	sadd.s32 $0xFFFFFFFB, s18;
	v1 =	vld.idx.msk [tilespmem:v3+s19+$0x0], $0xffff  }
0x95: {  	v3 =	vmov s20;
	v2 =	vld [tilespmem:s1+$0xFFFFFFD0]  }
0x96: {  	v3 =	vshrl.u32 v3, $0x3  }
0x97: {  	v3 =	vshll.u32 v3, v0;
	v4 =	vld [tilespmem:$0x2200]  }
0x98: {  	v3 =	vadd.s32 $0x2, v3  }
0x99: {  	v3 =	vbroadcast v3, $0x0  }
0x9a: {  	v1 =	vmul.f32 v2, v1;
	_ =	sdelay $0x1  }
0x9b: {  	v1 =	vadd.f32 v4, v1;
	_ =	sdelay $0x1  }
0x9c: {  	[tilespmem:s0+$0xFFFFFFD0] =	vst v1  }
0x9d: {  	s20 =	sadd.s32 $0xFFFFFFFC, s18;
	v1 =	vld.idx.msk [tilespmem:v3+s19+$0x0], $0xffff  }
0x9e: {  	v3 =	vmov s20;
	v2 =	vld [tilespmem:s1+$0xFFFFFFE0]  }
0x9f: {  	v3 =	vshrl.u32 v3, $0x3  }
0xa0: {  	v3 =	vshll.u32 v3, v0;
	v4 =	vld [tilespmem:$0x2200]  }
0xa1: {  	v3 =	vadd.s32 $0x3, v3  }
0xa2: {  	v3 =	vbroadcast v3, $0x0  }
0xa3: {  	v1 =	vmul.f32 v2, v1;
	_ =	sdelay $0x1  }
0xa4: {  	v1 =	vadd.f32 v4, v1;
	_ =	sdelay $0x1  }
0xa5: {  	[tilespmem:s0+$0xFFFFFFE0] =	vst v1  }
0xa6: {  	s20 =	sadd.s32 $0xFFFFFFFD, s18;
	v1 =	vld.idx.msk [tilespmem:v3+s19+$0x0], $0xffff  }
0xa7: {  	v3 =	vmov s20;
	v2 =	vld [tilespmem:s1+$0xFFFFFFF0]  }
0xa8: {  	v3 =	vshrl.u32 v3, $0x3  }
0xa9: {  	v3 =	vshll.u32 v3, v0;
	v4 =	vld [tilespmem:$0x2200]  }
0xaa: {  	v3 =	vadd.s32 $0x4, v3  }
0xab: {  	v3 =	vbroadcast v3, $0x0  }
0xac: {  	v1 =	vmul.f32 v2, v1;
	_ =	sdelay $0x1  }
0xad: {  	v1 =	vadd.f32 v4, v1;
	_ =	sdelay $0x1  }
0xae: {  	[tilespmem:s0+$0xFFFFFFF0] =	vst v1  }
0xaf: {  	s20 =	sadd.s32 $0xFFFFFFFE, s18;
	v1 =	vld.idx.msk [tilespmem:v3+s19+$0x0], $0xffff  }
0xb0: {  	v3 =	vmov s20;
	v2 =	vld [tilespmem:s1+$0x0]  }
0xb1: {  	v3 =	vshrl.u32 v3, $0x3  }
0xb2: {  	v3 =	vshll.u32 v3, v0;
	v4 =	vld [tilespmem:$0x2200]  }
0xb3: {  	v3 =	vadd.s32 $0x5, v3  }
0xb4: {  	v3 =	vbroadcast v3, $0x0  }
0xb5: {  	v1 =	vmul.f32 v2, v1;
	_ =	sdelay $0x1  }
0xb6: {  	v1 =	vadd.f32 v4, v1;
	_ =	sdelay $0x1  }
0xb7: {  	[tilespmem:s0+$0x0] =	vst v1  }
0xb8: {  	s20 =	sadd.s32 $0xFFFFFFFF, s18;
	v1 =	vld.idx.msk [tilespmem:v3+s19+$0x0], $0xffff  }
0xb9: {  	v3 =	vmov s20;
	v2 =	vld [tilespmem:s1+$0x10]  }
0xba: {  	v3 =	vshrl.u32 v3, $0x3;
	v4 =	vld [tilespmem:$0x2200]  }
0xbb: {  	v3 =	vshll.u32 v3, v0  }
0xbc: {  	v3 =	vadd.s32 $0x6, v3  }
0xbd: {  	v3 =	vbroadcast v3, $0x0  }
0xbe: {  	v1 =	vmul.f32 v2, v1;
	_ =	sdelay $0x1  }
0xbf: {  	v1 =	vadd.f32 v4, v1;
	_ =	sdelay $0x1  }
0xc0: {  	[tilespmem:s0+$0x10] =	vst v1  }
0xc1: {  	v1 =	vld.idx.msk [tilespmem:v3+s19+$0x0], $0xffff  }
0xc2: {  	v3 =	vmov s18;
	s18 =	smov.u32 s7;
	v2 =	vld [tilespmem:s1+$0x20]  }
0xc3: {  	v3 =	vshrl.u32 v3, $0x3;
	v4 =	vld [tilespmem:$0x2200]  }
0xc4: {  	v3 =	vshll.u32 v3, v0  }
0xc5: {  	v3 =	vadd.s32 $0x7, v3  }
0xc6: {  	v3 =	vbroadcast v3, $0x0  }
0xc7: {  	v1 =	vmul.f32 v2, v1;
	_ =	sdelay $0x1  }
0xc8: {  	v1 =	vadd.f32 v4, v1;
	_ =	sdelay $0x1  }
0xc9: {  	[tilespmem:s0+$0x20] =	vst v1  }
0xca: {  	v2 =	vld.idx.msk [tilespmem:v3+s19+$0x0], $0xffff  }
0xcb: {  	s7 =	sadd.s32 $0xFFFFFFF9, s18;
	v3 =	vld [tilespmem:s1+$0x30]  }
0xcc: {  	v1 =	vmov s7;
	v4 =	vld [tilespmem:$0x2200]  }
0xcd: {  	v1 =	vshrl.u32 v1, $0x3  }
.Ltmp5:
0xce: {  	v1 =	vshll.u32 v1, v0;
	(pc) =	sbr.rel @p0 .LBB2_4-.Ltmp5, $3  }
0xcf: {  	v1 =	vbroadcast v1, $0x0  }
0xd0: {  	v2 =	vmul.f32 v3, v2;
	_ =	sdelay $0x1  }
0xd1: {  	s20 =	smov.u32 s9;
	v2 =	vadd.f32 v4, v2  }
0xd2: {  	_ =	sdelay $0x2  }
0xd3: {  	[tilespmem:s0+$0x30] =	vst v2  }
0xd4: {  	s1 =	sadd.s32 $0x80, s1;
	s7 =	sadd.s32 $0xFFFFFFFA, s18;
	v1 =	vld.idx.msk [tilespmem:v1+s19+$0x0], $0xffff  }
0xd5: {  	v3 =	vmov s7;
	v2 =	vld [tilespmem:s1+$0xFFFFFFC0]  }
0xd6: {  	v3 =	vshrl.u32 v3, $0x3  }
0xd7: {  	v4 =	vld [tilespmem:$0x2200];
	v3 =	vshll.u32 v3, v0  }
0xd8: {  	v3 =	vadd.s32 $0x1, v3  }
0xd9: {  	v3 =	vbroadcast v3, $0x0  }
0xda: {  	v1 =	vmul.f32 v2, v1;
	_ =	sdelay $0x1  }
0xdb: {  	v1 =	vadd.f32 v4, v1  }
0xdc: {  	s0 =	sadd.s32 $0x80, s0  }
0xdd: {  	[tilespmem:s0+$0xFFFFFFC0] =	vst v1  }
0xde: {  	s20 =	sadd.s32 $0xFFFFFFFB, s18;
	v1 =	vld.idx.msk [tilespmem:v3+s19+$0x0], $0xffff  }
0xdf: {  	v2 =	vld [tilespmem:s1+$0xFFFFFFD0];
	v3 =	vmov s20  }
0xe0: {  	v3 =	vshrl.u32 v3, $0x3  }
0xe1: {  	v58 =	vld [tilespmem:$0x2200];
	v3 =	vshll.u32 v3, v0  }
0xe2: {  	v3 =	vadd.s32 $0x2, v3  }
0xe3: {  	v3 =	vbroadcast v3, $0x0  }
0xe4: {  	v1 =	vmul.f32 v2, v1;
	_ =	sdelay $0x1  }
0xe5: {  	v1 =	vadd.f32 v58, v1;
	_ =	sdelay $0x1  }
0xe6: {  	[tilespmem:s0+$0xFFFFFFD0] =	vst v1  }
0xe7: {  	s9 =	sadd.s32 $0xFFFFFFFC, s18;
	v1 =	vld.idx.msk [tilespmem:v3+s19+$0x0], $0xffff  }
0xe8: {  	v2 =	vld [tilespmem:s1+$0xFFFFFFE0];
	v3 =	vmov s9  }
0xe9: {  	v3 =	vshrl.u32 v3, $0x3  }
0xea: {  	v59 =	vld [tilespmem:$0x2200];
	v3 =	vshll.u32 v3, v0  }
0xeb: {  	v3 =	vadd.s32 $0x3, v3  }
0xec: {  	v3 =	vbroadcast v3, $0x0  }
0xed: {  	v1 =	vmul.f32 v2, v1;
	_ =	sdelay $0x1  }
0xee: {  	v1 =	vadd.f32 v59, v1;
	_ =	sdelay $0x1  }
0xef: {  	[tilespmem:s0+$0xFFFFFFE0] =	vst v1  }
0xf0: {  	s20 =	sadd.s32 $0xFFFFFFFD, s18;
	v1 =	vld.idx.msk [tilespmem:v3+s19+$0x0], $0xffff  }
0xf1: {  	v2 =	vld [tilespmem:s1+$0xFFFFFFF0];
	v3 =	vmov s20  }
0xf2: {  	v3 =	vshrl.u32 v3, $0x3  }
0xf3: {  	v60 =	vld [tilespmem:$0x2200];
	v3 =	vshll.u32 v3, v0  }
0xf4: {  	v3 =	vadd.s32 $0x4, v3  }
0xf5: {  	v3 =	vbroadcast v3, $0x0  }
0xf6: {  	v1 =	vmul.f32 v2, v1;
	_ =	sdelay $0x1  }
0xf7: {  	v1 =	vadd.f32 v60, v1;
	_ =	sdelay $0x1  }
0xf8: {  	[tilespmem:s0+$0xFFFFFFF0] =	vst v1  }
0xf9: {  	s9 =	sadd.s32 $0xFFFFFFFE, s18;
	v1 =	vld.idx.msk [tilespmem:v3+s19+$0x0], $0xffff  }
0xfa: {  	v2 =	vld [tilespmem:s1+$0x0];
	v3 =	vmov s9  }
0xfb: {  	v3 =	vshrl.u32 v3, $0x3  }
0xfc: {  	v61 =	vld [tilespmem:$0x2200];
	v3 =	vshll.u32 v3, v0  }
0xfd: {  	v3 =	vadd.s32 $0x5, v3  }
0xfe: {  	v3 =	vbroadcast v3, $0x0  }
0xff: {  	v1 =	vmul.f32 v2, v1;
	_ =	sdelay $0x1  }
0x100: {  	v1 =	vadd.f32 v61, v1;
	_ =	sdelay $0x1  }
0x101: {  	[tilespmem:s0+$0x0] =	vst v1  }
0x102: {  	s20 =	sadd.s32 $0xFFFFFFFF, s18;
	v1 =	vld.idx.msk [tilespmem:v3+s19+$0x0], $0xffff  }
0x103: {  	v2 =	vld [tilespmem:s1+$0x10];
	v3 =	vmov s20  }
0x104: {  	v3 =	vshrl.u32 v3, $0x3  }
0x105: {  	v62 =	vld [tilespmem:$0x2200];
	v3 =	vshll.u32 v3, v0  }
0x106: {  	v3 =	vadd.s32 $0x6, v3  }
0x107: {  	v3 =	vbroadcast v3, $0x0  }
0x108: {  	v1 =	vmul.f32 v2, v1;
	_ =	sdelay $0x1  }
0x109: {  	v1 =	vadd.f32 v62, v1;
	_ =	sdelay $0x1  }
0x10a: {  	[tilespmem:s0+$0x10] =	vst v1  }
0x10b: {  	v1 =	vld.idx.msk [tilespmem:v3+s19+$0x0], $0xffff  }
0x10c: {  	v2 =	vld [tilespmem:s1+$0x20];
	v3 =	vmov s18  }
0x10d: {  	v3 =	vshrl.u32 v3, $0x3  }
0x10e: {  	v63 =	vld [tilespmem:$0x2200];
	v3 =	vshll.u32 v3, v0  }
0x10f: {  	v3 =	vadd.s32 $0x7, v3  }
0x110: {  	v3 =	vbroadcast v3, $0x0  }
0x111: {  	v1 =	vmul.f32 v2, v1;
	_ =	sdelay $0x1  }
0x112: {  	v1 =	vadd.f32 v63, v1;
	_ =	sdelay $0x1  }
0x113: {  	[tilespmem:s0+$0x20] =	vst v1  }
0x114: {  	v1 =	vld.idx.msk [tilespmem:v3+s19+$0x0], $0xffff  }
0x115: {  	v2 =	vld [tilespmem:s1+$0x30];
	_ =	sdelay $0x1  }
0x116: {  	v3 =	vld [tilespmem:$0x2200];
	_ =	sdelay $0x2  }
0x117: {  	v1 =	vmul.f32 v2, v1;
	_ =	sdelay $0x1  }
0x118: {  	v1 =	vadd.f32 v3, v1  }
0x119: {  	p0 =	sgt.u32 s31, $0x9A3  }
.Ltmp6:
0x11a: {  	[tilespmem:s0+$0x30] =	vst v1;
	(pc) =	sbr.rel @p0 .LBB2_9-.Ltmp6, $4  }
0x11b: {  	[spmem:s2] =	stream.indirect.scatter.add.f32 [tilespmem:s23], [sflag:$0x4], $0x10, s3, s22, $0xb8;
	[tilespmem:$0x4920] =	vst v63  }
0x11c: {  	_ =	swait.ge [sflag:s24], $0x800  }
0x11d: {  	[sflag:s24] =	ssyncset.done $0x0  }
0x11e: {  	[sflag:s24] =	ssyncadd.s32 $0xFFFFF800  }
0x11f: {  	_ =	swait.ge [sflag:s25], $0x80  }
0x120: {  	[sflag:s25] =	ssyncset.done $0x0  }
0x121: {  	p0 =	sgt.u32 s31, $0x983;
	[sflag:s25] =	ssyncadd.s32 $0xFFFFFF80  }
0x122: {  	s0 =	sadd.s32 @!p0 $0x40, s31;
	_ =	swait.ge [sflag:s25], $0x800  }
0x123: {  	s18 =	simm.s32 $0x0;
	s1 =	sshll.u32 @!p0 s0, $0x4;
	[sflag:s25] =	ssyncset.done $0x0  }
0x124: {  	s9 =	simm.s32 @!p0 $0x0;
	v1 =	vmov s18;
	s7 =	sadd.s32 @!p0 s6, s1;
	[sflag:s25] =	ssyncadd.s32 $0xFFFFF800  }
0x125: {  	v1 =	vshrl.u32 v1, $0x3;
	[tilespmem:s9], [sflag:$0x4] =	stream.linear.gather @!p0 [hbm4b:s7+s9], $0x80, $0x38;
	[tilespmem:$0x4920] =	vst v63  }
0x126: {  	v1 =	vshll.u32 v1, v0;
	s7 =	simm.s32 @!p0 $0x4  }
0x127: {  	v1 =	vbroadcast v1, $0x0;
	_ =	swait.ge @!p0 [sflag:s7], $0x80  }
0x128: {  	s0 =	sshll.u32 @!p0 s0, $0x8;
	[sflag:s7] =	ssyncset.done @!p0 $0x0  }
0x129: {  	s1 =	sadd.s32 @!p0 s4, s1;
	[sflag:s7] =	ssyncadd.s32 @!p0 $0xFFFFFF80;
	s7 =	simm.s32 @!p0 $0x100  }
0x12a: {  	[tilespmem:s7], [sflag:$0x1] =	stream.linear.gather @!p0 [hbm4b:s1+s9], $0x80, $0x38;
	[tilespmem:$0x4920] =	vst v63  }
0x12b: {  	s0 =	sadd.s32 @!p0 s5, s0;
	s1 =	simm.s32 @!p0 $0x200  }
0x12c: {  	[tilespmem:s1], [sflag:$0x1] =	stream.linear.gather @!p0 [hbm4b:s0+s9], $0x800, $0x38;
	[tilespmem:$0x4920] =	vst v63  }
0x12d: {  	s1 =	simm.s32 $0xA40;
	s9 =	simm.s32 $0x1;
	v1 =	vld.idx.msk [tilespmem:v1+s26+$0x0], $0xffff  }
0x12e: {  	v2 =	vld [tilespmem:s1+$0xFFFFFFC0];
	v3 =	vmov s9  }
0x12f: {  	v3 =	vshrl.u32 v3, $0x3  }
0x130: {  	v4 =	vld [tilespmem:$0x2200];
	v3 =	vshll.u32 v3, v0  }
0x131: {  	v3 =	vadd.s32 $0x1, v3  }
0x132: {  	v3 =	vbroadcast v3, $0x0  }
0x133: {  	v1 =	vmul.f32 v2, v1;
	_ =	sdelay $0x1  }
0x134: {  	v1 =	vadd.f32 v4, v1  }
0x135: {  	s0 =	simm.s32 $0x1A40  }
0x136: {  	[tilespmem:s0+$0xFFFFFFC0] =	vst v1  }
0x137: {  	s18 =	simm.s32 $0x2;
	v1 =	vld.idx.msk [tilespmem:v3+s26+$0x0], $0xffff  }
0x138: {  	v2 =	vld [tilespmem:s1+$0xFFFFFFD0];
	v3 =	vmov s18  }
0x139: {  	v3 =	vshrl.u32 v3, $0x3  }
0x13a: {  	v57 =	vld [tilespmem:$0x2200];
	v3 =	vshll.u32 v3, v0  }
0x13b: {  	v3 =	vadd.s32 $0x2, v3  }
0x13c: {  	v3 =	vbroadcast v3, $0x0  }
0x13d: {  	v1 =	vmul.f32 v2, v1;
	_ =	sdelay $0x1  }
0x13e: {  	v1 =	vadd.f32 v57, v1;
	_ =	sdelay $0x1  }
0x13f: {  	[tilespmem:s0+$0xFFFFFFD0] =	vst v1  }
0x140: {  	s20 =	simm.s32 $0x3;
	v1 =	vld.idx.msk [tilespmem:v3+s26+$0x0], $0xffff  }
0x141: {  	v2 =	vld [tilespmem:s1+$0xFFFFFFE0];
	v3 =	vmov s20  }
0x142: {  	v3 =	vshrl.u32 v3, $0x3  }
0x143: {  	v58 =	vld [tilespmem:$0x2200];
	v3 =	vshll.u32 v3, v0  }
0x144: {  	v3 =	vadd.s32 $0x3, v3  }
0x145: {  	v3 =	vbroadcast v3, $0x0  }
0x146: {  	v1 =	vmul.f32 v2, v1;
	_ =	sdelay $0x1  }
0x147: {  	v1 =	vadd.f32 v58, v1;
	_ =	sdelay $0x1  }
0x148: {  	[tilespmem:s0+$0xFFFFFFE0] =	vst v1  }
0x149: {  	s31 =	simm.s32 $0x4;
	v1 =	vld.idx.msk [tilespmem:v3+s26+$0x0], $0xffff  }
0x14a: {  	v2 =	vld [tilespmem:s1+$0xFFFFFFF0];
	v3 =	vmov s31  }
0x14b: {  	v3 =	vshrl.u32 v3, $0x3  }
0x14c: {  	v59 =	vld [tilespmem:$0x2200];
	v3 =	vshll.u32 v3, v0  }
0x14d: {  	v3 =	vadd.s32 $0x4, v3  }
0x14e: {  	v3 =	vbroadcast v3, $0x0  }
0x14f: {  	v1 =	vmul.f32 v2, v1;
	_ =	sdelay $0x1  }
0x150: {  	v1 =	vadd.f32 v59, v1;
	_ =	sdelay $0x1  }
0x151: {  	[tilespmem:s0+$0xFFFFFFF0] =	vst v1  }
0x152: {  	s9 =	simm.s32 $0x5;
	v1 =	vld.idx.msk [tilespmem:v3+s26+$0x0], $0xffff  }
0x153: {  	v2 =	vld [tilespmem:s1+$0x0];
	v3 =	vmov s9  }
0x154: {  	v3 =	vshrl.u32 v3, $0x3  }
0x155: {  	v60 =	vld [tilespmem:$0x2200];
	v3 =	vshll.u32 v3, v0  }
0x156: {  	v3 =	vadd.s32 $0x5, v3  }
0x157: {  	v3 =	vbroadcast v3, $0x0  }
0x158: {  	v1 =	vmul.f32 v2, v1;
	_ =	sdelay $0x1  }
0x159: {  	v1 =	vadd.f32 v60, v1;
	_ =	sdelay $0x1  }
0x15a: {  	[tilespmem:s0+$0x0] =	vst v1  }
0x15b: {  	s18 =	simm.s32 $0x6;
	v1 =	vld.idx.msk [tilespmem:v3+s26+$0x0], $0xffff  }
0x15c: {  	v2 =	vld [tilespmem:s1+$0x10];
	v3 =	vmov s18  }
0x15d: {  	v3 =	vshrl.u32 v3, $0x3  }
0x15e: {  	v61 =	vld [tilespmem:$0x2200];
	v3 =	vshll.u32 v3, v0  }
0x15f: {  	v3 =	vadd.s32 $0x6, v3  }
0x160: {  	v3 =	vbroadcast v3, $0x0  }
0x161: {  	v1 =	vmul.f32 v2, v1;
	_ =	sdelay $0x1  }
0x162: {  	v1 =	vadd.f32 v61, v1;
	_ =	sdelay $0x1  }
0x163: {  	[tilespmem:s0+$0x10] =	vst v1  }
0x164: {  	s20 =	simm.s32 $0x7;
	v1 =	vld.idx.msk [tilespmem:v3+s26+$0x0], $0xffff  }
0x165: {  	v2 =	vld [tilespmem:s1+$0x20];
	v3 =	vmov s20  }
0x166: {  	v3 =	vshrl.u32 v3, $0x3  }
0x167: {  	v62 =	vld [tilespmem:$0x2200];
	v3 =	vshll.u32 v3, v0  }
0x168: {  	v3 =	vadd.s32 $0x7, v3  }
0x169: {  	v3 =	vbroadcast v3, $0x0  }
0x16a: {  	v1 =	vmul.f32 v2, v1;
	_ =	sdelay $0x1  }
0x16b: {  	v1 =	vadd.f32 v62, v1;
	_ =	sdelay $0x1  }
0x16c: {  	[tilespmem:s0+$0x20] =	vst v1  }
0x16d: {  	v1 =	vld.idx.msk [tilespmem:v3+s26+$0x0], $0xffff  }
0x16e: {  	v2 =	vld [tilespmem:s1+$0x30];
	_ =	sdelay $0x1  }
0x16f: {  	s31 =	simm.s32 $0x8  }
0x170: {  	v63 =	vmov s31  }
0x171: {  	v4 =	vshrl.u32 v63, $0x3;
	v3 =	vld [tilespmem:$0x2200]  }
0x172: {  	v2 =	vmul.f32 v2, v1;
	v1 =	vshll.u32 v4, v0  }
0x173: {  	v1 =	vbroadcast v1, $0x0;
	_ =	sdelay $0x2  }
0x174: {  	s9 =	simm.s32 $0x17;
	s18 =	simm.s32 $0xF;
	v2 =	vadd.f32 v3, v2  }
.LBB2_7:
0x175: {  	s1 =	sadd.s32 $0x80, s1  }
0x176: {  	s7 =	smov.u32 s9;
	s20 =	sadd.s32 $0x8, s9;
	[tilespmem:s0+$0x30] =	vst v2;
	s0 =	sadd.s32 $0x80, s0  }
0x177: {  	p0 =	sne.s32 s9, $0x7F;
	s9 =	sadd.s32 $0xFFFFFFFA, s18;
	v1 =	vld.idx.msk [tilespmem:v1+s26+$0x0], $0xffff  }
0x178: {  	v3 =	vmov s9;
	v2 =	vld [tilespmem:s1+$0xFFFFFFC0]  }
0x179: {  	v3 =	vshrl.u32 v3, $0x3  }
0x17a: {  	v3 =	vshll.u32 v3, v0;
	v4 =	vld [tilespmem:$0x2200]  }
0x17b: {  	v3 =	vadd.s32 $0x1, v3  }
0x17c: {  	v3 =	vbroadcast v3, $0x0  }
0x17d: {  	v1 =	vmul.f32 v2, v1;
	_ =	sdelay $0x1  }
0x17e: {  	v1 =	vadd.f32 v4, v1;
	_ =	sdelay $0x1  }
0x17f: {  	[tilespmem:s0+$0xFFFFFFC0] =	vst v1  }
0x180: {  	s9 =	sadd.s32 $0xFFFFFFFB, s18;
	v1 =	vld.idx.msk [tilespmem:v3+s26+$0x0], $0xffff  }
0x181: {  	v3 =	vmov s9;
	v2 =	vld [tilespmem:s1+$0xFFFFFFD0]  }
0x182: {  	v3 =	vshrl.u32 v3, $0x3  }
0x183: {  	v3 =	vshll.u32 v3, v0;
	v4 =	vld [tilespmem:$0x2200]  }
0x184: {  	v3 =	vadd.s32 $0x2, v3  }
0x185: {  	v3 =	vbroadcast v3, $0x0  }
0x186: {  	v1 =	vmul.f32 v2, v1;
	_ =	sdelay $0x1  }
0x187: {  	v1 =	vadd.f32 v4, v1;
	_ =	sdelay $0x1  }
0x188: {  	[tilespmem:s0+$0xFFFFFFD0] =	vst v1  }
0x189: {  	s9 =	sadd.s32 $0xFFFFFFFC, s18;
	v1 =	vld.idx.msk [tilespmem:v3+s26+$0x0], $0xffff  }
0x18a: {  	v3 =	vmov s9;
	v2 =	vld [tilespmem:s1+$0xFFFFFFE0]  }
0x18b: {  	v3 =	vshrl.u32 v3, $0x3  }
0x18c: {  	v3 =	vshll.u32 v3, v0;
	v4 =	vld [tilespmem:$0x2200]  }
0x18d: {  	v3 =	vadd.s32 $0x3, v3  }
0x18e: {  	v3 =	vbroadcast v3, $0x0  }
0x18f: {  	v1 =	vmul.f32 v2, v1;
	_ =	sdelay $0x1  }
0x190: {  	v1 =	vadd.f32 v4, v1;
	_ =	sdelay $0x1  }
0x191: {  	[tilespmem:s0+$0xFFFFFFE0] =	vst v1  }
0x192: {  	s9 =	sadd.s32 $0xFFFFFFFD, s18;
	v1 =	vld.idx.msk [tilespmem:v3+s26+$0x0], $0xffff  }
0x193: {  	v3 =	vmov s9;
	v2 =	vld [tilespmem:s1+$0xFFFFFFF0]  }
0x194: {  	v3 =	vshrl.u32 v3, $0x3  }
0x195: {  	v3 =	vshll.u32 v3, v0;
	v4 =	vld [tilespmem:$0x2200]  }
0x196: {  	v3 =	vadd.s32 $0x4, v3  }
0x197: {  	v3 =	vbroadcast v3, $0x0  }
0x198: {  	v1 =	vmul.f32 v2, v1;
	_ =	sdelay $0x1  }
0x199: {  	v1 =	vadd.f32 v4, v1;
	_ =	sdelay $0x1  }
0x19a: {  	[tilespmem:s0+$0xFFFFFFF0] =	vst v1  }
0x19b: {  	s9 =	sadd.s32 $0xFFFFFFFE, s18;
	v1 =	vld.idx.msk [tilespmem:v3+s26+$0x0], $0xffff  }
0x19c: {  	v3 =	vmov s9;
	v2 =	vld [tilespmem:s1+$0x0]  }
0x19d: {  	v3 =	vshrl.u32 v3, $0x3  }
0x19e: {  	v3 =	vshll.u32 v3, v0;
	v4 =	vld [tilespmem:$0x2200]  }
0x19f: {  	v3 =	vadd.s32 $0x5, v3  }
0x1a0: {  	v3 =	vbroadcast v3, $0x0  }
0x1a1: {  	v1 =	vmul.f32 v2, v1;
	_ =	sdelay $0x1  }
0x1a2: {  	v1 =	vadd.f32 v4, v1;
	_ =	sdelay $0x1  }
0x1a3: {  	[tilespmem:s0+$0x0] =	vst v1  }
0x1a4: {  	s9 =	sadd.s32 $0xFFFFFFFF, s18;
	v1 =	vld.idx.msk [tilespmem:v3+s26+$0x0], $0xffff  }
0x1a5: {  	v3 =	vmov s9;
	v2 =	vld [tilespmem:s1+$0x10]  }
0x1a6: {  	v3 =	vshrl.u32 v3, $0x3;
	v4 =	vld [tilespmem:$0x2200]  }
0x1a7: {  	v3 =	vshll.u32 v3, v0  }
0x1a8: {  	v3 =	vadd.s32 $0x6, v3  }
0x1a9: {  	v3 =	vbroadcast v3, $0x0  }
0x1aa: {  	v1 =	vmul.f32 v2, v1;
	_ =	sdelay $0x1  }
0x1ab: {  	v1 =	vadd.f32 v4, v1;
	_ =	sdelay $0x1  }
0x1ac: {  	[tilespmem:s0+$0x10] =	vst v1  }
0x1ad: {  	v1 =	vld.idx.msk [tilespmem:v3+s26+$0x0], $0xffff  }
0x1ae: {  	v3 =	vmov s18;
	s18 =	smov.u32 s7;
	v2 =	vld [tilespmem:s1+$0x20]  }
0x1af: {  	v3 =	vshrl.u32 v3, $0x3;
	v4 =	vld [tilespmem:$0x2200]  }
0x1b0: {  	v3 =	vshll.u32 v3, v0  }
0x1b1: {  	v3 =	vadd.s32 $0x7, v3  }
0x1b2: {  	v3 =	vbroadcast v3, $0x0  }
0x1b3: {  	v1 =	vmul.f32 v2, v1;
	_ =	sdelay $0x1  }
0x1b4: {  	v1 =	vadd.f32 v4, v1;
	_ =	sdelay $0x1  }
0x1b5: {  	[tilespmem:s0+$0x20] =	vst v1  }
0x1b6: {  	v2 =	vld.idx.msk [tilespmem:v3+s26+$0x0], $0xffff  }
0x1b7: {  	s7 =	sadd.s32 $0xFFFFFFF9, s18;
	v3 =	vld [tilespmem:s1+$0x30]  }
0x1b8: {  	v1 =	vmov s7;
	v4 =	vld [tilespmem:$0x2200]  }
0x1b9: {  	v1 =	vshrl.u32 v1, $0x3  }
.Ltmp7:
0x1ba: {  	v1 =	vshll.u32 v1, v0;
	(pc) =	sbr.rel @p0 .LBB2_7-.Ltmp7, $3  }
0x1bb: {  	v1 =	vbroadcast v1, $0x0  }
0x1bc: {  	v2 =	vmul.f32 v3, v2;
	_ =	sdelay $0x1  }
0x1bd: {  	s9 =	smov.u32 s20;
	v2 =	vadd.f32 v4, v2  }
0x1be: {  	_ =	sdelay $0x2  }
0x1bf: {  	[tilespmem:s0+$0x30] =	vst v2  }
0x1c0: {  	s1 =	sadd.s32 $0x80, s1;
	s7 =	sadd.s32 $0xFFFFFFFA, s18;
	v1 =	vld.idx.msk [tilespmem:v1+s26+$0x0], $0xffff  }
0x1c1: {  	v3 =	vmov s7;
	v2 =	vld [tilespmem:s1+$0xFFFFFFC0]  }
0x1c2: {  	v3 =	vshrl.u32 v3, $0x3  }
0x1c3: {  	v4 =	vld [tilespmem:$0x2200];
	v3 =	vshll.u32 v3, v0  }
0x1c4: {  	v3 =	vadd.s32 $0x1, v3  }
0x1c5: {  	v3 =	vbroadcast v3, $0x0  }
0x1c6: {  	v1 =	vmul.f32 v2, v1;
	_ =	sdelay $0x1  }
0x1c7: {  	v1 =	vadd.f32 v4, v1  }
0x1c8: {  	s0 =	sadd.s32 $0x80, s0  }
0x1c9: {  	[tilespmem:s0+$0xFFFFFFC0] =	vst v1  }
0x1ca: {  	s20 =	sadd.s32 $0xFFFFFFFB, s18;
	v1 =	vld.idx.msk [tilespmem:v3+s26+$0x0], $0xffff  }
0x1cb: {  	v2 =	vld [tilespmem:s1+$0xFFFFFFD0];
	v3 =	vmov s20  }
0x1cc: {  	v3 =	vshrl.u32 v3, $0x3  }
0x1cd: {  	v58 =	vld [tilespmem:$0x2200];
	v3 =	vshll.u32 v3, v0  }
0x1ce: {  	v3 =	vadd.s32 $0x2, v3  }
0x1cf: {  	v3 =	vbroadcast v3, $0x0  }
0x1d0: {  	v1 =	vmul.f32 v2, v1;
	_ =	sdelay $0x1  }
0x1d1: {  	v1 =	vadd.f32 v58, v1;
	_ =	sdelay $0x1  }
0x1d2: {  	[tilespmem:s0+$0xFFFFFFD0] =	vst v1  }
0x1d3: {  	s31 =	sadd.s32 $0xFFFFFFFC, s18;
	v1 =	vld.idx.msk [tilespmem:v3+s26+$0x0], $0xffff  }
0x1d4: {  	v2 =	vld [tilespmem:s1+$0xFFFFFFE0];
	v3 =	vmov s31  }
0x1d5: {  	v3 =	vshrl.u32 v3, $0x3  }
0x1d6: {  	v59 =	vld [tilespmem:$0x2200];
	v3 =	vshll.u32 v3, v0  }
0x1d7: {  	v3 =	vadd.s32 $0x3, v3  }
0x1d8: {  	v3 =	vbroadcast v3, $0x0  }
0x1d9: {  	v1 =	vmul.f32 v2, v1;
	_ =	sdelay $0x1  }
0x1da: {  	v1 =	vadd.f32 v59, v1;
	_ =	sdelay $0x1  }
0x1db: {  	[tilespmem:s0+$0xFFFFFFE0] =	vst v1  }
0x1dc: {  	s9 =	sadd.s32 $0xFFFFFFFD, s18;
	v1 =	vld.idx.msk [tilespmem:v3+s26+$0x0], $0xffff  }
0x1dd: {  	v2 =	vld [tilespmem:s1+$0xFFFFFFF0];
	v3 =	vmov s9  }
0x1de: {  	v3 =	vshrl.u32 v3, $0x3  }
0x1df: {  	v60 =	vld [tilespmem:$0x2200];
	v3 =	vshll.u32 v3, v0  }
0x1e0: {  	v3 =	vadd.s32 $0x4, v3  }
0x1e1: {  	v3 =	vbroadcast v3, $0x0  }
0x1e2: {  	v1 =	vmul.f32 v2, v1;
	_ =	sdelay $0x1  }
0x1e3: {  	v1 =	vadd.f32 v60, v1;
	_ =	sdelay $0x1  }
0x1e4: {  	[tilespmem:s0+$0xFFFFFFF0] =	vst v1  }
0x1e5: {  	s20 =	sadd.s32 $0xFFFFFFFE, s18;
	v1 =	vld.idx.msk [tilespmem:v3+s26+$0x0], $0xffff  }
0x1e6: {  	v2 =	vld [tilespmem:s1+$0x0];
	v3 =	vmov s20  }
0x1e7: {  	v3 =	vshrl.u32 v3, $0x3  }
0x1e8: {  	v61 =	vld [tilespmem:$0x2200];
	v3 =	vshll.u32 v3, v0  }
0x1e9: {  	v3 =	vadd.s32 $0x5, v3  }
0x1ea: {  	v3 =	vbroadcast v3, $0x0  }
0x1eb: {  	v1 =	vmul.f32 v2, v1;
	_ =	sdelay $0x1  }
0x1ec: {  	v1 =	vadd.f32 v61, v1;
	_ =	sdelay $0x1  }
0x1ed: {  	[tilespmem:s0+$0x0] =	vst v1  }
0x1ee: {  	s31 =	sadd.s32 $0xFFFFFFFF, s18;
	v1 =	vld.idx.msk [tilespmem:v3+s26+$0x0], $0xffff  }
0x1ef: {  	v2 =	vld [tilespmem:s1+$0x10];
	v3 =	vmov s31  }
0x1f0: {  	v3 =	vshrl.u32 v3, $0x3  }
0x1f1: {  	v62 =	vld [tilespmem:$0x2200];
	v3 =	vshll.u32 v3, v0  }
0x1f2: {  	v3 =	vadd.s32 $0x6, v3  }
0x1f3: {  	v3 =	vbroadcast v3, $0x0  }
0x1f4: {  	v1 =	vmul.f32 v2, v1;
	_ =	sdelay $0x1  }
0x1f5: {  	v1 =	vadd.f32 v62, v1;
	_ =	sdelay $0x1  }
0x1f6: {  	[tilespmem:s0+$0x10] =	vst v1  }
0x1f7: {  	v1 =	vld.idx.msk [tilespmem:v3+s26+$0x0], $0xffff  }
0x1f8: {  	v2 =	vld [tilespmem:s1+$0x20];
	v3 =	vmov s18  }
0x1f9: {  	v3 =	vshrl.u32 v3, $0x3  }
0x1fa: {  	v63 =	vld [tilespmem:$0x2200];
	v3 =	vshll.u32 v3, v0  }
0x1fb: {  	v3 =	vadd.s32 $0x7, v3  }
0x1fc: {  	v3 =	vbroadcast v3, $0x0  }
0x1fd: {  	v1 =	vmul.f32 v2, v1;
	_ =	sdelay $0x1  }
0x1fe: {  	v1 =	vadd.f32 v63, v1;
	_ =	sdelay $0x1  }
0x1ff: {  	[tilespmem:s0+$0x20] =	vst v1  }
0x200: {  	v1 =	vld.idx.msk [tilespmem:v3+s26+$0x0], $0xffff  }
0x201: {  	v2 =	vld [tilespmem:s1+$0x30];
	_ =	sdelay $0x1  }
0x202: {  	v3 =	vld [tilespmem:$0x2200];
	_ =	sdelay $0x2  }
0x203: {  	v1 =	vmul.f32 v2, v1;
	_ =	sdelay $0x1  }
0x204: {  	v1 =	vadd.f32 v3, v1;
	_ =	sdelay $0x1  }
.Ltmp8:
0x205: {  	[tilespmem:s0+$0x30] =	vst v1;
	(pc) =	sbr.rel .LBB2_9-.Ltmp8, $4  }
0x206: {  	[spmem:s2] =	stream.indirect.scatter.add.f32 [tilespmem:s28], [sflag:$0x3], $0x10, s22, s22, $0xb8;
	[tilespmem:$0x4920] =	vst v63  }
0x207: {  	_ =	swait.ge [sflag:s17], $0x800  }
0x208: {  	[sflag:s17] =	ssyncset.done $0x0  }
0x209: {  	[sflag:s17] =	ssyncadd.s32 $0xFFFFF800  }
.LBB2_11:
0x20a: {  	_ =	sfence.sel $0x180000  }
0x20b: {  	[bflag:$0x0] =	sbarrier.arrive $0xFFFF  }
0x20c: {  	_ =	strace $0x9000004A  }
0x20d: {  	s0 =	stileid.u32;
	[bflag:$0x2] =	sbarrier.arrive $0xFFFF  }
0x20e: {  	p0 =	sne.s32 s0, $0x0;
	s0 =	rddreg [dreg:$0x2]  }
0x20f: {  	s0 =	sadd.s32 @!p0 $0x100000, s0  }
0x210: {  	[sflag:s0] =	ssyncadd.tile.s32 @!p0 $0x1;
	_ =	shalt  }
.Lfunc_end2:
_tile_overlayer_lowered:
.L_overlay_start_2:
0x211: {  	(tag) =	ssettag $0x2  }
0x212: {  	s0 =	rddreg [dreg:$0x0];
	s2 =	stileid.u32  }
0x213: {  	s1 =	rddreg [dreg:$0x1];
	p0 =	sne.s32 s2, $0x0  }
0x214: {  	s3 =	rddreg [dreg:$0x2];
	[bflag:$0x3] =	sbarrier.arrive $0xFFFF;
	s2 =	simm.s32 @!p0 $0x1C03  }
0x215: {  	[timem:s3], [sflag:s2] =	dma.local @!p0 [hbm:s0], s1  }
0x216: {  	s0 =	simm.s32 @!p0 $0x3  }
0x217: {  	_ =	swait.ge @!p0 [sflag:s0], s1  }
0x218: {  	s1 =	ssub.s32 @!p0 $0x0, s1;
	[sflag:s0] =	ssyncset.done @!p0 $0x0  }
0x219: {  	[sflag:s0] =	ssyncadd.s32 @!p0 s1  }
0x21a: {  	[bflag:$0x3] =	sbarrier.arrive $0xFFFF  }
0x21b: {  	_ =	shalt  }

// kernel: kernel.8.cloned.1.call-start
scs
__scs_entry_jumppad:
0x0: {  	(pc) =	sbr.rel $0x88, $3  }
0x1: {  	(tag) =	ssettag $0x0;
	lr =	simm.s32 $0x1  }
0x2: {  	[smem:$0x3F90] =	sst lr;
	_ =	strace $0xD0000000  }
0x3: {  	_ = 	snop  }
0x4: {  	_ = 	snop  }
0x5: {  	_ = 	snop  }
0x6: {  	_ = 	snop  }
0x7: {  	_ = 	snop  }
__scs_overlays_trampoline_lowered:
0x8: {  	[smem:$0x3F9F] =	sst s0  }
0x9: {  	[smem:$0x3FA0] =	sst s1  }
0xa: {  	[smem:$0x3FA1] =	sst s2  }
0xb: {  	[smem:$0x3FA2] =	sst s3  }
0xc: {  	[smem:$0x3FA3] =	sst s4  }
0xd: {  	[smem:$0x3FA4] =	sst s5  }
0xe: {  	[smem:$0x3FA5] =	sst s6  }
0xf: {  	[smem:$0x3FA6] =	sst s7  }
0x10: {  	[smem:$0x3FA7] =	sst s8  }
0x11: {  	[smem:$0x3FA8] =	sst s9;
	s0 =	simm.s32 @!p0 $0x0  }
0x12: {  	s1 =	sld [smem:$0x3F8E];
	s0 =	simm.s32 @p0 $0x1  }
0x13: {  	[smem:$0x3FA9] =	sst s0;
	s0 =	simm.s32 @!p1 $0x0  }
0x14: {  	s2 =	sld [smem:$0x3F8D];
	s0 =	simm.s32 @p1 $0x1  }
0x15: {  	[smem:$0x3FAA] =	sst s0;
	s0 =	simm.s32 @!p2 $0x0  }
0x16: {  	s3 =	sld [smem:$0x3FDB];
	s0 =	simm.s32 @p2 $0x1  }
0x17: {  	s4 =	simm.s32 $0x1BF5;
	[smem:$0x3FAC] =	sst s0  }
0x18: {  	s0 =	sld [smem:$0x3F8F];
	_ =	swait.ge [sflag:s4], $0x0  }
0x19: {  	s7 =	sld [smem:$0x3F90]  }
0x1a: {  	s8 =	sadd.s32 $0xFFFFE003, lr  }
0x1b: {  	s9 =	sadd.s32 $0xFFFFFEF7, lr;
	s5 =	simm.s32 $0xFFFFFFFF;
	p2 =	slt.u32 s8, $0xFFFFF086  }
0x1c: {  	p1 =	slt.u32 s9, $0xF7A;
	s5 =	simm.s32 @!p2 $0x0  }
0x1d: {  	s5 =	simm.s32 @p1 $0x1;
	p0 =	seq.s32 s7, s2  }
0x1e: {  	s7 =	smul.u32 @!p0 $0xF7A, s2;
	p2 =	seq.s32 @!p0 s5, $0x0  }
0x1f: {  	s9 =	smul.u32 $0xF7A, s1;
	s8 =	simm.s32 @!p0 $0x1BF5;
	p2 =	por !p2, p0  }
0x20: {  	[sflag:s8] =	ssyncset.s32 @!p0 $0xFFFFF086;
	s6 =	sadd.s32 @!p0 s3, s7;
	s7 =	simm.s32 @!p0 $0x108  }
0x21: {  	s3 =	sadd.s32 s3, s9;
	s6 =	sadd.s32 @!p0 $0x88, s6;
	s7 =	simm.s32 @p2 $0x1082  }
0x22: {  	[simem:s7], [sflag:s8] =	dma.local @!p0 [hbm:s6], $0xF7A  }
0x23: {  	s9 =	sor.u32 $0xD0000000, s2;
	s6 =	simm.s32 $0x108;
	_ =	swait.ge @!p0 [sflag:s8], $0x0  }
0x24: {  	s3 =	sadd.s32 $0x88, s3;
	s6 =	simm.s32 @!p1 $0x1082;
	[sflag:s4] =	ssyncset.s32 $0xFFFFF086  }
0x25: {  	[simem:s6], [sflag:s4] =	dma.local [hbm:s3], $0xF7A  }
0x26: {  	[smem:$0x3F90] =	sst s1;
	(tag) =	ssettag s2;
	_ =	strace s9  }
0x27: {  	s1 =	sld [smem:$0x3FA0]  }
0x28: {  	s2 =	sld [smem:$0x3FA1]  }
0x29: {  	s4 =	sld [smem:$0x3FA3]  }
0x2a: {  	p0 =	seq.s32 s5, $0x0;
	s5 =	sld [smem:$0x3FA4]  }
0x2b: {  	s6 =	sld [smem:$0x3FA5]  }
0x2c: {  	s7 =	sld [smem:$0x3FA6]  }
0x2d: {  	s3 =	simm.s32 $0x108;
	s8 =	sld [smem:$0x3FA7]  }
0x2e: {  	s3 =	simm.s32 @!p0 $0x1082;
	s9 =	sld [smem:$0x3FA8]  }
0x2f: {  	lr =	sadd.s32 s0, s3;
	s0 =	sld [smem:$0x3F9F]  }
0x30: {  	s3 =	sld [smem:$0x3FA2]  }
0x31: {  	[smem:$0x3FAB] =	sst s10  }
0x32: {  	s10 =	sld [smem:$0x3FA9];
	_ =	sdelay $0x3  }
0x33: {  	p0 =	seq.s32 s10, $0x1;
	s10 =	sld [smem:$0x3FAB];
	_ =	sdelay $0x3  }
0x34: {  	[smem:$0x3FAB] =	sst s10  }
0x35: {  	s10 =	sld [smem:$0x3FAA];
	_ =	sdelay $0x3  }
0x36: {  	p1 =	seq.s32 s10, $0x1;
	s10 =	sld [smem:$0x3FAB];
	_ =	sdelay $0x3  }
0x37: {  	[smem:$0x3FAB] =	sst s10  }
0x38: {  	s10 =	sld [smem:$0x3FAC]  }
0x39: {  	_ = 	snop;
	(pc) =	sbr.ind lr, $3  }
0x3a: {  	_ = 	snop  }
0x3b: {  	_ = 	snop  }
0x3c: {  	p2 =	seq.s32 s10, $0x1;
	s10 =	sld [smem:$0x3FAB]  }
0x3d: {  	_ =	shalt  }
0x3e: {  	_ =	shalt  }
0x3f: {  	_ =	shalt  }
0x40: {  	_ =	shalt  }
0x41: {  	_ =	shalt  }
0x42: {  	_ =	shalt  }
0x43: {  	_ =	shalt  }
0x44: {  	_ =	shalt  }
0x45: {  	_ =	shalt  }
0x46: {  	_ =	shalt  }
0x47: {  	_ =	shalt  }
0x48: {  	_ =	shalt  }
0x49: {  	_ =	shalt  }
0x4a: {  	_ =	shalt  }
0x4b: {  	_ =	shalt  }
0x4c: {  	_ =	shalt  }
0x4d: {  	_ =	shalt  }
0x4e: {  	_ =	shalt  }
0x4f: {  	_ =	shalt  }
0x50: {  	_ =	shalt  }
0x51: {  	_ =	shalt  }
0x52: {  	_ =	shalt  }
0x53: {  	_ =	shalt  }
0x54: {  	_ =	shalt  }
0x55: {  	_ =	shalt  }
0x56: {  	_ =	shalt  }
0x57: {  	_ =	shalt  }
0x58: {  	_ =	shalt  }
0x59: {  	_ =	shalt  }
0x5a: {  	_ =	shalt  }
0x5b: {  	_ =	shalt  }
0x5c: {  	_ =	shalt  }
0x5d: {  	_ =	shalt  }
0x5e: {  	_ =	shalt  }
0x5f: {  	_ =	shalt  }
0x60: {  	_ =	shalt  }
0x61: {  	_ =	shalt  }
0x62: {  	_ =	shalt  }
0x63: {  	_ =	shalt  }
0x64: {  	_ =	shalt  }
0x65: {  	_ =	shalt  }
0x66: {  	_ =	shalt  }
0x67: {  	_ =	shalt  }
0x68: {  	_ =	shalt  }
0x69: {  	_ =	shalt  }
0x6a: {  	_ =	shalt  }
0x6b: {  	_ =	shalt  }
0x6c: {  	_ =	shalt  }
0x6d: {  	_ =	shalt  }
0x6e: {  	_ =	shalt  }
0x6f: {  	_ =	shalt  }
0x70: {  	_ =	shalt  }
0x71: {  	_ =	shalt  }
0x72: {  	_ =	shalt  }
0x73: {  	_ =	shalt  }
0x74: {  	_ =	shalt  }
0x75: {  	_ =	shalt  }
0x76: {  	_ =	shalt  }
0x77: {  	_ =	shalt  }
0x78: {  	_ =	shalt  }
0x79: {  	_ =	shalt  }
0x7a: {  	_ =	shalt  }
0x7b: {  	_ =	shalt  }
0x7c: {  	_ =	shalt  }
0x7d: {  	_ =	shalt  }
0x7e: {  	_ =	shalt  }
0x7f: {  	_ =	shalt  }
0x80: {  	_ =	shalt  }
0x81: {  	_ =	shalt  }
0x82: {  	_ =	shalt  }
0x83: {  	_ =	shalt  }
0x84: {  	_ =	shalt  }
0x85: {  	_ =	shalt  }
0x86: {  	_ =	shalt  }
0x87: {  	_ =	shalt  }
.Lfunc_end0:
.L_simem_size_0:
called_computation_lowered:
.L_overlay_start_0:
0x88: {  	s2 =	sld [smem:$0x3FD9]  }
0x89: {  	s3 =	sld [smem:$0x3FFE];
	_ =	sdelay $0x1  }
0x8a: {  	s1 =	srdreg.scid  }
0x8b: {  	s0 =	sand.u32 $0x1, s1  }
0x8c: {  	s14 =	sshll.u32 s0, $0xA;
	s2 =	sadd.s32 s3, s2  }
0x8d: {  	s2 =	sadd.s32 s2, s14  }
0x8e: {  	[smem:$0x3FB7] =	sst s2  }
0x8f: {  	_ = 	snop  }
0x90: {  	s2 =	sld [smem:$0x3FD0];
	_ =	sdelay $0x2  }
0x91: {  	s15 =	simm.s32 $0xB;
	s4 =	simm.s32 $0x10  }
0x92: {  	[smem:s4], [sflag:s15] =	dma.local [hbm:s2], $0x1  }
0x93: {  	_ =	swait.eq [sflag:s15], $0x1  }
0x94: {  	[sflag:s15] =	ssyncset.done $0x0  }
0x95: {  	[sflag:s15] =	ssyncadd.s32 $0xFFFFFFFF  }
0x96: {  	s16 =	sld [smem:$0x10];
	(tm) =	ssettm $0x1  }
0x97: {  	s17 =	sld [smem:$0x3FFB];
	_ =	sdelay $0x3  }
0x98: {  	_ =	strace s17  }
0x99: {  	s3 =	sld [smem:$0x3FFC];
	_ =	sdelay $0x3  }
0x9a: {  	_ =	strace s3  }
0x9b: {  	s3 =	sld [smem:$0x3FFD];
	_ =	sdelay $0x3  }
0x9c: {  	_ =	strace s3  }
0x9d: {  	_ =	strace $0x8FFFFFFF  }
0x9e: {  	s18 =	sld [smem:$0x3FDB];
	_ =	sdelay $0x1  }
0x9f: {  	s19 =	simm.s32 $_scs_section_size  }
0xa0: {  	s5 =	simm.s32 $_size__tile_overlayer_lowered;
	s6 =	simm.s32 $_tile_overlayer_lowered  }
0xa1: {  	s22 =	simm.s32 $0x1BFF;
	s21 =	sshll.u32 s6, $0x1;
	s3 =	sadd.s32 s19, s18  }
0xa2: {  	s7 =	simm.s32 $0x0;
	s20 =	sshll.u32 s5, $0x1;
	s5 =	sadd.s32 s21, s3  }
0xa3: {  	[timem:s7], [sflag:s22] =	dma.local [hbm:s5], s20  }
0xa4: {  	_ =	swait.ge [sflag:s22], s20  }
0xa5: {  	s4 =	ssub.s32 $0x0, s20;
	[sflag:s22] =	ssyncset.done $0x0  }
0xa6: {  	[sflag:s22] =	ssyncadd.s32 s4;
	_ =	sdelay $0x1  }
0xa7: {  	s23 =	simm.s32 $0x1B8B  }
0xa8: {  	_ =	swait.ge [sflag:s23], $0x1  }
0xa9: {  	[sflag:s23] =	ssyncset.done $0x0  }
0xaa: {  	s25 =	simm.s32 $0x1B8E;
	s24 =	sld [smem:$0x3FFE];
	[sflag:s23] =	ssyncadd.s32 $0xFFFFFFFF  }
0xab: {  	s26 =	simm.s32 $execute0_lowered;
	[smem:$0x3FD2] =	sst s25  }
0xac: {  	s5 =	sshll.u32 s26, $0x1;
	_ =	strace $0x80000046;
	[dreg:$0x1] =	wrdreg $0xFFFFFFFF  }
0xad: {  	s28 =	simm.s32 $_size_execute0_lowered;
	s3 =	sadd.s32 s3, s5;
	[dreg:$0x0] =	wrdreg $0x0  }
0xae: {  	s5 =	sshll.u32 s28, $0x1;
	[dreg:$0x2] =	wrdreg s3  }
0xaf: {  	[dreg:$0x3] =	wrdreg s5  }
0xb0: {  	[dreg:$0x4] =	wrdreg $0xC0  }
0xb1: {  	_ =	task [dreg:s7], $0x5FFFF  }
0xb2: {  	[dreg:$0x1] =	wrdreg $0xFFFFFFFF  }
0xb3: {  	[dreg:$0x0] =	wrdreg $0x60  }
0xb4: {  	[dreg:$0x2] =	wrdreg s16  }
0xb5: {  	[dreg:$0x3] =	wrdreg s24  }
0xb6: {  	[dreg:$0x4] =	wrdreg $0x9  }
0xb7: {  	_ =	task.clear_ibuf [dreg:s7], $0x5FFFF;
	_ =	strace $0x90000046  }
0xb8: {  	s29 =	simm.s32 $0x9;
	_ =	strace $0x80000048  }
0xb9: {  	_ =	swait.ge [sflag:s29], $0x1  }
0xba: {  	[sflag:s29] =	ssyncadd.s32 $0xFFFFFFFF  }
0xbb: {  	_ =	strace $0x90000048  }
0xbc: {  	_ =	sfence  }
0xbd: {  	s30 =	sld [smem:$0x0];
	_ =	sdelay $0x2  }
0xbe: {  	s31 =	sshll.u32 s1, $0xD;
	s1 =	sshrl.u32 s1, $0x2  }
0xbf: {  	s3 =	sand.u32 $0x4000, s31;
	s1 =	sadd.s32 s1, s30  }
0xc0: {  	s0 =	sor.u32 s3, s0;
	s1 =	sshll.u32 s1, $0x11  }
0xc1: {  	s0 =	sor.u32 s1, s0  }
0xc2: {  	s0 =	sadd.s32 $0x8F2B, s0  }
0xc3: {  	[sflag:s0] =	ssyncadd.remote.s32 $0x1  }
0xc4: {  	_ =	sfence.sel $0xFFFF  }
0xc5: {  	[dreg:$0x0] =	wrdreg $0xFFFFFFFF;
	(pc) =	sbr.abs _section_cstart, $3  }
0xc6: {  	[dreg:$0x1] =	wrdreg $0xFFFFFFFF  }
0xc7: {  	_ =	task.clear_ibuf [dreg:s7], $0x2FFFF;
	_ =	strace $0x9FFFFFFF  }
0xc8: {  	(tm) =	ssettm $0x7FFFFFFF  }
0xc9: {  	_ =	shalt  }
tec
execute0_lowered:
.L_overlay_start_1:
0x0: {  	(tag) =	ssettag $0x1  }
0x1: {  	s1 =	rddreg [dreg:$0x0]  }
0x2: {  	s0 =	rddreg [dreg:$0x1]  }
0x3: {  	s2 =	simm.s32 $0x0;
	s4 =	srdreg.scid;
	s9 =	stileid.u32  }
0x4: {  	s15 =	simm.s32 $0x5;
	s17 =	simm.s32 $0x80;
	s22 =	simm.s32 $0x1  }
0x5: {  	s23 =	simm.s32 $0xA200;
	s24 =	simm.s32 $0x12200;
	s28 =	simm.s32 $0xE200  }
0x6: {  	s29 =	simm.s32 $0x12A00;
	s30 =	simm.s32 $0x13A00;
	s31 =	simm.s32 $0x3  }
0x7: {  	[smem:$0x7FF] =	sst s2;
	s3 =	sadd.s32 $0x3600, s0;
	s5 =	sadd.s32 $0x2AC00, s0  }
0x8: {  	s6 =	sadd.s32 $0x17000, s0;
	s4 =	sand.u32 $0x1, s4;
	s10 =	sshll.u32 s9, $0x1  }
0x9: {  	s7 =	sadd.s32 $0x20E00, s0;
	s8 =	sadd.s32 $0x2FC00, s0;
	s10 =	sor.u32 s4, s10  }
0xa: {  	s9 =	sadd.s32 $0x5AE000, s0;
	s12 =	ssub.s32 $0x2, s4;
	s4 =	sshll.u32 s10, $0x4  }
.Ltmp0:
0xb: {  	_ =	strace $0x80000047;
	s26 =	sadd.s32 s6, s4;
	(pc) =	sbr.rel .LBB2_1-.Ltmp0, $4  }
0xc: {  	s13 =	sshrl.u32 s12, $0x1;
	s4 =	sadd.s32 s7, s4;
	[dreg:$0x3] =	wrdreg s26  }
0xd: {  	s11 =	sadd.s32 $0x511C00, s0;
	s25 =	ssub.s32 s12, s13;
	[dreg:$0x4] =	wrdreg s4  }
0xe: {  	s0 =	smax.u32 s25, $0x1;
	s25 =	simm.s32 $0x13200;
	s26 =	simm.s32 $0x2  }
0xf: {  	s4 =	simm.s32 $0x0;
	[dreg:$0x5] =	wrdreg s0;
	s0 =	simm.s32 $0x4  }
.LBB2_10:
0x10: {  	_ =	swait.ge [sflag:s31], $0x4000  }
0x11: {  	[sflag:s31] =	ssyncset.done $0x0  }
0x12: {  	[sflag:s31] =	ssyncadd.s32 $0xFFFFC000  }
0x13: {  	_ =	swait.ge [sflag:s31], $0x800  }
0x14: {  	[sflag:s31] =	ssyncset.done $0x0  }
0x15: {  	[sflag:s31] =	ssyncadd.s32 $0xFFFFF800  }
0x16: {  	_ =	swait.ge [sflag:s31], $0x800  }
0x17: {  	[sflag:s31] =	ssyncset.done $0x0  }
0x18: {  	[sflag:s31] =	ssyncadd.s32 $0xFFFFF800  }
0x19: {  	_ =	swait.ge [sflag:s0], $0x4000  }
0x1a: {  	[sflag:s0] =	ssyncset.done $0x0  }
0x1b: {  	[sflag:s0] =	ssyncadd.s32 $0xFFFFC000  }
0x1c: {  	_ =	swait.ge [sflag:s0], $0x800  }
0x1d: {  	[sflag:s0] =	ssyncset.done $0x0  }
0x1e: {  	[sflag:s0] =	ssyncadd.s32 $0xFFFFF800  }
0x1f: {  	_ =	swait.ge [sflag:s0], $0x800  }
0x20: {  	s4 =	sadd.s32 $0x1, s4;
	s12 =	rddreg [dreg:$0x5]  }
0x21: {  	p0 =	sne.s32 s4, s12  }
.Ltmp1:
0x22: {  	_ = 	snop;
	(pc) =	sbr.rel @!p0 .LBB2_11-.Ltmp1, $3  }
0x23: {  	_ =	sdelay $0x1  }
0x24: {  	[sflag:s0] =	ssyncset.done $0x0  }
0x25: {  	[sflag:s0] =	ssyncadd.s32 $0xFFFFF800  }
.LBB2_1:
0x26: {  	s12 =	rddreg [dreg:$0x3]  }
0x27: {  	[tilespmem:s2], [sflag:$0x5] =	stream.linear.gather [hbm4b:s12+s2], $0x80, $0x38;
	[tilespmem:$0x14200] =	vst v63  }
0x28: {  	_ =	swait.ge [sflag:s15], $0x80  }
0x29: {  	[sflag:s15] =	ssyncset.done $0x0  }
0x2a: {  	s13 =	simm.s32 $0x100;
	s16 =	rddreg [dreg:$0x4];
	[sflag:s15] =	ssyncadd.s32 $0xFFFFFF80  }
0x2b: {  	[tilespmem:s13], [sflag:$0x5] =	stream.linear.gather [hbm4b:s16+s2], $0x80, $0x38;
	[tilespmem:$0x14200] =	vst v63  }
0x2c: {  	_ =	swait.ge [sflag:s15], $0x80  }
0x2d: {  	[sflag:s15] =	ssyncset.done $0x0  }
0x2e: {  	s18 =	simm.s32 $0x200;
	[sflag:s15] =	ssyncadd.s32 $0xFFFFFF80  }
0x2f: {  	[tilespmem:s18], [sflag:$0x1] =	stream.indirect.gather [hbm4b:s1+s17], $0x40, s2, s17, $0xb8;
	[tilespmem:$0x14200] =	vst v63  }
0x30: {  	s19 =	simm.s32 $0x4200  }
0x31: {  	[tilespmem:s19], [sflag:$0x1] =	stream.indirect.gather [hbm4b:s3+s17], $0x40, s13, s17, $0xb8;
	[tilespmem:$0x14200] =	vst v63  }
.Ltmp2:
0x32: {  	_ = 	snop;
	(pc) =	sbr.rel .LBB2_2-.Ltmp2, $4  }
0x33: {  	s20 =	simm.s32 $0x8200  }
0x34: {  	[tilespmem:s20], [sflag:$0x1] =	stream.indirect.gather [hbm4b:s5+s17], $0x10, s2, s17, $0xb8;
	[tilespmem:$0x14200] =	vst v63  }
0x35: {  	s21 =	simm.s32 $0x9200;
	s18 =	simm.s32 $0x0  }
0x36: {  	[tilespmem:s21], [sflag:$0x1] =	stream.indirect.gather [hbm4b:s5+s17], $0x10, s13, s17, $0xb8;
	[tilespmem:$0x14200] =	vst v63  }
.LBB2_9:
0x37: {  	s18 =	sadd.s32 $0x1, s18  }
0x38: {  	p0 =	sne.s32 s18, $0x28  }
.Ltmp3:
0x39: {  	_ = 	snop;
	(pc) =	sbr.rel @!p0 .LBB2_10-.Ltmp3, $1  }
0x3a: {  	_ =	sdelay $0x3  }
.LBB2_2:
0x3b: {  	s12 =	sshll.u32 s18, $0x6  }
0x3c: {  	s20 =	sor.u32 s10, s12  }
0x3d: {  	p0 =	sgt.u32 s20, $0x9C3  }
.Ltmp4:
0x3e: {  	_ = 	snop;
	(pc) =	sbr.rel @p0 .LBB2_9-.Ltmp4, $1  }
0x3f: {  	_ =	sdelay $0x3  }
0x40: {  	_ =	swait.ge [sflag:s22], $0x2000  }
0x41: {  	[sflag:s22] =	ssyncset.done $0x0  }
0x42: {  	[sflag:s22] =	ssyncadd.s32 $0xFFFFE000  }
0x43: {  	_ =	swait.ge [sflag:s22], $0x2000  }
0x44: {  	[sflag:s22] =	ssyncset.done $0x0  }
0x45: {  	[sflag:s22] =	ssyncadd.s32 $0xFFFFE000  }
0x46: {  	_ =	swait.ge [sflag:s22], $0x800  }
0x47: {  	s19 =	sor.u32 $0x20, s20;
	[sflag:s22] =	ssyncset.done $0x0  }
0x48: {  	p0 =	sgt.u32 s19, $0x9C3;
	[sflag:s22] =	ssyncadd.s32 $0xFFFFF800  }
0x49: {  	p1 =	seq.s32 @!p0 s18, $0x0;
	_ =	swait.ge [sflag:s22], $0x800  }
0x4a: {  	p1 =	por p1, p0;
	[sflag:s22] =	ssyncset.done $0x0  }
0x4b: {  	s12 =	simm.s32 @!p1 $0x4;
	[sflag:s22] =	ssyncadd.s32 $0xFFFFF800  }
0x4c: {  	_ =	swait.ge @!p1 [sflag:s12], $0x4000  }
0x4d: {  	[sflag:s12] =	ssyncset.done @!p1 $0x0  }
0x4e: {  	[sflag:s12] =	ssyncadd.s32 @!p1 $0xFFFFC000  }
0x4f: {  	_ =	swait.ge @!p1 [sflag:s12], $0x800  }
0x50: {  	[sflag:s12] =	ssyncset.done @!p1 $0x0  }
0x51: {  	[sflag:s12] =	ssyncadd.s32 @!p1 $0xFFFFF800  }
0x52: {  	_ =	swait.ge @!p1 [sflag:s12], $0x800  }
0x53: {  	[sflag:s12] =	ssyncset.done @!p1 $0x0  }
0x54: {  	[sflag:s12] =	ssyncadd.s32 @!p1 $0xFFFFF800;
	s12 =	sshll.u32 @!p0 s19, $0x4  }
0x55: {  	s14 =	simm.s32 @!p0 $0x0;
	s16 =	simm.s32 @!p0 $0x80;
	s13 =	sadd.s32 @!p0 s6, s12  }
0x56: {  	[tilespmem:s16], [sflag:$0x5] =	stream.linear.gather @!p0 [hbm4b:s13+s14], $0x80, $0x38;
	[tilespmem:$0x14200] =	vst v63  }
0x57: {  	s13 =	simm.s32 @!p0 $0x5  }
0x58: {  	_ =	swait.ge @!p0 [sflag:s13], $0x80  }
0x59: {  	[sflag:s13] =	ssyncset.done @!p0 $0x0  }
0x5a: {  	s21 =	simm.s32 @!p0 $0x180;
	s12 =	sadd.s32 @!p0 s7, s12;
	[sflag:s13] =	ssyncadd.s32 @!p0 $0xFFFFFF80  }
0x5b: {  	[tilespmem:s21], [sflag:$0x5] =	stream.linear.gather @!p0 [hbm4b:s12+s14], $0x80, $0x38;
	[tilespmem:$0x14200] =	vst v63  }
0x5c: {  	_ =	swait.ge @!p0 [sflag:s13], $0x80  }
0x5d: {  	[sflag:s13] =	ssyncset.done @!p0 $0x0  }
0x5e: {  	s12 =	simm.s32 @!p0 $0x2200;
	[sflag:s13] =	ssyncadd.s32 @!p0 $0xFFFFFF80  }
0x5f: {  	[tilespmem:s12], [sflag:$0x2] =	stream.indirect.gather @!p0 [hbm4b:s1+s16], $0x40, s16, s16, $0xb8;
	[tilespmem:$0x14200] =	vst v63  }
0x60: {  	s12 =	simm.s32 @!p0 $0x6200  }
0x61: {  	[tilespmem:s12], [sflag:$0x2] =	stream.indirect.gather @!p0 [hbm4b:s3+s16], $0x40, s21, s16, $0xb8;
	[tilespmem:$0x14200] =	vst v63  }
0x62: {  	s12 =	simm.s32 @!p0 $0x8A00  }
0x63: {  	[tilespmem:s12], [sflag:$0x2] =	stream.indirect.gather @!p0 [hbm4b:s5+s16], $0x10, s16, s16, $0xb8;
	[tilespmem:$0x14200] =	vst v63  }
0x64: {  	s14 =	simm.s32 $0xA400;
	s12 =	simm.s32 @!p0 $0x9A00  }
0x65: {  	[tilespmem:s12], [sflag:$0x2] =	stream.indirect.gather @!p0 [hbm4b:s5+s16], $0x10, s21, s16, $0xb8;
	[tilespmem:$0x14200] =	vst v63  }
0x66: {  	s13 =	simm.s32 $0x4300;
	s21 =	simm.s32 $0x0;
	s12 =	simm.s32 $0x300  }
.LBB2_4:
0x67: {  	v0 =	vld [tilespmem:s12+$0xFFFFFF00]  }
0x68: {  	v1 =	vld [tilespmem:s13+$0xFFFFFF00];
	_ =	sdelay $0x4  }
0x69: {  	v2 =	vunpack.i.l.bf16.f32 v0;
	v3 =	vunpack.i.l.bf16.f32 v1  }
0x6a: {  	v0 =	vunpack.i.u.bf16.f32 v0;
	v1 =	vunpack.i.u.bf16.f32 v1;
	v2 =	vadd.f32 v3, v2  }
0x6b: {  	v0 =	vadd.f32 v1, v0  }
0x6c: {  	[tilespmem:s14+$0xFFFFFE00] =	vst v2  }
0x6d: {  	[tilespmem:s14+$0xFFFFFE10] =	vst v0  }
0x6e: {  	v0 =	vld [tilespmem:s12+$0xFFFFFF10]  }
0x6f: {  	v28 =	vld [tilespmem:s13+$0xFFFFFF10];
	_ =	sdelay $0x4  }
0x70: {  	v29 =	vunpack.i.l.bf16.f32 v0;
	v30 =	vunpack.i.l.bf16.f32 v28  }
0x71: {  	v0 =	vunpack.i.u.bf16.f32 v0;
	v1 =	vunpack.i.u.bf16.f32 v28;
	v2 =	vadd.f32 v30, v29  }
0x72: {  	v0 =	vadd.f32 v1, v0  }
0x73: {  	[tilespmem:s14+$0xFFFFFE20] =	vst v2  }
0x74: {  	[tilespmem:s14+$0xFFFFFE30] =	vst v0  }
0x75: {  	v0 =	vld [tilespmem:s12+$0xFFFFFF20]  }
0x76: {  	v31 =	vld [tilespmem:s13+$0xFFFFFF20];
	_ =	sdelay $0x4  }
0x77: {  	v32 =	vunpack.i.l.bf16.f32 v0;
	v33 =	vunpack.i.l.bf16.f32 v31  }
0x78: {  	v0 =	vunpack.i.u.bf16.f32 v0;
	v1 =	vunpack.i.u.bf16.f32 v31;
	v2 =	vadd.f32 v33, v32  }
0x79: {  	v0 =	vadd.f32 v1, v0  }
0x7a: {  	[tilespmem:s14+$0xFFFFFE40] =	vst v2  }
0x7b: {  	[tilespmem:s14+$0xFFFFFE50] =	vst v0  }
0x7c: {  	v0 =	vld [tilespmem:s12+$0xFFFFFF30]  }
0x7d: {  	v34 =	vld [tilespmem:s13+$0xFFFFFF30];
	_ =	sdelay $0x4  }
0x7e: {  	v35 =	vunpack.i.l.bf16.f32 v0;
	v36 =	vunpack.i.l.bf16.f32 v34  }
0x7f: {  	v0 =	vunpack.i.u.bf16.f32 v0;
	v1 =	vunpack.i.u.bf16.f32 v34;
	v2 =	vadd.f32 v36, v35  }
0x80: {  	v0 =	vadd.f32 v1, v0  }
0x81: {  	[tilespmem:s14+$0xFFFFFE60] =	vst v2  }
0x82: {  	s16 =	sshra.s32 s21, $0x2;
	[tilespmem:s14+$0xFFFFFE70] =	vst v0  }
0x83: {  	v0 =	vld [tilespmem:s16+$0x8200]  }
0x84: {  	v37 =	vld [tilespmem:s16+$0x9200];
	_ =	sdelay $0x3  }
0x85: {  	[tilespmem:s16+$0x12200] =	vst v0  }
0x86: {  	[tilespmem:s16+$0x13200] =	vst v37  }
0x87: {  	v0 =	vld [tilespmem:s12+$0xFFFFFF40]  }
0x88: {  	v1 =	vld [tilespmem:s13+$0xFFFFFF40];
	_ =	sdelay $0x4  }
0x89: {  	v38 =	vunpack.i.l.bf16.f32 v0;
	v39 =	vunpack.i.l.bf16.f32 v1  }
0x8a: {  	v0 =	vunpack.i.u.bf16.f32 v0;
	v1 =	vunpack.i.u.bf16.f32 v1;
	v2 =	vadd.f32 v39, v38  }
0x8b: {  	v0 =	vadd.f32 v1, v0  }
0x8c: {  	[tilespmem:s14+$0xFFFFFE80] =	vst v2  }
0x8d: {  	[tilespmem:s14+$0xFFFFFE90] =	vst v0  }
0x8e: {  	v0 =	vld [tilespmem:s12+$0xFFFFFF50]  }
0x8f: {  	v40 =	vld [tilespmem:s13+$0xFFFFFF50];
	_ =	sdelay $0x4  }
0x90: {  	v41 =	vunpack.i.l.bf16.f32 v0;
	v42 =	vunpack.i.l.bf16.f32 v40  }
0x91: {  	v0 =	vunpack.i.u.bf16.f32 v0;
	v1 =	vunpack.i.u.bf16.f32 v40;
	v2 =	vadd.f32 v42, v41  }
0x92: {  	v0 =	vadd.f32 v1, v0  }
0x93: {  	[tilespmem:s14+$0xFFFFFEA0] =	vst v2  }
0x94: {  	[tilespmem:s14+$0xFFFFFEB0] =	vst v0  }
0x95: {  	v0 =	vld [tilespmem:s12+$0xFFFFFF60]  }
0x96: {  	v43 =	vld [tilespmem:s13+$0xFFFFFF60];
	_ =	sdelay $0x4  }
0x97: {  	v44 =	vunpack.i.l.bf16.f32 v0;
	v45 =	vunpack.i.l.bf16.f32 v43  }
0x98: {  	v0 =	vunpack.i.u.bf16.f32 v0;
	v1 =	vunpack.i.u.bf16.f32 v43;
	v2 =	vadd.f32 v45, v44  }
0x99: {  	v0 =	vadd.f32 v1, v0  }
0x9a: {  	[tilespmem:s14+$0xFFFFFEC0] =	vst v2  }
0x9b: {  	[tilespmem:s14+$0xFFFFFED0] =	vst v0  }
0x9c: {  	v0 =	vld [tilespmem:s12+$0xFFFFFF70]  }
0x9d: {  	v46 =	vld [tilespmem:s13+$0xFFFFFF70];
	_ =	sdelay $0x4  }
0x9e: {  	v47 =	vunpack.i.l.bf16.f32 v0;
	v48 =	vunpack.i.l.bf16.f32 v46  }
0x9f: {  	v0 =	vunpack.i.u.bf16.f32 v0;
	v1 =	vunpack.i.u.bf16.f32 v46;
	v2 =	vadd.f32 v48, v47  }
0xa0: {  	v0 =	vadd.f32 v1, v0  }
0xa1: {  	[tilespmem:s14+$0xFFFFFEE0] =	vst v2  }
0xa2: {  	[tilespmem:s14+$0xFFFFFEF0] =	vst v0  }
0xa3: {  	v0 =	vld [tilespmem:s16+$0x8210]  }
0xa4: {  	v49 =	vld [tilespmem:s16+$0x9210];
	_ =	sdelay $0x3  }
0xa5: {  	[tilespmem:s16+$0x12210] =	vst v0  }
0xa6: {  	[tilespmem:s16+$0x13210] =	vst v49  }
0xa7: {  	v0 =	vld [tilespmem:s12+$0xFFFFFF80]  }
0xa8: {  	v1 =	vld [tilespmem:s13+$0xFFFFFF80];
	_ =	sdelay $0x4  }
0xa9: {  	v50 =	vunpack.i.l.bf16.f32 v0;
	v51 =	vunpack.i.l.bf16.f32 v1  }
0xaa: {  	v0 =	vunpack.i.u.bf16.f32 v0;
	v1 =	vunpack.i.u.bf16.f32 v1;
	v2 =	vadd.f32 v51, v50  }
0xab: {  	v0 =	vadd.f32 v1, v0  }
0xac: {  	[tilespmem:s14+$0xFFFFFF00] =	vst v2  }
0xad: {  	[tilespmem:s14+$0xFFFFFF10] =	vst v0  }
0xae: {  	v0 =	vld [tilespmem:s12+$0xFFFFFF90]  }
0xaf: {  	v52 =	vld [tilespmem:s13+$0xFFFFFF90];
	_ =	sdelay $0x4  }
0xb0: {  	v53 =	vunpack.i.l.bf16.f32 v0;
	v54 =	vunpack.i.l.bf16.f32 v52  }
0xb1: {  	v0 =	vunpack.i.u.bf16.f32 v0;
	v1 =	vunpack.i.u.bf16.f32 v52;
	v2 =	vadd.f32 v54, v53  }
0xb2: {  	v0 =	vadd.f32 v1, v0  }
0xb3: {  	[tilespmem:s14+$0xFFFFFF20] =	vst v2  }
0xb4: {  	[tilespmem:s14+$0xFFFFFF30] =	vst v0  }
0xb5: {  	v0 =	vld [tilespmem:s12+$0xFFFFFFA0]  }
0xb6: {  	v55 =	vld [tilespmem:s13+$0xFFFFFFA0];
	_ =	sdelay $0x4  }
0xb7: {  	v56 =	vunpack.i.l.bf16.f32 v0;
	v57 =	vunpack.i.l.bf16.f32 v55  }
0xb8: {  	v0 =	vunpack.i.u.bf16.f32 v0;
	v1 =	vunpack.i.u.bf16.f32 v55;
	v2 =	vadd.f32 v57, v56  }
0xb9: {  	v0 =	vadd.f32 v1, v0  }
0xba: {  	[tilespmem:s14+$0xFFFFFF40] =	vst v2  }
0xbb: {  	[tilespmem:s14+$0xFFFFFF50] =	vst v0  }
0xbc: {  	v0 =	vld [tilespmem:s12+$0xFFFFFFB0]  }
0xbd: {  	v58 =	vld [tilespmem:s13+$0xFFFFFFB0];
	_ =	sdelay $0x4  }
0xbe: {  	v59 =	vunpack.i.l.bf16.f32 v0;
	v60 =	vunpack.i.l.bf16.f32 v58  }
0xbf: {  	v0 =	vunpack.i.u.bf16.f32 v0;
	v1 =	vunpack.i.u.bf16.f32 v58;
	v2 =	vadd.f32 v60, v59  }
0xc0: {  	v0 =	vadd.f32 v1, v0  }
0xc1: {  	[tilespmem:s14+$0xFFFFFF60] =	vst v2  }
0xc2: {  	[tilespmem:s14+$0xFFFFFF70] =	vst v0  }
0xc3: {  	v0 =	vld [tilespmem:s16+$0x8220]  }
0xc4: {  	v61 =	vld [tilespmem:s16+$0x9220];
	_ =	sdelay $0x3  }
0xc5: {  	[tilespmem:s16+$0x12220] =	vst v0  }
0xc6: {  	[tilespmem:s16+$0x13220] =	vst v61  }
0xc7: {  	v0 =	vld [tilespmem:s12+$0xFFFFFFC0]  }
0xc8: {  	v1 =	vld [tilespmem:s13+$0xFFFFFFC0];
	_ =	sdelay $0x4  }
0xc9: {  	v62 =	vunpack.i.l.bf16.f32 v0;
	v63 =	vunpack.i.l.bf16.f32 v1  }
0xca: {  	v0 =	vunpack.i.u.bf16.f32 v0;
	v1 =	vunpack.i.u.bf16.f32 v1;
	v2 =	vadd.f32 v63, v62  }
0xcb: {  	v0 =	vadd.f32 v1, v0  }
0xcc: {  	[tilespmem:s14+$0xFFFFFF80] =	vst v2  }
0xcd: {  	[tilespmem:s14+$0xFFFFFF90] =	vst v0  }
0xce: {  	v0 =	vld [tilespmem:s12+$0xFFFFFFD0]  }
0xcf: {  	v6 =	vld [tilespmem:s13+$0xFFFFFFD0];
	_ =	sdelay $0x4  }
0xd0: {  	v7 =	vunpack.i.l.bf16.f32 v0;
	v8 =	vunpack.i.l.bf16.f32 v6  }
0xd1: {  	v0 =	vunpack.i.u.bf16.f32 v0;
	v1 =	vunpack.i.u.bf16.f32 v6;
	v2 =	vadd.f32 v8, v7  }
0xd2: {  	v0 =	vadd.f32 v1, v0  }
0xd3: {  	[tilespmem:s14+$0xFFFFFFA0] =	vst v2  }
0xd4: {  	[tilespmem:s14+$0xFFFFFFB0] =	vst v0  }
0xd5: {  	v0 =	vld [tilespmem:s12+$0xFFFFFFE0]  }
0xd6: {  	v9 =	vld [tilespmem:s13+$0xFFFFFFE0];
	_ =	sdelay $0x4  }
0xd7: {  	v10 =	vunpack.i.l.bf16.f32 v0;
	v11 =	vunpack.i.l.bf16.f32 v9  }
0xd8: {  	v0 =	vunpack.i.u.bf16.f32 v0;
	v1 =	vunpack.i.u.bf16.f32 v9;
	v2 =	vadd.f32 v11, v10  }
0xd9: {  	v0 =	vadd.f32 v1, v0  }
0xda: {  	[tilespmem:s14+$0xFFFFFFC0] =	vst v2  }
0xdb: {  	[tilespmem:s14+$0xFFFFFFD0] =	vst v0  }
0xdc: {  	v0 =	vld [tilespmem:s12+$0xFFFFFFF0]  }
0xdd: {  	v12 =	vld [tilespmem:s13+$0xFFFFFFF0];
	_ =	sdelay $0x4  }
0xde: {  	v13 =	vunpack.i.l.bf16.f32 v0;
	v14 =	vunpack.i.l.bf16.f32 v12  }
0xdf: {  	v0 =	vunpack.i.u.bf16.f32 v0;
	v1 =	vunpack.i.u.bf16.f32 v12;
	v2 =	vadd.f32 v14, v13  }
0xe0: {  	v0 =	vadd.f32 v1, v0  }
0xe1: {  	[tilespmem:s14+$0xFFFFFFE0] =	vst v2  }
0xe2: {  	[tilespmem:s14+$0xFFFFFFF0] =	vst v0  }
0xe3: {  	v0 =	vld [tilespmem:s16+$0x8230]  }
0xe4: {  	v15 =	vld [tilespmem:s16+$0x9230];
	_ =	sdelay $0x3  }
0xe5: {  	[tilespmem:s16+$0x12230] =	vst v0  }
0xe6: {  	[tilespmem:s16+$0x13230] =	vst v15  }
0xe7: {  	v0 =	vld [tilespmem:s12+$0x0]  }
0xe8: {  	v1 =	vld [tilespmem:s13+$0x0];
	_ =	sdelay $0x4  }
0xe9: {  	v16 =	vunpack.i.l.bf16.f32 v0;
	v17 =	vunpack.i.l.bf16.f32 v1  }
0xea: {  	v0 =	vunpack.i.u.bf16.f32 v0;
	v1 =	vunpack.i.u.bf16.f32 v1;
	v2 =	vadd.f32 v17, v16  }
0xeb: {  	v0 =	vadd.f32 v1, v0  }
0xec: {  	[tilespmem:s14+$0x0] =	vst v2  }
0xed: {  	[tilespmem:s14+$0x10] =	vst v0  }
0xee: {  	v0 =	vld [tilespmem:s12+$0x10]  }
0xef: {  	v18 =	vld [tilespmem:s13+$0x10];
	_ =	sdelay $0x4  }
0xf0: {  	v19 =	vunpack.i.l.bf16.f32 v0;
	v20 =	vunpack.i.l.bf16.f32 v18  }
0xf1: {  	v0 =	vunpack.i.u.bf16.f32 v0;
	v1 =	vunpack.i.u.bf16.f32 v18;
	v2 =	vadd.f32 v20, v19  }
0xf2: {  	v0 =	vadd.f32 v1, v0  }
0xf3: {  	[tilespmem:s14+$0x20] =	vst v2  }
0xf4: {  	[tilespmem:s14+$0x30] =	vst v0  }
0xf5: {  	v0 =	vld [tilespmem:s12+$0x20]  }
0xf6: {  	v21 =	vld [tilespmem:s13+$0x20];
	_ =	sdelay $0x4  }
0xf7: {  	v22 =	vunpack.i.l.bf16.f32 v0;
	v23 =	vunpack.i.l.bf16.f32 v21  }
0xf8: {  	v0 =	vunpack.i.u.bf16.f32 v0;
	v1 =	vunpack.i.u.bf16.f32 v21;
	v2 =	vadd.f32 v23, v22  }
0xf9: {  	v0 =	vadd.f32 v1, v0  }
0xfa: {  	[tilespmem:s14+$0x40] =	vst v2  }
0xfb: {  	[tilespmem:s14+$0x50] =	vst v0  }
0xfc: {  	v0 =	vld [tilespmem:s12+$0x30]  }
0xfd: {  	v24 =	vld [tilespmem:s13+$0x30];
	_ =	sdelay $0x4  }
0xfe: {  	v25 =	vunpack.i.l.bf16.f32 v0;
	v26 =	vunpack.i.l.bf16.f32 v24  }
0xff: {  	v0 =	vunpack.i.u.bf16.f32 v0;
	v1 =	vunpack.i.u.bf16.f32 v24;
	v2 =	vadd.f32 v26, v25  }
0x100: {  	v0 =	vadd.f32 v1, v0  }
0x101: {  	[tilespmem:s14+$0x60] =	vst v2  }
0x102: {  	[tilespmem:s14+$0x70] =	vst v0  }
0x103: {  	v0 =	vld [tilespmem:s16+$0x8240]  }
0x104: {  	v27 =	vld [tilespmem:s16+$0x9240];
	_ =	sdelay $0x3  }
0x105: {  	[tilespmem:s16+$0x12240] =	vst v0  }
0x106: {  	[tilespmem:s16+$0x13240] =	vst v27  }
0x107: {  	v0 =	vld [tilespmem:s12+$0x40]  }
0x108: {  	v1 =	vld [tilespmem:s13+$0x40];
	_ =	sdelay $0x4  }
0x109: {  	v28 =	vunpack.i.l.bf16.f32 v0;
	v29 =	vunpack.i.l.bf16.f32 v1  }
0x10a: {  	v0 =	vunpack.i.u.bf16.f32 v0;
	v1 =	vunpack.i.u.bf16.f32 v1;
	v2 =	vadd.f32 v29, v28  }
0x10b: {  	v0 =	vadd.f32 v1, v0  }
0x10c: {  	[tilespmem:s14+$0x80] =	vst v2  }
0x10d: {  	[tilespmem:s14+$0x90] =	vst v0  }
0x10e: {  	v0 =	vld [tilespmem:s12+$0x50]  }
0x10f: {  	v30 =	vld [tilespmem:s13+$0x50];
	_ =	sdelay $0x4  }
0x110: {  	v31 =	vunpack.i.l.bf16.f32 v0;
	v32 =	vunpack.i.l.bf16.f32 v30  }
0x111: {  	v0 =	vunpack.i.u.bf16.f32 v0;
	v1 =	vunpack.i.u.bf16.f32 v30;
	v2 =	vadd.f32 v32, v31  }
0x112: {  	v0 =	vadd.f32 v1, v0  }
0x113: {  	[tilespmem:s14+$0xA0] =	vst v2  }
0x114: {  	[tilespmem:s14+$0xB0] =	vst v0  }
0x115: {  	v0 =	vld [tilespmem:s12+$0x60]  }
0x116: {  	v33 =	vld [tilespmem:s13+$0x60];
	_ =	sdelay $0x4  }
0x117: {  	v34 =	vunpack.i.l.bf16.f32 v0;
	v35 =	vunpack.i.l.bf16.f32 v33  }
0x118: {  	v0 =	vunpack.i.u.bf16.f32 v0;
	v1 =	vunpack.i.u.bf16.f32 v33;
	v2 =	vadd.f32 v35, v34  }
0x119: {  	v0 =	vadd.f32 v1, v0  }
0x11a: {  	[tilespmem:s14+$0xC0] =	vst v2  }
0x11b: {  	[tilespmem:s14+$0xD0] =	vst v0  }
0x11c: {  	v0 =	vld [tilespmem:s12+$0x70]  }
0x11d: {  	v36 =	vld [tilespmem:s13+$0x70];
	_ =	sdelay $0x4  }
0x11e: {  	v37 =	vunpack.i.l.bf16.f32 v0;
	v38 =	vunpack.i.l.bf16.f32 v36  }
0x11f: {  	v0 =	vunpack.i.u.bf16.f32 v0;
	v1 =	vunpack.i.u.bf16.f32 v36;
	v2 =	vadd.f32 v38, v37  }
0x120: {  	v0 =	vadd.f32 v1, v0  }
0x121: {  	[tilespmem:s14+$0xE0] =	vst v2  }
0x122: {  	[tilespmem:s14+$0xF0] =	vst v0  }
0x123: {  	v0 =	vld [tilespmem:s16+$0x8250]  }
0x124: {  	v39 =	vld [tilespmem:s16+$0x9250];
	_ =	sdelay $0x3  }
0x125: {  	[tilespmem:s16+$0x12250] =	vst v0  }
0x126: {  	[tilespmem:s16+$0x13250] =	vst v39  }
0x127: {  	v0 =	vld [tilespmem:s12+$0x80]  }
0x128: {  	v1 =	vld [tilespmem:s13+$0x80];
	_ =	sdelay $0x4  }
0x129: {  	v40 =	vunpack.i.l.bf16.f32 v0;
	v41 =	vunpack.i.l.bf16.f32 v1  }
0x12a: {  	v0 =	vunpack.i.u.bf16.f32 v0;
	v1 =	vunpack.i.u.bf16.f32 v1;
	v2 =	vadd.f32 v41, v40  }
0x12b: {  	v0 =	vadd.f32 v1, v0  }
0x12c: {  	[tilespmem:s14+$0x100] =	vst v2  }
0x12d: {  	[tilespmem:s14+$0x110] =	vst v0  }
0x12e: {  	v0 =	vld [tilespmem:s12+$0x90]  }
0x12f: {  	v42 =	vld [tilespmem:s13+$0x90];
	_ =	sdelay $0x4  }
0x130: {  	v43 =	vunpack.i.l.bf16.f32 v0;
	v44 =	vunpack.i.l.bf16.f32 v42  }
0x131: {  	v0 =	vunpack.i.u.bf16.f32 v0;
	v1 =	vunpack.i.u.bf16.f32 v42;
	v2 =	vadd.f32 v44, v43  }
0x132: {  	v0 =	vadd.f32 v1, v0  }
0x133: {  	[tilespmem:s14+$0x120] =	vst v2  }
0x134: {  	[tilespmem:s14+$0x130] =	vst v0  }
0x135: {  	v0 =	vld [tilespmem:s12+$0xA0]  }
0x136: {  	v45 =	vld [tilespmem:s13+$0xA0];
	_ =	sdelay $0x4  }
0x137: {  	v46 =	vunpack.i.l.bf16.f32 v0;
	v47 =	vunpack.i.l.bf16.f32 v45  }
0x138: {  	v0 =	vunpack.i.u.bf16.f32 v0;
	v1 =	vunpack.i.u.bf16.f32 v45;
	v2 =	vadd.f32 v47, v46  }
0x139: {  	v0 =	vadd.f32 v1, v0  }
0x13a: {  	[tilespmem:s14+$0x140] =	vst v2  }
0x13b: {  	[tilespmem:s14+$0x150] =	vst v0  }
0x13c: {  	v0 =	vld [tilespmem:s12+$0xB0]  }
0x13d: {  	v48 =	vld [tilespmem:s13+$0xB0];
	_ =	sdelay $0x4  }
0x13e: {  	v49 =	vunpack.i.l.bf16.f32 v0;
	v50 =	vunpack.i.l.bf16.f32 v48  }
0x13f: {  	v0 =	vunpack.i.u.bf16.f32 v0;
	v1 =	vunpack.i.u.bf16.f32 v48;
	v2 =	vadd.f32 v50, v49  }
0x140: {  	v0 =	vadd.f32 v1, v0  }
0x141: {  	[tilespmem:s14+$0x160] =	vst v2  }
0x142: {  	[tilespmem:s14+$0x170] =	vst v0  }
0x143: {  	v0 =	vld [tilespmem:s16+$0x8260]  }
0x144: {  	v51 =	vld [tilespmem:s16+$0x9260];
	_ =	sdelay $0x3  }
0x145: {  	[tilespmem:s16+$0x12260] =	vst v0  }
0x146: {  	[tilespmem:s16+$0x13260] =	vst v51  }
0x147: {  	v0 =	vld [tilespmem:s12+$0xC0]  }
0x148: {  	v1 =	vld [tilespmem:s13+$0xC0];
	_ =	sdelay $0x4  }
0x149: {  	v52 =	vunpack.i.l.bf16.f32 v0;
	v53 =	vunpack.i.l.bf16.f32 v1  }
0x14a: {  	v0 =	vunpack.i.u.bf16.f32 v0;
	v1 =	vunpack.i.u.bf16.f32 v1;
	v2 =	vadd.f32 v53, v52  }
0x14b: {  	v0 =	vadd.f32 v1, v0  }
0x14c: {  	[tilespmem:s14+$0x180] =	vst v2  }
0x14d: {  	[tilespmem:s14+$0x190] =	vst v0  }
0x14e: {  	v0 =	vld [tilespmem:s12+$0xD0]  }
0x14f: {  	v54 =	vld [tilespmem:s13+$0xD0];
	_ =	sdelay $0x4  }
0x150: {  	v55 =	vunpack.i.l.bf16.f32 v0;
	v56 =	vunpack.i.l.bf16.f32 v54  }
0x151: {  	v0 =	vunpack.i.u.bf16.f32 v0;
	v1 =	vunpack.i.u.bf16.f32 v54;
	v2 =	vadd.f32 v56, v55  }
0x152: {  	v0 =	vadd.f32 v1, v0  }
0x153: {  	[tilespmem:s14+$0x1A0] =	vst v2  }
0x154: {  	[tilespmem:s14+$0x1B0] =	vst v0  }
0x155: {  	v0 =	vld [tilespmem:s12+$0xE0]  }
0x156: {  	v57 =	vld [tilespmem:s13+$0xE0];
	_ =	sdelay $0x4  }
0x157: {  	v58 =	vunpack.i.l.bf16.f32 v0;
	v59 =	vunpack.i.l.bf16.f32 v57  }
0x158: {  	v0 =	vunpack.i.u.bf16.f32 v0;
	v1 =	vunpack.i.u.bf16.f32 v57;
	v2 =	vadd.f32 v59, v58  }
0x159: {  	v0 =	vadd.f32 v1, v0  }
0x15a: {  	[tilespmem:s14+$0x1C0] =	vst v2  }
0x15b: {  	[tilespmem:s14+$0x1D0] =	vst v0  }
0x15c: {  	v0 =	vld [tilespmem:s12+$0xF0]  }
0x15d: {  	v60 =	vld [tilespmem:s13+$0xF0];
	_ =	sdelay $0x4  }
0x15e: {  	v61 =	vunpack.i.l.bf16.f32 v0;
	v62 =	vunpack.i.l.bf16.f32 v60  }
0x15f: {  	v0 =	vunpack.i.u.bf16.f32 v0;
	v1 =	vunpack.i.u.bf16.f32 v60;
	v2 =	vadd.f32 v62, v61  }
0x160: {  	v0 =	vadd.f32 v1, v0  }
0x161: {  	[tilespmem:s14+$0x1E0] =	vst v2  }
0x162: {  	[tilespmem:s14+$0x1F0] =	vst v0  }
0x163: {  	v0 =	vld [tilespmem:s16+$0x8270]  }
0x164: {  	p1 =	sne.s32 s21, $0x1E00;
	v63 =	vld [tilespmem:s16+$0x9270]  }
.Ltmp5:
0x165: {  	_ = 	snop;
	(pc) =	sbr.rel @p1 .LBB2_4-.Ltmp5, $3  }
0x166: {  	_ =	sdelay $0x1  }
0x167: {  	s21 =	sadd.s32 $0x200, s21;
	[tilespmem:s16+$0x12270] =	vst v0  }
0x168: {  	s12 =	sadd.s32 $0x200, s12;
	s13 =	sadd.s32 $0x200, s13;
	s14 =	sadd.s32 $0x400, s14;
	[tilespmem:s16+$0x13270] =	vst v63  }
0x169: {  	s12 =	sshll.u32 s20, $0xB  }
0x16a: {  	s12 =	sadd.s32 s8, s12  }
0x16b: {  	[hbm4b:s12+s2] =	stream.linear.scatter [tilespmem:s23], [sflag:$0x3], $0x4000, $0x38;
	[tilespmem:$0x14200] =	vst v63  }
.Ltmp6:
0x16c: {  	s21 =	sshll.u32 s20, $0x8;
	(pc) =	sbr.rel @p0 .LBB2_9-.Ltmp6, $4  }
0x16d: {  	s13 =	sadd.s32 s9, s21  }
0x16e: {  	[hbm4b:s13+s2] =	stream.linear.scatter [tilespmem:s24], [sflag:$0x3], $0x800, $0x38;
	[tilespmem:$0x14200] =	vst v63  }
0x16f: {  	s12 =	sadd.s32 s11, s21  }
0x170: {  	[hbm4b:s12+s2] =	stream.linear.scatter [tilespmem:s25], [sflag:$0x3], $0x800, $0x38;
	[tilespmem:$0x14200] =	vst v63  }
0x171: {  	_ =	swait.ge [sflag:s26], $0x2000  }
0x172: {  	[sflag:s26] =	ssyncset.done $0x0  }
0x173: {  	[sflag:s26] =	ssyncadd.s32 $0xFFFFE000  }
0x174: {  	_ =	swait.ge [sflag:s26], $0x2000  }
0x175: {  	[sflag:s26] =	ssyncset.done $0x0  }
0x176: {  	[sflag:s26] =	ssyncadd.s32 $0xFFFFE000  }
0x177: {  	_ =	swait.ge [sflag:s26], $0x800  }
0x178: {  	[sflag:s26] =	ssyncset.done $0x0  }
0x179: {  	[sflag:s26] =	ssyncadd.s32 $0xFFFFF800  }
0x17a: {  	_ =	swait.ge [sflag:s26], $0x800  }
0x17b: {  	p0 =	sgt.u32 s20, $0x983;
	[sflag:s26] =	ssyncset.done $0x0  }
0x17c: {  	s12 =	simm.s32 @!p0 $0x3;
	[sflag:s26] =	ssyncadd.s32 $0xFFFFF800  }
0x17d: {  	_ =	swait.ge @!p0 [sflag:s12], $0x4000  }
0x17e: {  	[sflag:s12] =	ssyncset.done @!p0 $0x0  }
0x17f: {  	[sflag:s12] =	ssyncadd.s32 @!p0 $0xFFFFC000  }
0x180: {  	_ =	swait.ge @!p0 [sflag:s12], $0x800  }
0x181: {  	[sflag:s12] =	ssyncset.done @!p0 $0x0  }
0x182: {  	[sflag:s12] =	ssyncadd.s32 @!p0 $0xFFFFF800  }
0x183: {  	s13 =	sshll.u32 @!p0 s20, $0x4;
	_ =	swait.ge @!p0 [sflag:s12], $0x800  }
0x184: {  	s13 =	sadd.s32 @!p0 $0x400, s13;
	[sflag:s12] =	ssyncset.done @!p0 $0x0  }
0x185: {  	s14 =	simm.s32 @!p0 $0x0;
	[sflag:s12] =	ssyncadd.s32 @!p0 $0xFFFFF800;
	s12 =	sadd.s32 @!p0 s6, s13  }
0x186: {  	[tilespmem:s14], [sflag:$0x5] =	stream.linear.gather @!p0 [hbm4b:s12+s14], $0x80, $0x38;
	[tilespmem:$0x14200] =	vst v63  }
0x187: {  	s12 =	simm.s32 @!p0 $0x5  }
0x188: {  	_ =	swait.ge @!p0 [sflag:s12], $0x80  }
0x189: {  	[sflag:s12] =	ssyncset.done @!p0 $0x0  }
0x18a: {  	s16 =	simm.s32 @!p0 $0x100;
	s13 =	sadd.s32 @!p0 s7, s13;
	[sflag:s12] =	ssyncadd.s32 @!p0 $0xFFFFFF80  }
0x18b: {  	[tilespmem:s16], [sflag:$0x5] =	stream.linear.gather @!p0 [hbm4b:s13+s14], $0x80, $0x38;
	[tilespmem:$0x14200] =	vst v63  }
0x18c: {  	_ =	swait.ge @!p0 [sflag:s12], $0x80  }
0x18d: {  	[sflag:s12] =	ssyncset.done @!p0 $0x0  }
0x18e: {  	s13 =	simm.s32 @!p0 $0x200;
	[sflag:s12] =	ssyncadd.s32 @!p0 $0xFFFFFF80;
	s12 =	simm.s32 @!p0 $0x80  }
0x18f: {  	[tilespmem:s13], [sflag:$0x1] =	stream.indirect.gather @!p0 [hbm4b:s1+s12], $0x40, s14, s12, $0xb8;
	[tilespmem:$0x14200] =	vst v63  }
0x190: {  	s13 =	simm.s32 @!p0 $0x4200  }
0x191: {  	[tilespmem:s13], [sflag:$0x1] =	stream.indirect.gather @!p0 [hbm4b:s3+s12], $0x40, s16, s12, $0xb8;
	[tilespmem:$0x14200] =	vst v63  }
0x192: {  	s13 =	simm.s32 @!p0 $0x8200  }
0x193: {  	[tilespmem:s13], [sflag:$0x1] =	stream.indirect.gather @!p0 [hbm4b:s5+s12], $0x10, s14, s12, $0xb8;
	[tilespmem:$0x14200] =	vst v63  }
0x194: {  	s20 =	simm.s32 $0x0;
	s13 =	simm.s32 @!p0 $0x9200  }
0x195: {  	[tilespmem:s13], [sflag:$0x1] =	stream.indirect.gather @!p0 [hbm4b:s5+s12], $0x10, s16, s12, $0xb8;
	[tilespmem:$0x14200] =	vst v63  }
0x196: {  	s14 =	simm.s32 $0xE400;
	s12 =	simm.s32 $0x2300;
	s13 =	simm.s32 $0x6300  }
.LBB2_7:
0x197: {  	v0 =	vld [tilespmem:s12+$0xFFFFFF00]  }
0x198: {  	v1 =	vld [tilespmem:s13+$0xFFFFFF00];
	_ =	sdelay $0x4  }
0x199: {  	v2 =	vunpack.i.l.bf16.f32 v0;
	v3 =	vunpack.i.l.bf16.f32 v1  }
0x19a: {  	v0 =	vunpack.i.u.bf16.f32 v0;
	v1 =	vunpack.i.u.bf16.f32 v1;
	v2 =	vadd.f32 v3, v2  }
0x19b: {  	v0 =	vadd.f32 v1, v0  }
0x19c: {  	[tilespmem:s14+$0xFFFFFE00] =	vst v2  }
0x19d: {  	[tilespmem:s14+$0xFFFFFE10] =	vst v0  }
0x19e: {  	v0 =	vld [tilespmem:s12+$0xFFFFFF10]  }
0x19f: {  	v28 =	vld [tilespmem:s13+$0xFFFFFF10];
	_ =	sdelay $0x4  }
0x1a0: {  	v29 =	vunpack.i.l.bf16.f32 v0;
	v30 =	vunpack.i.l.bf16.f32 v28  }
0x1a1: {  	v0 =	vunpack.i.u.bf16.f32 v0;
	v1 =	vunpack.i.u.bf16.f32 v28;
	v2 =	vadd.f32 v30, v29  }
0x1a2: {  	v0 =	vadd.f32 v1, v0  }
0x1a3: {  	[tilespmem:s14+$0xFFFFFE20] =	vst v2  }
0x1a4: {  	[tilespmem:s14+$0xFFFFFE30] =	vst v0  }
0x1a5: {  	v0 =	vld [tilespmem:s12+$0xFFFFFF20]  }
0x1a6: {  	v31 =	vld [tilespmem:s13+$0xFFFFFF20];
	_ =	sdelay $0x4  }
0x1a7: {  	v32 =	vunpack.i.l.bf16.f32 v0;
	v33 =	vunpack.i.l.bf16.f32 v31  }
0x1a8: {  	v0 =	vunpack.i.u.bf16.f32 v0;
	v1 =	vunpack.i.u.bf16.f32 v31;
	v2 =	vadd.f32 v33, v32  }
0x1a9: {  	v0 =	vadd.f32 v1, v0  }
0x1aa: {  	[tilespmem:s14+$0xFFFFFE40] =	vst v2  }
0x1ab: {  	[tilespmem:s14+$0xFFFFFE50] =	vst v0  }
0x1ac: {  	v0 =	vld [tilespmem:s12+$0xFFFFFF30]  }
0x1ad: {  	v34 =	vld [tilespmem:s13+$0xFFFFFF30];
	_ =	sdelay $0x4  }
0x1ae: {  	v35 =	vunpack.i.l.bf16.f32 v0;
	v36 =	vunpack.i.l.bf16.f32 v34  }
0x1af: {  	v0 =	vunpack.i.u.bf16.f32 v0;
	v1 =	vunpack.i.u.bf16.f32 v34;
	v2 =	vadd.f32 v36, v35  }
0x1b0: {  	v0 =	vadd.f32 v1, v0  }
0x1b1: {  	[tilespmem:s14+$0xFFFFFE60] =	vst v2  }
0x1b2: {  	s16 =	sshra.s32 s20, $0x2;
	[tilespmem:s14+$0xFFFFFE70] =	vst v0  }
0x1b3: {  	v0 =	vld [tilespmem:s16+$0x8A00]  }
0x1b4: {  	v37 =	vld [tilespmem:s16+$0x9A00];
	_ =	sdelay $0x3  }
0x1b5: {  	[tilespmem:s16+$0x12A00] =	vst v0  }
0x1b6: {  	[tilespmem:s16+$0x13A00] =	vst v37  }
0x1b7: {  	v0 =	vld [tilespmem:s12+$0xFFFFFF40]  }
0x1b8: {  	v1 =	vld [tilespmem:s13+$0xFFFFFF40];
	_ =	sdelay $0x4  }
0x1b9: {  	v38 =	vunpack.i.l.bf16.f32 v0;
	v39 =	vunpack.i.l.bf16.f32 v1  }
0x1ba: {  	v0 =	vunpack.i.u.bf16.f32 v0;
	v1 =	vunpack.i.u.bf16.f32 v1;
	v2 =	vadd.f32 v39, v38  }
0x1bb: {  	v0 =	vadd.f32 v1, v0  }
0x1bc: {  	[tilespmem:s14+$0xFFFFFE80] =	vst v2  }
0x1bd: {  	[tilespmem:s14+$0xFFFFFE90] =	vst v0  }
0x1be: {  	v0 =	vld [tilespmem:s12+$0xFFFFFF50]  }
0x1bf: {  	v40 =	vld [tilespmem:s13+$0xFFFFFF50];
	_ =	sdelay $0x4  }
0x1c0: {  	v41 =	vunpack.i.l.bf16.f32 v0;
	v42 =	vunpack.i.l.bf16.f32 v40  }
0x1c1: {  	v0 =	vunpack.i.u.bf16.f32 v0;
	v1 =	vunpack.i.u.bf16.f32 v40;
	v2 =	vadd.f32 v42, v41  }
0x1c2: {  	v0 =	vadd.f32 v1, v0  }
0x1c3: {  	[tilespmem:s14+$0xFFFFFEA0] =	vst v2  }
0x1c4: {  	[tilespmem:s14+$0xFFFFFEB0] =	vst v0  }
0x1c5: {  	v0 =	vld [tilespmem:s12+$0xFFFFFF60]  }
0x1c6: {  	v43 =	vld [tilespmem:s13+$0xFFFFFF60];
	_ =	sdelay $0x4  }
0x1c7: {  	v44 =	vunpack.i.l.bf16.f32 v0;
	v45 =	vunpack.i.l.bf16.f32 v43  }
0x1c8: {  	v0 =	vunpack.i.u.bf16.f32 v0;
	v1 =	vunpack.i.u.bf16.f32 v43;
	v2 =	vadd.f32 v45, v44  }
0x1c9: {  	v0 =	vadd.f32 v1, v0  }
0x1ca: {  	[tilespmem:s14+$0xFFFFFEC0] =	vst v2  }
0x1cb: {  	[tilespmem:s14+$0xFFFFFED0] =	vst v0  }
0x1cc: {  	v0 =	vld [tilespmem:s12+$0xFFFFFF70]  }
0x1cd: {  	v46 =	vld [tilespmem:s13+$0xFFFFFF70];
	_ =	sdelay $0x4  }
0x1ce: {  	v47 =	vunpack.i.l.bf16.f32 v0;
	v48 =	vunpack.i.l.bf16.f32 v46  }
0x1cf: {  	v0 =	vunpack.i.u.bf16.f32 v0;
	v1 =	vunpack.i.u.bf16.f32 v46;
	v2 =	vadd.f32 v48, v47  }
0x1d0: {  	v0 =	vadd.f32 v1, v0  }
0x1d1: {  	[tilespmem:s14+$0xFFFFFEE0] =	vst v2  }
0x1d2: {  	[tilespmem:s14+$0xFFFFFEF0] =	vst v0  }
0x1d3: {  	v0 =	vld [tilespmem:s16+$0x8A10]  }
0x1d4: {  	v49 =	vld [tilespmem:s16+$0x9A10];
	_ =	sdelay $0x3  }
0x1d5: {  	[tilespmem:s16+$0x12A10] =	vst v0  }
0x1d6: {  	[tilespmem:s16+$0x13A10] =	vst v49  }
0x1d7: {  	v0 =	vld [tilespmem:s12+$0xFFFFFF80]  }
0x1d8: {  	v1 =	vld [tilespmem:s13+$0xFFFFFF80];
	_ =	sdelay $0x4  }
0x1d9: {  	v50 =	vunpack.i.l.bf16.f32 v0;
	v51 =	vunpack.i.l.bf16.f32 v1  }
0x1da: {  	v0 =	vunpack.i.u.bf16.f32 v0;
	v1 =	vunpack.i.u.bf16.f32 v1;
	v2 =	vadd.f32 v51, v50  }
0x1db: {  	v0 =	vadd.f32 v1, v0  }
0x1dc: {  	[tilespmem:s14+$0xFFFFFF00] =	vst v2  }
0x1dd: {  	[tilespmem:s14+$0xFFFFFF10] =	vst v0  }
0x1de: {  	v0 =	vld [tilespmem:s12+$0xFFFFFF90]  }
0x1df: {  	v52 =	vld [tilespmem:s13+$0xFFFFFF90];
	_ =	sdelay $0x4  }
0x1e0: {  	v53 =	vunpack.i.l.bf16.f32 v0;
	v54 =	vunpack.i.l.bf16.f32 v52  }
0x1e1: {  	v0 =	vunpack.i.u.bf16.f32 v0;
	v1 =	vunpack.i.u.bf16.f32 v52;
	v2 =	vadd.f32 v54, v53  }
0x1e2: {  	v0 =	vadd.f32 v1, v0  }
0x1e3: {  	[tilespmem:s14+$0xFFFFFF20] =	vst v2  }
0x1e4: {  	[tilespmem:s14+$0xFFFFFF30] =	vst v0  }
0x1e5: {  	v0 =	vld [tilespmem:s12+$0xFFFFFFA0]  }
0x1e6: {  	v55 =	vld [tilespmem:s13+$0xFFFFFFA0];
	_ =	sdelay $0x4  }
0x1e7: {  	v56 =	vunpack.i.l.bf16.f32 v0;
	v57 =	vunpack.i.l.bf16.f32 v55  }
0x1e8: {  	v0 =	vunpack.i.u.bf16.f32 v0;
	v1 =	vunpack.i.u.bf16.f32 v55;
	v2 =	vadd.f32 v57, v56  }
0x1e9: {  	v0 =	vadd.f32 v1, v0  }
0x1ea: {  	[tilespmem:s14+$0xFFFFFF40] =	vst v2  }
0x1eb: {  	[tilespmem:s14+$0xFFFFFF50] =	vst v0  }
0x1ec: {  	v0 =	vld [tilespmem:s12+$0xFFFFFFB0]  }
0x1ed: {  	v58 =	vld [tilespmem:s13+$0xFFFFFFB0];
	_ =	sdelay $0x4  }
0x1ee: {  	v59 =	vunpack.i.l.bf16.f32 v0;
	v60 =	vunpack.i.l.bf16.f32 v58  }
0x1ef: {  	v0 =	vunpack.i.u.bf16.f32 v0;
	v1 =	vunpack.i.u.bf16.f32 v58;
	v2 =	vadd.f32 v60, v59  }
0x1f0: {  	v0 =	vadd.f32 v1, v0  }
0x1f1: {  	[tilespmem:s14+$0xFFFFFF60] =	vst v2  }
0x1f2: {  	[tilespmem:s14+$0xFFFFFF70] =	vst v0  }
0x1f3: {  	v0 =	vld [tilespmem:s16+$0x8A20]  }
0x1f4: {  	v61 =	vld [tilespmem:s16+$0x9A20];
	_ =	sdelay $0x3  }
0x1f5: {  	[tilespmem:s16+$0x12A20] =	vst v0  }
0x1f6: {  	[tilespmem:s16+$0x13A20] =	vst v61  }
0x1f7: {  	v0 =	vld [tilespmem:s12+$0xFFFFFFC0]  }
0x1f8: {  	v1 =	vld [tilespmem:s13+$0xFFFFFFC0];
	_ =	sdelay $0x4  }
0x1f9: {  	v62 =	vunpack.i.l.bf16.f32 v0;
	v63 =	vunpack.i.l.bf16.f32 v1  }
0x1fa: {  	v0 =	vunpack.i.u.bf16.f32 v0;
	v1 =	vunpack.i.u.bf16.f32 v1;
	v2 =	vadd.f32 v63, v62  }
0x1fb: {  	v0 =	vadd.f32 v1, v0  }
0x1fc: {  	[tilespmem:s14+$0xFFFFFF80] =	vst v2  }
0x1fd: {  	[tilespmem:s14+$0xFFFFFF90] =	vst v0  }
0x1fe: {  	v0 =	vld [tilespmem:s12+$0xFFFFFFD0]  }
0x1ff: {  	v6 =	vld [tilespmem:s13+$0xFFFFFFD0];
	_ =	sdelay $0x4  }
0x200: {  	v7 =	vunpack.i.l.bf16.f32 v0;
	v8 =	vunpack.i.l.bf16.f32 v6  }
0x201: {  	v0 =	vunpack.i.u.bf16.f32 v0;
	v1 =	vunpack.i.u.bf16.f32 v6;
	v2 =	vadd.f32 v8, v7  }
0x202: {  	v0 =	vadd.f32 v1, v0  }
0x203: {  	[tilespmem:s14+$0xFFFFFFA0] =	vst v2  }
0x204: {  	[tilespmem:s14+$0xFFFFFFB0] =	vst v0  }
0x205: {  	v0 =	vld [tilespmem:s12+$0xFFFFFFE0]  }
0x206: {  	v9 =	vld [tilespmem:s13+$0xFFFFFFE0];
	_ =	sdelay $0x4  }
0x207: {  	v10 =	vunpack.i.l.bf16.f32 v0;
	v11 =	vunpack.i.l.bf16.f32 v9  }
0x208: {  	v0 =	vunpack.i.u.bf16.f32 v0;
	v1 =	vunpack.i.u.bf16.f32 v9;
	v2 =	vadd.f32 v11, v10  }
0x209: {  	v0 =	vadd.f32 v1, v0  }
0x20a: {  	[tilespmem:s14+$0xFFFFFFC0] =	vst v2  }
0x20b: {  	[tilespmem:s14+$0xFFFFFFD0] =	vst v0  }
0x20c: {  	v0 =	vld [tilespmem:s12+$0xFFFFFFF0]  }
0x20d: {  	v12 =	vld [tilespmem:s13+$0xFFFFFFF0];
	_ =	sdelay $0x4  }
0x20e: {  	v13 =	vunpack.i.l.bf16.f32 v0;
	v14 =	vunpack.i.l.bf16.f32 v12  }
0x20f: {  	v0 =	vunpack.i.u.bf16.f32 v0;
	v1 =	vunpack.i.u.bf16.f32 v12;
	v2 =	vadd.f32 v14, v13  }
0x210: {  	v0 =	vadd.f32 v1, v0  }
0x211: {  	[tilespmem:s14+$0xFFFFFFE0] =	vst v2  }
0x212: {  	[tilespmem:s14+$0xFFFFFFF0] =	vst v0  }
0x213: {  	v0 =	vld [tilespmem:s16+$0x8A30]  }
0x214: {  	v15 =	vld [tilespmem:s16+$0x9A30];
	_ =	sdelay $0x3  }
0x215: {  	[tilespmem:s16+$0x12A30] =	vst v0  }
0x216: {  	[tilespmem:s16+$0x13A30] =	vst v15  }
0x217: {  	v0 =	vld [tilespmem:s12+$0x0]  }
0x218: {  	v1 =	vld [tilespmem:s13+$0x0];
	_ =	sdelay $0x4  }
0x219: {  	v16 =	vunpack.i.l.bf16.f32 v0;
	v17 =	vunpack.i.l.bf16.f32 v1  }
0x21a: {  	v0 =	vunpack.i.u.bf16.f32 v0;
	v1 =	vunpack.i.u.bf16.f32 v1;
	v2 =	vadd.f32 v17, v16  }
0x21b: {  	v0 =	vadd.f32 v1, v0  }
0x21c: {  	[tilespmem:s14+$0x0] =	vst v2  }
0x21d: {  	[tilespmem:s14+$0x10] =	vst v0  }
0x21e: {  	v0 =	vld [tilespmem:s12+$0x10]  }
0x21f: {  	v18 =	vld [tilespmem:s13+$0x10];
	_ =	sdelay $0x4  }
0x220: {  	v19 =	vunpack.i.l.bf16.f32 v0;
	v20 =	vunpack.i.l.bf16.f32 v18  }
0x221: {  	v0 =	vunpack.i.u.bf16.f32 v0;
	v1 =	vunpack.i.u.bf16.f32 v18;
	v2 =	vadd.f32 v20, v19  }
0x222: {  	v0 =	vadd.f32 v1, v0  }
0x223: {  	[tilespmem:s14+$0x20] =	vst v2  }
0x224: {  	[tilespmem:s14+$0x30] =	vst v0  }
0x225: {  	v0 =	vld [tilespmem:s12+$0x20]  }
0x226: {  	v21 =	vld [tilespmem:s13+$0x20];
	_ =	sdelay $0x4  }
0x227: {  	v22 =	vunpack.i.l.bf16.f32 v0;
	v23 =	vunpack.i.l.bf16.f32 v21  }
0x228: {  	v0 =	vunpack.i.u.bf16.f32 v0;
	v1 =	vunpack.i.u.bf16.f32 v21;
	v2 =	vadd.f32 v23, v22  }
0x229: {  	v0 =	vadd.f32 v1, v0  }
0x22a: {  	[tilespmem:s14+$0x40] =	vst v2  }
0x22b: {  	[tilespmem:s14+$0x50] =	vst v0  }
0x22c: {  	v0 =	vld [tilespmem:s12+$0x30]  }
0x22d: {  	v24 =	vld [tilespmem:s13+$0x30];
	_ =	sdelay $0x4  }
0x22e: {  	v25 =	vunpack.i.l.bf16.f32 v0;
	v26 =	vunpack.i.l.bf16.f32 v24  }
0x22f: {  	v0 =	vunpack.i.u.bf16.f32 v0;
	v1 =	vunpack.i.u.bf16.f32 v24;
	v2 =	vadd.f32 v26, v25  }
0x230: {  	v0 =	vadd.f32 v1, v0  }
0x231: {  	[tilespmem:s14+$0x60] =	vst v2  }
0x232: {  	[tilespmem:s14+$0x70] =	vst v0  }
0x233: {  	v0 =	vld [tilespmem:s16+$0x8A40]  }
0x234: {  	v27 =	vld [tilespmem:s16+$0x9A40];
	_ =	sdelay $0x3  }
0x235: {  	[tilespmem:s16+$0x12A40] =	vst v0  }
0x236: {  	[tilespmem:s16+$0x13A40] =	vst v27  }
0x237: {  	v0 =	vld [tilespmem:s12+$0x40]  }
0x238: {  	v1 =	vld [tilespmem:s13+$0x40];
	_ =	sdelay $0x4  }
0x239: {  	v28 =	vunpack.i.l.bf16.f32 v0;
	v29 =	vunpack.i.l.bf16.f32 v1  }
0x23a: {  	v0 =	vunpack.i.u.bf16.f32 v0;
	v1 =	vunpack.i.u.bf16.f32 v1;
	v2 =	vadd.f32 v29, v28  }
0x23b: {  	v0 =	vadd.f32 v1, v0  }
0x23c: {  	[tilespmem:s14+$0x80] =	vst v2  }
0x23d: {  	[tilespmem:s14+$0x90] =	vst v0  }
0x23e: {  	v0 =	vld [tilespmem:s12+$0x50]  }
0x23f: {  	v30 =	vld [tilespmem:s13+$0x50];
	_ =	sdelay $0x4  }
0x240: {  	v31 =	vunpack.i.l.bf16.f32 v0;
	v32 =	vunpack.i.l.bf16.f32 v30  }
0x241: {  	v0 =	vunpack.i.u.bf16.f32 v0;
	v1 =	vunpack.i.u.bf16.f32 v30;
	v2 =	vadd.f32 v32, v31  }
0x242: {  	v0 =	vadd.f32 v1, v0  }
0x243: {  	[tilespmem:s14+$0xA0] =	vst v2  }
0x244: {  	[tilespmem:s14+$0xB0] =	vst v0  }
0x245: {  	v0 =	vld [tilespmem:s12+$0x60]  }
0x246: {  	v33 =	vld [tilespmem:s13+$0x60];
	_ =	sdelay $0x4  }
0x247: {  	v34 =	vunpack.i.l.bf16.f32 v0;
	v35 =	vunpack.i.l.bf16.f32 v33  }
0x248: {  	v0 =	vunpack.i.u.bf16.f32 v0;
	v1 =	vunpack.i.u.bf16.f32 v33;
	v2 =	vadd.f32 v35, v34  }
0x249: {  	v0 =	vadd.f32 v1, v0  }
0x24a: {  	[tilespmem:s14+$0xC0] =	vst v2  }
0x24b: {  	[tilespmem:s14+$0xD0] =	vst v0  }
0x24c: {  	v0 =	vld [tilespmem:s12+$0x70]  }
0x24d: {  	v36 =	vld [tilespmem:s13+$0x70];
	_ =	sdelay $0x4  }
0x24e: {  	v37 =	vunpack.i.l.bf16.f32 v0;
	v38 =	vunpack.i.l.bf16.f32 v36  }
0x24f: {  	v0 =	vunpack.i.u.bf16.f32 v0;
	v1 =	vunpack.i.u.bf16.f32 v36;
	v2 =	vadd.f32 v38, v37  }
0x250: {  	v0 =	vadd.f32 v1, v0  }
0x251: {  	[tilespmem:s14+$0xE0] =	vst v2  }
0x252: {  	[tilespmem:s14+$0xF0] =	vst v0  }
0x253: {  	v0 =	vld [tilespmem:s16+$0x8A50]  }
0x254: {  	v39 =	vld [tilespmem:s16+$0x9A50];
	_ =	sdelay $0x3  }
0x255: {  	[tilespmem:s16+$0x12A50] =	vst v0  }
0x256: {  	[tilespmem:s16+$0x13A50] =	vst v39  }
0x257: {  	v0 =	vld [tilespmem:s12+$0x80]  }
0x258: {  	v1 =	vld [tilespmem:s13+$0x80];
	_ =	sdelay $0x4  }
0x259: {  	v40 =	vunpack.i.l.bf16.f32 v0;
	v41 =	vunpack.i.l.bf16.f32 v1  }
0x25a: {  	v0 =	vunpack.i.u.bf16.f32 v0;
	v1 =	vunpack.i.u.bf16.f32 v1;
	v2 =	vadd.f32 v41, v40  }
0x25b: {  	v0 =	vadd.f32 v1, v0  }
0x25c: {  	[tilespmem:s14+$0x100] =	vst v2  }
0x25d: {  	[tilespmem:s14+$0x110] =	vst v0  }
0x25e: {  	v0 =	vld [tilespmem:s12+$0x90]  }
0x25f: {  	v42 =	vld [tilespmem:s13+$0x90];
	_ =	sdelay $0x4  }
0x260: {  	v43 =	vunpack.i.l.bf16.f32 v0;
	v44 =	vunpack.i.l.bf16.f32 v42  }
0x261: {  	v0 =	vunpack.i.u.bf16.f32 v0;
	v1 =	vunpack.i.u.bf16.f32 v42;
	v2 =	vadd.f32 v44, v43  }
0x262: {  	v0 =	vadd.f32 v1, v0  }
0x263: {  	[tilespmem:s14+$0x120] =	vst v2  }
0x264: {  	[tilespmem:s14+$0x130] =	vst v0  }
0x265: {  	v0 =	vld [tilespmem:s12+$0xA0]  }
0x266: {  	v45 =	vld [tilespmem:s13+$0xA0];
	_ =	sdelay $0x4  }
0x267: {  	v46 =	vunpack.i.l.bf16.f32 v0;
	v47 =	vunpack.i.l.bf16.f32 v45  }
0x268: {  	v0 =	vunpack.i.u.bf16.f32 v0;
	v1 =	vunpack.i.u.bf16.f32 v45;
	v2 =	vadd.f32 v47, v46  }
0x269: {  	v0 =	vadd.f32 v1, v0  }
0x26a: {  	[tilespmem:s14+$0x140] =	vst v2  }
0x26b: {  	[tilespmem:s14+$0x150] =	vst v0  }
0x26c: {  	v0 =	vld [tilespmem:s12+$0xB0]  }
0x26d: {  	v48 =	vld [tilespmem:s13+$0xB0];
	_ =	sdelay $0x4  }
0x26e: {  	v49 =	vunpack.i.l.bf16.f32 v0;
	v50 =	vunpack.i.l.bf16.f32 v48  }
0x26f: {  	v0 =	vunpack.i.u.bf16.f32 v0;
	v1 =	vunpack.i.u.bf16.f32 v48;
	v2 =	vadd.f32 v50, v49  }
0x270: {  	v0 =	vadd.f32 v1, v0  }
0x271: {  	[tilespmem:s14+$0x160] =	vst v2  }
0x272: {  	[tilespmem:s14+$0x170] =	vst v0  }
0x273: {  	v0 =	vld [tilespmem:s16+$0x8A60]  }
0x274: {  	v51 =	vld [tilespmem:s16+$0x9A60];
	_ =	sdelay $0x3  }
0x275: {  	[tilespmem:s16+$0x12A60] =	vst v0  }
0x276: {  	[tilespmem:s16+$0x13A60] =	vst v51  }
0x277: {  	v0 =	vld [tilespmem:s12+$0xC0]  }
0x278: {  	v1 =	vld [tilespmem:s13+$0xC0];
	_ =	sdelay $0x4  }
0x279: {  	v52 =	vunpack.i.l.bf16.f32 v0;
	v53 =	vunpack.i.l.bf16.f32 v1  }
0x27a: {  	v0 =	vunpack.i.u.bf16.f32 v0;
	v1 =	vunpack.i.u.bf16.f32 v1;
	v2 =	vadd.f32 v53, v52  }
0x27b: {  	v0 =	vadd.f32 v1, v0  }
0x27c: {  	[tilespmem:s14+$0x180] =	vst v2  }
0x27d: {  	[tilespmem:s14+$0x190] =	vst v0  }
0x27e: {  	v0 =	vld [tilespmem:s12+$0xD0]  }
0x27f: {  	v54 =	vld [tilespmem:s13+$0xD0];
	_ =	sdelay $0x4  }
0x280: {  	v55 =	vunpack.i.l.bf16.f32 v0;
	v56 =	vunpack.i.l.bf16.f32 v54  }
0x281: {  	v0 =	vunpack.i.u.bf16.f32 v0;
	v1 =	vunpack.i.u.bf16.f32 v54;
	v2 =	vadd.f32 v56, v55  }
0x282: {  	v0 =	vadd.f32 v1, v0  }
0x283: {  	[tilespmem:s14+$0x1A0] =	vst v2  }
0x284: {  	[tilespmem:s14+$0x1B0] =	vst v0  }
0x285: {  	v0 =	vld [tilespmem:s12+$0xE0]  }
0x286: {  	v57 =	vld [tilespmem:s13+$0xE0];
	_ =	sdelay $0x4  }
0x287: {  	v58 =	vunpack.i.l.bf16.f32 v0;
	v59 =	vunpack.i.l.bf16.f32 v57  }
0x288: {  	v0 =	vunpack.i.u.bf16.f32 v0;
	v1 =	vunpack.i.u.bf16.f32 v57;
	v2 =	vadd.f32 v59, v58  }
0x289: {  	v0 =	vadd.f32 v1, v0  }
0x28a: {  	[tilespmem:s14+$0x1C0] =	vst v2  }
0x28b: {  	[tilespmem:s14+$0x1D0] =	vst v0  }
0x28c: {  	v0 =	vld [tilespmem:s12+$0xF0]  }
0x28d: {  	v60 =	vld [tilespmem:s13+$0xF0];
	_ =	sdelay $0x4  }
0x28e: {  	v61 =	vunpack.i.l.bf16.f32 v0;
	v62 =	vunpack.i.l.bf16.f32 v60  }
0x28f: {  	v0 =	vunpack.i.u.bf16.f32 v0;
	v1 =	vunpack.i.u.bf16.f32 v60;
	v2 =	vadd.f32 v62, v61  }
0x290: {  	v0 =	vadd.f32 v1, v0  }
0x291: {  	[tilespmem:s14+$0x1E0] =	vst v2  }
0x292: {  	[tilespmem:s14+$0x1F0] =	vst v0  }
0x293: {  	v0 =	vld [tilespmem:s16+$0x8A70]  }
0x294: {  	p0 =	sne.s32 s20, $0x1E00;
	v63 =	vld [tilespmem:s16+$0x9A70]  }
.Ltmp7:
0x295: {  	_ = 	snop;
	(pc) =	sbr.rel @p0 .LBB2_7-.Ltmp7, $3  }
0x296: {  	_ =	sdelay $0x1  }
0x297: {  	s20 =	sadd.s32 $0x200, s20;
	[tilespmem:s16+$0x12A70] =	vst v0  }
0x298: {  	s12 =	sadd.s32 $0x200, s12;
	s13 =	sadd.s32 $0x200, s13;
	s14 =	sadd.s32 $0x400, s14;
	[tilespmem:s16+$0x13A70] =	vst v63  }
0x299: {  	s12 =	sshll.u32 s19, $0xB  }
0x29a: {  	s12 =	sadd.s32 s8, s12  }
0x29b: {  	[hbm4b:s12+s2] =	stream.linear.scatter [tilespmem:s28], [sflag:$0x4], $0x4000, $0x38;
	[tilespmem:$0x14200] =	vst v63  }
.Ltmp8:
0x29c: {  	s21 =	sshll.u32 s19, $0x8;
	(pc) =	sbr.rel .LBB2_9-.Ltmp8, $4  }
0x29d: {  	s13 =	sadd.s32 s9, s21  }
0x29e: {  	[hbm4b:s13+s2] =	stream.linear.scatter [tilespmem:s29], [sflag:$0x4], $0x800, $0x38;
	[tilespmem:$0x14200] =	vst v63  }
0x29f: {  	s12 =	sadd.s32 s11, s21  }
0x2a0: {  	[hbm4b:s12+s2] =	stream.linear.scatter [tilespmem:s30], [sflag:$0x4], $0x800, $0x38;
	[tilespmem:$0x14200] =	vst v63  }
.LBB2_11:
0x2a1: {  	_ =	sfence.sel $0x180000  }
0x2a2: {  	[bflag:$0x0] =	sbarrier.arrive $0xFFFF  }
0x2a3: {  	_ =	strace $0x90000047  }
0x2a4: {  	s0 =	stileid.u32;
	[bflag:$0x2] =	sbarrier.arrive $0xFFFF  }
0x2a5: {  	p0 =	sne.s32 s0, $0x0;
	s0 =	rddreg [dreg:$0x2]  }
0x2a6: {  	s0 =	sadd.s32 @!p0 $0x100000, s0  }
0x2a7: {  	[sflag:s0] =	ssyncadd.tile.s32 @!p0 $0x1;
	_ =	shalt  }
.Lfunc_end2:
_tile_overlayer_lowered:
.L_overlay_start_2:
0x2a8: {  	(tag) =	ssettag $0x2  }
0x2a9: {  	s0 =	rddreg [dreg:$0x0];
	s2 =	stileid.u32  }
0x2aa: {  	s1 =	rddreg [dreg:$0x1];
	p0 =	sne.s32 s2, $0x0  }
0x2ab: {  	s3 =	rddreg [dreg:$0x2];
	[bflag:$0x3] =	sbarrier.arrive $0xFFFF;
	s2 =	simm.s32 @!p0 $0x1C05  }
0x2ac: {  	[timem:s3], [sflag:s2] =	dma.local @!p0 [hbm:s0], s1  }
0x2ad: {  	s0 =	simm.s32 @!p0 $0x5  }
0x2ae: {  	_ =	swait.ge @!p0 [sflag:s0], s1  }
0x2af: {  	s1 =	ssub.s32 @!p0 $0x0, s1;
	[sflag:s0] =	ssyncset.done @!p0 $0x0  }
0x2b0: {  	[sflag:s0] =	ssyncadd.s32 @!p0 s1  }
0x2b1: {  	[bflag:$0x3] =	sbarrier.arrive $0xFFFF  }
0x2b2: {  	_ =	shalt  }

</sc_bundles>
